<compile_context>
chip_gen: v7x
topology: tpu7x:2x2x1
jax: 0.10.2.dev20260603
libtpu: 0.0.44.dev20260713+nightly
codegen_flags: <defaults>
</compile_context>

<pallas_src>
import functools

import jax
import jax.numpy as jnp
from jax import lax
from jax.experimental import pallas as pl
from jax.experimental.pallas import tpu as pltpu
from jax.experimental.pallas import tpu_sc as plsc

_B, _T, _N = 16, 50, 50
_P = _N // 2
_H = _W = 64
_BT = _B * _T
_R = _BT * _P
_NC, _NS, _L = 2, 16, 16
_NW = _NC * _NS
_RPW = _R // _NW
_SLAB = 5
_NSLAB = _RPW // _SLAB
_NGROUP = 40


def _raster_body(x_hbm, res_hbm, org_hbm, zsrc_hbm, out_hbm,
                 xbuf, resbuf, orgbuf, slab, rowbuf, colbuf):
    wid = lax.axis_index("s") * _NC + lax.axis_index("c")

    pltpu.sync_copy(x_hbm, xbuf)
    pltpu.sync_copy(res_hbm, resbuf)
    pltpu.sync_copy(org_hbm, orgbuf)
    pltpu.sync_copy(zsrc_hbm, slab)

    lane = lax.iota(jnp.int32, 16)
    for i in range(_NGROUP):
        k = jnp.minimum(lane + i * 16, _RPW - 1)
        btl = k // _P
        p = k - btl * _P
        cx = plsc.load_gather(xbuf, [(wid * _P + btl) * _N + 2 * p])
        cy = plsc.load_gather(xbuf, [(wid * _P + btl) * _N + 2 * p + 1])
        bidx = (wid * _P + btl) * 2
        r0 = plsc.load_gather(resbuf, [bidx])
        r1 = plsc.load_gather(resbuf, [bidx + 1])
        o0 = plsc.load_gather(orgbuf, [bidx])
        o1 = plsc.load_gather(orgbuf, [bidx + 1])
        row = jnp.clip((cy / r0 + o0).astype(jnp.int32), 0, _H - 1)
        col = jnp.clip((cx / r1 + o1).astype(jnp.int32), 0, _W - 1)
        rowbuf[pl.ds(i * 16, 16)] = row
        colbuf[pl.ds(i * 16, 16)] = col

    ones = jnp.ones((16,), jnp.float32)
    zeros = jnp.zeros((16,), jnp.float32)
    jc = jnp.minimum(lane, _SLAB - 1)
    m = lane < _SLAB
    base = wid * _RPW

    def _slab(c, carry):
        rv = rowbuf[pl.ds(c * _SLAB, 16)]
        cv = colbuf[pl.ds(c * _SLAB, 16)]
        plsc.store_scatter(slab, [jc, rv, cv], ones, mask=m)
        pltpu.sync_copy(slab, out_hbm.at[pl.ds(base + c * _SLAB, _SLAB)])
        plsc.store_scatter(slab, [jc, rv, cv], zeros, mask=m)
        return carry
    lax.fori_loop(0, _NSLAB, _slab, 0)


_raster_sc = functools.partial(
    pl.kernel,
    out_type=jax.ShapeDtypeStruct((_R, _H, _W), jnp.float32),
    mesh=plsc.VectorSubcoreMesh(core_axis_name="c", subcore_axis_name="s"),
    compiler_params=pltpu.CompilerParams(needs_layout_passes=False),
    scratch_types=[
        pltpu.VMEM((_B * _T * _N,), jnp.float32),
        pltpu.VMEM((_BT * 2,), jnp.float32),
        pltpu.VMEM((_BT * 2,), jnp.float32),
        pltpu.VMEM((_SLAB, _H, _W), jnp.float32),
        pltpu.VMEM((_NGROUP * 16,), jnp.int32),
        pltpu.VMEM((_NGROUP * 16,), jnp.int32),
    ],
)(_raster_body)


def kernel(x, resolution, origin):
    zsrc = jnp.zeros((_SLAB, _H, _W), jnp.float32)
    planes = _raster_sc(x.reshape(-1), resolution.reshape(-1),
                        origin.reshape(-1), zsrc)
    return planes.reshape(_B, _T, _P, _H, _W).transpose(0, 1, 3, 4, 2)

# --- scband reference (transcript-rebuilt; emitter-appended) ---
"""Pipeline reference for scband-raster-points-8091718386495 (READ-ONLY COPY).

The authoritative reference and input builder live on the scoring server;
editing this copy changes nothing except your own understanding.
"""

import jax, jax.numpy as jnp
import numpy as np

B, T, N = 16, 50, 50
P = N // 2
SDF_H, SDF_W = 64, 64


def setup_inputs(seed: int = 0) -> dict:
    key = jax.random.key(seed)
    # uniform coords in [0, 64) so cast indices land in-range of the 64x64 raster
    x = jax.random.uniform(jax.random.fold_in(key, 0), (B, T, N), dtype=jnp.float32, minval=0.0, maxval=float(SDF_H))
    resolution = jnp.ones((B, T, 2), dtype=jnp.float32)
    origin = jnp.zeros((B, T, 2), dtype=jnp.float32)
    return {"x": x, "resolution": resolution, "origin": origin}


def reference(x, resolution, origin):
    # points: [B, T, P, 2]
    points = x.reshape(B, T, P, 2)
    # row index from y coord, col index from x coord (matches TF layer)
    row_y_indices = (points[:, :, :, 1] / resolution[:, :, 0:1] + origin[:, :, 0:1]).astype(jnp.int32).reshape(-1)
    col_x_indices = (points[:, :, :, 0] / resolution[:, :, 1:2] + origin[:, :, 1:2]).astype(jnp.int32).reshape(-1)
    # batch_indices: each batch id repeated T*P times
    batch_indices = jnp.repeat(jnp.arange(B, dtype=jnp.int32), T * P)
    # time_indices: each time id repeated P times, tiled over batch
    time_indices = jnp.tile(jnp.repeat(jnp.arange(T, dtype=jnp.int32), P), B)
    # point channel indices: range(P) tiled over batch*time
    point_channel_indices = jnp.tile(jnp.arange(P, dtype=jnp.int32), B * T)
    rope_images = jnp.zeros((B, T, SDF_H, SDF_W, P), dtype=jnp.float32)
    rope_images = rope_images.at[batch_indices, time_indices, row_y_indices, col_x_indices, point_channel_indices].set(1.0)
    return rope_images

if __name__ == "__main__":
    import jax
    _d = setup_inputs()
    print(jax.jit(kernel)(*tuple(_d.values())))

</pallas_src>

<mosaic_0001>
#map = affine_map<(d0, d1) -> (0)>
#map1 = affine_map<(d0, d1) -> (0, 0, 0)>
module attributes {stable_mosaic.version = 14 : i64} {
  func.func @_raster_body(%arg0: i32, %arg1: i32, %arg2: memref<40000xf32, #tpu.memory_space<hbm>>, %arg3: memref<1600xf32, #tpu.memory_space<hbm>>, %arg4: memref<1600xf32, #tpu.memory_space<hbm>>, %arg5: memref<5x64x64xf32, #tpu.memory_space<hbm>>, %arg6: memref<20000x64x64xf32, #tpu.memory_space<hbm>>, %arg7: memref<40000xf32, #tpu.memory_space<vmem>>, %arg8: memref<1600xf32, #tpu.memory_space<vmem>>, %arg9: memref<1600xf32, #tpu.memory_space<vmem>>, %arg10: memref<5x64x64xf32, #tpu.memory_space<vmem>>, %arg11: memref<640xi32, #tpu.memory_space<vmem>>, %arg12: memref<640xi32, #tpu.memory_space<vmem>>) attributes {dimension_semantics = [#tpu.dimension_semantics<core_parallel>, #tpu.dimension_semantics<subcore_parallel>], iteration_bounds = array<i64: 2, 16>, scalar_prefetch = 0 : i64, scratch_operands = 6 : i64, tpu.core_type = #tpu.core_type<sc_vector_subcore>, window_params = [{transform_indices = #map}, {transform_indices = #map}, {transform_indices = #map}, {transform_indices = #map1}, {transform_indices = #map1}]} {
    %mul3A = arith.constant 2 : i32
    %mul3A_0 = arith.muli %arg1, %mul3A : i32
    %add3A = arith.addi %mul3A_0, %arg0 : i32
    "tpu.region"() ({
      %run_scoped3A = tpu.sem_alloc : memref<!tpu.dma_semaphore, #tpu.memory_space<semaphore_mem>>
      tpu.enqueue_dma source(%arg2 : memref<40000xf32, #tpu.memory_space<hbm>>) target(%arg7 : memref<40000xf32, #tpu.memory_space<vmem>>) target_semaphore(%run_scoped3A : memref<!tpu.dma_semaphore, #tpu.memory_space<semaphore_mem>>)
      tpu.wait_dma2 semaphore(%run_scoped3A : memref<!tpu.dma_semaphore, #tpu.memory_space<semaphore_mem>>) src(%arg2 : memref<40000xf32, #tpu.memory_space<hbm>>) dst(%arg7 : memref<40000xf32, #tpu.memory_space<vmem>>)
      tpu.yield
    }) : () -> ()
    "tpu.region"() ({
      %run_scoped3A = tpu.sem_alloc : memref<!tpu.dma_semaphore, #tpu.memory_space<semaphore_mem>>
      tpu.enqueue_dma source(%arg3 : memref<1600xf32, #tpu.memory_space<hbm>>) target(%arg8 : memref<1600xf32, #tpu.memory_space<vmem>>) target_semaphore(%run_scoped3A : memref<!tpu.dma_semaphore, #tpu.memory_space<semaphore_mem>>)
      tpu.wait_dma2 semaphore(%run_scoped3A : memref<!tpu.dma_semaphore, #tpu.memory_space<semaphore_mem>>) src(%arg3 : memref<1600xf32, #tpu.memory_space<hbm>>) dst(%arg8 : memref<1600xf32, #tpu.memory_space<vmem>>)
      tpu.yield
    }) : () -> ()
    "tpu.region"() ({
      %run_scoped3A = tpu.sem_alloc : memref<!tpu.dma_semaphore, #tpu.memory_space<semaphore_mem>>
      tpu.enqueue_dma source(%arg4 : memref<1600xf32, #tpu.memory_space<hbm>>) target(%arg9 : memref<1600xf32, #tpu.memory_space<vmem>>) target_semaphore(%run_scoped3A : memref<!tpu.dma_semaphore, #tpu.memory_space<semaphore_mem>>)
      tpu.wait_dma2 semaphore(%run_scoped3A : memref<!tpu.dma_semaphore, #tpu.memory_space<semaphore_mem>>) src(%arg4 : memref<1600xf32, #tpu.memory_space<hbm>>) dst(%arg9 : memref<1600xf32, #tpu.memory_space<vmem>>)
      tpu.yield
    }) : () -> ()
    "tpu.region"() ({
      %run_scoped3A = tpu.sem_alloc : memref<!tpu.dma_semaphore, #tpu.memory_space<semaphore_mem>>
      tpu.enqueue_dma source(%arg5 : memref<5x64x64xf32, #tpu.memory_space<hbm>>) target(%arg10 : memref<5x64x64xf32, #tpu.memory_space<vmem>>) target_semaphore(%run_scoped3A : memref<!tpu.dma_semaphore, #tpu.memory_space<semaphore_mem>>)
      tpu.wait_dma2 semaphore(%run_scoped3A : memref<!tpu.dma_semaphore, #tpu.memory_space<semaphore_mem>>) src(%arg5 : memref<5x64x64xf32, #tpu.memory_space<hbm>>) dst(%arg10 : memref<5x64x64xf32, #tpu.memory_space<vmem>>)
      tpu.yield
    }) : () -> ()
    %iota3A = tpu.iota {dimensions = array<i32: 0>} : vector<16xi32>
    %add3A_1 = arith.constant 0 : i32
    %add3A_2 = vector.broadcast %add3A_1 : i32 to vector<16xi32>
    %add3A_3 = arith.addi %iota3A, %add3A_2 : vector<16xi32>
    %min3A = arith.constant 624 : i32
    %min3A_4 = vector.broadcast %min3A : i32 to vector<16xi32>
    %min3A_5 = arith.minsi %add3A_3, %min3A_4 : vector<16xi32>
    %jit3A = arith.constant 25 : i32
    %div3A = vector.broadcast %jit3A : i32 to vector<16xi32>
    %div3A_6 = arith.divsi %min3A_5, %div3A : vector<16xi32>
    %sign3A = arith.constant 0 : i32
    %sign3A_7 = vector.broadcast %sign3A : i32 to vector<16xi32>
    %sign3A_8 = arith.cmpi sgt, %min3A_5, %sign3A_7 : vector<16xi32>
    %sign3A_9 = arith.extui %sign3A_8 : vector<16xi1> to vector<16xi32>
    %sign3A_10 = arith.constant 0 : i32
    %sign3A_11 = vector.broadcast %sign3A_10 : i32 to vector<16xi32>
    %sign3A_12 = arith.cmpi slt, %min3A_5, %sign3A_11 : vector<16xi32>
    %sign3A_13 = arith.extui %sign3A_12 : vector<16xi1> to vector<16xi32>
    %sign3A_14 = arith.subi %sign3A_9, %sign3A_13 : vector<16xi32>
    %sign3A_15 = arith.constant 0 : i32
    %sign3A_16 = arith.cmpi sgt, %jit3A, %sign3A_15 : i32
    %sign3A_17 = arith.extui %sign3A_16 : i1 to i32
    %sign3A_18 = arith.constant 0 : i32
    %sign3A_19 = arith.cmpi slt, %jit3A, %sign3A_18 : i32
    %sign3A_20 = arith.extui %sign3A_19 : i1 to i32
    %sign3A_21 = arith.subi %sign3A_17, %sign3A_20 : i32
    %ne3A = vector.broadcast %sign3A_21 : i32 to vector<16xi32>
    %ne3A_22 = arith.cmpi ne, %sign3A_14, %ne3A : vector<16xi32>
    %rem3A = vector.broadcast %jit3A : i32 to vector<16xi32>
    %rem3A_23 = arith.remsi %min3A_5, %rem3A : vector<16xi32>
    %ne3A_24 = arith.constant 0 : i32
    %ne3A_25 = vector.broadcast %ne3A_24 : i32 to vector<16xi32>
    %ne3A_26 = arith.cmpi ne, %rem3A_23, %ne3A_25 : vector<16xi32>
    %and3A = arith.andi %ne3A_22, %ne3A_26 : vector<16xi1>
    %sub3A = arith.constant 1 : i32
    %sub3A_27 = vector.broadcast %sub3A : i32 to vector<16xi32>
    %sub3A_28 = arith.subi %div3A_6, %sub3A_27 : vector<16xi32>
    %select_n3A = arith.select %and3A, %sub3A_28, %div3A_6 : vector<16xi1>, vector<16xi32>
    %mul3A_29 = arith.constant 25 : i32
    %mul3A_30 = vector.broadcast %mul3A_29 : i32 to vector<16xi32>
    %mul3A_31 = arith.muli %select_n3A, %mul3A_30 : vector<16xi32>
    %sub3A_32 = arith.subi %min3A_5, %mul3A_31 : vector<16xi32>
    %mul3A_33 = arith.constant 25 : i32
    %mul3A_34 = arith.muli %add3A, %mul3A_33 : i32
    %add3A_35 = vector.broadcast %mul3A_34 : i32 to vector<16xi32>
    %add3A_36 = arith.addi %add3A_35, %select_n3A : vector<16xi32>
    %mul3A_37 = arith.constant 50 : i32
    %mul3A_38 = vector.broadcast %mul3A_37 : i32 to vector<16xi32>
    %mul3A_39 = arith.muli %add3A_36, %mul3A_38 : vector<16xi32>
    %mul3A_40 = arith.constant 2 : i32
    %mul3A_41 = vector.broadcast %mul3A_40 : i32 to vector<16xi32>
    %mul3A_42 = arith.muli %mul3A_41, %sub3A_32 : vector<16xi32>
    %add3A_43 = arith.addi %mul3A_39, %mul3A_42 : vector<16xi32>
    %gather3A = tpu.vector_load_idx %arg7[%add3A_43] : memref<40000xf32, #tpu.memory_space<vmem>>[vector<16xi32>], vector<16xf32>,
    %mul3A_44 = arith.constant 25 : i32
    %mul3A_45 = arith.muli %add3A, %mul3A_44 : i32
    %add3A_46 = vector.broadcast %mul3A_45 : i32 to vector<16xi32>
    %add3A_47 = arith.addi %add3A_46, %select_n3A : vector<16xi32>
    %mul3A_48 = arith.constant 50 : i32
    %mul3A_49 = vector.broadcast %mul3A_48 : i32 to vector<16xi32>
    %mul3A_50 = arith.muli %add3A_47, %mul3A_49 : vector<16xi32>
    %mul3A_51 = arith.constant 2 : i32
    %mul3A_52 = vector.broadcast %mul3A_51 : i32 to vector<16xi32>
    %mul3A_53 = arith.muli %mul3A_52, %sub3A_32 : vector<16xi32>
    %add3A_54 = arith.addi %mul3A_50, %mul3A_53 : vector<16xi32>
    %add3A_55 = arith.constant 1 : i32
    %add3A_56 = vector.broadcast %add3A_55 : i32 to vector<16xi32>
    %add3A_57 = arith.addi %add3A_54, %add3A_56 : vector<16xi32>
    %gather3A_58 = tpu.vector_load_idx %arg7[%add3A_57] : memref<40000xf32, #tpu.memory_space<vmem>>[vector<16xi32>], vector<16xf32>,
    %mul3A_59 = arith.constant 25 : i32
    %mul3A_60 = arith.muli %add3A, %mul3A_59 : i32
    %add3A_61 = vector.broadcast %mul3A_60 : i32 to vector<16xi32>
    %add3A_62 = arith.addi %add3A_61, %select_n3A : vector<16xi32>
    %mul3A_63 = arith.constant 2 : i32
    %mul3A_64 = vector.broadcast %mul3A_63 : i32 to vector<16xi32>
    %mul3A_65 = arith.muli %add3A_62, %mul3A_64 : vector<16xi32>
    %gather3A_66 = tpu.vector_load_idx %arg8[%mul3A_65] : memref<1600xf32, #tpu.memory_space<vmem>>[vector<16xi32>], vector<16xf32>,
    %add3A_67 = arith.constant 1 : i32
    %add3A_68 = vector.broadcast %add3A_67 : i32 to vector<16xi32>
    %add3A_69 = arith.addi %mul3A_65, %add3A_68 : vector<16xi32>
    %gather3A_70 = tpu.vector_load_idx %arg8[%add3A_69] : memref<1600xf32, #tpu.memory_space<vmem>>[vector<16xi32>], vector<16xf32>,
    %gather3A_71 = tpu.vector_load_idx %arg9[%mul3A_65] : memref<1600xf32, #tpu.memory_space<vmem>>[vector<16xi32>], vector<16xf32>,
    %add3A_72 = arith.constant 1 : i32
    %add3A_73 = vector.broadcast %add3A_72 : i32 to vector<16xi32>
    %add3A_74 = arith.addi %mul3A_65, %add3A_73 : vector<16xi32>
    %gather3A_75 = tpu.vector_load_idx %arg9[%add3A_74] : memref<1600xf32, #tpu.memory_space<vmem>>[vector<16xi32>], vector<16xf32>,
    %div3A_76 = arith.divf %gather3A_58, %gather3A_66 : vector<16xf32>
    %add3A_77 = arith.addf %div3A_76, %gather3A_71 : vector<16xf32>
    %convert_element_type3A = arith.fptosi %add3A_77 : vector<16xf32> to vector<16xi32>
    %jit3A_78 = arith.constant 0 : i32
    %jit3A_79 = arith.constant 63 : i32
    %max3A = vector.broadcast %jit3A_78 : i32 to vector<16xi32>
    %max3A_80 = arith.maxsi %max3A, %convert_element_type3A : vector<16xi32>
    %min3A_81 = vector.broadcast %jit3A_79 : i32 to vector<16xi32>
    %min3A_82 = arith.minsi %min3A_81, %max3A_80 : vector<16xi32>
    %div3A_83 = arith.divf %gather3A, %gather3A_70 : vector<16xf32>
    %add3A_84 = arith.addf %div3A_83, %gather3A_75 : vector<16xf32>
    %convert_element_type3A_85 = arith.fptosi %add3A_84 : vector<16xf32> to vector<16xi32>
    %jit3A_86 = arith.constant 0 : i32
    %jit3A_87 = arith.constant 63 : i32
    %max3A_88 = vector.broadcast %jit3A_86 : i32 to vector<16xi32>
    %max3A_89 = arith.maxsi %max3A_88, %convert_element_type3A_85 : vector<16xi32>
    %min3A_90 = vector.broadcast %jit3A_87 : i32 to vector<16xi32>
    %min3A_91 = arith.minsi %min3A_90, %max3A_89 : vector<16xi32>
    %swap3A = arith.constant 0 : index
    %swap3A_92 = tpu.vector_load %arg11[%swap3A] {strides = array<i32>} : memref<640xi32, #tpu.memory_space<vmem>>, vector<16xi32>,
    tpu.vector_store %arg11[%swap3A], %min3A_82 {strides = array<i32>} : memref<640xi32, #tpu.memory_space<vmem>>, vector<16xi32>,
    %swap3A_93 = arith.constant 0 : index
    %swap3A_94 = tpu.vector_load %arg12[%swap3A_93] {strides = array<i32>} : memref<640xi32, #tpu.memory_space<vmem>>, vector<16xi32>,
    tpu.vector_store %arg12[%swap3A_93], %min3A_91 {strides = array<i32>} : memref<640xi32, #tpu.memory_space<vmem>>, vector<16xi32>,
    %add3A_95 = arith.constant 16 : i32
    %add3A_96 = vector.broadcast %add3A_95 : i32 to vector<16xi32>
    %add3A_97 = arith.addi %iota3A, %add3A_96 : vector<16xi32>
    %min3A_98 = arith.constant 624 : i32
    %min3A_99 = vector.broadcast %min3A_98 : i32 to vector<16xi32>
    %min3A_100 = arith.minsi %add3A_97, %min3A_99 : vector<16xi32>
    %jit3A_101 = arith.constant 25 : i32
    %div3A_102 = vector.broadcast %jit3A_101 : i32 to vector<16xi32>
    %div3A_103 = arith.divsi %min3A_100, %div3A_102 : vector<16xi32>
    %sign3A_104 = arith.constant 0 : i32
    %sign3A_105 = vector.broadcast %sign3A_104 : i32 to vector<16xi32>
    %sign3A_106 = arith.cmpi sgt, %min3A_100, %sign3A_105 : vector<16xi32>
    %sign3A_107 = arith.extui %sign3A_106 : vector<16xi1> to vector<16xi32>
    %sign3A_108 = arith.constant 0 : i32
    %sign3A_109 = vector.broadcast %sign3A_108 : i32 to vector<16xi32>
    %sign3A_110 = arith.cmpi slt, %min3A_100, %sign3A_109 : vector<16xi32>
    %sign3A_111 = arith.extui %sign3A_110 : vector<16xi1> to vector<16xi32>
    %sign3A_112 = arith.subi %sign3A_107, %sign3A_111 : vector<16xi32>
    %sign3A_113 = arith.constant 0 : i32
    %sign3A_114 = arith.cmpi sgt, %jit3A_101, %sign3A_113 : i32
    %sign3A_115 = arith.extui %sign3A_114 : i1 to i32
    %sign3A_116 = arith.constant 0 : i32
    %sign3A_117 = arith.cmpi slt, %jit3A_101, %sign3A_116 : i32
    %sign3A_118 = arith.extui %sign3A_117 : i1 to i32
    %sign3A_119 = arith.subi %sign3A_115, %sign3A_118 : i32
    %ne3A_120 = vector.broadcast %sign3A_119 : i32 to vector<16xi32>
    %ne3A_121 = arith.cmpi ne, %sign3A_112, %ne3A_120 : vector<16xi32>
    %rem3A_122 = vector.broadcast %jit3A_101 : i32 to vector<16xi32>
    %rem3A_123 = arith.remsi %min3A_100, %rem3A_122 : vector<16xi32>
    %ne3A_124 = arith.constant 0 : i32
    %ne3A_125 = vector.broadcast %ne3A_124 : i32 to vector<16xi32>
    %ne3A_126 = arith.cmpi ne, %rem3A_123, %ne3A_125 : vector<16xi32>
    %and3A_127 = arith.andi %ne3A_121, %ne3A_126 : vector<16xi1>
    %sub3A_128 = arith.constant 1 : i32
    %sub3A_129 = vector.broadcast %sub3A_128 : i32 to vector<16xi32>
    %sub3A_130 = arith.subi %div3A_103, %sub3A_129 : vector<16xi32>
    %select_n3A_131 = arith.select %and3A_127, %sub3A_130, %div3A_103 : vector<16xi1>, vector<16xi32>
    %mul3A_132 = arith.constant 25 : i32
    %mul3A_133 = vector.broadcast %mul3A_132 : i32 to vector<16xi32>
    %mul3A_134 = arith.muli %select_n3A_131, %mul3A_133 : vector<16xi32>
    %sub3A_135 = arith.subi %min3A_100, %mul3A_134 : vector<16xi32>
    %mul3A_136 = arith.constant 25 : i32
    %mul3A_137 = arith.muli %add3A, %mul3A_136 : i32
    %add3A_138 = vector.broadcast %mul3A_137 : i32 to vector<16xi32>
    %add3A_139 = arith.addi %add3A_138, %select_n3A_131 : vector<16xi32>
    %mul3A_140 = arith.constant 50 : i32
    %mul3A_141 = vector.broadcast %mul3A_140 : i32 to vector<16xi32>
    %mul3A_142 = arith.muli %add3A_139, %mul3A_141 : vector<16xi32>
    %mul3A_143 = arith.constant 2 : i32
    %mul3A_144 = vector.broadcast %mul3A_143 : i32 to vector<16xi32>
    %mul3A_145 = arith.muli %mul3A_144, %sub3A_135 : vector<16xi32>
    %add3A_146 = arith.addi %mul3A_142, %mul3A_145 : vector<16xi32>
    %gather3A_147 = tpu.vector_load_idx %arg7[%add3A_146] : memref<40000xf32, #tpu.memory_space<vmem>>[vector<16xi32>], vector<16xf32>,
    %mul3A_148 = arith.constant 25 : i32
    %mul3A_149 = arith.muli %add3A, %mul3A_148 : i32
    %add3A_150 = vector.broadcast %mul3A_149 : i32 to vector<16xi32>
    %add3A_151 = arith.addi %add3A_150, %select_n3A_131 : vector<16xi32>
    %mul3A_152 = arith.constant 50 : i32
    %mul3A_153 = vector.broadcast %mul3A_152 : i32 to vector<16xi32>
    %mul3A_154 = arith.muli %add3A_151, %mul3A_153 : vector<16xi32>
    %mul3A_155 = arith.constant 2 : i32
    %mul3A_156 = vector.broadcast %mul3A_155 : i32 to vector<16xi32>
    %mul3A_157 = arith.muli %mul3A_156, %sub3A_135 : vector<16xi32>
    %add3A_158 = arith.addi %mul3A_154, %mul3A_157 : vector<16xi32>
    %add3A_159 = arith.constant 1 : i32
    %add3A_160 = vector.broadcast %add3A_159 : i32 to vector<16xi32>
    %add3A_161 = arith.addi %add3A_158, %add3A_160 : vector<16xi32>
    %gather3A_162 = tpu.vector_load_idx %arg7[%add3A_161] : memref<40000xf32, #tpu.memory_space<vmem>>[vector<16xi32>], vector<16xf32>,
    %mul3A_163 = arith.constant 25 : i32
    %mul3A_164 = arith.muli %add3A, %mul3A_163 : i32
    %add3A_165 = vector.broadcast %mul3A_164 : i32 to vector<16xi32>
    %add3A_166 = arith.addi %add3A_165, %select_n3A_131 : vector<16xi32>
    %mul3A_167 = arith.constant 2 : i32
    %mul3A_168 = vector.broadcast %mul3A_167 : i32 to vector<16xi32>
    %mul3A_169 = arith.muli %add3A_166, %mul3A_168 : vector<16xi32>
    %gather3A_170 = tpu.vector_load_idx %arg8[%mul3A_169] : memref<1600xf32, #tpu.memory_space<vmem>>[vector<16xi32>], vector<16xf32>,
    %add3A_171 = arith.constant 1 : i32
    %add3A_172 = vector.broadcast %add3A_171 : i32 to vector<16xi32>
    %add3A_173 = arith.addi %mul3A_169, %add3A_172 : vector<16xi32>
    %gather3A_174 = tpu.vector_load_idx %arg8[%add3A_173] : memref<1600xf32, #tpu.memory_space<vmem>>[vector<16xi32>], vector<16xf32>,
    %gather3A_175 = tpu.vector_load_idx %arg9[%mul3A_169] : memref<1600xf32, #tpu.memory_space<vmem>>[vector<16xi32>], vector<16xf32>,
    %add3A_176 = arith.constant 1 : i32
    %add3A_177 = vector.broadcast %add3A_176 : i32 to vector<16xi32>
    %add3A_178 = arith.addi %mul3A_169, %add3A_177 : vector<16xi32>
    %gather3A_179 = tpu.vector_load_idx %arg9[%add3A_178] : memref<1600xf32, #tpu.memory_space<vmem>>[vector<16xi32>], vector<16xf32>,
    %div3A_180 = arith.divf %gather3A_162, %gather3A_170 : vector<16xf32>
    %add3A_181 = arith.addf %div3A_180, %gather3A_175 : vector<16xf32>
    %convert_element_type3A_182 = arith.fptosi %add3A_181 : vector<16xf32> to vector<16xi32>
    %jit3A_183 = arith.constant 0 : i32
    %jit3A_184 = arith.constant 63 : i32
    %max3A_185 = vector.broadcast %jit3A_183 : i32 to vector<16xi32>
    %max3A_186 = arith.maxsi %max3A_185, %convert_element_type3A_182 : vector<16xi32>
    %min3A_187 = vector.broadcast %jit3A_184 : i32 to vector<16xi32>
    %min3A_188 = arith.minsi %min3A_187, %max3A_186 : vector<16xi32>
    %div3A_189 = arith.divf %gather3A_147, %gather3A_174 : vector<16xf32>
    %add3A_190 = arith.addf %div3A_189, %gather3A_179 : vector<16xf32>
    %convert_element_type3A_191 = arith.fptosi %add3A_190 : vector<16xf32> to vector<16xi32>
    %jit3A_192 = arith.constant 0 : i32
    %jit3A_193 = arith.constant 63 : i32
    %max3A_194 = vector.broadcast %jit3A_192 : i32 to vector<16xi32>
    %max3A_195 = arith.maxsi %max3A_194, %convert_element_type3A_191 : vector<16xi32>
    %min3A_196 = vector.broadcast %jit3A_193 : i32 to vector<16xi32>
    %min3A_197 = arith.minsi %min3A_196, %max3A_195 : vector<16xi32>
    %swap3A_198 = arith.constant 16 : index
    %swap3A_199 = tpu.vector_load %arg11[%swap3A_198] {strides = array<i32>} : memref<640xi32, #tpu.memory_space<vmem>>, vector<16xi32>,
    tpu.vector_store %arg11[%swap3A_198], %min3A_188 {strides = array<i32>} : memref<640xi32, #tpu.memory_space<vmem>>, vector<16xi32>,
    %swap3A_200 = arith.constant 16 : index
    %swap3A_201 = tpu.vector_load %arg12[%swap3A_200] {strides = array<i32>} : memref<640xi32, #tpu.memory_space<vmem>>, vector<16xi32>,
    tpu.vector_store %arg12[%swap3A_200], %min3A_197 {strides = array<i32>} : memref<640xi32, #tpu.memory_space<vmem>>, vector<16xi32>,
    %add3A_202 = arith.constant 32 : i32
    %add3A_203 = vector.broadcast %add3A_202 : i32 to vector<16xi32>
    %add3A_204 = arith.addi %iota3A, %add3A_203 : vector<16xi32>
    %min3A_205 = arith.constant 624 : i32
    %min3A_206 = vector.broadcast %min3A_205 : i32 to vector<16xi32>
    %min3A_207 = arith.minsi %add3A_204, %min3A_206 : vector<16xi32>
    %jit3A_208 = arith.constant 25 : i32
    %div3A_209 = vector.broadcast %jit3A_208 : i32 to vector<16xi32>
    %div3A_210 = arith.divsi %min3A_207, %div3A_209 : vector<16xi32>
    %sign3A_211 = arith.constant 0 : i32
    %sign3A_212 = vector.broadcast %sign3A_211 : i32 to vector<16xi32>
    %sign3A_213 = arith.cmpi sgt, %min3A_207, %sign3A_212 : vector<16xi32>
    %sign3A_214 = arith.extui %sign3A_213 : vector<16xi1> to vector<16xi32>
    %sign3A_215 = arith.constant 0 : i32
    %sign3A_216 = vector.broadcast %sign3A_215 : i32 to vector<16xi32>
    %sign3A_217 = arith.cmpi slt, %min3A_207, %sign3A_216 : vector<16xi32>
    %sign3A_218 = arith.extui %sign3A_217 : vector<16xi1> to vector<16xi32>
    %sign3A_219 = arith.subi %sign3A_214, %sign3A_218 : vector<16xi32>
    %sign3A_220 = arith.constant 0 : i32
    %sign3A_221 = arith.cmpi sgt, %jit3A_208, %sign3A_220 : i32
    %sign3A_222 = arith.extui %sign3A_221 : i1 to i32
    %sign3A_223 = arith.constant 0 : i32
    %sign3A_224 = arith.cmpi slt, %jit3A_208, %sign3A_223 : i32
    %sign3A_225 = arith.extui %sign3A_224 : i1 to i32
    %sign3A_226 = arith.subi %sign3A_222, %sign3A_225 : i32
    %ne3A_227 = vector.broadcast %sign3A_226 : i32 to vector<16xi32>
    %ne3A_228 = arith.cmpi ne, %sign3A_219, %ne3A_227 : vector<16xi32>
    %rem3A_229 = vector.broadcast %jit3A_208 : i32 to vector<16xi32>
    %rem3A_230 = arith.remsi %min3A_207, %rem3A_229 : vector<16xi32>
    %ne3A_231 = arith.constant 0 : i32
    %ne3A_232 = vector.broadcast %ne3A_231 : i32 to vector<16xi32>
    %ne3A_233 = arith.cmpi ne, %rem3A_230, %ne3A_232 : vector<16xi32>
    %and3A_234 = arith.andi %ne3A_228, %ne3A_233 : vector<16xi1>
    %sub3A_235 = arith.constant 1 : i32
    %sub3A_236 = vector.broadcast %sub3A_235 : i32 to vector<16xi32>
    %sub3A_237 = arith.subi %div3A_210, %sub3A_236 : vector<16xi32>
    %select_n3A_238 = arith.select %and3A_234, %sub3A_237, %div3A_210 : vector<16xi1>, vector<16xi32>
    %mul3A_239 = arith.constant 25 : i32
    %mul3A_240 = vector.broadcast %mul3A_239 : i32 to vector<16xi32>
    %mul3A_241 = arith.muli %select_n3A_238, %mul3A_240 : vector<16xi32>
    %sub3A_242 = arith.subi %min3A_207, %mul3A_241 : vector<16xi32>
    %mul3A_243 = arith.constant 25 : i32
    %mul3A_244 = arith.muli %add3A, %mul3A_243 : i32
    %add3A_245 = vector.broadcast %mul3A_244 : i32 to vector<16xi32>
    %add3A_246 = arith.addi %add3A_245, %select_n3A_238 : vector<16xi32>
    %mul3A_247 = arith.constant 50 : i32
    %mul3A_248 = vector.broadcast %mul3A_247 : i32 to vector<16xi32>
    %mul3A_249 = arith.muli %add3A_246, %mul3A_248 : vector<16xi32>
    %mul3A_250 = arith.constant 2 : i32
    %mul3A_251 = vector.broadcast %mul3A_250 : i32 to vector<16xi32>
    %mul3A_252 = arith.muli %mul3A_251, %sub3A_242 : vector<16xi32>
    %add3A_253 = arith.addi %mul3A_249, %mul3A_252 : vector<16xi32>
    %gather3A_254 = tpu.vector_load_idx %arg7[%add3A_253] : memref<40000xf32, #tpu.memory_space<vmem>>[vector<16xi32>], vector<16xf32>,
    %mul3A_255 = arith.constant 25 : i32
    %mul3A_256 = arith.muli %add3A, %mul3A_255 : i32
    %add3A_257 = vector.broadcast %mul3A_256 : i32 to vector<16xi32>
    %add3A_258 = arith.addi %add3A_257, %select_n3A_238 : vector<16xi32>
    %mul3A_259 = arith.constant 50 : i32
    %mul3A_260 = vector.broadcast %mul3A_259 : i32 to vector<16xi32>
    %mul3A_261 = arith.muli %add3A_258, %mul3A_260 : vector<16xi32>
    %mul3A_262 = arith.constant 2 : i32
    %mul3A_263 = vector.broadcast %mul3A_262 : i32 to vector<16xi32>
    %mul3A_264 = arith.muli %mul3A_263, %sub3A_242 : vector<16xi32>
    %add3A_265 = arith.addi %mul3A_261, %mul3A_264 : vector<16xi32>
    %add3A_266 = arith.constant 1 : i32
    %add3A_267 = vector.broadcast %add3A_266 : i32 to vector<16xi32>
    %add3A_268 = arith.addi %add3A_265, %add3A_267 : vector<16xi32>
    %gather3A_269 = tpu.vector_load_idx %arg7[%add3A_268] : memref<40000xf32, #tpu.memory_space<vmem>>[vector<16xi32>], vector<16xf32>,
    %mul3A_270 = arith.constant 25 : i32
    %mul3A_271 = arith.muli %add3A, %mul3A_270 : i32
    %add3A_272 = vector.broadcast %mul3A_271 : i32 to vector<16xi32>
    %add3A_273 = arith.addi %add3A_272, %select_n3A_238 : vector<16xi32>
    %mul3A_274 = arith.constant 2 : i32
    %mul3A_275 = vector.broadcast %mul3A_274 : i32 to vector<16xi32>
    %mul3A_276 = arith.muli %add3A_273, %mul3A_275 : vector<16xi32>
    %gather3A_277 = tpu.vector_load_idx %arg8[%mul3A_276] : memref<1600xf32, #tpu.memory_space<vmem>>[vector<16xi32>], vector<16xf32>,
    %add3A_278 = arith.constant 1 : i32
    %add3A_279 = vector.broadcast %add3A_278 : i32 to vector<16xi32>
    %add3A_280 = arith.addi %mul3A_276, %add3A_279 : vector<16xi32>
    %gather3A_281 = tpu.vector_load_idx %arg8[%add3A_280] : memref<1600xf32, #tpu.memory_space<vmem>>[vector<16xi32>], vector<16xf32>,
    %gather3A_282 = tpu.vector_load_idx %arg9[%mul3A_276] : memref<1600xf32, #tpu.memory_space<vmem>>[vector<16xi32>], vector<16xf32>,
    %add3A_283 = arith.constant 1 : i32
    %add3A_284 = vector.broadcast %add3A_283 : i32 to vector<16xi32>
    %add3A_285 = arith.addi %mul3A_276, %add3A_284 : vector<16xi32>
    %gather3A_286 = tpu.vector_load_idx %arg9[%add3A_285] : memref<1600xf32, #tpu.memory_space<vmem>>[vector<16xi32>], vector<16xf32>,
    %div3A_287 = arith.divf %gather3A_269, %gather3A_277 : vector<16xf32>
    %add3A_288 = arith.addf %div3A_287, %gather3A_282 : vector<16xf32>
    %convert_element_type3A_289 = arith.fptosi %add3A_288 : vector<16xf32> to vector<16xi32>
    %jit3A_290 = arith.constant 0 : i32
    %jit3A_291 = arith.constant 63 : i32
    %max3A_292 = vector.broadcast %jit3A_290 : i32 to vector<16xi32>
    %max3A_293 = arith.maxsi %max3A_292, %convert_element_type3A_289 : vector<16xi32>
    %min3A_294 = vector.broadcast %jit3A_291 : i32 to vector<16xi32>
    %min3A_295 = arith.minsi %min3A_294, %max3A_293 : vector<16xi32>
    %div3A_296 = arith.divf %gather3A_254, %gather3A_281 : vector<16xf32>
    %add3A_297 = arith.addf %div3A_296, %gather3A_286 : vector<16xf32>
    %convert_element_type3A_298 = arith.fptosi %add3A_297 : vector<16xf32> to vector<16xi32>
    %jit3A_299 = arith.constant 0 : i32
    %jit3A_300 = arith.constant 63 : i32
    %max3A_301 = vector.broadcast %jit3A_299 : i32 to vector<16xi32>
    %max3A_302 = arith.maxsi %max3A_301, %convert_element_type3A_298 : vector<16xi32>
    %min3A_303 = vector.broadcast %jit3A_300 : i32 to vector<16xi32>
    %min3A_304 = arith.minsi %min3A_303, %max3A_302 : vector<16xi32>
    %swap3A_305 = arith.constant 32 : index
    %swap3A_306 = tpu.vector_load %arg11[%swap3A_305] {strides = array<i32>} : memref<640xi32, #tpu.memory_space<vmem>>, vector<16xi32>,
    tpu.vector_store %arg11[%swap3A_305], %min3A_295 {strides = array<i32>} : memref<640xi32, #tpu.memory_space<vmem>>, vector<16xi32>,
    %swap3A_307 = arith.constant 32 : index
    %swap3A_308 = tpu.vector_load %arg12[%swap3A_307] {strides = array<i32>} : memref<640xi32, #tpu.memory_space<vmem>>, vector<16xi32>,
    tpu.vector_store %arg12[%swap3A_307], %min3A_304 {strides = array<i32>} : memref<640xi32, #tpu.memory_space<vmem>>, vector<16xi32>,
    %add3A_309 = arith.constant 48 : i32
    %add3A_310 = vector.broadcast %add3A_309 : i32 to vector<16xi32>
    %add3A_311 = arith.addi %iota3A, %add3A_310 : vector<16xi32>
    %min3A_312 = arith.constant 624 : i32
    %min3A_313 = vector.broadcast %min3A_312 : i32 to vector<16xi32>
    %min3A_314 = arith.minsi %add3A_311, %min3A_313 : vector<16xi32>
    %jit3A_315 = arith.constant 25 : i32
    %div3A_316 = vector.broadcast %jit3A_315 : i32 to vector<16xi32>
    %div3A_317 = arith.divsi %min3A_314, %div3A_316 : vector<16xi32>
    %sign3A_318 = arith.constant 0 : i32
    %sign3A_319 = vector.broadcast %sign3A_318 : i32 to vector<16xi32>
    %sign3A_320 = arith.cmpi sgt, %min3A_314, %sign3A_319 : vector<16xi32>
    %sign3A_321 = arith.extui %sign3A_320 : vector<16xi1> to vector<16xi32>
    %sign3A_322 = arith.constant 0 : i32
    %sign3A_323 = vector.broadcast %sign3A_322 : i32 to vector<16xi32>
    %sign3A_324 = arith.cmpi slt, %min3A_314, %sign3A_323 : vector<16xi32>
    %sign3A_325 = arith.extui %sign3A_324 : vector<16xi1> to vector<16xi32>
    %sign3A_326 = arith.subi %sign3A_321, %sign3A_325 : vector<16xi32>
    %sign3A_327 = arith.constant 0 : i32
    %sign3A_328 = arith.cmpi sgt, %jit3A_315, %sign3A_327 : i32
    %sign3A_329 = arith.extui %sign3A_328 : i1 to i32
    %sign3A_330 = arith.constant 0 : i32
    %sign3A_331 = arith.cmpi slt, %jit3A_315, %sign3A_330 : i32
    %sign3A_332 = arith.extui %sign3A_331 : i1 to i32
    %sign3A_333 = arith.subi %sign3A_329, %sign3A_332 : i32
    %ne3A_334 = vector.broadcast %sign3A_333 : i32 to vector<16xi32>
    %ne3A_335 = arith.cmpi ne, %sign3A_326, %ne3A_334 : vector<16xi32>
    %rem3A_336 = vector.broadcast %jit3A_315 : i32 to vector<16xi32>
    %rem3A_337 = arith.remsi %min3A_314, %rem3A_336 : vector<16xi32>
    %ne3A_338 = arith.constant 0 : i32
    %ne3A_339 = vector.broadcast %ne3A_338 : i32 to vector<16xi32>
    %ne3A_340 = arith.cmpi ne, %rem3A_337, %ne3A_339 : vector<16xi32>
    %and3A_341 = arith.andi %ne3A_335, %ne3A_340 : vector<16xi1>
    %sub3A_342 = arith.constant 1 : i32
    %sub3A_343 = vector.broadcast %sub3A_342 : i32 to vector<16xi32>
    %sub3A_344 = arith.subi %div3A_317, %sub3A_343 : vector<16xi32>
    %select_n3A_345 = arith.select %and3A_341, %sub3A_344, %div3A_317 : vector<16xi1>, vector<16xi32>
    %mul3A_346 = arith.constant 25 : i32
    %mul3A_347 = vector.broadcast %mul3A_346 : i32 to vector<16xi32>
    %mul3A_348 = arith.muli %select_n3A_345, %mul3A_347 : vector<16xi32>
    %sub3A_349 = arith.subi %min3A_314, %mul3A_348 : vector<16xi32>
    %mul3A_350 = arith.constant 25 : i32
    %mul3A_351 = arith.muli %add3A, %mul3A_350 : i32
    %add3A_352 = vector.broadcast %mul3A_351 : i32 to vector<16xi32>
    %add3A_353 = arith.addi %add3A_352, %select_n3A_345 : vector<16xi32>
    %mul3A_354 = arith.constant 50 : i32
    %mul3A_355 = vector.broadcast %mul3A_354 : i32 to vector<16xi32>
    %mul3A_356 = arith.muli %add3A_353, %mul3A_355 : vector<16xi32>
    %mul3A_357 = arith.constant 2 : i32
    %mul3A_358 = vector.broadcast %mul3A_357 : i32 to vector<16xi32>
    %mul3A_359 = arith.muli %mul3A_358, %sub3A_349 : vector<16xi32>
    %add3A_360 = arith.addi %mul3A_356, %mul3A_359 : vector<16xi32>
    %gather3A_361 = tpu.vector_load_idx %arg7[%add3A_360] : memref<40000xf32, #tpu.memory_space<vmem>>[vector<16xi32>], vector<16xf32>,
    %mul3A_362 = arith.constant 25 : i32
    %mul3A_363 = arith.muli %add3A, %mul3A_362 : i32
    %add3A_364 = vector.broadcast %mul3A_363 : i32 to vector<16xi32>
    %add3A_365 = arith.addi %add3A_364, %select_n3A_345 : vector<16xi32>
    %mul3A_366 = arith.constant 50 : i32
    %mul3A_367 = vector.broadcast %mul3A_366 : i32 to vector<16xi32>
    %mul3A_368 = arith.muli %add3A_365, %mul3A_367 : vector<16xi32>
    %mul3A_369 = arith.constant 2 : i32
    %mul3A_370 = vector.broadcast %mul3A_369 : i32 to vector<16xi32>
    %mul3A_371 = arith.muli %mul3A_370, %sub3A_349 : vector<16xi32>
    %add3A_372 = arith.addi %mul3A_368, %mul3A_371 : vector<16xi32>
    %add3A_373 = arith.constant 1 : i32
    %add3A_374 = vector.broadcast %add3A_373 : i32 to vector<16xi32>
    %add3A_375 = arith.addi %add3A_372, %add3A_374 : vector<16xi32>
    %gather3A_376 = tpu.vector_load_idx %arg7[%add3A_375] : memref<40000xf32, #tpu.memory_space<vmem>>[vector<16xi32>], vector<16xf32>,
    %mul3A_377 = arith.constant 25 : i32
    %mul3A_378 = arith.muli %add3A, %mul3A_377 : i32
    %add3A_379 = vector.broadcast %mul3A_378 : i32 to vector<16xi32>
    %add3A_380 = arith.addi %add3A_379, %select_n3A_345 : vector<16xi32>
    %mul3A_381 = arith.constant 2 : i32
    %mul3A_382 = vector.broadcast %mul3A_381 : i32 to vector<16xi32>
    %mul3A_383 = arith.muli %add3A_380, %mul3A_382 : vector<16xi32>
    %gather3A_384 = tpu.vector_load_idx %arg8[%mul3A_383] : memref<1600xf32, #tpu.memory_space<vmem>>[vector<16xi32>], vector<16xf32>,
    %add3A_385 = arith.constant 1 : i32
    %add3A_386 = vector.broadcast %add3A_385 : i32 to vector<16xi32>
    %add3A_387 = arith.addi %mul3A_383, %add3A_386 : vector<16xi32>
    %gather3A_388 = tpu.vector_load_idx %arg8[%add3A_387] : memref<1600xf32, #tpu.memory_space<vmem>>[vector<16xi32>], vector<16xf32>,
    %gather3A_389 = tpu.vector_load_idx %arg9[%mul3A_383] : memref<1600xf32, #tpu.memory_space<vmem>>[vector<16xi32>], vector<16xf32>,
    %add3A_390 = arith.constant 1 : i32
    %add3A_391 = vector.broadcast %add3A_390 : i32 to vector<16xi32>
    %add3A_392 = arith.addi %mul3A_383, %add3A_391 : vector<16xi32>
    %gather3A_393 = tpu.vector_load_idx %arg9[%add3A_392] : memref<1600xf32, #tpu.memory_space<vmem>>[vector<16xi32>], vector<16xf32>,
    %div3A_394 = arith.divf %gather3A_376, %gather3A_384 : vector<16xf32>
    %add3A_395 = arith.addf %div3A_394, %gather3A_389 : vector<16xf32>
    %convert_element_type3A_396 = arith.fptosi %add3A_395 : vector<16xf32> to vector<16xi32>
    %jit3A_397 = arith.constant 0 : i32
    %jit3A_398 = arith.constant 63 : i32
    %max3A_399 = vector.broadcast %jit3A_397 : i32 to vector<16xi32>
    %max3A_400 = arith.maxsi %max3A_399, %convert_element_type3A_396 : vector<16xi32>
    %min3A_401 = vector.broadcast %jit3A_398 : i32 to vector<16xi32>
    %min3A_402 = arith.minsi %min3A_401, %max3A_400 : vector<16xi32>
    %div3A_403 = arith.divf %gather3A_361, %gather3A_388 : vector<16xf32>
    %add3A_404 = arith.addf %div3A_403, %gather3A_393 : vector<16xf32>
    %convert_element_type3A_405 = arith.fptosi %add3A_404 : vector<16xf32> to vector<16xi32>
    %jit3A_406 = arith.constant 0 : i32
    %jit3A_407 = arith.constant 63 : i32
    %max3A_408 = vector.broadcast %jit3A_406 : i32 to vector<16xi32>
    %max3A_409 = arith.maxsi %max3A_408, %convert_element_type3A_405 : vector<16xi32>
    %min3A_410 = vector.broadcast %jit3A_407 : i32 to vector<16xi32>
    %min3A_411 = arith.minsi %min3A_410, %max3A_409 : vector<16xi32>
    %swap3A_412 = arith.constant 48 : index
    %swap3A_413 = tpu.vector_load %arg11[%swap3A_412] {strides = array<i32>} : memref<640xi32, #tpu.memory_space<vmem>>, vector<16xi32>,
    tpu.vector_store %arg11[%swap3A_412], %min3A_402 {strides = array<i32>} : memref<640xi32, #tpu.memory_space<vmem>>, vector<16xi32>,
    %swap3A_414 = arith.constant 48 : index
    %swap3A_415 = tpu.vector_load %arg12[%swap3A_414] {strides = array<i32>} : memref<640xi32, #tpu.memory_space<vmem>>, vector<16xi32>,
    tpu.vector_store %arg12[%swap3A_414], %min3A_411 {strides = array<i32>} : memref<640xi32, #tpu.memory_space<vmem>>, vector<16xi32>,
    %add3A_416 = arith.constant 64 : i32
    %add3A_417 = vector.broadcast %add3A_416 : i32 to vector<16xi32>
    %add3A_418 = arith.addi %iota3A, %add3A_417 : vector<16xi32>
    %min3A_419 = arith.constant 624 : i32
    %min3A_420 = vector.broadcast %min3A_419 : i32 to vector<16xi32>
    %min3A_421 = arith.minsi %add3A_418, %min3A_420 : vector<16xi32>
    %jit3A_422 = arith.constant 25 : i32
    %div3A_423 = vector.broadcast %jit3A_422 : i32 to vector<16xi32>
    %div3A_424 = arith.divsi %min3A_421, %div3A_423 : vector<16xi32>
    %sign3A_425 = arith.constant 0 : i32
    %sign3A_426 = vector.broadcast %sign3A_425 : i32 to vector<16xi32>
    %sign3A_427 = arith.cmpi sgt, %min3A_421, %sign3A_426 : vector<16xi32>
    %sign3A_428 = arith.extui %sign3A_427 : vector<16xi1> to vector<16xi32>
    %sign3A_429 = arith.constant 0 : i32
    %sign3A_430 = vector.broadcast %sign3A_429 : i32 to vector<16xi32>
    %sign3A_431 = arith.cmpi slt, %min3A_421, %sign3A_430 : vector<16xi32>
    %sign3A_432 = arith.extui %sign3A_431 : vector<16xi1> to vector<16xi32>
    %sign3A_433 = arith.subi %sign3A_428, %sign3A_432 : vector<16xi32>
    %sign3A_434 = arith.constant 0 : i32
    %sign3A_435 = arith.cmpi sgt, %jit3A_422, %sign3A_434 : i32
    %sign3A_436 = arith.extui %sign3A_435 : i1 to i32
    %sign3A_437 = arith.constant 0 : i32
    %sign3A_438 = arith.cmpi slt, %jit3A_422, %sign3A_437 : i32
    %sign3A_439 = arith.extui %sign3A_438 : i1 to i32
    %sign3A_440 = arith.subi %sign3A_436, %sign3A_439 : i32
    %ne3A_441 = vector.broadcast %sign3A_440 : i32 to vector<16xi32>
    %ne3A_442 = arith.cmpi ne, %sign3A_433, %ne3A_441 : vector<16xi32>
    %rem3A_443 = vector.broadcast %jit3A_422 : i32 to vector<16xi32>
    %rem3A_444 = arith.remsi %min3A_421, %rem3A_443 : vector<16xi32>
    %ne3A_445 = arith.constant 0 : i32
    %ne3A_446 = vector.broadcast %ne3A_445 : i32 to vector<16xi32>
    %ne3A_447 = arith.cmpi ne, %rem3A_444, %ne3A_446 : vector<16xi32>
    %and3A_448 = arith.andi %ne3A_442, %ne3A_447 : vector<16xi1>
    %sub3A_449 = arith.constant 1 : i32
    %sub3A_450 = vector.broadcast %sub3A_449 : i32 to vector<16xi32>
    %sub3A_451 = arith.subi %div3A_424, %sub3A_450 : vector<16xi32>
    %select_n3A_452 = arith.select %and3A_448, %sub3A_451, %div3A_424 : vector<16xi1>, vector<16xi32>
    %mul3A_453 = arith.constant 25 : i32
    %mul3A_454 = vector.broadcast %mul3A_453 : i32 to vector<16xi32>
    %mul3A_455 = arith.muli %select_n3A_452, %mul3A_454 : vector<16xi32>
    %sub3A_456 = arith.subi %min3A_421, %mul3A_455 : vector<16xi32>
    %mul3A_457 = arith.constant 25 : i32
    %mul3A_458 = arith.muli %add3A, %mul3A_457 : i32
    %add3A_459 = vector.broadcast %mul3A_458 : i32 to vector<16xi32>
    %add3A_460 = arith.addi %add3A_459, %select_n3A_452 : vector<16xi32>
    %mul3A_461 = arith.constant 50 : i32
    %mul3A_462 = vector.broadcast %mul3A_461 : i32 to vector<16xi32>
    %mul3A_463 = arith.muli %add3A_460, %mul3A_462 : vector<16xi32>
    %mul3A_464 = arith.constant 2 : i32
    %mul3A_465 = vector.broadcast %mul3A_464 : i32 to vector<16xi32>
    %mul3A_466 = arith.muli %mul3A_465, %sub3A_456 : vector<16xi32>
    %add3A_467 = arith.addi %mul3A_463, %mul3A_466 : vector<16xi32>
    %gather3A_468 = tpu.vector_load_idx %arg7[%add3A_467] : memref<40000xf32, #tpu.memory_space<vmem>>[vector<16xi32>], vector<16xf32>,
    %mul3A_469 = arith.constant 25 : i32
    %mul3A_470 = arith.muli %add3A, %mul3A_469 : i32
    %add3A_471 = vector.broadcast %mul3A_470 : i32 to vector<16xi32>
    %add3A_472 = arith.addi %add3A_471, %select_n3A_452 : vector<16xi32>
    %mul3A_473 = arith.constant 50 : i32
    %mul3A_474 = vector.broadcast %mul3A_473 : i32 to vector<16xi32>
    %mul3A_475 = arith.muli %add3A_472, %mul3A_474 : vector<16xi32>
    %mul3A_476 = arith.constant 2 : i32
    %mul3A_477 = vector.broadcast %mul3A_476 : i32 to vector<16xi32>
    %mul3A_478 = arith.muli %mul3A_477, %sub3A_456 : vector<16xi32>
    %add3A_479 = arith.addi %mul3A_475, %mul3A_478 : vector<16xi32>
    %add3A_480 = arith.constant 1 : i32
    %add3A_481 = vector.broadcast %add3A_480 : i32 to vector<16xi32>
    %add3A_482 = arith.addi %add3A_479, %add3A_481 : vector<16xi32>
    %gather3A_483 = tpu.vector_load_idx %arg7[%add3A_482] : memref<40000xf32, #tpu.memory_space<vmem>>[vector<16xi32>], vector<16xf32>,
    %mul3A_484 = arith.constant 25 : i32
    %mul3A_485 = arith.muli %add3A, %mul3A_484 : i32
    %add3A_486 = vector.broadcast %mul3A_485 : i32 to vector<16xi32>
    %add3A_487 = arith.addi %add3A_486, %select_n3A_452 : vector<16xi32>
    %mul3A_488 = arith.constant 2 : i32
    %mul3A_489 = vector.broadcast %mul3A_488 : i32 to vector<16xi32>
    %mul3A_490 = arith.muli %add3A_487, %mul3A_489 : vector<16xi32>
    %gather3A_491 = tpu.vector_load_idx %arg8[%mul3A_490] : memref<1600xf32, #tpu.memory_space<vmem>>[vector<16xi32>], vector<16xf32>,
    %add3A_492 = arith.constant 1 : i32
    %add3A_493 = vector.broadcast %add3A_492 : i32 to vector<16xi32>
    %add3A_494 = arith.addi %mul3A_490, %add3A_493 : vector<16xi32>
    %gather3A_495 = tpu.vector_load_idx %arg8[%add3A_494] : memref<1600xf32, #tpu.memory_space<vmem>>[vector<16xi32>], vector<16xf32>,
    %gather3A_496 = tpu.vector_load_idx %arg9[%mul3A_490] : memref<1600xf32, #tpu.memory_space<vmem>>[vector<16xi32>], vector<16xf32>,
    %add3A_497 = arith.constant 1 : i32
    %add3A_498 = vector.broadcast %add3A_497 : i32 to vector<16xi32>
    %add3A_499 = arith.addi %mul3A_490, %add3A_498 : vector<16xi32>
    %gather3A_500 = tpu.vector_load_idx %arg9[%add3A_499] : memref<1600xf32, #tpu.memory_space<vmem>>[vector<16xi32>], vector<16xf32>,
    %div3A_501 = arith.divf %gather3A_483, %gather3A_491 : vector<16xf32>
    %add3A_502 = arith.addf %div3A_501, %gather3A_496 : vector<16xf32>
    %convert_element_type3A_503 = arith.fptosi %add3A_502 : vector<16xf32> to vector<16xi32>
    %jit3A_504 = arith.constant 0 : i32
    %jit3A_505 = arith.constant 63 : i32
    %max3A_506 = vector.broadcast %jit3A_504 : i32 to vector<16xi32>
    %max3A_507 = arith.maxsi %max3A_506, %convert_element_type3A_503 : vector<16xi32>
    %min3A_508 = vector.broadcast %jit3A_505 : i32 to vector<16xi32>
    %min3A_509 = arith.minsi %min3A_508, %max3A_507 : vector<16xi32>
    %div3A_510 = arith.divf %gather3A_468, %gather3A_495 : vector<16xf32>
    %add3A_511 = arith.addf %div3A_510, %gather3A_500 : vector<16xf32>
    %convert_element_type3A_512 = arith.fptosi %add3A_511 : vector<16xf32> to vector<16xi32>
    %jit3A_513 = arith.constant 0 : i32
    %jit3A_514 = arith.constant 63 : i32
    %max3A_515 = vector.broadcast %jit3A_513 : i32 to vector<16xi32>
    %max3A_516 = arith.maxsi %max3A_515, %convert_element_type3A_512 : vector<16xi32>
    %min3A_517 = vector.broadcast %jit3A_514 : i32 to vector<16xi32>
    %min3A_518 = arith.minsi %min3A_517, %max3A_516 : vector<16xi32>
    %swap3A_519 = arith.constant 64 : index
    %swap3A_520 = tpu.vector_load %arg11[%swap3A_519] {strides = array<i32>} : memref<640xi32, #tpu.memory_space<vmem>>, vector<16xi32>,
    tpu.vector_store %arg11[%swap3A_519], %min3A_509 {strides = array<i32>} : memref<640xi32, #tpu.memory_space<vmem>>, vector<16xi32>,
    %swap3A_521 = arith.constant 64 : index
    %swap3A_522 = tpu.vector_load %arg12[%swap3A_521] {strides = array<i32>} : memref<640xi32, #tpu.memory_space<vmem>>, vector<16xi32>,
    tpu.vector_store %arg12[%swap3A_521], %min3A_518 {strides = array<i32>} : memref<640xi32, #tpu.memory_space<vmem>>, vector<16xi32>,
    %add3A_523 = arith.constant 80 : i32
    %add3A_524 = vector.broadcast %add3A_523 : i32 to vector<16xi32>
    %add3A_525 = arith.addi %iota3A, %add3A_524 : vector<16xi32>
    %min3A_526 = arith.constant 624 : i32
    %min3A_527 = vector.broadcast %min3A_526 : i32 to vector<16xi32>
    %min3A_528 = arith.minsi %add3A_525, %min3A_527 : vector<16xi32>
    %jit3A_529 = arith.constant 25 : i32
    %div3A_530 = vector.broadcast %jit3A_529 : i32 to vector<16xi32>
    %div3A_531 = arith.divsi %min3A_528, %div3A_530 : vector<16xi32>
    %sign3A_532 = arith.constant 0 : i32
    %sign3A_533 = vector.broadcast %sign3A_532 : i32 to vector<16xi32>
    %sign3A_534 = arith.cmpi sgt, %min3A_528, %sign3A_533 : vector<16xi32>
    %sign3A_535 = arith.extui %sign3A_534 : vector<16xi1> to vector<16xi32>
    %sign3A_536 = arith.constant 0 : i32
    %sign3A_537 = vector.broadcast %sign3A_536 : i32 to vector<16xi32>
    %sign3A_538 = arith.cmpi slt, %min3A_528, %sign3A_537 : vector<16xi32>
    %sign3A_539 = arith.extui %sign3A_538 : vector<16xi1> to vector<16xi32>
    %sign3A_540 = arith.subi %sign3A_535, %sign3A_539 : vector<16xi32>
    %sign3A_541 = arith.constant 0 : i32
    %sign3A_542 = arith.cmpi sgt, %jit3A_529, %sign3A_541 : i32
    %sign3A_543 = arith.extui %sign3A_542 : i1 to i32
    %sign3A_544 = arith.constant 0 : i32
    %sign3A_545 = arith.cmpi slt, %jit3A_529, %sign3A_544 : i32
    %sign3A_546 = arith.extui %sign3A_545 : i1 to i32
    %sign3A_547 = arith.subi %sign3A_543, %sign3A_546 : i32
    %ne3A_548 = vector.broadcast %sign3A_547 : i32 to vector<16xi32>
    %ne3A_549 = arith.cmpi ne, %sign3A_540, %ne3A_548 : vector<16xi32>
    %rem3A_550 = vector.broadcast %jit3A_529 : i32 to vector<16xi32>
    %rem3A_551 = arith.remsi %min3A_528, %rem3A_550 : vector<16xi32>
    %ne3A_552 = arith.constant 0 : i32
    %ne3A_553 = vector.broadcast %ne3A_552 : i32 to vector<16xi32>
    %ne3A_554 = arith.cmpi ne, %rem3A_551, %ne3A_553 : vector<16xi32>
    %and3A_555 = arith.andi %ne3A_549, %ne3A_554 : vector<16xi1>
    %sub3A_556 = arith.constant 1 : i32
    %sub3A_557 = vector.broadcast %sub3A_556 : i32 to vector<16xi32>
    %sub3A_558 = arith.subi %div3A_531, %sub3A_557 : vector<16xi32>
    %select_n3A_559 = arith.select %and3A_555, %sub3A_558, %div3A_531 : vector<16xi1>, vector<16xi32>
    %mul3A_560 = arith.constant 25 : i32
    %mul3A_561 = vector.broadcast %mul3A_560 : i32 to vector<16xi32>
    %mul3A_562 = arith.muli %select_n3A_559, %mul3A_561 : vector<16xi32>
    %sub3A_563 = arith.subi %min3A_528, %mul3A_562 : vector<16xi32>
    %mul3A_564 = arith.constant 25 : i32
    %mul3A_565 = arith.muli %add3A, %mul3A_564 : i32
    %add3A_566 = vector.broadcast %mul3A_565 : i32 to vector<16xi32>
    %add3A_567 = arith.addi %add3A_566, %select_n3A_559 : vector<16xi32>
    %mul3A_568 = arith.constant 50 : i32
    %mul3A_569 = vector.broadcast %mul3A_568 : i32 to vector<16xi32>
    %mul3A_570 = arith.muli %add3A_567, %mul3A_569 : vector<16xi32>
    %mul3A_571 = arith.constant 2 : i32
    %mul3A_572 = vector.broadcast %mul3A_571 : i32 to vector<16xi32>
    %mul3A_573 = arith.muli %mul3A_572, %sub3A_563 : vector<16xi32>
    %add3A_574 = arith.addi %mul3A_570, %mul3A_573 : vector<16xi32>
    %gather3A_575 = tpu.vector_load_idx %arg7[%add3A_574] : memref<40000xf32, #tpu.memory_space<vmem>>[vector<16xi32>], vector<16xf32>,
    %mul3A_576 = arith.constant 25 : i32
    %mul3A_577 = arith.muli %add3A, %mul3A_576 : i32
    %add3A_578 = vector.broadcast %mul3A_577 : i32 to vector<16xi32>
    %add3A_579 = arith.addi %add3A_578, %select_n3A_559 : vector<16xi32>
    %mul3A_580 = arith.constant 50 : i32
    %mul3A_581 = vector.broadcast %mul3A_580 : i32 to vector<16xi32>
    %mul3A_582 = arith.muli %add3A_579, %mul3A_581 : vector<16xi32>
    %mul3A_583 = arith.constant 2 : i32
    %mul3A_584 = vector.broadcast %mul3A_583 : i32 to vector<16xi32>
    %mul3A_585 = arith.muli %mul3A_584, %sub3A_563 : vector<16xi32>
    %add3A_586 = arith.addi %mul3A_582, %mul3A_585 : vector<16xi32>
    %add3A_587 = arith.constant 1 : i32
    %add3A_588 = vector.broadcast %add3A_587 : i32 to vector<16xi32>
    %add3A_589 = arith.addi %add3A_586, %add3A_588 : vector<16xi32>
    %gather3A_590 = tpu.vector_load_idx %arg7[%add3A_589] : memref<40000xf32, #tpu.memory_space<vmem>>[vector<16xi32>], vector<16xf32>,
    %mul3A_591 = arith.constant 25 : i32
    %mul3A_592 = arith.muli %add3A, %mul3A_591 : i32
    %add3A_593 = vector.broadcast %mul3A_592 : i32 to vector<16xi32>
    %add3A_594 = arith.addi %add3A_593, %select_n3A_559 : vector<16xi32>
    %mul3A_595 = arith.constant 2 : i32
    %mul3A_596 = vector.broadcast %mul3A_595 : i32 to vector<16xi32>
    %mul3A_597 = arith.muli %add3A_594, %mul3A_596 : vector<16xi32>
    %gather3A_598 = tpu.vector_load_idx %arg8[%mul3A_597] : memref<1600xf32, #tpu.memory_space<vmem>>[vector<16xi32>], vector<16xf32>,
    %add3A_599 = arith.constant 1 : i32
    %add3A_600 = vector.broadcast %add3A_599 : i32 to vector<16xi32>
    %add3A_601 = arith.addi %mul3A_597, %add3A_600 : vector<16xi32>
    %gather3A_602 = tpu.vector_load_idx %arg8[%add3A_601] : memref<1600xf32, #tpu.memory_space<vmem>>[vector<16xi32>], vector<16xf32>,
    %gather3A_603 = tpu.vector_load_idx %arg9[%mul3A_597] : memref<1600xf32, #tpu.memory_space<vmem>>[vector<16xi32>], vector<16xf32>,
    %add3A_604 = arith.constant 1 : i32
    %add3A_605 = vector.broadcast %add3A_604 : i32 to vector<16xi32>
    %add3A_606 = arith.addi %mul3A_597, %add3A_605 : vector<16xi32>
    %gather3A_607 = tpu.vector_load_idx %arg9[%add3A_606] : memref<1600xf32, #tpu.memory_space<vmem>>[vector<16xi32>], vector<16xf32>,
    %div3A_608 = arith.divf %gather3A_590, %gather3A_598 : vector<16xf32>
    %add3A_609 = arith.addf %div3A_608, %gather3A_603 : vector<16xf32>
    %convert_element_type3A_610 = arith.fptosi %add3A_609 : vector<16xf32> to vector<16xi32>
    %jit3A_611 = arith.constant 0 : i32
    %jit3A_612 = arith.constant 63 : i32
    %max3A_613 = vector.broadcast %jit3A_611 : i32 to vector<16xi32>
    %max3A_614 = arith.maxsi %max3A_613, %convert_element_type3A_610 : vector<16xi32>
    %min3A_615 = vector.broadcast %jit3A_612 : i32 to vector<16xi32>
    %min3A_616 = arith.minsi %min3A_615, %max3A_614 : vector<16xi32>
    %div3A_617 = arith.divf %gather3A_575, %gather3A_602 : vector<16xf32>
    %add3A_618 = arith.addf %div3A_617, %gather3A_607 : vector<16xf32>
    %convert_element_type3A_619 = arith.fptosi %add3A_618 : vector<16xf32> to vector<16xi32>
    %jit3A_620 = arith.constant 0 : i32
    %jit3A_621 = arith.constant 63 : i32
    %max3A_622 = vector.broadcast %jit3A_620 : i32 to vector<16xi32>
    %max3A_623 = arith.maxsi %max3A_622, %convert_element_type3A_619 : vector<16xi32>
    %min3A_624 = vector.broadcast %jit3A_621 : i32 to vector<16xi32>
    %min3A_625 = arith.minsi %min3A_624, %max3A_623 : vector<16xi32>
    %swap3A_626 = arith.constant 80 : index
    %swap3A_627 = tpu.vector_load %arg11[%swap3A_626] {strides = array<i32>} : memref<640xi32, #tpu.memory_space<vmem>>, vector<16xi32>,
    tpu.vector_store %arg11[%swap3A_626], %min3A_616 {strides = array<i32>} : memref<640xi32, #tpu.memory_space<vmem>>, vector<16xi32>,
    %swap3A_628 = arith.constant 80 : index
    %swap3A_629 = tpu.vector_load %arg12[%swap3A_628] {strides = array<i32>} : memref<640xi32, #tpu.memory_space<vmem>>, vector<16xi32>,
    tpu.vector_store %arg12[%swap3A_628], %min3A_625 {strides = array<i32>} : memref<640xi32, #tpu.memory_space<vmem>>, vector<16xi32>,
    %add3A_630 = arith.constant 96 : i32
    %add3A_631 = vector.broadcast %add3A_630 : i32 to vector<16xi32>
    %add3A_632 = arith.addi %iota3A, %add3A_631 : vector<16xi32>
    %min3A_633 = arith.constant 624 : i32
    %min3A_634 = vector.broadcast %min3A_633 : i32 to vector<16xi32>
    %min3A_635 = arith.minsi %add3A_632, %min3A_634 : vector<16xi32>
    %jit3A_636 = arith.constant 25 : i32
    %div3A_637 = vector.broadcast %jit3A_636 : i32 to vector<16xi32>
    %div3A_638 = arith.divsi %min3A_635, %div3A_637 : vector<16xi32>
    %sign3A_639 = arith.constant 0 : i32
    %sign3A_640 = vector.broadcast %sign3A_639 : i32 to vector<16xi32>
    %sign3A_641 = arith.cmpi sgt, %min3A_635, %sign3A_640 : vector<16xi32>
    %sign3A_642 = arith.extui %sign3A_641 : vector<16xi1> to vector<16xi32>
    %sign3A_643 = arith.constant 0 : i32
    %sign3A_644 = vector.broadcast %sign3A_643 : i32 to vector<16xi32>
    %sign3A_645 = arith.cmpi slt, %min3A_635, %sign3A_644 : vector<16xi32>
    %sign3A_646 = arith.extui %sign3A_645 : vector<16xi1> to vector<16xi32>
    %sign3A_647 = arith.subi %sign3A_642, %sign3A_646 : vector<16xi32>
    %sign3A_648 = arith.constant 0 : i32
    %sign3A_649 = arith.cmpi sgt, %jit3A_636, %sign3A_648 : i32
    %sign3A_650 = arith.extui %sign3A_649 : i1 to i32
    %sign3A_651 = arith.constant 0 : i32
    %sign3A_652 = arith.cmpi slt, %jit3A_636, %sign3A_651 : i32
    %sign3A_653 = arith.extui %sign3A_652 : i1 to i32
    %sign3A_654 = arith.subi %sign3A_650, %sign3A_653 : i32
    %ne3A_655 = vector.broadcast %sign3A_654 : i32 to vector<16xi32>
    %ne3A_656 = arith.cmpi ne, %sign3A_647, %ne3A_655 : vector<16xi32>
    %rem3A_657 = vector.broadcast %jit3A_636 : i32 to vector<16xi32>
    %rem3A_658 = arith.remsi %min3A_635, %rem3A_657 : vector<16xi32>
    %ne3A_659 = arith.constant 0 : i32
    %ne3A_660 = vector.broadcast %ne3A_659 : i32 to vector<16xi32>
    %ne3A_661 = arith.cmpi ne, %rem3A_658, %ne3A_660 : vector<16xi32>
    %and3A_662 = arith.andi %ne3A_656, %ne3A_661 : vector<16xi1>
    %sub3A_663 = arith.constant 1 : i32
    %sub3A_664 = vector.broadcast %sub3A_663 : i32 to vector<16xi32>
    %sub3A_665 = arith.subi %div3A_638, %sub3A_664 : vector<16xi32>
    %select_n3A_666 = arith.select %and3A_662, %sub3A_665, %div3A_638 : vector<16xi1>, vector<16xi32>
    %mul3A_667 = arith.constant 25 : i32
    %mul3A_668 = vector.broadcast %mul3A_667 : i32 to vector<16xi32>
    %mul3A_669 = arith.muli %select_n3A_666, %mul3A_668 : vector<16xi32>
    %sub3A_670 = arith.subi %min3A_635, %mul3A_669 : vector<16xi32>
    %mul3A_671 = arith.constant 25 : i32
    %mul3A_672 = arith.muli %add3A, %mul3A_671 : i32
    %add3A_673 = vector.broadcast %mul3A_672 : i32 to vector<16xi32>
    %add3A_674 = arith.addi %add3A_673, %select_n3A_666 : vector<16xi32>
    %mul3A_675 = arith.constant 50 : i32
    %mul3A_676 = vector.broadcast %mul3A_675 : i32 to vector<16xi32>
    %mul3A_677 = arith.muli %add3A_674, %mul3A_676 : vector<16xi32>
    %mul3A_678 = arith.constant 2 : i32
    %mul3A_679 = vector.broadcast %mul3A_678 : i32 to vector<16xi32>
    %mul3A_680 = arith.muli %mul3A_679, %sub3A_670 : vector<16xi32>
    %add3A_681 = arith.addi %mul3A_677, %mul3A_680 : vector<16xi32>
    %gather3A_682 = tpu.vector_load_idx %arg7[%add3A_681] : memref<40000xf32, #tpu.memory_space<vmem>>[vector<16xi32>], vector<16xf32>,
    %mul3A_683 = arith.constant 25 : i32
    %mul3A_684 = arith.muli %add3A, %mul3A_683 : i32
    %add3A_685 = vector.broadcast %mul3A_684 : i32 to vector<16xi32>
    %add3A_686 = arith.addi %add3A_685, %select_n3A_666 : vector<16xi32>
    %mul3A_687 = arith.constant 50 : i32
    %mul3A_688 = vector.broadcast %mul3A_687 : i32 to vector<16xi32>
    %mul3A_689 = arith.muli %add3A_686, %mul3A_688 : vector<16xi32>
    %mul3A_690 = arith.constant 2 : i32
    %mul3A_691 = vector.broadcast %mul3A_690 : i32 to vector<16xi32>
    %mul3A_692 = arith.muli %mul3A_691, %sub3A_670 : vector<16xi32>
    %add3A_693 = arith.addi %mul3A_689, %mul3A_692 : vector<16xi32>
    %add3A_694 = arith.constant 1 : i32
    %add3A_695 = vector.broadcast %add3A_694 : i32 to vector<16xi32>
    %add3A_696 = arith.addi %add3A_693, %add3A_695 : vector<16xi32>
    %gather3A_697 = tpu.vector_load_idx %arg7[%add3A_696] : memref<40000xf32, #tpu.memory_space<vmem>>[vector<16xi32>], vector<16xf32>,
    %mul3A_698 = arith.constant 25 : i32
    %mul3A_699 = arith.muli %add3A, %mul3A_698 : i32
    %add3A_700 = vector.broadcast %mul3A_699 : i32 to vector<16xi32>
    %add3A_701 = arith.addi %add3A_700, %select_n3A_666 : vector<16xi32>
    %mul3A_702 = arith.constant 2 : i32
    %mul3A_703 = vector.broadcast %mul3A_702 : i32 to vector<16xi32>
    %mul3A_704 = arith.muli %add3A_701, %mul3A_703 : vector<16xi32>
    %gather3A_705 = tpu.vector_load_idx %arg8[%mul3A_704] : memref<1600xf32, #tpu.memory_space<vmem>>[vector<16xi32>], vector<16xf32>,
    %add3A_706 = arith.constant 1 : i32
    %add3A_707 = vector.broadcast %add3A_706 : i32 to vector<16xi32>
    %add3A_708 = arith.addi %mul3A_704, %add3A_707 : vector<16xi32>
    %gather3A_709 = tpu.vector_load_idx %arg8[%add3A_708] : memref<1600xf32, #tpu.memory_space<vmem>>[vector<16xi32>], vector<16xf32>,
    %gather3A_710 = tpu.vector_load_idx %arg9[%mul3A_704] : memref<1600xf32, #tpu.memory_space<vmem>>[vector<16xi32>], vector<16xf32>,
    %add3A_711 = arith.constant 1 : i32
    %add3A_712 = vector.broadcast %add3A_711 : i32 to vector<16xi32>
    %add3A_713 = arith.addi %mul3A_704, %add3A_712 : vector<16xi32>
    %gather3A_714 = tpu.vector_load_idx %arg9[%add3A_713] : memref<1600xf32, #tpu.memory_space<vmem>>[vector<16xi32>], vector<16xf32>,
    %div3A_715 = arith.divf %gather3A_697, %gather3A_705 : vector<16xf32>
    %add3A_716 = arith.addf %div3A_715, %gather3A_710 : vector<16xf32>
    %convert_element_type3A_717 = arith.fptosi %add3A_716 : vector<16xf32> to vector<16xi32>
    %jit3A_718 = arith.constant 0 : i32
    %jit3A_719 = arith.constant 63 : i32
    %max3A_720 = vector.broadcast %jit3A_718 : i32 to vector<16xi32>
    %max3A_721 = arith.maxsi %max3A_720, %convert_element_type3A_717 : vector<16xi32>
    %min3A_722 = vector.broadcast %jit3A_719 : i32 to vector<16xi32>
    %min3A_723 = arith.minsi %min3A_722, %max3A_721 : vector<16xi32>
    %div3A_724 = arith.divf %gather3A_682, %gather3A_709 : vector<16xf32>
    %add3A_725 = arith.addf %div3A_724, %gather3A_714 : vector<16xf32>
    %convert_element_type3A_726 = arith.fptosi %add3A_725 : vector<16xf32> to vector<16xi32>
    %jit3A_727 = arith.constant 0 : i32
    %jit3A_728 = arith.constant 63 : i32
    %max3A_729 = vector.broadcast %jit3A_727 : i32 to vector<16xi32>
    %max3A_730 = arith.maxsi %max3A_729, %convert_element_type3A_726 : vector<16xi32>
    %min3A_731 = vector.broadcast %jit3A_728 : i32 to vector<16xi32>
    %min3A_732 = arith.minsi %min3A_731, %max3A_730 : vector<16xi32>
    %swap3A_733 = arith.constant 96 : index
    %swap3A_734 = tpu.vector_load %arg11[%swap3A_733] {strides = array<i32>} : memref<640xi32, #tpu.memory_space<vmem>>, vector<16xi32>,
    tpu.vector_store %arg11[%swap3A_733], %min3A_723 {strides = array<i32>} : memref<640xi32, #tpu.memory_space<vmem>>, vector<16xi32>,
    %swap3A_735 = arith.constant 96 : index
    %swap3A_736 = tpu.vector_load %arg12[%swap3A_735] {strides = array<i32>} : memref<640xi32, #tpu.memory_space<vmem>>, vector<16xi32>,
    tpu.vector_store %arg12[%swap3A_735], %min3A_732 {strides = array<i32>} : memref<640xi32, #tpu.memory_space<vmem>>, vector<16xi32>,
    %add3A_737 = arith.constant 112 : i32
    %add3A_738 = vector.broadcast %add3A_737 : i32 to vector<16xi32>
    %add3A_739 = arith.addi %iota3A, %add3A_738 : vector<16xi32>
    %min3A_740 = arith.constant 624 : i32
    %min3A_741 = vector.broadcast %min3A_740 : i32 to vector<16xi32>
    %min3A_742 = arith.minsi %add3A_739, %min3A_741 : vector<16xi32>
    %jit3A_743 = arith.constant 25 : i32
    %div3A_744 = vector.broadcast %jit3A_743 : i32 to vector<16xi32>
    %div3A_745 = arith.divsi %min3A_742, %div3A_744 : vector<16xi32>
    %sign3A_746 = arith.constant 0 : i32
    %sign3A_747 = vector.broadcast %sign3A_746 : i32 to vector<16xi32>
    %sign3A_748 = arith.cmpi sgt, %min3A_742, %sign3A_747 : vector<16xi32>
    %sign3A_749 = arith.extui %sign3A_748 : vector<16xi1> to vector<16xi32>
    %sign3A_750 = arith.constant 0 : i32
    %sign3A_751 = vector.broadcast %sign3A_750 : i32 to vector<16xi32>
    %sign3A_752 = arith.cmpi slt, %min3A_742, %sign3A_751 : vector<16xi32>
    %sign3A_753 = arith.extui %sign3A_752 : vector<16xi1> to vector<16xi32>
    %sign3A_754 = arith.subi %sign3A_749, %sign3A_753 : vector<16xi32>
    %sign3A_755 = arith.constant 0 : i32
    %sign3A_756 = arith.cmpi sgt, %jit3A_743, %sign3A_755 : i32
    %sign3A_757 = arith.extui %sign3A_756 : i1 to i32
    %sign3A_758 = arith.constant 0 : i32
    %sign3A_759 = arith.cmpi slt, %jit3A_743, %sign3A_758 : i32
    %sign3A_760 = arith.extui %sign3A_759 : i1 to i32
    %sign3A_761 = arith.subi %sign3A_757, %sign3A_760 : i32
    %ne3A_762 = vector.broadcast %sign3A_761 : i32 to vector<16xi32>
    %ne3A_763 = arith.cmpi ne, %sign3A_754, %ne3A_762 : vector<16xi32>
    %rem3A_764 = vector.broadcast %jit3A_743 : i32 to vector<16xi32>
    %rem3A_765 = arith.remsi %min3A_742, %rem3A_764 : vector<16xi32>
    %ne3A_766 = arith.constant 0 : i32
    %ne3A_767 = vector.broadcast %ne3A_766 : i32 to vector<16xi32>
    %ne3A_768 = arith.cmpi ne, %rem3A_765, %ne3A_767 : vector<16xi32>
    %and3A_769 = arith.andi %ne3A_763, %ne3A_768 : vector<16xi1>
    %sub3A_770 = arith.constant 1 : i32
    %sub3A_771 = vector.broadcast %sub3A_770 : i32 to vector<16xi32>
    %sub3A_772 = arith.subi %div3A_745, %sub3A_771 : vector<16xi32>
    %select_n3A_773 = arith.select %and3A_769, %sub3A_772, %div3A_745 : vector<16xi1>, vector<16xi32>
    %mul3A_774 = arith.constant 25 : i32
    %mul3A_775 = vector.broadcast %mul3A_774 : i32 to vector<16xi32>
    %mul3A_776 = arith.muli %select_n3A_773, %mul3A_775 : vector<16xi32>
    %sub3A_777 = arith.subi %min3A_742, %mul3A_776 : vector<16xi32>
    %mul3A_778 = arith.constant 25 : i32
    %mul3A_779 = arith.muli %add3A, %mul3A_778 : i32
    %add3A_780 = vector.broadcast %mul3A_779 : i32 to vector<16xi32>
    %add3A_781 = arith.addi %add3A_780, %select_n3A_773 : vector<16xi32>
    %mul3A_782 = arith.constant 50 : i32
    %mul3A_783 = vector.broadcast %mul3A_782 : i32 to vector<16xi32>
    %mul3A_784 = arith.muli %add3A_781, %mul3A_783 : vector<16xi32>
    %mul3A_785 = arith.constant 2 : i32
    %mul3A_786 = vector.broadcast %mul3A_785 : i32 to vector<16xi32>
    %mul3A_787 = arith.muli %mul3A_786, %sub3A_777 : vector<16xi32>
    %add3A_788 = arith.addi %mul3A_784, %mul3A_787 : vector<16xi32>
    %gather3A_789 = tpu.vector_load_idx %arg7[%add3A_788] : memref<40000xf32, #tpu.memory_space<vmem>>[vector<16xi32>], vector<16xf32>,
    %mul3A_790 = arith.constant 25 : i32
    %mul3A_791 = arith.muli %add3A, %mul3A_790 : i32
    %add3A_792 = vector.broadcast %mul3A_791 : i32 to vector<16xi32>
    %add3A_793 = arith.addi %add3A_792, %select_n3A_773 : vector<16xi32>
    %mul3A_794 = arith.constant 50 : i32
    %mul3A_795 = vector.broadcast %mul3A_794 : i32 to vector<16xi32>
    %mul3A_796 = arith.muli %add3A_793, %mul3A_795 : vector<16xi32>
    %mul3A_797 = arith.constant 2 : i32
    %mul3A_798 = vector.broadcast %mul3A_797 : i32 to vector<16xi32>
    %mul3A_799 = arith.muli %mul3A_798, %sub3A_777 : vector<16xi32>
    %add3A_800 = arith.addi %mul3A_796, %mul3A_799 : vector<16xi32>
    %add3A_801 = arith.constant 1 : i32
    %add3A_802 = vector.broadcast %add3A_801 : i32 to vector<16xi32>
    %add3A_803 = arith.addi %add3A_800, %add3A_802 : vector<16xi32>
    %gather3A_804 = tpu.vector_load_idx %arg7[%add3A_803] : memref<40000xf32, #tpu.memory_space<vmem>>[vector<16xi32>], vector<16xf32>,
    %mul3A_805 = arith.constant 25 : i32
    %mul3A_806 = arith.muli %add3A, %mul3A_805 : i32
    %add3A_807 = vector.broadcast %mul3A_806 : i32 to vector<16xi32>
    %add3A_808 = arith.addi %add3A_807, %select_n3A_773 : vector<16xi32>
    %mul3A_809 = arith.constant 2 : i32
    %mul3A_810 = vector.broadcast %mul3A_809 : i32 to vector<16xi32>
    %mul3A_811 = arith.muli %add3A_808, %mul3A_810 : vector<16xi32>
    %gather3A_812 = tpu.vector_load_idx %arg8[%mul3A_811] : memref<1600xf32, #tpu.memory_space<vmem>>[vector<16xi32>], vector<16xf32>,
    %add3A_813 = arith.constant 1 : i32
    %add3A_814 = vector.broadcast %add3A_813 : i32 to vector<16xi32>
    %add3A_815 = arith.addi %mul3A_811, %add3A_814 : vector<16xi32>
    %gather3A_816 = tpu.vector_load_idx %arg8[%add3A_815] : memref<1600xf32, #tpu.memory_space<vmem>>[vector<16xi32>], vector<16xf32>,
    %gather3A_817 = tpu.vector_load_idx %arg9[%mul3A_811] : memref<1600xf32, #tpu.memory_space<vmem>>[vector<16xi32>], vector<16xf32>,
    %add3A_818 = arith.constant 1 : i32
    %add3A_819 = vector.broadcast %add3A_818 : i32 to vector<16xi32>
    %add3A_820 = arith.addi %mul3A_811, %add3A_819 : vector<16xi32>
    %gather3A_821 = tpu.vector_load_idx %arg9[%add3A_820] : memref<1600xf32, #tpu.memory_space<vmem>>[vector<16xi32>], vector<16xf32>,
    %div3A_822 = arith.divf %gather3A_804, %gather3A_812 : vector<16xf32>
    %add3A_823 = arith.addf %div3A_822, %gather3A_817 : vector<16xf32>
    %convert_element_type3A_824 = arith.fptosi %add3A_823 : vector<16xf32> to vector<16xi32>
    %jit3A_825 = arith.constant 0 : i32
    %jit3A_826 = arith.constant 63 : i32
    %max3A_827 = vector.broadcast %jit3A_825 : i32 to vector<16xi32>
    %max3A_828 = arith.maxsi %max3A_827, %convert_element_type3A_824 : vector<16xi32>
    %min3A_829 = vector.broadcast %jit3A_826 : i32 to vector<16xi32>
    %min3A_830 = arith.minsi %min3A_829, %max3A_828 : vector<16xi32>
    %div3A_831 = arith.divf %gather3A_789, %gather3A_816 : vector<16xf32>
    %add3A_832 = arith.addf %div3A_831, %gather3A_821 : vector<16xf32>
    %convert_element_type3A_833 = arith.fptosi %add3A_832 : vector<16xf32> to vector<16xi32>
    %jit3A_834 = arith.constant 0 : i32
    %jit3A_835 = arith.constant 63 : i32
    %max3A_836 = vector.broadcast %jit3A_834 : i32 to vector<16xi32>
    %max3A_837 = arith.maxsi %max3A_836, %convert_element_type3A_833 : vector<16xi32>
    %min3A_838 = vector.broadcast %jit3A_835 : i32 to vector<16xi32>
    %min3A_839 = arith.minsi %min3A_838, %max3A_837 : vector<16xi32>
    %swap3A_840 = arith.constant 112 : index
    %swap3A_841 = tpu.vector_load %arg11[%swap3A_840] {strides = array<i32>} : memref<640xi32, #tpu.memory_space<vmem>>, vector<16xi32>,
    tpu.vector_store %arg11[%swap3A_840], %min3A_830 {strides = array<i32>} : memref<640xi32, #tpu.memory_space<vmem>>, vector<16xi32>,
    %swap3A_842 = arith.constant 112 : index
    %swap3A_843 = tpu.vector_load %arg12[%swap3A_842] {strides = array<i32>} : memref<640xi32, #tpu.memory_space<vmem>>, vector<16xi32>,
    tpu.vector_store %arg12[%swap3A_842], %min3A_839 {strides = array<i32>} : memref<640xi32, #tpu.memory_space<vmem>>, vector<16xi32>,
    %add3A_844 = arith.constant 128 : i32
    %add3A_845 = vector.broadcast %add3A_844 : i32 to vector<16xi32>
    %add3A_846 = arith.addi %iota3A, %add3A_845 : vector<16xi32>
    %min3A_847 = arith.constant 624 : i32
    %min3A_848 = vector.broadcast %min3A_847 : i32 to vector<16xi32>
    %min3A_849 = arith.minsi %add3A_846, %min3A_848 : vector<16xi32>
    %jit3A_850 = arith.constant 25 : i32
    %div3A_851 = vector.broadcast %jit3A_850 : i32 to vector<16xi32>
    %div3A_852 = arith.divsi %min3A_849, %div3A_851 : vector<16xi32>
    %sign3A_853 = arith.constant 0 : i32
    %sign3A_854 = vector.broadcast %sign3A_853 : i32 to vector<16xi32>
    %sign3A_855 = arith.cmpi sgt, %min3A_849, %sign3A_854 : vector<16xi32>
    %sign3A_856 = arith.extui %sign3A_855 : vector<16xi1> to vector<16xi32>
    %sign3A_857 = arith.constant 0 : i32
    %sign3A_858 = vector.broadcast %sign3A_857 : i32 to vector<16xi32>
    %sign3A_859 = arith.cmpi slt, %min3A_849, %sign3A_858 : vector<16xi32>
    %sign3A_860 = arith.extui %sign3A_859 : vector<16xi1> to vector<16xi32>
    %sign3A_861 = arith.subi %sign3A_856, %sign3A_860 : vector<16xi32>
    %sign3A_862 = arith.constant 0 : i32
    %sign3A_863 = arith.cmpi sgt, %jit3A_850, %sign3A_862 : i32
    %sign3A_864 = arith.extui %sign3A_863 : i1 to i32
    %sign3A_865 = arith.constant 0 : i32
    %sign3A_866 = arith.cmpi slt, %jit3A_850, %sign3A_865 : i32
    %sign3A_867 = arith.extui %sign3A_866 : i1 to i32
    %sign3A_868 = arith.subi %sign3A_864, %sign3A_867 : i32
    %ne3A_869 = vector.broadcast %sign3A_868 : i32 to vector<16xi32>
    %ne3A_870 = arith.cmpi ne, %sign3A_861, %ne3A_869 : vector<16xi32>
    %rem3A_871 = vector.broadcast %jit3A_850 : i32 to vector<16xi32>
    %rem3A_872 = arith.remsi %min3A_849, %rem3A_871 : vector<16xi32>
    %ne3A_873 = arith.constant 0 : i32
    %ne3A_874 = vector.broadcast %ne3A_873 : i32 to vector<16xi32>
    %ne3A_875 = arith.cmpi ne, %rem3A_872, %ne3A_874 : vector<16xi32>
    %and3A_876 = arith.andi %ne3A_870, %ne3A_875 : vector<16xi1>
    %sub3A_877 = arith.constant 1 : i32
    %sub3A_878 = vector.broadcast %sub3A_877 : i32 to vector<16xi32>
    %sub3A_879 = arith.subi %div3A_852, %sub3A_878 : vector<16xi32>
    %select_n3A_880 = arith.select %and3A_876, %sub3A_879, %div3A_852 : vector<16xi1>, vector<16xi32>
    %mul3A_881 = arith.constant 25 : i32
    %mul3A_882 = vector.broadcast %mul3A_881 : i32 to vector<16xi32>
    %mul3A_883 = arith.muli %select_n3A_880, %mul3A_882 : vector<16xi32>
    %sub3A_884 = arith.subi %min3A_849, %mul3A_883 : vector<16xi32>
    %mul3A_885 = arith.constant 25 : i32
    %mul3A_886 = arith.muli %add3A, %mul3A_885 : i32
    %add3A_887 = vector.broadcast %mul3A_886 : i32 to vector<16xi32>
    %add3A_888 = arith.addi %add3A_887, %select_n3A_880 : vector<16xi32>
    %mul3A_889 = arith.constant 50 : i32
    %mul3A_890 = vector.broadcast %mul3A_889 : i32 to vector<16xi32>
    %mul3A_891 = arith.muli %add3A_888, %mul3A_890 : vector<16xi32>
    %mul3A_892 = arith.constant 2 : i32
    %mul3A_893 = vector.broadcast %mul3A_892 : i32 to vector<16xi32>
    %mul3A_894 = arith.muli %mul3A_893, %sub3A_884 : vector<16xi32>
    %add3A_895 = arith.addi %mul3A_891, %mul3A_894 : vector<16xi32>
    %gather3A_896 = tpu.vector_load_idx %arg7[%add3A_895] : memref<40000xf32, #tpu.memory_space<vmem>>[vector<16xi32>], vector<16xf32>,
    %mul3A_897 = arith.constant 25 : i32
    %mul3A_898 = arith.muli %add3A, %mul3A_897 : i32
    %add3A_899 = vector.broadcast %mul3A_898 : i32 to vector<16xi32>
    %add3A_900 = arith.addi %add3A_899, %select_n3A_880 : vector<16xi32>
    %mul3A_901 = arith.constant 50 : i32
    %mul3A_902 = vector.broadcast %mul3A_901 : i32 to vector<16xi32>
    %mul3A_903 = arith.muli %add3A_900, %mul3A_902 : vector<16xi32>
    %mul3A_904 = arith.constant 2 : i32
    %mul3A_905 = vector.broadcast %mul3A_904 : i32 to vector<16xi32>
    %mul3A_906 = arith.muli %mul3A_905, %sub3A_884 : vector<16xi32>
    %add3A_907 = arith.addi %mul3A_903, %mul3A_906 : vector<16xi32>
    %add3A_908 = arith.constant 1 : i32
    %add3A_909 = vector.broadcast %add3A_908 : i32 to vector<16xi32>
    %add3A_910 = arith.addi %add3A_907, %add3A_909 : vector<16xi32>
    %gather3A_911 = tpu.vector_load_idx %arg7[%add3A_910] : memref<40000xf32, #tpu.memory_space<vmem>>[vector<16xi32>], vector<16xf32>,
    %mul3A_912 = arith.constant 25 : i32
    %mul3A_913 = arith.muli %add3A, %mul3A_912 : i32
    %add3A_914 = vector.broadcast %mul3A_913 : i32 to vector<16xi32>
    %add3A_915 = arith.addi %add3A_914, %select_n3A_880 : vector<16xi32>
    %mul3A_916 = arith.constant 2 : i32
    %mul3A_917 = vector.broadcast %mul3A_916 : i32 to vector<16xi32>
    %mul3A_918 = arith.muli %add3A_915, %mul3A_917 : vector<16xi32>
    %gather3A_919 = tpu.vector_load_idx %arg8[%mul3A_918] : memref<1600xf32, #tpu.memory_space<vmem>>[vector<16xi32>], vector<16xf32>,
    %add3A_920 = arith.constant 1 : i32
    %add3A_921 = vector.broadcast %add3A_920 : i32 to vector<16xi32>
    %add3A_922 = arith.addi %mul3A_918, %add3A_921 : vector<16xi32>
    %gather3A_923 = tpu.vector_load_idx %arg8[%add3A_922] : memref<1600xf32, #tpu.memory_space<vmem>>[vector<16xi32>], vector<16xf32>,
    %gather3A_924 = tpu.vector_load_idx %arg9[%mul3A_918] : memref<1600xf32, #tpu.memory_space<vmem>>[vector<16xi32>], vector<16xf32>,
    %add3A_925 = arith.constant 1 : i32
    %add3A_926 = vector.broadcast %add3A_925 : i32 to vector<16xi32>
    %add3A_927 = arith.addi %mul3A_918, %add3A_926 : vector<16xi32>
    %gather3A_928 = tpu.vector_load_idx %arg9[%add3A_927] : memref<1600xf32, #tpu.memory_space<vmem>>[vector<16xi32>], vector<16xf32>,
    %div3A_929 = arith.divf %gather3A_911, %gather3A_919 : vector<16xf32>
    %add3A_930 = arith.addf %div3A_929, %gather3A_924 : vector<16xf32>
    %convert_element_type3A_931 = arith.fptosi %add3A_930 : vector<16xf32> to vector<16xi32>
    %jit3A_932 = arith.constant 0 : i32
    %jit3A_933 = arith.constant 63 : i32
    %max3A_934 = vector.broadcast %jit3A_932 : i32 to vector<16xi32>
    %max3A_935 = arith.maxsi %max3A_934, %convert_element_type3A_931 : vector<16xi32>
    %min3A_936 = vector.broadcast %jit3A_933 : i32 to vector<16xi32>
    %min3A_937 = arith.minsi %min3A_936, %max3A_935 : vector<16xi32>
    %div3A_938 = arith.divf %gather3A_896, %gather3A_923 : vector<16xf32>
    %add3A_939 = arith.addf %div3A_938, %gather3A_928 : vector<16xf32>
    %convert_element_type3A_940 = arith.fptosi %add3A_939 : vector<16xf32> to vector<16xi32>
    %jit3A_941 = arith.constant 0 : i32
    %jit3A_942 = arith.constant 63 : i32
    %max3A_943 = vector.broadcast %jit3A_941 : i32 to vector<16xi32>
    %max3A_944 = arith.maxsi %max3A_943, %convert_element_type3A_940 : vector<16xi32>
    %min3A_945 = vector.broadcast %jit3A_942 : i32 to vector<16xi32>
    %min3A_946 = arith.minsi %min3A_945, %max3A_944 : vector<16xi32>
    %swap3A_947 = arith.constant 128 : index
    %swap3A_948 = tpu.vector_load %arg11[%swap3A_947] {strides = array<i32>} : memref<640xi32, #tpu.memory_space<vmem>>, vector<16xi32>,
    tpu.vector_store %arg11[%swap3A_947], %min3A_937 {strides = array<i32>} : memref<640xi32, #tpu.memory_space<vmem>>, vector<16xi32>,
    %swap3A_949 = arith.constant 128 : index
    %swap3A_950 = tpu.vector_load %arg12[%swap3A_949] {strides = array<i32>} : memref<640xi32, #tpu.memory_space<vmem>>, vector<16xi32>,
    tpu.vector_store %arg12[%swap3A_949], %min3A_946 {strides = array<i32>} : memref<640xi32, #tpu.memory_space<vmem>>, vector<16xi32>,
    %add3A_951 = arith.constant 144 : i32
    %add3A_952 = vector.broadcast %add3A_951 : i32 to vector<16xi32>
    %add3A_953 = arith.addi %iota3A, %add3A_952 : vector<16xi32>
    %min3A_954 = arith.constant 624 : i32
    %min3A_955 = vector.broadcast %min3A_954 : i32 to vector<16xi32>
    %min3A_956 = arith.minsi %add3A_953, %min3A_955 : vector<16xi32>
    %jit3A_957 = arith.constant 25 : i32
    %div3A_958 = vector.broadcast %jit3A_957 : i32 to vector<16xi32>
    %div3A_959 = arith.divsi %min3A_956, %div3A_958 : vector<16xi32>
    %sign3A_960 = arith.constant 0 : i32
    %sign3A_961 = vector.broadcast %sign3A_960 : i32 to vector<16xi32>
    %sign3A_962 = arith.cmpi sgt, %min3A_956, %sign3A_961 : vector<16xi32>
    %sign3A_963 = arith.extui %sign3A_962 : vector<16xi1> to vector<16xi32>
    %sign3A_964 = arith.constant 0 : i32
    %sign3A_965 = vector.broadcast %sign3A_964 : i32 to vector<16xi32>
    %sign3A_966 = arith.cmpi slt, %min3A_956, %sign3A_965 : vector<16xi32>
    %sign3A_967 = arith.extui %sign3A_966 : vector<16xi1> to vector<16xi32>
    %sign3A_968 = arith.subi %sign3A_963, %sign3A_967 : vector<16xi32>
    %sign3A_969 = arith.constant 0 : i32
    %sign3A_970 = arith.cmpi sgt, %jit3A_957, %sign3A_969 : i32
    %sign3A_971 = arith.extui %sign3A_970 : i1 to i32
    %sign3A_972 = arith.constant 0 : i32
    %sign3A_973 = arith.cmpi slt, %jit3A_957, %sign3A_972 : i32
    %sign3A_974 = arith.extui %sign3A_973 : i1 to i32
    %sign3A_975 = arith.subi %sign3A_971, %sign3A_974 : i32
    %ne3A_976 = vector.broadcast %sign3A_975 : i32 to vector<16xi32>
    %ne3A_977 = arith.cmpi ne, %sign3A_968, %ne3A_976 : vector<16xi32>
    %rem3A_978 = vector.broadcast %jit3A_957 : i32 to vector<16xi32>
    %rem3A_979 = arith.remsi %min3A_956, %rem3A_978 : vector<16xi32>
    %ne3A_980 = arith.constant 0 : i32
    %ne3A_981 = vector.broadcast %ne3A_980 : i32 to vector<16xi32>
    %ne3A_982 = arith.cmpi ne, %rem3A_979, %ne3A_981 : vector<16xi32>
    %and3A_983 = arith.andi %ne3A_977, %ne3A_982 : vector<16xi1>
    %sub3A_984 = arith.constant 1 : i32
    %sub3A_985 = vector.broadcast %sub3A_984 : i32 to vector<16xi32>
    %sub3A_986 = arith.subi %div3A_959, %sub3A_985 : vector<16xi32>
    %select_n3A_987 = arith.select %and3A_983, %sub3A_986, %div3A_959 : vector<16xi1>, vector<16xi32>
    %mul3A_988 = arith.constant 25 : i32
    %mul3A_989 = vector.broadcast %mul3A_988 : i32 to vector<16xi32>
    %mul3A_990 = arith.muli %select_n3A_987, %mul3A_989 : vector<16xi32>
    %sub3A_991 = arith.subi %min3A_956, %mul3A_990 : vector<16xi32>
    %mul3A_992 = arith.constant 25 : i32
    %mul3A_993 = arith.muli %add3A, %mul3A_992 : i32
    %add3A_994 = vector.broadcast %mul3A_993 : i32 to vector<16xi32>
    %add3A_995 = arith.addi %add3A_994, %select_n3A_987 : vector<16xi32>
    %mul3A_996 = arith.constant 50 : i32
    %mul3A_997 = vector.broadcast %mul3A_996 : i32 to vector<16xi32>
    %mul3A_998 = arith.muli %add3A_995, %mul3A_997 : vector<16xi32>
    %mul3A_999 = arith.constant 2 : i32
    %mul3A_1000 = vector.broadcast %mul3A_999 : i32 to vector<16xi32>
    %mul3A_1001 = arith.muli %mul3A_1000, %sub3A_991 : vector<16xi32>
    %add3A_1002 = arith.addi %mul3A_998, %mul3A_1001 : vector<16xi32>
    %gather3A_1003 = tpu.vector_load_idx %arg7[%add3A_1002] : memref<40000xf32, #tpu.memory_space<vmem>>[vector<16xi32>], vector<16xf32>,
    %mul3A_1004 = arith.constant 25 : i32
    %mul3A_1005 = arith.muli %add3A, %mul3A_1004 : i32
    %add3A_1006 = vector.broadcast %mul3A_1005 : i32 to vector<16xi32>
    %add3A_1007 = arith.addi %add3A_1006, %select_n3A_987 : vector<16xi32>
    %mul3A_1008 = arith.constant 50 : i32
    %mul3A_1009 = vector.broadcast %mul3A_1008 : i32 to vector<16xi32>
    %mul3A_1010 = arith.muli %add3A_1007, %mul3A_1009 : vector<16xi32>
    %mul3A_1011 = arith.constant 2 : i32
    %mul3A_1012 = vector.broadcast %mul3A_1011 : i32 to vector<16xi32>
    %mul3A_1013 = arith.muli %mul3A_1012, %sub3A_991 : vector<16xi32>
    %add3A_1014 = arith.addi %mul3A_1010, %mul3A_1013 : vector<16xi32>
    %add3A_1015 = arith.constant 1 : i32
    %add3A_1016 = vector.broadcast %add3A_1015 : i32 to vector<16xi32>
    %add3A_1017 = arith.addi %add3A_1014, %add3A_1016 : vector<16xi32>
    %gather3A_1018 = tpu.vector_load_idx %arg7[%add3A_1017] : memref<40000xf32, #tpu.memory_space<vmem>>[vector<16xi32>], vector<16xf32>,
    %mul3A_1019 = arith.constant 25 : i32
    %mul3A_1020 = arith.muli %add3A, %mul3A_1019 : i32
    %add3A_1021 = vector.broadcast %mul3A_1020 : i32 to vector<16xi32>
    %add3A_1022 = arith.addi %add3A_1021, %select_n3A_987 : vector<16xi32>
    %mul3A_1023 = arith.constant 2 : i32
    %mul3A_1024 = vector.broadcast %mul3A_1023 : i32 to vector<16xi32>
    %mul3A_1025 = arith.muli %add3A_1022, %mul3A_1024 : vector<16xi32>
    %gather3A_1026 = tpu.vector_load_idx %arg8[%mul3A_1025] : memref<1600xf32, #tpu.memory_space<vmem>>[vector<16xi32>], vector<16xf32>,
    %add3A_1027 = arith.constant 1 : i32
    %add3A_1028 = vector.broadcast %add3A_1027 : i32 to vector<16xi32>
    %add3A_1029 = arith.addi %mul3A_1025, %add3A_1028 : vector<16xi32>
    %gather3A_1030 = tpu.vector_load_idx %arg8[%add3A_1029] : memref<1600xf32, #tpu.memory_space<vmem>>[vector<16xi32>], vector<16xf32>,
    %gather3A_1031 = tpu.vector_load_idx %arg9[%mul3A_1025] : memref<1600xf32, #tpu.memory_space<vmem>>[vector<16xi32>], vector<16xf32>,
    %add3A_1032 = arith.constant 1 : i32
    %add3A_1033 = vector.broadcast %add3A_1032 : i32 to vector<16xi32>
    %add3A_1034 = arith.addi %mul3A_1025, %add3A_1033 : vector<16xi32>
    %gather3A_1035 = tpu.vector_load_idx %arg9[%add3A_1034] : memref<1600xf32, #tpu.memory_space<vmem>>[vector<16xi32>], vector<16xf32>,
    %div3A_1036 = arith.divf %gather3A_1018, %gather3A_1026 : vector<16xf32>
    %add3A_1037 = arith.addf %div3A_1036, %gather3A_1031 : vector<16xf32>
    %convert_element_type3A_1038 = arith.fptosi %add3A_1037 : vector<16xf32> to vector<16xi32>
    %jit3A_1039 = arith.constant 0 : i32
    %jit3A_1040 = arith.constant 63 : i32
    %max3A_1041 = vector.broadcast %jit3A_1039 : i32 to vector<16xi32>
    %max3A_1042 = arith.maxsi %max3A_1041, %convert_element_type3A_1038 : vector<16xi32>
    %min3A_1043 = vector.broadcast %jit3A_1040 : i32 to vector<16xi32>
    %min3A_1044 = arith.minsi %min3A_1043, %max3A_1042 : vector<16xi32>
    %div3A_1045 = arith.divf %gather3A_1003, %gather3A_1030 : vector<16xf32>
    %add3A_1046 = arith.addf %div3A_1045, %gather3A_1035 : vector<16xf32>
    %convert_element_type3A_1047 = arith.fptosi %add3A_1046 : vector<16xf32> to vector<16xi32>
    %jit3A_1048 = arith.constant 0 : i32
    %jit3A_1049 = arith.constant 63 : i32
    %max3A_1050 = vector.broadcast %jit3A_1048 : i32 to vector<16xi32>
    %max3A_1051 = arith.maxsi %max3A_1050, %convert_element_type3A_1047 : vector<16xi32>
    %min3A_1052 = vector.broadcast %jit3A_1049 : i32 to vector<16xi32>
    %min3A_1053 = arith.minsi %min3A_1052, %max3A_1051 : vector<16xi32>
    %swap3A_1054 = arith.constant 144 : index
    %swap3A_1055 = tpu.vector_load %arg11[%swap3A_1054] {strides = array<i32>} : memref<640xi32, #tpu.memory_space<vmem>>, vector<16xi32>,
    tpu.vector_store %arg11[%swap3A_1054], %min3A_1044 {strides = array<i32>} : memref<640xi32, #tpu.memory_space<vmem>>, vector<16xi32>,
    %swap3A_1056 = arith.constant 144 : index
    %swap3A_1057 = tpu.vector_load %arg12[%swap3A_1056] {strides = array<i32>} : memref<640xi32, #tpu.memory_space<vmem>>, vector<16xi32>,
    tpu.vector_store %arg12[%swap3A_1056], %min3A_1053 {strides = array<i32>} : memref<640xi32, #tpu.memory_space<vmem>>, vector<16xi32>,
    %add3A_1058 = arith.constant 160 : i32
    %add3A_1059 = vector.broadcast %add3A_1058 : i32 to vector<16xi32>
    %add3A_1060 = arith.addi %iota3A, %add3A_1059 : vector<16xi32>
    %min3A_1061 = arith.constant 624 : i32
    %min3A_1062 = vector.broadcast %min3A_1061 : i32 to vector<16xi32>
    %min3A_1063 = arith.minsi %add3A_1060, %min3A_1062 : vector<16xi32>
    %jit3A_1064 = arith.constant 25 : i32
    %div3A_1065 = vector.broadcast %jit3A_1064 : i32 to vector<16xi32>
    %div3A_1066 = arith.divsi %min3A_1063, %div3A_1065 : vector<16xi32>
    %sign3A_1067 = arith.constant 0 : i32
    %sign3A_1068 = vector.broadcast %sign3A_1067 : i32 to vector<16xi32>
    %sign3A_1069 = arith.cmpi sgt, %min3A_1063, %sign3A_1068 : vector<16xi32>
    %sign3A_1070 = arith.extui %sign3A_1069 : vector<16xi1> to vector<16xi32>
    %sign3A_1071 = arith.constant 0 : i32
    %sign3A_1072 = vector.broadcast %sign3A_1071 : i32 to vector<16xi32>
    %sign3A_1073 = arith.cmpi slt, %min3A_1063, %sign3A_1072 : vector<16xi32>
    %sign3A_1074 = arith.extui %sign3A_1073 : vector<16xi1> to vector<16xi32>
    %sign3A_1075 = arith.subi %sign3A_1070, %sign3A_1074 : vector<16xi32>
    %sign3A_1076 = arith.constant 0 : i32
    %sign3A_1077 = arith.cmpi sgt, %jit3A_1064, %sign3A_1076 : i32
    %sign3A_1078 = arith.extui %sign3A_1077 : i1 to i32
    %sign3A_1079 = arith.constant 0 : i32
    %sign3A_1080 = arith.cmpi slt, %jit3A_1064, %sign3A_1079 : i32
    %sign3A_1081 = arith.extui %sign3A_1080 : i1 to i32
    %sign3A_1082 = arith.subi %sign3A_1078, %sign3A_1081 : i32
    %ne3A_1083 = vector.broadcast %sign3A_1082 : i32 to vector<16xi32>
    %ne3A_1084 = arith.cmpi ne, %sign3A_1075, %ne3A_1083 : vector<16xi32>
    %rem3A_1085 = vector.broadcast %jit3A_1064 : i32 to vector<16xi32>
    %rem3A_1086 = arith.remsi %min3A_1063, %rem3A_1085 : vector<16xi32>
    %ne3A_1087 = arith.constant 0 : i32
    %ne3A_1088 = vector.broadcast %ne3A_1087 : i32 to vector<16xi32>
    %ne3A_1089 = arith.cmpi ne, %rem3A_1086, %ne3A_1088 : vector<16xi32>
    %and3A_1090 = arith.andi %ne3A_1084, %ne3A_1089 : vector<16xi1>
    %sub3A_1091 = arith.constant 1 : i32
    %sub3A_1092 = vector.broadcast %sub3A_1091 : i32 to vector<16xi32>
    %sub3A_1093 = arith.subi %div3A_1066, %sub3A_1092 : vector<16xi32>
    %select_n3A_1094 = arith.select %and3A_1090, %sub3A_1093, %div3A_1066 : vector<16xi1>, vector<16xi32>
    %mul3A_1095 = arith.constant 25 : i32
    %mul3A_1096 = vector.broadcast %mul3A_1095 : i32 to vector<16xi32>
    %mul3A_1097 = arith.muli %select_n3A_1094, %mul3A_1096 : vector<16xi32>
    %sub3A_1098 = arith.subi %min3A_1063, %mul3A_1097 : vector<16xi32>
    %mul3A_1099 = arith.constant 25 : i32
    %mul3A_1100 = arith.muli %add3A, %mul3A_1099 : i32
    %add3A_1101 = vector.broadcast %mul3A_1100 : i32 to vector<16xi32>
    %add3A_1102 = arith.addi %add3A_1101, %select_n3A_1094 : vector<16xi32>
    %mul3A_1103 = arith.constant 50 : i32
    %mul3A_1104 = vector.broadcast %mul3A_1103 : i32 to vector<16xi32>
    %mul3A_1105 = arith.muli %add3A_1102, %mul3A_1104 : vector<16xi32>
    %mul3A_1106 = arith.constant 2 : i32
    %mul3A_1107 = vector.broadcast %mul3A_1106 : i32 to vector<16xi32>
    %mul3A_1108 = arith.muli %mul3A_1107, %sub3A_1098 : vector<16xi32>
    %add3A_1109 = arith.addi %mul3A_1105, %mul3A_1108 : vector<16xi32>
    %gather3A_1110 = tpu.vector_load_idx %arg7[%add3A_1109] : memref<40000xf32, #tpu.memory_space<vmem>>[vector<16xi32>], vector<16xf32>,
    %mul3A_1111 = arith.constant 25 : i32
    %mul3A_1112 = arith.muli %add3A, %mul3A_1111 : i32
    %add3A_1113 = vector.broadcast %mul3A_1112 : i32 to vector<16xi32>
    %add3A_1114 = arith.addi %add3A_1113, %select_n3A_1094 : vector<16xi32>
    %mul3A_1115 = arith.constant 50 : i32
    %mul3A_1116 = vector.broadcast %mul3A_1115 : i32 to vector<16xi32>
    %mul3A_1117 = arith.muli %add3A_1114, %mul3A_1116 : vector<16xi32>
    %mul3A_1118 = arith.constant 2 : i32
    %mul3A_1119 = vector.broadcast %mul3A_1118 : i32 to vector<16xi32>
    %mul3A_1120 = arith.muli %mul3A_1119, %sub3A_1098 : vector<16xi32>
    %add3A_1121 = arith.addi %mul3A_1117, %mul3A_1120 : vector<16xi32>
    %add3A_1122 = arith.constant 1 : i32
    %add3A_1123 = vector.broadcast %add3A_1122 : i32 to vector<16xi32>
    %add3A_1124 = arith.addi %add3A_1121, %add3A_1123 : vector<16xi32>
    %gather3A_1125 = tpu.vector_load_idx %arg7[%add3A_1124] : memref<40000xf32, #tpu.memory_space<vmem>>[vector<16xi32>], vector<16xf32>,
    %mul3A_1126 = arith.constant 25 : i32
    %mul3A_1127 = arith.muli %add3A, %mul3A_1126 : i32
    %add3A_1128 = vector.broadcast %mul3A_1127 : i32 to vector<16xi32>
    %add3A_1129 = arith.addi %add3A_1128, %select_n3A_1094 : vector<16xi32>
    %mul3A_1130 = arith.constant 2 : i32
    %mul3A_1131 = vector.broadcast %mul3A_1130 : i32 to vector<16xi32>
    %mul3A_1132 = arith.muli %add3A_1129, %mul3A_1131 : vector<16xi32>
    %gather3A_1133 = tpu.vector_load_idx %arg8[%mul3A_1132] : memref<1600xf32, #tpu.memory_space<vmem>>[vector<16xi32>], vector<16xf32>,
    %add3A_1134 = arith.constant 1 : i32
    %add3A_1135 = vector.broadcast %add3A_1134 : i32 to vector<16xi32>
    %add3A_1136 = arith.addi %mul3A_1132, %add3A_1135 : vector<16xi32>
    %gather3A_1137 = tpu.vector_load_idx %arg8[%add3A_1136] : memref<1600xf32, #tpu.memory_space<vmem>>[vector<16xi32>], vector<16xf32>,
    %gather3A_1138 = tpu.vector_load_idx %arg9[%mul3A_1132] : memref<1600xf32, #tpu.memory_space<vmem>>[vector<16xi32>], vector<16xf32>,
    %add3A_1139 = arith.constant 1 : i32
    %add3A_1140 = vector.broadcast %add3A_1139 : i32 to vector<16xi32>
    %add3A_1141 = arith.addi %mul3A_1132, %add3A_1140 : vector<16xi32>
    %gather3A_1142 = tpu.vector_load_idx %arg9[%add3A_1141] : memref<1600xf32, #tpu.memory_space<vmem>>[vector<16xi32>], vector<16xf32>,
    %div3A_1143 = arith.divf %gather3A_1125, %gather3A_1133 : vector<16xf32>
    %add3A_1144 = arith.addf %div3A_1143, %gather3A_1138 : vector<16xf32>
    %convert_element_type3A_1145 = arith.fptosi %add3A_1144 : vector<16xf32> to vector<16xi32>
    %jit3A_1146 = arith.constant 0 : i32
    %jit3A_1147 = arith.constant 63 : i32
    %max3A_1148 = vector.broadcast %jit3A_1146 : i32 to vector<16xi32>
    %max3A_1149 = arith.maxsi %max3A_1148, %convert_element_type3A_1145 : vector<16xi32>
    %min3A_1150 = vector.broadcast %jit3A_1147 : i32 to vector<16xi32>
    %min3A_1151 = arith.minsi %min3A_1150, %max3A_1149 : vector<16xi32>
    %div3A_1152 = arith.divf %gather3A_1110, %gather3A_1137 : vector<16xf32>
    %add3A_1153 = arith.addf %div3A_1152, %gather3A_1142 : vector<16xf32>
    %convert_element_type3A_1154 = arith.fptosi %add3A_1153 : vector<16xf32> to vector<16xi32>
    %jit3A_1155 = arith.constant 0 : i32
    %jit3A_1156 = arith.constant 63 : i32
    %max3A_1157 = vector.broadcast %jit3A_1155 : i32 to vector<16xi32>
    %max3A_1158 = arith.maxsi %max3A_1157, %convert_element_type3A_1154 : vector<16xi32>
    %min3A_1159 = vector.broadcast %jit3A_1156 : i32 to vector<16xi32>
    %min3A_1160 = arith.minsi %min3A_1159, %max3A_1158 : vector<16xi32>
    %swap3A_1161 = arith.constant 160 : index
    %swap3A_1162 = tpu.vector_load %arg11[%swap3A_1161] {strides = array<i32>} : memref<640xi32, #tpu.memory_space<vmem>>, vector<16xi32>,
    tpu.vector_store %arg11[%swap3A_1161], %min3A_1151 {strides = array<i32>} : memref<640xi32, #tpu.memory_space<vmem>>, vector<16xi32>,
    %swap3A_1163 = arith.constant 160 : index
    %swap3A_1164 = tpu.vector_load %arg12[%swap3A_1163] {strides = array<i32>} : memref<640xi32, #tpu.memory_space<vmem>>, vector<16xi32>,
    tpu.vector_store %arg12[%swap3A_1163], %min3A_1160 {strides = array<i32>} : memref<640xi32, #tpu.memory_space<vmem>>, vector<16xi32>,
    %add3A_1165 = arith.constant 176 : i32
    %add3A_1166 = vector.broadcast %add3A_1165 : i32 to vector<16xi32>
    %add3A_1167 = arith.addi %iota3A, %add3A_1166 : vector<16xi32>
    %min3A_1168 = arith.constant 624 : i32
    %min3A_1169 = vector.broadcast %min3A_1168 : i32 to vector<16xi32>
    %min3A_1170 = arith.minsi %add3A_1167, %min3A_1169 : vector<16xi32>
    %jit3A_1171 = arith.constant 25 : i32
    %div3A_1172 = vector.broadcast %jit3A_1171 : i32 to vector<16xi32>
    %div3A_1173 = arith.divsi %min3A_1170, %div3A_1172 : vector<16xi32>
    %sign3A_1174 = arith.constant 0 : i32
    %sign3A_1175 = vector.broadcast %sign3A_1174 : i32 to vector<16xi32>
    %sign3A_1176 = arith.cmpi sgt, %min3A_1170, %sign3A_1175 : vector<16xi32>
    %sign3A_1177 = arith.extui %sign3A_1176 : vector<16xi1> to vector<16xi32>
    %sign3A_1178 = arith.constant 0 : i32
    %sign3A_1179 = vector.broadcast %sign3A_1178 : i32 to vector<16xi32>
    %sign3A_1180 = arith.cmpi slt, %min3A_1170, %sign3A_1179 : vector<16xi32>
    %sign3A_1181 = arith.extui %sign3A_1180 : vector<16xi1> to vector<16xi32>
    %sign3A_1182 = arith.subi %sign3A_1177, %sign3A_1181 : vector<16xi32>
    %sign3A_1183 = arith.constant 0 : i32
    %sign3A_1184 = arith.cmpi sgt, %jit3A_1171, %sign3A_1183 : i32
    %sign3A_1185 = arith.extui %sign3A_1184 : i1 to i32
    %sign3A_1186 = arith.constant 0 : i32
    %sign3A_1187 = arith.cmpi slt, %jit3A_1171, %sign3A_1186 : i32
    %sign3A_1188 = arith.extui %sign3A_1187 : i1 to i32
    %sign3A_1189 = arith.subi %sign3A_1185, %sign3A_1188 : i32
    %ne3A_1190 = vector.broadcast %sign3A_1189 : i32 to vector<16xi32>
    %ne3A_1191 = arith.cmpi ne, %sign3A_1182, %ne3A_1190 : vector<16xi32>
    %rem3A_1192 = vector.broadcast %jit3A_1171 : i32 to vector<16xi32>
    %rem3A_1193 = arith.remsi %min3A_1170, %rem3A_1192 : vector<16xi32>
    %ne3A_1194 = arith.constant 0 : i32
    %ne3A_1195 = vector.broadcast %ne3A_1194 : i32 to vector<16xi32>
    %ne3A_1196 = arith.cmpi ne, %rem3A_1193, %ne3A_1195 : vector<16xi32>
    %and3A_1197 = arith.andi %ne3A_1191, %ne3A_1196 : vector<16xi1>
    %sub3A_1198 = arith.constant 1 : i32
    %sub3A_1199 = vector.broadcast %sub3A_1198 : i32 to vector<16xi32>
    %sub3A_1200 = arith.subi %div3A_1173, %sub3A_1199 : vector<16xi32>
    %select_n3A_1201 = arith.select %and3A_1197, %sub3A_1200, %div3A_1173 : vector<16xi1>, vector<16xi32>
    %mul3A_1202 = arith.constant 25 : i32
    %mul3A_1203 = vector.broadcast %mul3A_1202 : i32 to vector<16xi32>
    %mul3A_1204 = arith.muli %select_n3A_1201, %mul3A_1203 : vector<16xi32>
    %sub3A_1205 = arith.subi %min3A_1170, %mul3A_1204 : vector<16xi32>
    %mul3A_1206 = arith.constant 25 : i32
    %mul3A_1207 = arith.muli %add3A, %mul3A_1206 : i32
    %add3A_1208 = vector.broadcast %mul3A_1207 : i32 to vector<16xi32>
    %add3A_1209 = arith.addi %add3A_1208, %select_n3A_1201 : vector<16xi32>
    %mul3A_1210 = arith.constant 50 : i32
    %mul3A_1211 = vector.broadcast %mul3A_1210 : i32 to vector<16xi32>
    %mul3A_1212 = arith.muli %add3A_1209, %mul3A_1211 : vector<16xi32>
    %mul3A_1213 = arith.constant 2 : i32
    %mul3A_1214 = vector.broadcast %mul3A_1213 : i32 to vector<16xi32>
    %mul3A_1215 = arith.muli %mul3A_1214, %sub3A_1205 : vector<16xi32>
    %add3A_1216 = arith.addi %mul3A_1212, %mul3A_1215 : vector<16xi32>
    %gather3A_1217 = tpu.vector_load_idx %arg7[%add3A_1216] : memref<40000xf32, #tpu.memory_space<vmem>>[vector<16xi32>], vector<16xf32>,
    %mul3A_1218 = arith.constant 25 : i32
    %mul3A_1219 = arith.muli %add3A, %mul3A_1218 : i32
    %add3A_1220 = vector.broadcast %mul3A_1219 : i32 to vector<16xi32>
    %add3A_1221 = arith.addi %add3A_1220, %select_n3A_1201 : vector<16xi32>
    %mul3A_1222 = arith.constant 50 : i32
    %mul3A_1223 = vector.broadcast %mul3A_1222 : i32 to vector<16xi32>
    %mul3A_1224 = arith.muli %add3A_1221, %mul3A_1223 : vector<16xi32>
    %mul3A_1225 = arith.constant 2 : i32
    %mul3A_1226 = vector.broadcast %mul3A_1225 : i32 to vector<16xi32>
    %mul3A_1227 = arith.muli %mul3A_1226, %sub3A_1205 : vector<16xi32>
    %add3A_1228 = arith.addi %mul3A_1224, %mul3A_1227 : vector<16xi32>
    %add3A_1229 = arith.constant 1 : i32
    %add3A_1230 = vector.broadcast %add3A_1229 : i32 to vector<16xi32>
    %add3A_1231 = arith.addi %add3A_1228, %add3A_1230 : vector<16xi32>
    %gather3A_1232 = tpu.vector_load_idx %arg7[%add3A_1231] : memref<40000xf32, #tpu.memory_space<vmem>>[vector<16xi32>], vector<16xf32>,
    %mul3A_1233 = arith.constant 25 : i32
    %mul3A_1234 = arith.muli %add3A, %mul3A_1233 : i32
    %add3A_1235 = vector.broadcast %mul3A_1234 : i32 to vector<16xi32>
    %add3A_1236 = arith.addi %add3A_1235, %select_n3A_1201 : vector<16xi32>
    %mul3A_1237 = arith.constant 2 : i32
    %mul3A_1238 = vector.broadcast %mul3A_1237 : i32 to vector<16xi32>
    %mul3A_1239 = arith.muli %add3A_1236, %mul3A_1238 : vector<16xi32>
    %gather3A_1240 = tpu.vector_load_idx %arg8[%mul3A_1239] : memref<1600xf32, #tpu.memory_space<vmem>>[vector<16xi32>], vector<16xf32>,
    %add3A_1241 = arith.constant 1 : i32
    %add3A_1242 = vector.broadcast %add3A_1241 : i32 to vector<16xi32>
    %add3A_1243 = arith.addi %mul3A_1239, %add3A_1242 : vector<16xi32>
    %gather3A_1244 = tpu.vector_load_idx %arg8[%add3A_1243] : memref<1600xf32, #tpu.memory_space<vmem>>[vector<16xi32>], vector<16xf32>,
    %gather3A_1245 = tpu.vector_load_idx %arg9[%mul3A_1239] : memref<1600xf32, #tpu.memory_space<vmem>>[vector<16xi32>], vector<16xf32>,
    %add3A_1246 = arith.constant 1 : i32
    %add3A_1247 = vector.broadcast %add3A_1246 : i32 to vector<16xi32>
    %add3A_1248 = arith.addi %mul3A_1239, %add3A_1247 : vector<16xi32>
    %gather3A_1249 = tpu.vector_load_idx %arg9[%add3A_1248] : memref<1600xf32, #tpu.memory_space<vmem>>[vector<16xi32>], vector<16xf32>,
    %div3A_1250 = arith.divf %gather3A_1232, %gather3A_1240 : vector<16xf32>
    %add3A_1251 = arith.addf %div3A_1250, %gather3A_1245 : vector<16xf32>
    %convert_element_type3A_1252 = arith.fptosi %add3A_1251 : vector<16xf32> to vector<16xi32>
    %jit3A_1253 = arith.constant 0 : i32
    %jit3A_1254 = arith.constant 63 : i32
    %max3A_1255 = vector.broadcast %jit3A_1253 : i32 to vector<16xi32>
    %max3A_1256 = arith.maxsi %max3A_1255, %convert_element_type3A_1252 : vector<16xi32>
    %min3A_1257 = vector.broadcast %jit3A_1254 : i32 to vector<16xi32>
    %min3A_1258 = arith.minsi %min3A_1257, %max3A_1256 : vector<16xi32>
    %div3A_1259 = arith.divf %gather3A_1217, %gather3A_1244 : vector<16xf32>
    %add3A_1260 = arith.addf %div3A_1259, %gather3A_1249 : vector<16xf32>
    %convert_element_type3A_1261 = arith.fptosi %add3A_1260 : vector<16xf32> to vector<16xi32>
    %jit3A_1262 = arith.constant 0 : i32
    %jit3A_1263 = arith.constant 63 : i32
    %max3A_1264 = vector.broadcast %jit3A_1262 : i32 to vector<16xi32>
    %max3A_1265 = arith.maxsi %max3A_1264, %convert_element_type3A_1261 : vector<16xi32>
    %min3A_1266 = vector.broadcast %jit3A_1263 : i32 to vector<16xi32>
    %min3A_1267 = arith.minsi %min3A_1266, %max3A_1265 : vector<16xi32>
    %swap3A_1268 = arith.constant 176 : index
    %swap3A_1269 = tpu.vector_load %arg11[%swap3A_1268] {strides = array<i32>} : memref<640xi32, #tpu.memory_space<vmem>>, vector<16xi32>,
    tpu.vector_store %arg11[%swap3A_1268], %min3A_1258 {strides = array<i32>} : memref<640xi32, #tpu.memory_space<vmem>>, vector<16xi32>,
    %swap3A_1270 = arith.constant 176 : index
    %swap3A_1271 = tpu.vector_load %arg12[%swap3A_1270] {strides = array<i32>} : memref<640xi32, #tpu.memory_space<vmem>>, vector<16xi32>,
    tpu.vector_store %arg12[%swap3A_1270], %min3A_1267 {strides = array<i32>} : memref<640xi32, #tpu.memory_space<vmem>>, vector<16xi32>,
    %add3A_1272 = arith.constant 192 : i32
    %add3A_1273 = vector.broadcast %add3A_1272 : i32 to vector<16xi32>
    %add3A_1274 = arith.addi %iota3A, %add3A_1273 : vector<16xi32>
    %min3A_1275 = arith.constant 624 : i32
    %min3A_1276 = vector.broadcast %min3A_1275 : i32 to vector<16xi32>
    %min3A_1277 = arith.minsi %add3A_1274, %min3A_1276 : vector<16xi32>
    %jit3A_1278 = arith.constant 25 : i32
    %div3A_1279 = vector.broadcast %jit3A_1278 : i32 to vector<16xi32>
    %div3A_1280 = arith.divsi %min3A_1277, %div3A_1279 : vector<16xi32>
    %sign3A_1281 = arith.constant 0 : i32
    %sign3A_1282 = vector.broadcast %sign3A_1281 : i32 to vector<16xi32>
    %sign3A_1283 = arith.cmpi sgt, %min3A_1277, %sign3A_1282 : vector<16xi32>
    %sign3A_1284 = arith.extui %sign3A_1283 : vector<16xi1> to vector<16xi32>
    %sign3A_1285 = arith.constant 0 : i32
    %sign3A_1286 = vector.broadcast %sign3A_1285 : i32 to vector<16xi32>
    %sign3A_1287 = arith.cmpi slt, %min3A_1277, %sign3A_1286 : vector<16xi32>
    %sign3A_1288 = arith.extui %sign3A_1287 : vector<16xi1> to vector<16xi32>
    %sign3A_1289 = arith.subi %sign3A_1284, %sign3A_1288 : vector<16xi32>
    %sign3A_1290 = arith.constant 0 : i32
    %sign3A_1291 = arith.cmpi sgt, %jit3A_1278, %sign3A_1290 : i32
    %sign3A_1292 = arith.extui %sign3A_1291 : i1 to i32
    %sign3A_1293 = arith.constant 0 : i32
    %sign3A_1294 = arith.cmpi slt, %jit3A_1278, %sign3A_1293 : i32
    %sign3A_1295 = arith.extui %sign3A_1294 : i1 to i32
    %sign3A_1296 = arith.subi %sign3A_1292, %sign3A_1295 : i32
    %ne3A_1297 = vector.broadcast %sign3A_1296 : i32 to vector<16xi32>
    %ne3A_1298 = arith.cmpi ne, %sign3A_1289, %ne3A_1297 : vector<16xi32>
    %rem3A_1299 = vector.broadcast %jit3A_1278 : i32 to vector<16xi32>
    %rem3A_1300 = arith.remsi %min3A_1277, %rem3A_1299 : vector<16xi32>
    %ne3A_1301 = arith.constant 0 : i32
    %ne3A_1302 = vector.broadcast %ne3A_1301 : i32 to vector<16xi32>
    %ne3A_1303 = arith.cmpi ne, %rem3A_1300, %ne3A_1302 : vector<16xi32>
    %and3A_1304 = arith.andi %ne3A_1298, %ne3A_1303 : vector<16xi1>
    %sub3A_1305 = arith.constant 1 : i32
    %sub3A_1306 = vector.broadcast %sub3A_1305 : i32 to vector<16xi32>
    %sub3A_1307 = arith.subi %div3A_1280, %sub3A_1306 : vector<16xi32>
    %select_n3A_1308 = arith.select %and3A_1304, %sub3A_1307, %div3A_1280 : vector<16xi1>, vector<16xi32>
    %mul3A_1309 = arith.constant 25 : i32
    %mul3A_1310 = vector.broadcast %mul3A_1309 : i32 to vector<16xi32>
    %mul3A_1311 = arith.muli %select_n3A_1308, %mul3A_1310 : vector<16xi32>
    %sub3A_1312 = arith.subi %min3A_1277, %mul3A_1311 : vector<16xi32>
    %mul3A_1313 = arith.constant 25 : i32
    %mul3A_1314 = arith.muli %add3A, %mul3A_1313 : i32
    %add3A_1315 = vector.broadcast %mul3A_1314 : i32 to vector<16xi32>
    %add3A_1316 = arith.addi %add3A_1315, %select_n3A_1308 : vector<16xi32>
    %mul3A_1317 = arith.constant 50 : i32
    %mul3A_1318 = vector.broadcast %mul3A_1317 : i32 to vector<16xi32>
    %mul3A_1319 = arith.muli %add3A_1316, %mul3A_1318 : vector<16xi32>
    %mul3A_1320 = arith.constant 2 : i32
    %mul3A_1321 = vector.broadcast %mul3A_1320 : i32 to vector<16xi32>
    %mul3A_1322 = arith.muli %mul3A_1321, %sub3A_1312 : vector<16xi32>
    %add3A_1323 = arith.addi %mul3A_1319, %mul3A_1322 : vector<16xi32>
    %gather3A_1324 = tpu.vector_load_idx %arg7[%add3A_1323] : memref<40000xf32, #tpu.memory_space<vmem>>[vector<16xi32>], vector<16xf32>,
    %mul3A_1325 = arith.constant 25 : i32
    %mul3A_1326 = arith.muli %add3A, %mul3A_1325 : i32
    %add3A_1327 = vector.broadcast %mul3A_1326 : i32 to vector<16xi32>
    %add3A_1328 = arith.addi %add3A_1327, %select_n3A_1308 : vector<16xi32>
    %mul3A_1329 = arith.constant 50 : i32
    %mul3A_1330 = vector.broadcast %mul3A_1329 : i32 to vector<16xi32>
    %mul3A_1331 = arith.muli %add3A_1328, %mul3A_1330 : vector<16xi32>
    %mul3A_1332 = arith.constant 2 : i32
    %mul3A_1333 = vector.broadcast %mul3A_1332 : i32 to vector<16xi32>
    %mul3A_1334 = arith.muli %mul3A_1333, %sub3A_1312 : vector<16xi32>
    %add3A_1335 = arith.addi %mul3A_1331, %mul3A_1334 : vector<16xi32>
    %add3A_1336 = arith.constant 1 : i32
    %add3A_1337 = vector.broadcast %add3A_1336 : i32 to vector<16xi32>
    %add3A_1338 = arith.addi %add3A_1335, %add3A_1337 : vector<16xi32>
    %gather3A_1339 = tpu.vector_load_idx %arg7[%add3A_1338] : memref<40000xf32, #tpu.memory_space<vmem>>[vector<16xi32>], vector<16xf32>,
    %mul3A_1340 = arith.constant 25 : i32
    %mul3A_1341 = arith.muli %add3A, %mul3A_1340 : i32
    %add3A_1342 = vector.broadcast %mul3A_1341 : i32 to vector<16xi32>
    %add3A_1343 = arith.addi %add3A_1342, %select_n3A_1308 : vector<16xi32>
    %mul3A_1344 = arith.constant 2 : i32
    %mul3A_1345 = vector.broadcast %mul3A_1344 : i32 to vector<16xi32>
    %mul3A_1346 = arith.muli %add3A_1343, %mul3A_1345 : vector<16xi32>
    %gather3A_1347 = tpu.vector_load_idx %arg8[%mul3A_1346] : memref<1600xf32, #tpu.memory_space<vmem>>[vector<16xi32>], vector<16xf32>,
    %add3A_1348 = arith.constant 1 : i32
    %add3A_1349 = vector.broadcast %add3A_1348 : i32 to vector<16xi32>
    %add3A_1350 = arith.addi %mul3A_1346, %add3A_1349 : vector<16xi32>
    %gather3A_1351 = tpu.vector_load_idx %arg8[%add3A_1350] : memref<1600xf32, #tpu.memory_space<vmem>>[vector<16xi32>], vector<16xf32>,
    %gather3A_1352 = tpu.vector_load_idx %arg9[%mul3A_1346] : memref<1600xf32, #tpu.memory_space<vmem>>[vector<16xi32>], vector<16xf32>,
    %add3A_1353 = arith.constant 1 : i32
    %add3A_1354 = vector.broadcast %add3A_1353 : i32 to vector<16xi32>
    %add3A_1355 = arith.addi %mul3A_1346, %add3A_1354 : vector<16xi32>
    %gather3A_1356 = tpu.vector_load_idx %arg9[%add3A_1355] : memref<1600xf32, #tpu.memory_space<vmem>>[vector<16xi32>], vector<16xf32>,
    %div3A_1357 = arith.divf %gather3A_1339, %gather3A_1347 : vector<16xf32>
    %add3A_1358 = arith.addf %div3A_1357, %gather3A_1352 : vector<16xf32>
    %convert_element_type3A_1359 = arith.fptosi %add3A_1358 : vector<16xf32> to vector<16xi32>
    %jit3A_1360 = arith.constant 0 : i32
    %jit3A_1361 = arith.constant 63 : i32
    %max3A_1362 = vector.broadcast %jit3A_1360 : i32 to vector<16xi32>
    %max3A_1363 = arith.maxsi %max3A_1362, %convert_element_type3A_1359 : vector<16xi32>
    %min3A_1364 = vector.broadcast %jit3A_1361 : i32 to vector<16xi32>
    %min3A_1365 = arith.minsi %min3A_1364, %max3A_1363 : vector<16xi32>
    %div3A_1366 = arith.divf %gather3A_1324, %gather3A_1351 : vector<16xf32>
    %add3A_1367 = arith.addf %div3A_1366, %gather3A_1356 : vector<16xf32>
    %convert_element_type3A_1368 = arith.fptosi %add3A_1367 : vector<16xf32> to vector<16xi32>
    %jit3A_1369 = arith.constant 0 : i32
    %jit3A_1370 = arith.constant 63 : i32
    %max3A_1371 = vector.broadcast %jit3A_1369 : i32 to vector<16xi32>
    %max3A_1372 = arith.maxsi %max3A_1371, %convert_element_type3A_1368 : vector<16xi32>
    %min3A_1373 = vector.broadcast %jit3A_1370 : i32 to vector<16xi32>
    %min3A_1374 = arith.minsi %min3A_1373, %max3A_1372 : vector<16xi32>
    %swap3A_1375 = arith.constant 192 : index
    %swap3A_1376 = tpu.vector_load %arg11[%swap3A_1375] {strides = array<i32>} : memref<640xi32, #tpu.memory_space<vmem>>, vector<16xi32>,
    tpu.vector_store %arg11[%swap3A_1375], %min3A_1365 {strides = array<i32>} : memref<640xi32, #tpu.memory_space<vmem>>, vector<16xi32>,
    %swap3A_1377 = arith.constant 192 : index
    %swap3A_1378 = tpu.vector_load %arg12[%swap3A_1377] {strides = array<i32>} : memref<640xi32, #tpu.memory_space<vmem>>, vector<16xi32>,
    tpu.vector_store %arg12[%swap3A_1377], %min3A_1374 {strides = array<i32>} : memref<640xi32, #tpu.memory_space<vmem>>, vector<16xi32>,
    %add3A_1379 = arith.constant 208 : i32
    %add3A_1380 = vector.broadcast %add3A_1379 : i32 to vector<16xi32>
    %add3A_1381 = arith.addi %iota3A, %add3A_1380 : vector<16xi32>
    %min3A_1382 = arith.constant 624 : i32
    %min3A_1383 = vector.broadcast %min3A_1382 : i32 to vector<16xi32>
    %min3A_1384 = arith.minsi %add3A_1381, %min3A_1383 : vector<16xi32>
    %jit3A_1385 = arith.constant 25 : i32
    %div3A_1386 = vector.broadcast %jit3A_1385 : i32 to vector<16xi32>
    %div3A_1387 = arith.divsi %min3A_1384, %div3A_1386 : vector<16xi32>
    %sign3A_1388 = arith.constant 0 : i32
    %sign3A_1389 = vector.broadcast %sign3A_1388 : i32 to vector<16xi32>
    %sign3A_1390 = arith.cmpi sgt, %min3A_1384, %sign3A_1389 : vector<16xi32>
    %sign3A_1391 = arith.extui %sign3A_1390 : vector<16xi1> to vector<16xi32>
    %sign3A_1392 = arith.constant 0 : i32
    %sign3A_1393 = vector.broadcast %sign3A_1392 : i32 to vector<16xi32>
    %sign3A_1394 = arith.cmpi slt, %min3A_1384, %sign3A_1393 : vector<16xi32>
    %sign3A_1395 = arith.extui %sign3A_1394 : vector<16xi1> to vector<16xi32>
    %sign3A_1396 = arith.subi %sign3A_1391, %sign3A_1395 : vector<16xi32>
    %sign3A_1397 = arith.constant 0 : i32
    %sign3A_1398 = arith.cmpi sgt, %jit3A_1385, %sign3A_1397 : i32
    %sign3A_1399 = arith.extui %sign3A_1398 : i1 to i32
    %sign3A_1400 = arith.constant 0 : i32
    %sign3A_1401 = arith.cmpi slt, %jit3A_1385, %sign3A_1400 : i32
    %sign3A_1402 = arith.extui %sign3A_1401 : i1 to i32
    %sign3A_1403 = arith.subi %sign3A_1399, %sign3A_1402 : i32
    %ne3A_1404 = vector.broadcast %sign3A_1403 : i32 to vector<16xi32>
    %ne3A_1405 = arith.cmpi ne, %sign3A_1396, %ne3A_1404 : vector<16xi32>
    %rem3A_1406 = vector.broadcast %jit3A_1385 : i32 to vector<16xi32>
    %rem3A_1407 = arith.remsi %min3A_1384, %rem3A_1406 : vector<16xi32>
    %ne3A_1408 = arith.constant 0 : i32
    %ne3A_1409 = vector.broadcast %ne3A_1408 : i32 to vector<16xi32>
    %ne3A_1410 = arith.cmpi ne, %rem3A_1407, %ne3A_1409 : vector<16xi32>
    %and3A_1411 = arith.andi %ne3A_1405, %ne3A_1410 : vector<16xi1>
    %sub3A_1412 = arith.constant 1 : i32
    %sub3A_1413 = vector.broadcast %sub3A_1412 : i32 to vector<16xi32>
    %sub3A_1414 = arith.subi %div3A_1387, %sub3A_1413 : vector<16xi32>
    %select_n3A_1415 = arith.select %and3A_1411, %sub3A_1414, %div3A_1387 : vector<16xi1>, vector<16xi32>
    %mul3A_1416 = arith.constant 25 : i32
    %mul3A_1417 = vector.broadcast %mul3A_1416 : i32 to vector<16xi32>
    %mul3A_1418 = arith.muli %select_n3A_1415, %mul3A_1417 : vector<16xi32>
    %sub3A_1419 = arith.subi %min3A_1384, %mul3A_1418 : vector<16xi32>
    %mul3A_1420 = arith.constant 25 : i32
    %mul3A_1421 = arith.muli %add3A, %mul3A_1420 : i32
    %add3A_1422 = vector.broadcast %mul3A_1421 : i32 to vector<16xi32>
    %add3A_1423 = arith.addi %add3A_1422, %select_n3A_1415 : vector<16xi32>
    %mul3A_1424 = arith.constant 50 : i32
    %mul3A_1425 = vector.broadcast %mul3A_1424 : i32 to vector<16xi32>
    %mul3A_1426 = arith.muli %add3A_1423, %mul3A_1425 : vector<16xi32>
    %mul3A_1427 = arith.constant 2 : i32
    %mul3A_1428 = vector.broadcast %mul3A_1427 : i32 to vector<16xi32>
    %mul3A_1429 = arith.muli %mul3A_1428, %sub3A_1419 : vector<16xi32>
    %add3A_1430 = arith.addi %mul3A_1426, %mul3A_1429 : vector<16xi32>
    %gather3A_1431 = tpu.vector_load_idx %arg7[%add3A_1430] : memref<40000xf32, #tpu.memory_space<vmem>>[vector<16xi32>], vector<16xf32>,
    %mul3A_1432 = arith.constant 25 : i32
    %mul3A_1433 = arith.muli %add3A, %mul3A_1432 : i32
    %add3A_1434 = vector.broadcast %mul3A_1433 : i32 to vector<16xi32>
    %add3A_1435 = arith.addi %add3A_1434, %select_n3A_1415 : vector<16xi32>
    %mul3A_1436 = arith.constant 50 : i32
    %mul3A_1437 = vector.broadcast %mul3A_1436 : i32 to vector<16xi32>
    %mul3A_1438 = arith.muli %add3A_1435, %mul3A_1437 : vector<16xi32>
    %mul3A_1439 = arith.constant 2 : i32
    %mul3A_1440 = vector.broadcast %mul3A_1439 : i32 to vector<16xi32>
    %mul3A_1441 = arith.muli %mul3A_1440, %sub3A_1419 : vector<16xi32>
    %add3A_1442 = arith.addi %mul3A_1438, %mul3A_1441 : vector<16xi32>
    %add3A_1443 = arith.constant 1 : i32
    %add3A_1444 = vector.broadcast %add3A_1443 : i32 to vector<16xi32>
    %add3A_1445 = arith.addi %add3A_1442, %add3A_1444 : vector<16xi32>
    %gather3A_1446 = tpu.vector_load_idx %arg7[%add3A_1445] : memref<40000xf32, #tpu.memory_space<vmem>>[vector<16xi32>], vector<16xf32>,
    %mul3A_1447 = arith.constant 25 : i32
    %mul3A_1448 = arith.muli %add3A, %mul3A_1447 : i32
    %add3A_1449 = vector.broadcast %mul3A_1448 : i32 to vector<16xi32>
    %add3A_1450 = arith.addi %add3A_1449, %select_n3A_1415 : vector<16xi32>
    %mul3A_1451 = arith.constant 2 : i32
    %mul3A_1452 = vector.broadcast %mul3A_1451 : i32 to vector<16xi32>
    %mul3A_1453 = arith.muli %add3A_1450, %mul3A_1452 : vector<16xi32>
    %gather3A_1454 = tpu.vector_load_idx %arg8[%mul3A_1453] : memref<1600xf32, #tpu.memory_space<vmem>>[vector<16xi32>], vector<16xf32>,
    %add3A_1455 = arith.constant 1 : i32
    %add3A_1456 = vector.broadcast %add3A_1455 : i32 to vector<16xi32>
    %add3A_1457 = arith.addi %mul3A_1453, %add3A_1456 : vector<16xi32>
    %gather3A_1458 = tpu.vector_load_idx %arg8[%add3A_1457] : memref<1600xf32, #tpu.memory_space<vmem>>[vector<16xi32>], vector<16xf32>,
    %gather3A_1459 = tpu.vector_load_idx %arg9[%mul3A_1453] : memref<1600xf32, #tpu.memory_space<vmem>>[vector<16xi32>], vector<16xf32>,
    %add3A_1460 = arith.constant 1 : i32
    %add3A_1461 = vector.broadcast %add3A_1460 : i32 to vector<16xi32>
    %add3A_1462 = arith.addi %mul3A_1453, %add3A_1461 : vector<16xi32>
    %gather3A_1463 = tpu.vector_load_idx %arg9[%add3A_1462] : memref<1600xf32, #tpu.memory_space<vmem>>[vector<16xi32>], vector<16xf32>,
    %div3A_1464 = arith.divf %gather3A_1446, %gather3A_1454 : vector<16xf32>
    %add3A_1465 = arith.addf %div3A_1464, %gather3A_1459 : vector<16xf32>
    %convert_element_type3A_1466 = arith.fptosi %add3A_1465 : vector<16xf32> to vector<16xi32>
    %jit3A_1467 = arith.constant 0 : i32
    %jit3A_1468 = arith.constant 63 : i32
    %max3A_1469 = vector.broadcast %jit3A_1467 : i32 to vector<16xi32>
    %max3A_1470 = arith.maxsi %max3A_1469, %convert_element_type3A_1466 : vector<16xi32>
    %min3A_1471 = vector.broadcast %jit3A_1468 : i32 to vector<16xi32>
    %min3A_1472 = arith.minsi %min3A_1471, %max3A_1470 : vector<16xi32>
    %div3A_1473 = arith.divf %gather3A_1431, %gather3A_1458 : vector<16xf32>
    %add3A_1474 = arith.addf %div3A_1473, %gather3A_1463 : vector<16xf32>
    %convert_element_type3A_1475 = arith.fptosi %add3A_1474 : vector<16xf32> to vector<16xi32>
    %jit3A_1476 = arith.constant 0 : i32
    %jit3A_1477 = arith.constant 63 : i32
    %max3A_1478 = vector.broadcast %jit3A_1476 : i32 to vector<16xi32>
    %max3A_1479 = arith.maxsi %max3A_1478, %convert_element_type3A_1475 : vector<16xi32>
    %min3A_1480 = vector.broadcast %jit3A_1477 : i32 to vector<16xi32>
    %min3A_1481 = arith.minsi %min3A_1480, %max3A_1479 : vector<16xi32>
    %swap3A_1482 = arith.constant 208 : index
    %swap3A_1483 = tpu.vector_load %arg11[%swap3A_1482] {strides = array<i32>} : memref<640xi32, #tpu.memory_space<vmem>>, vector<16xi32>,
    tpu.vector_store %arg11[%swap3A_1482], %min3A_1472 {strides = array<i32>} : memref<640xi32, #tpu.memory_space<vmem>>, vector<16xi32>,
    %swap3A_1484 = arith.constant 208 : index
    %swap3A_1485 = tpu.vector_load %arg12[%swap3A_1484] {strides = array<i32>} : memref<640xi32, #tpu.memory_space<vmem>>, vector<16xi32>,
    tpu.vector_store %arg12[%swap3A_1484], %min3A_1481 {strides = array<i32>} : memref<640xi32, #tpu.memory_space<vmem>>, vector<16xi32>,
    %add3A_1486 = arith.constant 224 : i32
    %add3A_1487 = vector.broadcast %add3A_1486 : i32 to vector<16xi32>
    %add3A_1488 = arith.addi %iota3A, %add3A_1487 : vector<16xi32>
    %min3A_1489 = arith.constant 624 : i32
    %min3A_1490 = vector.broadcast %min3A_1489 : i32 to vector<16xi32>
    %min3A_1491 = arith.minsi %add3A_1488, %min3A_1490 : vector<16xi32>
    %jit3A_1492 = arith.constant 25 : i32
    %div3A_1493 = vector.broadcast %jit3A_1492 : i32 to vector<16xi32>
    %div3A_1494 = arith.divsi %min3A_1491, %div3A_1493 : vector<16xi32>
    %sign3A_1495 = arith.constant 0 : i32
    %sign3A_1496 = vector.broadcast %sign3A_1495 : i32 to vector<16xi32>
    %sign3A_1497 = arith.cmpi sgt, %min3A_1491, %sign3A_1496 : vector<16xi32>
    %sign3A_1498 = arith.extui %sign3A_1497 : vector<16xi1> to vector<16xi32>
    %sign3A_1499 = arith.constant 0 : i32
    %sign3A_1500 = vector.broadcast %sign3A_1499 : i32 to vector<16xi32>
    %sign3A_1501 = arith.cmpi slt, %min3A_1491, %sign3A_1500 : vector<16xi32>
    %sign3A_1502 = arith.extui %sign3A_1501 : vector<16xi1> to vector<16xi32>
    %sign3A_1503 = arith.subi %sign3A_1498, %sign3A_1502 : vector<16xi32>
    %sign3A_1504 = arith.constant 0 : i32
    %sign3A_1505 = arith.cmpi sgt, %jit3A_1492, %sign3A_1504 : i32
    %sign3A_1506 = arith.extui %sign3A_1505 : i1 to i32
    %sign3A_1507 = arith.constant 0 : i32
    %sign3A_1508 = arith.cmpi slt, %jit3A_1492, %sign3A_1507 : i32
    %sign3A_1509 = arith.extui %sign3A_1508 : i1 to i32
    %sign3A_1510 = arith.subi %sign3A_1506, %sign3A_1509 : i32
    %ne3A_1511 = vector.broadcast %sign3A_1510 : i32 to vector<16xi32>
    %ne3A_1512 = arith.cmpi ne, %sign3A_1503, %ne3A_1511 : vector<16xi32>
    %rem3A_1513 = vector.broadcast %jit3A_1492 : i32 to vector<16xi32>
    %rem3A_1514 = arith.remsi %min3A_1491, %rem3A_1513 : vector<16xi32>
    %ne3A_1515 = arith.constant 0 : i32
    %ne3A_1516 = vector.broadcast %ne3A_1515 : i32 to vector<16xi32>
    %ne3A_1517 = arith.cmpi ne, %rem3A_1514, %ne3A_1516 : vector<16xi32>
    %and3A_1518 = arith.andi %ne3A_1512, %ne3A_1517 : vector<16xi1>
    %sub3A_1519 = arith.constant 1 : i32
    %sub3A_1520 = vector.broadcast %sub3A_1519 : i32 to vector<16xi32>
    %sub3A_1521 = arith.subi %div3A_1494, %sub3A_1520 : vector<16xi32>
    %select_n3A_1522 = arith.select %and3A_1518, %sub3A_1521, %div3A_1494 : vector<16xi1>, vector<16xi32>
    %mul3A_1523 = arith.constant 25 : i32
    %mul3A_1524 = vector.broadcast %mul3A_1523 : i32 to vector<16xi32>
    %mul3A_1525 = arith.muli %select_n3A_1522, %mul3A_1524 : vector<16xi32>
    %sub3A_1526 = arith.subi %min3A_1491, %mul3A_1525 : vector<16xi32>
    %mul3A_1527 = arith.constant 25 : i32
    %mul3A_1528 = arith.muli %add3A, %mul3A_1527 : i32
    %add3A_1529 = vector.broadcast %mul3A_1528 : i32 to vector<16xi32>
    %add3A_1530 = arith.addi %add3A_1529, %select_n3A_1522 : vector<16xi32>
    %mul3A_1531 = arith.constant 50 : i32
    %mul3A_1532 = vector.broadcast %mul3A_1531 : i32 to vector<16xi32>
    %mul3A_1533 = arith.muli %add3A_1530, %mul3A_1532 : vector<16xi32>
    %mul3A_1534 = arith.constant 2 : i32
    %mul3A_1535 = vector.broadcast %mul3A_1534 : i32 to vector<16xi32>
    %mul3A_1536 = arith.muli %mul3A_1535, %sub3A_1526 : vector<16xi32>
    %add3A_1537 = arith.addi %mul3A_1533, %mul3A_1536 : vector<16xi32>
    %gather3A_1538 = tpu.vector_load_idx %arg7[%add3A_1537] : memref<40000xf32, #tpu.memory_space<vmem>>[vector<16xi32>], vector<16xf32>,
    %mul3A_1539 = arith.constant 25 : i32
    %mul3A_1540 = arith.muli %add3A, %mul3A_1539 : i32
    %add3A_1541 = vector.broadcast %mul3A_1540 : i32 to vector<16xi32>
    %add3A_1542 = arith.addi %add3A_1541, %select_n3A_1522 : vector<16xi32>
    %mul3A_1543 = arith.constant 50 : i32
    %mul3A_1544 = vector.broadcast %mul3A_1543 : i32 to vector<16xi32>
    %mul3A_1545 = arith.muli %add3A_1542, %mul3A_1544 : vector<16xi32>
    %mul3A_1546 = arith.constant 2 : i32
    %mul3A_1547 = vector.broadcast %mul3A_1546 : i32 to vector<16xi32>
    %mul3A_1548 = arith.muli %mul3A_1547, %sub3A_1526 : vector<16xi32>
    %add3A_1549 = arith.addi %mul3A_1545, %mul3A_1548 : vector<16xi32>
    %add3A_1550 = arith.constant 1 : i32
    %add3A_1551 = vector.broadcast %add3A_1550 : i32 to vector<16xi32>
    %add3A_1552 = arith.addi %add3A_1549, %add3A_1551 : vector<16xi32>
    %gather3A_1553 = tpu.vector_load_idx %arg7[%add3A_1552] : memref<40000xf32, #tpu.memory_space<vmem>>[vector<16xi32>], vector<16xf32>,
    %mul3A_1554 = arith.constant 25 : i32
    %mul3A_1555 = arith.muli %add3A, %mul3A_1554 : i32
    %add3A_1556 = vector.broadcast %mul3A_1555 : i32 to vector<16xi32>
    %add3A_1557 = arith.addi %add3A_1556, %select_n3A_1522 : vector<16xi32>
    %mul3A_1558 = arith.constant 2 : i32
    %mul3A_1559 = vector.broadcast %mul3A_1558 : i32 to vector<16xi32>
    %mul3A_1560 = arith.muli %add3A_1557, %mul3A_1559 : vector<16xi32>
    %gather3A_1561 = tpu.vector_load_idx %arg8[%mul3A_1560] : memref<1600xf32, #tpu.memory_space<vmem>>[vector<16xi32>], vector<16xf32>,
    %add3A_1562 = arith.constant 1 : i32
    %add3A_1563 = vector.broadcast %add3A_1562 : i32 to vector<16xi32>
    %add3A_1564 = arith.addi %mul3A_1560, %add3A_1563 : vector<16xi32>
    %gather3A_1565 = tpu.vector_load_idx %arg8[%add3A_1564] : memref<1600xf32, #tpu.memory_space<vmem>>[vector<16xi32>], vector<16xf32>,
    %gather3A_1566 = tpu.vector_load_idx %arg9[%mul3A_1560] : memref<1600xf32, #tpu.memory_space<vmem>>[vector<16xi32>], vector<16xf32>,
    %add3A_1567 = arith.constant 1 : i32
    %add3A_1568 = vector.broadcast %add3A_1567 : i32 to vector<16xi32>
    %add3A_1569 = arith.addi %mul3A_1560, %add3A_1568 : vector<16xi32>
    %gather3A_1570 = tpu.vector_load_idx %arg9[%add3A_1569] : memref<1600xf32, #tpu.memory_space<vmem>>[vector<16xi32>], vector<16xf32>,
    %div3A_1571 = arith.divf %gather3A_1553, %gather3A_1561 : vector<16xf32>
    %add3A_1572 = arith.addf %div3A_1571, %gather3A_1566 : vector<16xf32>
    %convert_element_type3A_1573 = arith.fptosi %add3A_1572 : vector<16xf32> to vector<16xi32>
    %jit3A_1574 = arith.constant 0 : i32
    %jit3A_1575 = arith.constant 63 : i32
    %max3A_1576 = vector.broadcast %jit3A_1574 : i32 to vector<16xi32>
    %max3A_1577 = arith.maxsi %max3A_1576, %convert_element_type3A_1573 : vector<16xi32>
    %min3A_1578 = vector.broadcast %jit3A_1575 : i32 to vector<16xi32>
    %min3A_1579 = arith.minsi %min3A_1578, %max3A_1577 : vector<16xi32>
    %div3A_1580 = arith.divf %gather3A_1538, %gather3A_1565 : vector<16xf32>
    %add3A_1581 = arith.addf %div3A_1580, %gather3A_1570 : vector<16xf32>
    %convert_element_type3A_1582 = arith.fptosi %add3A_1581 : vector<16xf32> to vector<16xi32>
    %jit3A_1583 = arith.constant 0 : i32
    %jit3A_1584 = arith.constant 63 : i32
    %max3A_1585 = vector.broadcast %jit3A_1583 : i32 to vector<16xi32>
    %max3A_1586 = arith.maxsi %max3A_1585, %convert_element_type3A_1582 : vector<16xi32>
    %min3A_1587 = vector.broadcast %jit3A_1584 : i32 to vector<16xi32>
    %min3A_1588 = arith.minsi %min3A_1587, %max3A_1586 : vector<16xi32>
    %swap3A_1589 = arith.constant 224 : index
    %swap3A_1590 = tpu.vector_load %arg11[%swap3A_1589] {strides = array<i32>} : memref<640xi32, #tpu.memory_space<vmem>>, vector<16xi32>,
    tpu.vector_store %arg11[%swap3A_1589], %min3A_1579 {strides = array<i32>} : memref<640xi32, #tpu.memory_space<vmem>>, vector<16xi32>,
    %swap3A_1591 = arith.constant 224 : index
    %swap3A_1592 = tpu.vector_load %arg12[%swap3A_1591] {strides = array<i32>} : memref<640xi32, #tpu.memory_space<vmem>>, vector<16xi32>,
    tpu.vector_store %arg12[%swap3A_1591], %min3A_1588 {strides = array<i32>} : memref<640xi32, #tpu.memory_space<vmem>>, vector<16xi32>,
    %add3A_1593 = arith.constant 240 : i32
    %add3A_1594 = vector.broadcast %add3A_1593 : i32 to vector<16xi32>
    %add3A_1595 = arith.addi %iota3A, %add3A_1594 : vector<16xi32>
    %min3A_1596 = arith.constant 624 : i32
    %min3A_1597 = vector.broadcast %min3A_1596 : i32 to vector<16xi32>
    %min3A_1598 = arith.minsi %add3A_1595, %min3A_1597 : vector<16xi32>
    %jit3A_1599 = arith.constant 25 : i32
    %div3A_1600 = vector.broadcast %jit3A_1599 : i32 to vector<16xi32>
    %div3A_1601 = arith.divsi %min3A_1598, %div3A_1600 : vector<16xi32>
    %sign3A_1602 = arith.constant 0 : i32
    %sign3A_1603 = vector.broadcast %sign3A_1602 : i32 to vector<16xi32>
    %sign3A_1604 = arith.cmpi sgt, %min3A_1598, %sign3A_1603 : vector<16xi32>
    %sign3A_1605 = arith.extui %sign3A_1604 : vector<16xi1> to vector<16xi32>
    %sign3A_1606 = arith.constant 0 : i32
    %sign3A_1607 = vector.broadcast %sign3A_1606 : i32 to vector<16xi32>
    %sign3A_1608 = arith.cmpi slt, %min3A_1598, %sign3A_1607 : vector<16xi32>
    %sign3A_1609 = arith.extui %sign3A_1608 : vector<16xi1> to vector<16xi32>
    %sign3A_1610 = arith.subi %sign3A_1605, %sign3A_1609 : vector<16xi32>
    %sign3A_1611 = arith.constant 0 : i32
    %sign3A_1612 = arith.cmpi sgt, %jit3A_1599, %sign3A_1611 : i32
    %sign3A_1613 = arith.extui %sign3A_1612 : i1 to i32
    %sign3A_1614 = arith.constant 0 : i32
    %sign3A_1615 = arith.cmpi slt, %jit3A_1599, %sign3A_1614 : i32
    %sign3A_1616 = arith.extui %sign3A_1615 : i1 to i32
    %sign3A_1617 = arith.subi %sign3A_1613, %sign3A_1616 : i32
    %ne3A_1618 = vector.broadcast %sign3A_1617 : i32 to vector<16xi32>
    %ne3A_1619 = arith.cmpi ne, %sign3A_1610, %ne3A_1618 : vector<16xi32>
    %rem3A_1620 = vector.broadcast %jit3A_1599 : i32 to vector<16xi32>
    %rem3A_1621 = arith.remsi %min3A_1598, %rem3A_1620 : vector<16xi32>
    %ne3A_1622 = arith.constant 0 : i32
    %ne3A_1623 = vector.broadcast %ne3A_1622 : i32 to vector<16xi32>
    %ne3A_1624 = arith.cmpi ne, %rem3A_1621, %ne3A_1623 : vector<16xi32>
    %and3A_1625 = arith.andi %ne3A_1619, %ne3A_1624 : vector<16xi1>
    %sub3A_1626 = arith.constant 1 : i32
    %sub3A_1627 = vector.broadcast %sub3A_1626 : i32 to vector<16xi32>
    %sub3A_1628 = arith.subi %div3A_1601, %sub3A_1627 : vector<16xi32>
    %select_n3A_1629 = arith.select %and3A_1625, %sub3A_1628, %div3A_1601 : vector<16xi1>, vector<16xi32>
    %mul3A_1630 = arith.constant 25 : i32
    %mul3A_1631 = vector.broadcast %mul3A_1630 : i32 to vector<16xi32>
    %mul3A_1632 = arith.muli %select_n3A_1629, %mul3A_1631 : vector<16xi32>
    %sub3A_1633 = arith.subi %min3A_1598, %mul3A_1632 : vector<16xi32>
    %mul3A_1634 = arith.constant 25 : i32
    %mul3A_1635 = arith.muli %add3A, %mul3A_1634 : i32
    %add3A_1636 = vector.broadcast %mul3A_1635 : i32 to vector<16xi32>
    %add3A_1637 = arith.addi %add3A_1636, %select_n3A_1629 : vector<16xi32>
    %mul3A_1638 = arith.constant 50 : i32
    %mul3A_1639 = vector.broadcast %mul3A_1638 : i32 to vector<16xi32>
    %mul3A_1640 = arith.muli %add3A_1637, %mul3A_1639 : vector<16xi32>
    %mul3A_1641 = arith.constant 2 : i32
    %mul3A_1642 = vector.broadcast %mul3A_1641 : i32 to vector<16xi32>
    %mul3A_1643 = arith.muli %mul3A_1642, %sub3A_1633 : vector<16xi32>
    %add3A_1644 = arith.addi %mul3A_1640, %mul3A_1643 : vector<16xi32>
    %gather3A_1645 = tpu.vector_load_idx %arg7[%add3A_1644] : memref<40000xf32, #tpu.memory_space<vmem>>[vector<16xi32>], vector<16xf32>,
    %mul3A_1646 = arith.constant 25 : i32
    %mul3A_1647 = arith.muli %add3A, %mul3A_1646 : i32
    %add3A_1648 = vector.broadcast %mul3A_1647 : i32 to vector<16xi32>
    %add3A_1649 = arith.addi %add3A_1648, %select_n3A_1629 : vector<16xi32>
    %mul3A_1650 = arith.constant 50 : i32
    %mul3A_1651 = vector.broadcast %mul3A_1650 : i32 to vector<16xi32>
    %mul3A_1652 = arith.muli %add3A_1649, %mul3A_1651 : vector<16xi32>
    %mul3A_1653 = arith.constant 2 : i32
    %mul3A_1654 = vector.broadcast %mul3A_1653 : i32 to vector<16xi32>
    %mul3A_1655 = arith.muli %mul3A_1654, %sub3A_1633 : vector<16xi32>
    %add3A_1656 = arith.addi %mul3A_1652, %mul3A_1655 : vector<16xi32>
    %add3A_1657 = arith.constant 1 : i32
    %add3A_1658 = vector.broadcast %add3A_1657 : i32 to vector<16xi32>
    %add3A_1659 = arith.addi %add3A_1656, %add3A_1658 : vector<16xi32>
    %gather3A_1660 = tpu.vector_load_idx %arg7[%add3A_1659] : memref<40000xf32, #tpu.memory_space<vmem>>[vector<16xi32>], vector<16xf32>,
    %mul3A_1661 = arith.constant 25 : i32
    %mul3A_1662 = arith.muli %add3A, %mul3A_1661 : i32
    %add3A_1663 = vector.broadcast %mul3A_1662 : i32 to vector<16xi32>
    %add3A_1664 = arith.addi %add3A_1663, %select_n3A_1629 : vector<16xi32>
    %mul3A_1665 = arith.constant 2 : i32
    %mul3A_1666 = vector.broadcast %mul3A_1665 : i32 to vector<16xi32>
    %mul3A_1667 = arith.muli %add3A_1664, %mul3A_1666 : vector<16xi32>
    %gather3A_1668 = tpu.vector_load_idx %arg8[%mul3A_1667] : memref<1600xf32, #tpu.memory_space<vmem>>[vector<16xi32>], vector<16xf32>,
    %add3A_1669 = arith.constant 1 : i32
    %add3A_1670 = vector.broadcast %add3A_1669 : i32 to vector<16xi32>
    %add3A_1671 = arith.addi %mul3A_1667, %add3A_1670 : vector<16xi32>
    %gather3A_1672 = tpu.vector_load_idx %arg8[%add3A_1671] : memref<1600xf32, #tpu.memory_space<vmem>>[vector<16xi32>], vector<16xf32>,
    %gather3A_1673 = tpu.vector_load_idx %arg9[%mul3A_1667] : memref<1600xf32, #tpu.memory_space<vmem>>[vector<16xi32>], vector<16xf32>,
    %add3A_1674 = arith.constant 1 : i32
    %add3A_1675 = vector.broadcast %add3A_1674 : i32 to vector<16xi32>
    %add3A_1676 = arith.addi %mul3A_1667, %add3A_1675 : vector<16xi32>
    %gather3A_1677 = tpu.vector_load_idx %arg9[%add3A_1676] : memref<1600xf32, #tpu.memory_space<vmem>>[vector<16xi32>], vector<16xf32>,
    %div3A_1678 = arith.divf %gather3A_1660, %gather3A_1668 : vector<16xf32>
    %add3A_1679 = arith.addf %div3A_1678, %gather3A_1673 : vector<16xf32>
    %convert_element_type3A_1680 = arith.fptosi %add3A_1679 : vector<16xf32> to vector<16xi32>
    %jit3A_1681 = arith.constant 0 : i32
    %jit3A_1682 = arith.constant 63 : i32
    %max3A_1683 = vector.broadcast %jit3A_1681 : i32 to vector<16xi32>
    %max3A_1684 = arith.maxsi %max3A_1683, %convert_element_type3A_1680 : vector<16xi32>
    %min3A_1685 = vector.broadcast %jit3A_1682 : i32 to vector<16xi32>
    %min3A_1686 = arith.minsi %min3A_1685, %max3A_1684 : vector<16xi32>
    %div3A_1687 = arith.divf %gather3A_1645, %gather3A_1672 : vector<16xf32>
    %add3A_1688 = arith.addf %div3A_1687, %gather3A_1677 : vector<16xf32>
    %convert_element_type3A_1689 = arith.fptosi %add3A_1688 : vector<16xf32> to vector<16xi32>
    %jit3A_1690 = arith.constant 0 : i32
    %jit3A_1691 = arith.constant 63 : i32
    %max3A_1692 = vector.broadcast %jit3A_1690 : i32 to vector<16xi32>
    %max3A_1693 = arith.maxsi %max3A_1692, %convert_element_type3A_1689 : vector<16xi32>
    %min3A_1694 = vector.broadcast %jit3A_1691 : i32 to vector<16xi32>
    %min3A_1695 = arith.minsi %min3A_1694, %max3A_1693 : vector<16xi32>
    %swap3A_1696 = arith.constant 240 : index
    %swap3A_1697 = tpu.vector_load %arg11[%swap3A_1696] {strides = array<i32>} : memref<640xi32, #tpu.memory_space<vmem>>, vector<16xi32>,
    tpu.vector_store %arg11[%swap3A_1696], %min3A_1686 {strides = array<i32>} : memref<640xi32, #tpu.memory_space<vmem>>, vector<16xi32>,
    %swap3A_1698 = arith.constant 240 : index
    %swap3A_1699 = tpu.vector_load %arg12[%swap3A_1698] {strides = array<i32>} : memref<640xi32, #tpu.memory_space<vmem>>, vector<16xi32>,
    tpu.vector_store %arg12[%swap3A_1698], %min3A_1695 {strides = array<i32>} : memref<640xi32, #tpu.memory_space<vmem>>, vector<16xi32>,
    %add3A_1700 = arith.constant 256 : i32
    %add3A_1701 = vector.broadcast %add3A_1700 : i32 to vector<16xi32>
    %add3A_1702 = arith.addi %iota3A, %add3A_1701 : vector<16xi32>
    %min3A_1703 = arith.constant 624 : i32
    %min3A_1704 = vector.broadcast %min3A_1703 : i32 to vector<16xi32>
    %min3A_1705 = arith.minsi %add3A_1702, %min3A_1704 : vector<16xi32>
    %jit3A_1706 = arith.constant 25 : i32
    %div3A_1707 = vector.broadcast %jit3A_1706 : i32 to vector<16xi32>
    %div3A_1708 = arith.divsi %min3A_1705, %div3A_1707 : vector<16xi32>
    %sign3A_1709 = arith.constant 0 : i32
    %sign3A_1710 = vector.broadcast %sign3A_1709 : i32 to vector<16xi32>
    %sign3A_1711 = arith.cmpi sgt, %min3A_1705, %sign3A_1710 : vector<16xi32>
    %sign3A_1712 = arith.extui %sign3A_1711 : vector<16xi1> to vector<16xi32>
    %sign3A_1713 = arith.constant 0 : i32
    %sign3A_1714 = vector.broadcast %sign3A_1713 : i32 to vector<16xi32>
    %sign3A_1715 = arith.cmpi slt, %min3A_1705, %sign3A_1714 : vector<16xi32>
    %sign3A_1716 = arith.extui %sign3A_1715 : vector<16xi1> to vector<16xi32>
    %sign3A_1717 = arith.subi %sign3A_1712, %sign3A_1716 : vector<16xi32>
    %sign3A_1718 = arith.constant 0 : i32
    %sign3A_1719 = arith.cmpi sgt, %jit3A_1706, %sign3A_1718 : i32
    %sign3A_1720 = arith.extui %sign3A_1719 : i1 to i32
    %sign3A_1721 = arith.constant 0 : i32
    %sign3A_1722 = arith.cmpi slt, %jit3A_1706, %sign3A_1721 : i32
    %sign3A_1723 = arith.extui %sign3A_1722 : i1 to i32
    %sign3A_1724 = arith.subi %sign3A_1720, %sign3A_1723 : i32
    %ne3A_1725 = vector.broadcast %sign3A_1724 : i32 to vector<16xi32>
    %ne3A_1726 = arith.cmpi ne, %sign3A_1717, %ne3A_1725 : vector<16xi32>
    %rem3A_1727 = vector.broadcast %jit3A_1706 : i32 to vector<16xi32>
    %rem3A_1728 = arith.remsi %min3A_1705, %rem3A_1727 : vector<16xi32>
    %ne3A_1729 = arith.constant 0 : i32
    %ne3A_1730 = vector.broadcast %ne3A_1729 : i32 to vector<16xi32>
    %ne3A_1731 = arith.cmpi ne, %rem3A_1728, %ne3A_1730 : vector<16xi32>
    %and3A_1732 = arith.andi %ne3A_1726, %ne3A_1731 : vector<16xi1>
    %sub3A_1733 = arith.constant 1 : i32
    %sub3A_1734 = vector.broadcast %sub3A_1733 : i32 to vector<16xi32>
    %sub3A_1735 = arith.subi %div3A_1708, %sub3A_1734 : vector<16xi32>
    %select_n3A_1736 = arith.select %and3A_1732, %sub3A_1735, %div3A_1708 : vector<16xi1>, vector<16xi32>
    %mul3A_1737 = arith.constant 25 : i32
    %mul3A_1738 = vector.broadcast %mul3A_1737 : i32 to vector<16xi32>
    %mul3A_1739 = arith.muli %select_n3A_1736, %mul3A_1738 : vector<16xi32>
    %sub3A_1740 = arith.subi %min3A_1705, %mul3A_1739 : vector<16xi32>
    %mul3A_1741 = arith.constant 25 : i32
    %mul3A_1742 = arith.muli %add3A, %mul3A_1741 : i32
    %add3A_1743 = vector.broadcast %mul3A_1742 : i32 to vector<16xi32>
    %add3A_1744 = arith.addi %add3A_1743, %select_n3A_1736 : vector<16xi32>
    %mul3A_1745 = arith.constant 50 : i32
    %mul3A_1746 = vector.broadcast %mul3A_1745 : i32 to vector<16xi32>
    %mul3A_1747 = arith.muli %add3A_1744, %mul3A_1746 : vector<16xi32>
    %mul3A_1748 = arith.constant 2 : i32
    %mul3A_1749 = vector.broadcast %mul3A_1748 : i32 to vector<16xi32>
    %mul3A_1750 = arith.muli %mul3A_1749, %sub3A_1740 : vector<16xi32>
    %add3A_1751 = arith.addi %mul3A_1747, %mul3A_1750 : vector<16xi32>
    %gather3A_1752 = tpu.vector_load_idx %arg7[%add3A_1751] : memref<40000xf32, #tpu.memory_space<vmem>>[vector<16xi32>], vector<16xf32>,
    %mul3A_1753 = arith.constant 25 : i32
    %mul3A_1754 = arith.muli %add3A, %mul3A_1753 : i32
    %add3A_1755 = vector.broadcast %mul3A_1754 : i32 to vector<16xi32>
    %add3A_1756 = arith.addi %add3A_1755, %select_n3A_1736 : vector<16xi32>
    %mul3A_1757 = arith.constant 50 : i32
    %mul3A_1758 = vector.broadcast %mul3A_1757 : i32 to vector<16xi32>
    %mul3A_1759 = arith.muli %add3A_1756, %mul3A_1758 : vector<16xi32>
    %mul3A_1760 = arith.constant 2 : i32
    %mul3A_1761 = vector.broadcast %mul3A_1760 : i32 to vector<16xi32>
    %mul3A_1762 = arith.muli %mul3A_1761, %sub3A_1740 : vector<16xi32>
    %add3A_1763 = arith.addi %mul3A_1759, %mul3A_1762 : vector<16xi32>
    %add3A_1764 = arith.constant 1 : i32
    %add3A_1765 = vector.broadcast %add3A_1764 : i32 to vector<16xi32>
    %add3A_1766 = arith.addi %add3A_1763, %add3A_1765 : vector<16xi32>
    %gather3A_1767 = tpu.vector_load_idx %arg7[%add3A_1766] : memref<40000xf32, #tpu.memory_space<vmem>>[vector<16xi32>], vector<16xf32>,
    %mul3A_1768 = arith.constant 25 : i32
    %mul3A_1769 = arith.muli %add3A, %mul3A_1768 : i32
    %add3A_1770 = vector.broadcast %mul3A_1769 : i32 to vector<16xi32>
    %add3A_1771 = arith.addi %add3A_1770, %select_n3A_1736 : vector<16xi32>
    %mul3A_1772 = arith.constant 2 : i32
    %mul3A_1773 = vector.broadcast %mul3A_1772 : i32 to vector<16xi32>
    %mul3A_1774 = arith.muli %add3A_1771, %mul3A_1773 : vector<16xi32>
    %gather3A_1775 = tpu.vector_load_idx %arg8[%mul3A_1774] : memref<1600xf32, #tpu.memory_space<vmem>>[vector<16xi32>], vector<16xf32>,
    %add3A_1776 = arith.constant 1 : i32
    %add3A_1777 = vector.broadcast %add3A_1776 : i32 to vector<16xi32>
    %add3A_1778 = arith.addi %mul3A_1774, %add3A_1777 : vector<16xi32>
    %gather3A_1779 = tpu.vector_load_idx %arg8[%add3A_1778] : memref<1600xf32, #tpu.memory_space<vmem>>[vector<16xi32>], vector<16xf32>,
    %gather3A_1780 = tpu.vector_load_idx %arg9[%mul3A_1774] : memref<1600xf32, #tpu.memory_space<vmem>>[vector<16xi32>], vector<16xf32>,
    %add3A_1781 = arith.constant 1 : i32
    %add3A_1782 = vector.broadcast %add3A_1781 : i32 to vector<16xi32>
    %add3A_1783 = arith.addi %mul3A_1774, %add3A_1782 : vector<16xi32>
    %gather3A_1784 = tpu.vector_load_idx %arg9[%add3A_1783] : memref<1600xf32, #tpu.memory_space<vmem>>[vector<16xi32>], vector<16xf32>,
    %div3A_1785 = arith.divf %gather3A_1767, %gather3A_1775 : vector<16xf32>
    %add3A_1786 = arith.addf %div3A_1785, %gather3A_1780 : vector<16xf32>
    %convert_element_type3A_1787 = arith.fptosi %add3A_1786 : vector<16xf32> to vector<16xi32>
    %jit3A_1788 = arith.constant 0 : i32
    %jit3A_1789 = arith.constant 63 : i32
    %max3A_1790 = vector.broadcast %jit3A_1788 : i32 to vector<16xi32>
    %max3A_1791 = arith.maxsi %max3A_1790, %convert_element_type3A_1787 : vector<16xi32>
    %min3A_1792 = vector.broadcast %jit3A_1789 : i32 to vector<16xi32>
    %min3A_1793 = arith.minsi %min3A_1792, %max3A_1791 : vector<16xi32>
    %div3A_1794 = arith.divf %gather3A_1752, %gather3A_1779 : vector<16xf32>
    %add3A_1795 = arith.addf %div3A_1794, %gather3A_1784 : vector<16xf32>
    %convert_element_type3A_1796 = arith.fptosi %add3A_1795 : vector<16xf32> to vector<16xi32>
    %jit3A_1797 = arith.constant 0 : i32
    %jit3A_1798 = arith.constant 63 : i32
    %max3A_1799 = vector.broadcast %jit3A_1797 : i32 to vector<16xi32>
    %max3A_1800 = arith.maxsi %max3A_1799, %convert_element_type3A_1796 : vector<16xi32>
    %min3A_1801 = vector.broadcast %jit3A_1798 : i32 to vector<16xi32>
    %min3A_1802 = arith.minsi %min3A_1801, %max3A_1800 : vector<16xi32>
    %swap3A_1803 = arith.constant 256 : index
    %swap3A_1804 = tpu.vector_load %arg11[%swap3A_1803] {strides = array<i32>} : memref<640xi32, #tpu.memory_space<vmem>>, vector<16xi32>,
    tpu.vector_store %arg11[%swap3A_1803], %min3A_1793 {strides = array<i32>} : memref<640xi32, #tpu.memory_space<vmem>>, vector<16xi32>,
    %swap3A_1805 = arith.constant 256 : index
    %swap3A_1806 = tpu.vector_load %arg12[%swap3A_1805] {strides = array<i32>} : memref<640xi32, #tpu.memory_space<vmem>>, vector<16xi32>,
    tpu.vector_store %arg12[%swap3A_1805], %min3A_1802 {strides = array<i32>} : memref<640xi32, #tpu.memory_space<vmem>>, vector<16xi32>,
    %add3A_1807 = arith.constant 272 : i32
    %add3A_1808 = vector.broadcast %add3A_1807 : i32 to vector<16xi32>
    %add3A_1809 = arith.addi %iota3A, %add3A_1808 : vector<16xi32>
    %min3A_1810 = arith.constant 624 : i32
    %min3A_1811 = vector.broadcast %min3A_1810 : i32 to vector<16xi32>
    %min3A_1812 = arith.minsi %add3A_1809, %min3A_1811 : vector<16xi32>
    %jit3A_1813 = arith.constant 25 : i32
    %div3A_1814 = vector.broadcast %jit3A_1813 : i32 to vector<16xi32>
    %div3A_1815 = arith.divsi %min3A_1812, %div3A_1814 : vector<16xi32>
    %sign3A_1816 = arith.constant 0 : i32
    %sign3A_1817 = vector.broadcast %sign3A_1816 : i32 to vector<16xi32>
    %sign3A_1818 = arith.cmpi sgt, %min3A_1812, %sign3A_1817 : vector<16xi32>
    %sign3A_1819 = arith.extui %sign3A_1818 : vector<16xi1> to vector<16xi32>
    %sign3A_1820 = arith.constant 0 : i32
    %sign3A_1821 = vector.broadcast %sign3A_1820 : i32 to vector<16xi32>
    %sign3A_1822 = arith.cmpi slt, %min3A_1812, %sign3A_1821 : vector<16xi32>
    %sign3A_1823 = arith.extui %sign3A_1822 : vector<16xi1> to vector<16xi32>
    %sign3A_1824 = arith.subi %sign3A_1819, %sign3A_1823 : vector<16xi32>
    %sign3A_1825 = arith.constant 0 : i32
    %sign3A_1826 = arith.cmpi sgt, %jit3A_1813, %sign3A_1825 : i32
    %sign3A_1827 = arith.extui %sign3A_1826 : i1 to i32
    %sign3A_1828 = arith.constant 0 : i32
    %sign3A_1829 = arith.cmpi slt, %jit3A_1813, %sign3A_1828 : i32
    %sign3A_1830 = arith.extui %sign3A_1829 : i1 to i32
    %sign3A_1831 = arith.subi %sign3A_1827, %sign3A_1830 : i32
    %ne3A_1832 = vector.broadcast %sign3A_1831 : i32 to vector<16xi32>
    %ne3A_1833 = arith.cmpi ne, %sign3A_1824, %ne3A_1832 : vector<16xi32>
    %rem3A_1834 = vector.broadcast %jit3A_1813 : i32 to vector<16xi32>
    %rem3A_1835 = arith.remsi %min3A_1812, %rem3A_1834 : vector<16xi32>
    %ne3A_1836 = arith.constant 0 : i32
    %ne3A_1837 = vector.broadcast %ne3A_1836 : i32 to vector<16xi32>
    %ne3A_1838 = arith.cmpi ne, %rem3A_1835, %ne3A_1837 : vector<16xi32>
    %and3A_1839 = arith.andi %ne3A_1833, %ne3A_1838 : vector<16xi1>
    %sub3A_1840 = arith.constant 1 : i32
    %sub3A_1841 = vector.broadcast %sub3A_1840 : i32 to vector<16xi32>
    %sub3A_1842 = arith.subi %div3A_1815, %sub3A_1841 : vector<16xi32>
    %select_n3A_1843 = arith.select %and3A_1839, %sub3A_1842, %div3A_1815 : vector<16xi1>, vector<16xi32>
    %mul3A_1844 = arith.constant 25 : i32
    %mul3A_1845 = vector.broadcast %mul3A_1844 : i32 to vector<16xi32>
    %mul3A_1846 = arith.muli %select_n3A_1843, %mul3A_1845 : vector<16xi32>
    %sub3A_1847 = arith.subi %min3A_1812, %mul3A_1846 : vector<16xi32>
    %mul3A_1848 = arith.constant 25 : i32
    %mul3A_1849 = arith.muli %add3A, %mul3A_1848 : i32
    %add3A_1850 = vector.broadcast %mul3A_1849 : i32 to vector<16xi32>
    %add3A_1851 = arith.addi %add3A_1850, %select_n3A_1843 : vector<16xi32>
    %mul3A_1852 = arith.constant 50 : i32
    %mul3A_1853 = vector.broadcast %mul3A_1852 : i32 to vector<16xi32>
    %mul3A_1854 = arith.muli %add3A_1851, %mul3A_1853 : vector<16xi32>
    %mul3A_1855 = arith.constant 2 : i32
    %mul3A_1856 = vector.broadcast %mul3A_1855 : i32 to vector<16xi32>
    %mul3A_1857 = arith.muli %mul3A_1856, %sub3A_1847 : vector<16xi32>
    %add3A_1858 = arith.addi %mul3A_1854, %mul3A_1857 : vector<16xi32>
    %gather3A_1859 = tpu.vector_load_idx %arg7[%add3A_1858] : memref<40000xf32, #tpu.memory_space<vmem>>[vector<16xi32>], vector<16xf32>,
    %mul3A_1860 = arith.constant 25 : i32
    %mul3A_1861 = arith.muli %add3A, %mul3A_1860 : i32
    %add3A_1862 = vector.broadcast %mul3A_1861 : i32 to vector<16xi32>
    %add3A_1863 = arith.addi %add3A_1862, %select_n3A_1843 : vector<16xi32>
    %mul3A_1864 = arith.constant 50 : i32
    %mul3A_1865 = vector.broadcast %mul3A_1864 : i32 to vector<16xi32>
    %mul3A_1866 = arith.muli %add3A_1863, %mul3A_1865 : vector<16xi32>
    %mul3A_1867 = arith.constant 2 : i32
    %mul3A_1868 = vector.broadcast %mul3A_1867 : i32 to vector<16xi32>
    %mul3A_1869 = arith.muli %mul3A_1868, %sub3A_1847 : vector<16xi32>
    %add3A_1870 = arith.addi %mul3A_1866, %mul3A_1869 : vector<16xi32>
    %add3A_1871 = arith.constant 1 : i32
    %add3A_1872 = vector.broadcast %add3A_1871 : i32 to vector<16xi32>
    %add3A_1873 = arith.addi %add3A_1870, %add3A_1872 : vector<16xi32>
    %gather3A_1874 = tpu.vector_load_idx %arg7[%add3A_1873] : memref<40000xf32, #tpu.memory_space<vmem>>[vector<16xi32>], vector<16xf32>,
    %mul3A_1875 = arith.constant 25 : i32
    %mul3A_1876 = arith.muli %add3A, %mul3A_1875 : i32
    %add3A_1877 = vector.broadcast %mul3A_1876 : i32 to vector<16xi32>
    %add3A_1878 = arith.addi %add3A_1877, %select_n3A_1843 : vector<16xi32>
    %mul3A_1879 = arith.constant 2 : i32
    %mul3A_1880 = vector.broadcast %mul3A_1879 : i32 to vector<16xi32>
    %mul3A_1881 = arith.muli %add3A_1878, %mul3A_1880 : vector<16xi32>
    %gather3A_1882 = tpu.vector_load_idx %arg8[%mul3A_1881] : memref<1600xf32, #tpu.memory_space<vmem>>[vector<16xi32>], vector<16xf32>,
    %add3A_1883 = arith.constant 1 : i32
    %add3A_1884 = vector.broadcast %add3A_1883 : i32 to vector<16xi32>
    %add3A_1885 = arith.addi %mul3A_1881, %add3A_1884 : vector<16xi32>
    %gather3A_1886 = tpu.vector_load_idx %arg8[%add3A_1885] : memref<1600xf32, #tpu.memory_space<vmem>>[vector<16xi32>], vector<16xf32>,
    %gather3A_1887 = tpu.vector_load_idx %arg9[%mul3A_1881] : memref<1600xf32, #tpu.memory_space<vmem>>[vector<16xi32>], vector<16xf32>,
    %add3A_1888 = arith.constant 1 : i32
    %add3A_1889 = vector.broadcast %add3A_1888 : i32 to vector<16xi32>
    %add3A_1890 = arith.addi %mul3A_1881, %add3A_1889 : vector<16xi32>
    %gather3A_1891 = tpu.vector_load_idx %arg9[%add3A_1890] : memref<1600xf32, #tpu.memory_space<vmem>>[vector<16xi32>], vector<16xf32>,
    %div3A_1892 = arith.divf %gather3A_1874, %gather3A_1882 : vector<16xf32>
    %add3A_1893 = arith.addf %div3A_1892, %gather3A_1887 : vector<16xf32>
    %convert_element_type3A_1894 = arith.fptosi %add3A_1893 : vector<16xf32> to vector<16xi32>
    %jit3A_1895 = arith.constant 0 : i32
    %jit3A_1896 = arith.constant 63 : i32
    %max3A_1897 = vector.broadcast %jit3A_1895 : i32 to vector<16xi32>
    %max3A_1898 = arith.maxsi %max3A_1897, %convert_element_type3A_1894 : vector<16xi32>
    %min3A_1899 = vector.broadcast %jit3A_1896 : i32 to vector<16xi32>
    %min3A_1900 = arith.minsi %min3A_1899, %max3A_1898 : vector<16xi32>
    %div3A_1901 = arith.divf %gather3A_1859, %gather3A_1886 : vector<16xf32>
    %add3A_1902 = arith.addf %div3A_1901, %gather3A_1891 : vector<16xf32>
    %convert_element_type3A_1903 = arith.fptosi %add3A_1902 : vector<16xf32> to vector<16xi32>
    %jit3A_1904 = arith.constant 0 : i32
    %jit3A_1905 = arith.constant 63 : i32
    %max3A_1906 = vector.broadcast %jit3A_1904 : i32 to vector<16xi32>
    %max3A_1907 = arith.maxsi %max3A_1906, %convert_element_type3A_1903 : vector<16xi32>
    %min3A_1908 = vector.broadcast %jit3A_1905 : i32 to vector<16xi32>
    %min3A_1909 = arith.minsi %min3A_1908, %max3A_1907 : vector<16xi32>
    %swap3A_1910 = arith.constant 272 : index
    %swap3A_1911 = tpu.vector_load %arg11[%swap3A_1910] {strides = array<i32>} : memref<640xi32, #tpu.memory_space<vmem>>, vector<16xi32>,
    tpu.vector_store %arg11[%swap3A_1910], %min3A_1900 {strides = array<i32>} : memref<640xi32, #tpu.memory_space<vmem>>, vector<16xi32>,
    %swap3A_1912 = arith.constant 272 : index
    %swap3A_1913 = tpu.vector_load %arg12[%swap3A_1912] {strides = array<i32>} : memref<640xi32, #tpu.memory_space<vmem>>, vector<16xi32>,
    tpu.vector_store %arg12[%swap3A_1912], %min3A_1909 {strides = array<i32>} : memref<640xi32, #tpu.memory_space<vmem>>, vector<16xi32>,
    %add3A_1914 = arith.constant 288 : i32
    %add3A_1915 = vector.broadcast %add3A_1914 : i32 to vector<16xi32>
    %add3A_1916 = arith.addi %iota3A, %add3A_1915 : vector<16xi32>
    %min3A_1917 = arith.constant 624 : i32
    %min3A_1918 = vector.broadcast %min3A_1917 : i32 to vector<16xi32>
    %min3A_1919 = arith.minsi %add3A_1916, %min3A_1918 : vector<16xi32>
    %jit3A_1920 = arith.constant 25 : i32
    %div3A_1921 = vector.broadcast %jit3A_1920 : i32 to vector<16xi32>
    %div3A_1922 = arith.divsi %min3A_1919, %div3A_1921 : vector<16xi32>
    %sign3A_1923 = arith.constant 0 : i32
    %sign3A_1924 = vector.broadcast %sign3A_1923 : i32 to vector<16xi32>
    %sign3A_1925 = arith.cmpi sgt, %min3A_1919, %sign3A_1924 : vector<16xi32>
    %sign3A_1926 = arith.extui %sign3A_1925 : vector<16xi1> to vector<16xi32>
    %sign3A_1927 = arith.constant 0 : i32
    %sign3A_1928 = vector.broadcast %sign3A_1927 : i32 to vector<16xi32>
    %sign3A_1929 = arith.cmpi slt, %min3A_1919, %sign3A_1928 : vector<16xi32>
    %sign3A_1930 = arith.extui %sign3A_1929 : vector<16xi1> to vector<16xi32>
    %sign3A_1931 = arith.subi %sign3A_1926, %sign3A_1930 : vector<16xi32>
    %sign3A_1932 = arith.constant 0 : i32
    %sign3A_1933 = arith.cmpi sgt, %jit3A_1920, %sign3A_1932 : i32
    %sign3A_1934 = arith.extui %sign3A_1933 : i1 to i32
    %sign3A_1935 = arith.constant 0 : i32
    %sign3A_1936 = arith.cmpi slt, %jit3A_1920, %sign3A_1935 : i32
    %sign3A_1937 = arith.extui %sign3A_1936 : i1 to i32
    %sign3A_1938 = arith.subi %sign3A_1934, %sign3A_1937 : i32
    %ne3A_1939 = vector.broadcast %sign3A_1938 : i32 to vector<16xi32>
    %ne3A_1940 = arith.cmpi ne, %sign3A_1931, %ne3A_1939 : vector<16xi32>
    %rem3A_1941 = vector.broadcast %jit3A_1920 : i32 to vector<16xi32>
    %rem3A_1942 = arith.remsi %min3A_1919, %rem3A_1941 : vector<16xi32>
    %ne3A_1943 = arith.constant 0 : i32
    %ne3A_1944 = vector.broadcast %ne3A_1943 : i32 to vector<16xi32>
    %ne3A_1945 = arith.cmpi ne, %rem3A_1942, %ne3A_1944 : vector<16xi32>
    %and3A_1946 = arith.andi %ne3A_1940, %ne3A_1945 : vector<16xi1>
    %sub3A_1947 = arith.constant 1 : i32
    %sub3A_1948 = vector.broadcast %sub3A_1947 : i32 to vector<16xi32>
    %sub3A_1949 = arith.subi %div3A_1922, %sub3A_1948 : vector<16xi32>
    %select_n3A_1950 = arith.select %and3A_1946, %sub3A_1949, %div3A_1922 : vector<16xi1>, vector<16xi32>
    %mul3A_1951 = arith.constant 25 : i32
    %mul3A_1952 = vector.broadcast %mul3A_1951 : i32 to vector<16xi32>
    %mul3A_1953 = arith.muli %select_n3A_1950, %mul3A_1952 : vector<16xi32>
    %sub3A_1954 = arith.subi %min3A_1919, %mul3A_1953 : vector<16xi32>
    %mul3A_1955 = arith.constant 25 : i32
    %mul3A_1956 = arith.muli %add3A, %mul3A_1955 : i32
    %add3A_1957 = vector.broadcast %mul3A_1956 : i32 to vector<16xi32>
    %add3A_1958 = arith.addi %add3A_1957, %select_n3A_1950 : vector<16xi32>
    %mul3A_1959 = arith.constant 50 : i32
    %mul3A_1960 = vector.broadcast %mul3A_1959 : i32 to vector<16xi32>
    %mul3A_1961 = arith.muli %add3A_1958, %mul3A_1960 : vector<16xi32>
    %mul3A_1962 = arith.constant 2 : i32
    %mul3A_1963 = vector.broadcast %mul3A_1962 : i32 to vector<16xi32>
    %mul3A_1964 = arith.muli %mul3A_1963, %sub3A_1954 : vector<16xi32>
    %add3A_1965 = arith.addi %mul3A_1961, %mul3A_1964 : vector<16xi32>
    %gather3A_1966 = tpu.vector_load_idx %arg7[%add3A_1965] : memref<40000xf32, #tpu.memory_space<vmem>>[vector<16xi32>], vector<16xf32>,
    %mul3A_1967 = arith.constant 25 : i32
    %mul3A_1968 = arith.muli %add3A, %mul3A_1967 : i32
    %add3A_1969 = vector.broadcast %mul3A_1968 : i32 to vector<16xi32>
    %add3A_1970 = arith.addi %add3A_1969, %select_n3A_1950 : vector<16xi32>
    %mul3A_1971 = arith.constant 50 : i32
    %mul3A_1972 = vector.broadcast %mul3A_1971 : i32 to vector<16xi32>
    %mul3A_1973 = arith.muli %add3A_1970, %mul3A_1972 : vector<16xi32>
    %mul3A_1974 = arith.constant 2 : i32
    %mul3A_1975 = vector.broadcast %mul3A_1974 : i32 to vector<16xi32>
    %mul3A_1976 = arith.muli %mul3A_1975, %sub3A_1954 : vector<16xi32>
    %add3A_1977 = arith.addi %mul3A_1973, %mul3A_1976 : vector<16xi32>
    %add3A_1978 = arith.constant 1 : i32
    %add3A_1979 = vector.broadcast %add3A_1978 : i32 to vector<16xi32>
    %add3A_1980 = arith.addi %add3A_1977, %add3A_1979 : vector<16xi32>
    %gather3A_1981 = tpu.vector_load_idx %arg7[%add3A_1980] : memref<40000xf32, #tpu.memory_space<vmem>>[vector<16xi32>], vector<16xf32>,
    %mul3A_1982 = arith.constant 25 : i32
    %mul3A_1983 = arith.muli %add3A, %mul3A_1982 : i32
    %add3A_1984 = vector.broadcast %mul3A_1983 : i32 to vector<16xi32>
    %add3A_1985 = arith.addi %add3A_1984, %select_n3A_1950 : vector<16xi32>
    %mul3A_1986 = arith.constant 2 : i32
    %mul3A_1987 = vector.broadcast %mul3A_1986 : i32 to vector<16xi32>
    %mul3A_1988 = arith.muli %add3A_1985, %mul3A_1987 : vector<16xi32>
    %gather3A_1989 = tpu.vector_load_idx %arg8[%mul3A_1988] : memref<1600xf32, #tpu.memory_space<vmem>>[vector<16xi32>], vector<16xf32>,
    %add3A_1990 = arith.constant 1 : i32
    %add3A_1991 = vector.broadcast %add3A_1990 : i32 to vector<16xi32>
    %add3A_1992 = arith.addi %mul3A_1988, %add3A_1991 : vector<16xi32>
    %gather3A_1993 = tpu.vector_load_idx %arg8[%add3A_1992] : memref<1600xf32, #tpu.memory_space<vmem>>[vector<16xi32>], vector<16xf32>,
    %gather3A_1994 = tpu.vector_load_idx %arg9[%mul3A_1988] : memref<1600xf32, #tpu.memory_space<vmem>>[vector<16xi32>], vector<16xf32>,
    %add3A_1995 = arith.constant 1 : i32
    %add3A_1996 = vector.broadcast %add3A_1995 : i32 to vector<16xi32>
    %add3A_1997 = arith.addi %mul3A_1988, %add3A_1996 : vector<16xi32>
    %gather3A_1998 = tpu.vector_load_idx %arg9[%add3A_1997] : memref<1600xf32, #tpu.memory_space<vmem>>[vector<16xi32>], vector<16xf32>,
    %div3A_1999 = arith.divf %gather3A_1981, %gather3A_1989 : vector<16xf32>
    %add3A_2000 = arith.addf %div3A_1999, %gather3A_1994 : vector<16xf32>
    %convert_element_type3A_2001 = arith.fptosi %add3A_2000 : vector<16xf32> to vector<16xi32>
    %jit3A_2002 = arith.constant 0 : i32
    %jit3A_2003 = arith.constant 63 : i32
    %max3A_2004 = vector.broadcast %jit3A_2002 : i32 to vector<16xi32>
    %max3A_2005 = arith.maxsi %max3A_2004, %convert_element_type3A_2001 : vector<16xi32>
    %min3A_2006 = vector.broadcast %jit3A_2003 : i32 to vector<16xi32>
    %min3A_2007 = arith.minsi %min3A_2006, %max3A_2005 : vector<16xi32>
    %div3A_2008 = arith.divf %gather3A_1966, %gather3A_1993 : vector<16xf32>
    %add3A_2009 = arith.addf %div3A_2008, %gather3A_1998 : vector<16xf32>
    %convert_element_type3A_2010 = arith.fptosi %add3A_2009 : vector<16xf32> to vector<16xi32>
    %jit3A_2011 = arith.constant 0 : i32
    %jit3A_2012 = arith.constant 63 : i32
    %max3A_2013 = vector.broadcast %jit3A_2011 : i32 to vector<16xi32>
    %max3A_2014 = arith.maxsi %max3A_2013, %convert_element_type3A_2010 : vector<16xi32>
    %min3A_2015 = vector.broadcast %jit3A_2012 : i32 to vector<16xi32>
    %min3A_2016 = arith.minsi %min3A_2015, %max3A_2014 : vector<16xi32>
    %swap3A_2017 = arith.constant 288 : index
    %swap3A_2018 = tpu.vector_load %arg11[%swap3A_2017] {strides = array<i32>} : memref<640xi32, #tpu.memory_space<vmem>>, vector<16xi32>,
    tpu.vector_store %arg11[%swap3A_2017], %min3A_2007 {strides = array<i32>} : memref<640xi32, #tpu.memory_space<vmem>>, vector<16xi32>,
    %swap3A_2019 = arith.constant 288 : index
    %swap3A_2020 = tpu.vector_load %arg12[%swap3A_2019] {strides = array<i32>} : memref<640xi32, #tpu.memory_space<vmem>>, vector<16xi32>,
    tpu.vector_store %arg12[%swap3A_2019], %min3A_2016 {strides = array<i32>} : memref<640xi32, #tpu.memory_space<vmem>>, vector<16xi32>,
    %add3A_2021 = arith.constant 304 : i32
    %add3A_2022 = vector.broadcast %add3A_2021 : i32 to vector<16xi32>
    %add3A_2023 = arith.addi %iota3A, %add3A_2022 : vector<16xi32>
    %min3A_2024 = arith.constant 624 : i32
    %min3A_2025 = vector.broadcast %min3A_2024 : i32 to vector<16xi32>
    %min3A_2026 = arith.minsi %add3A_2023, %min3A_2025 : vector<16xi32>
    %jit3A_2027 = arith.constant 25 : i32
    %div3A_2028 = vector.broadcast %jit3A_2027 : i32 to vector<16xi32>
    %div3A_2029 = arith.divsi %min3A_2026, %div3A_2028 : vector<16xi32>
    %sign3A_2030 = arith.constant 0 : i32
    %sign3A_2031 = vector.broadcast %sign3A_2030 : i32 to vector<16xi32>
    %sign3A_2032 = arith.cmpi sgt, %min3A_2026, %sign3A_2031 : vector<16xi32>
    %sign3A_2033 = arith.extui %sign3A_2032 : vector<16xi1> to vector<16xi32>
    %sign3A_2034 = arith.constant 0 : i32
    %sign3A_2035 = vector.broadcast %sign3A_2034 : i32 to vector<16xi32>
    %sign3A_2036 = arith.cmpi slt, %min3A_2026, %sign3A_2035 : vector<16xi32>
    %sign3A_2037 = arith.extui %sign3A_2036 : vector<16xi1> to vector<16xi32>
    %sign3A_2038 = arith.subi %sign3A_2033, %sign3A_2037 : vector<16xi32>
    %sign3A_2039 = arith.constant 0 : i32
    %sign3A_2040 = arith.cmpi sgt, %jit3A_2027, %sign3A_2039 : i32
    %sign3A_2041 = arith.extui %sign3A_2040 : i1 to i32
    %sign3A_2042 = arith.constant 0 : i32
    %sign3A_2043 = arith.cmpi slt, %jit3A_2027, %sign3A_2042 : i32
    %sign3A_2044 = arith.extui %sign3A_2043 : i1 to i32
    %sign3A_2045 = arith.subi %sign3A_2041, %sign3A_2044 : i32
    %ne3A_2046 = vector.broadcast %sign3A_2045 : i32 to vector<16xi32>
    %ne3A_2047 = arith.cmpi ne, %sign3A_2038, %ne3A_2046 : vector<16xi32>
    %rem3A_2048 = vector.broadcast %jit3A_2027 : i32 to vector<16xi32>
    %rem3A_2049 = arith.remsi %min3A_2026, %rem3A_2048 : vector<16xi32>
    %ne3A_2050 = arith.constant 0 : i32
    %ne3A_2051 = vector.broadcast %ne3A_2050 : i32 to vector<16xi32>
    %ne3A_2052 = arith.cmpi ne, %rem3A_2049, %ne3A_2051 : vector<16xi32>
    %and3A_2053 = arith.andi %ne3A_2047, %ne3A_2052 : vector<16xi1>
    %sub3A_2054 = arith.constant 1 : i32
    %sub3A_2055 = vector.broadcast %sub3A_2054 : i32 to vector<16xi32>
    %sub3A_2056 = arith.subi %div3A_2029, %sub3A_2055 : vector<16xi32>
    %select_n3A_2057 = arith.select %and3A_2053, %sub3A_2056, %div3A_2029 : vector<16xi1>, vector<16xi32>
    %mul3A_2058 = arith.constant 25 : i32
    %mul3A_2059 = vector.broadcast %mul3A_2058 : i32 to vector<16xi32>
    %mul3A_2060 = arith.muli %select_n3A_2057, %mul3A_2059 : vector<16xi32>
    %sub3A_2061 = arith.subi %min3A_2026, %mul3A_2060 : vector<16xi32>
    %mul3A_2062 = arith.constant 25 : i32
    %mul3A_2063 = arith.muli %add3A, %mul3A_2062 : i32
    %add3A_2064 = vector.broadcast %mul3A_2063 : i32 to vector<16xi32>
    %add3A_2065 = arith.addi %add3A_2064, %select_n3A_2057 : vector<16xi32>
    %mul3A_2066 = arith.constant 50 : i32
    %mul3A_2067 = vector.broadcast %mul3A_2066 : i32 to vector<16xi32>
    %mul3A_2068 = arith.muli %add3A_2065, %mul3A_2067 : vector<16xi32>
    %mul3A_2069 = arith.constant 2 : i32
    %mul3A_2070 = vector.broadcast %mul3A_2069 : i32 to vector<16xi32>
    %mul3A_2071 = arith.muli %mul3A_2070, %sub3A_2061 : vector<16xi32>
    %add3A_2072 = arith.addi %mul3A_2068, %mul3A_2071 : vector<16xi32>
    %gather3A_2073 = tpu.vector_load_idx %arg7[%add3A_2072] : memref<40000xf32, #tpu.memory_space<vmem>>[vector<16xi32>], vector<16xf32>,
    %mul3A_2074 = arith.constant 25 : i32
    %mul3A_2075 = arith.muli %add3A, %mul3A_2074 : i32
    %add3A_2076 = vector.broadcast %mul3A_2075 : i32 to vector<16xi32>
    %add3A_2077 = arith.addi %add3A_2076, %select_n3A_2057 : vector<16xi32>
    %mul3A_2078 = arith.constant 50 : i32
    %mul3A_2079 = vector.broadcast %mul3A_2078 : i32 to vector<16xi32>
    %mul3A_2080 = arith.muli %add3A_2077, %mul3A_2079 : vector<16xi32>
    %mul3A_2081 = arith.constant 2 : i32
    %mul3A_2082 = vector.broadcast %mul3A_2081 : i32 to vector<16xi32>
    %mul3A_2083 = arith.muli %mul3A_2082, %sub3A_2061 : vector<16xi32>
    %add3A_2084 = arith.addi %mul3A_2080, %mul3A_2083 : vector<16xi32>
    %add3A_2085 = arith.constant 1 : i32
    %add3A_2086 = vector.broadcast %add3A_2085 : i32 to vector<16xi32>
    %add3A_2087 = arith.addi %add3A_2084, %add3A_2086 : vector<16xi32>
    %gather3A_2088 = tpu.vector_load_idx %arg7[%add3A_2087] : memref<40000xf32, #tpu.memory_space<vmem>>[vector<16xi32>], vector<16xf32>,
    %mul3A_2089 = arith.constant 25 : i32
    %mul3A_2090 = arith.muli %add3A, %mul3A_2089 : i32
    %add3A_2091 = vector.broadcast %mul3A_2090 : i32 to vector<16xi32>
    %add3A_2092 = arith.addi %add3A_2091, %select_n3A_2057 : vector<16xi32>
    %mul3A_2093 = arith.constant 2 : i32
    %mul3A_2094 = vector.broadcast %mul3A_2093 : i32 to vector<16xi32>
    %mul3A_2095 = arith.muli %add3A_2092, %mul3A_2094 : vector<16xi32>
    %gather3A_2096 = tpu.vector_load_idx %arg8[%mul3A_2095] : memref<1600xf32, #tpu.memory_space<vmem>>[vector<16xi32>], vector<16xf32>,
    %add3A_2097 = arith.constant 1 : i32
    %add3A_2098 = vector.broadcast %add3A_2097 : i32 to vector<16xi32>
    %add3A_2099 = arith.addi %mul3A_2095, %add3A_2098 : vector<16xi32>
    %gather3A_2100 = tpu.vector_load_idx %arg8[%add3A_2099] : memref<1600xf32, #tpu.memory_space<vmem>>[vector<16xi32>], vector<16xf32>,
    %gather3A_2101 = tpu.vector_load_idx %arg9[%mul3A_2095] : memref<1600xf32, #tpu.memory_space<vmem>>[vector<16xi32>], vector<16xf32>,
    %add3A_2102 = arith.constant 1 : i32
    %add3A_2103 = vector.broadcast %add3A_2102 : i32 to vector<16xi32>
    %add3A_2104 = arith.addi %mul3A_2095, %add3A_2103 : vector<16xi32>
    %gather3A_2105 = tpu.vector_load_idx %arg9[%add3A_2104] : memref<1600xf32, #tpu.memory_space<vmem>>[vector<16xi32>], vector<16xf32>,
    %div3A_2106 = arith.divf %gather3A_2088, %gather3A_2096 : vector<16xf32>
    %add3A_2107 = arith.addf %div3A_2106, %gather3A_2101 : vector<16xf32>
    %convert_element_type3A_2108 = arith.fptosi %add3A_2107 : vector<16xf32> to vector<16xi32>
    %jit3A_2109 = arith.constant 0 : i32
    %jit3A_2110 = arith.constant 63 : i32
    %max3A_2111 = vector.broadcast %jit3A_2109 : i32 to vector<16xi32>
    %max3A_2112 = arith.maxsi %max3A_2111, %convert_element_type3A_2108 : vector<16xi32>
    %min3A_2113 = vector.broadcast %jit3A_2110 : i32 to vector<16xi32>
    %min3A_2114 = arith.minsi %min3A_2113, %max3A_2112 : vector<16xi32>
    %div3A_2115 = arith.divf %gather3A_2073, %gather3A_2100 : vector<16xf32>
    %add3A_2116 = arith.addf %div3A_2115, %gather3A_2105 : vector<16xf32>
    %convert_element_type3A_2117 = arith.fptosi %add3A_2116 : vector<16xf32> to vector<16xi32>
    %jit3A_2118 = arith.constant 0 : i32
    %jit3A_2119 = arith.constant 63 : i32
    %max3A_2120 = vector.broadcast %jit3A_2118 : i32 to vector<16xi32>
    %max3A_2121 = arith.maxsi %max3A_2120, %convert_element_type3A_2117 : vector<16xi32>
    %min3A_2122 = vector.broadcast %jit3A_2119 : i32 to vector<16xi32>
    %min3A_2123 = arith.minsi %min3A_2122, %max3A_2121 : vector<16xi32>
    %swap3A_2124 = arith.constant 304 : index
    %swap3A_2125 = tpu.vector_load %arg11[%swap3A_2124] {strides = array<i32>} : memref<640xi32, #tpu.memory_space<vmem>>, vector<16xi32>,
    tpu.vector_store %arg11[%swap3A_2124], %min3A_2114 {strides = array<i32>} : memref<640xi32, #tpu.memory_space<vmem>>, vector<16xi32>,
    %swap3A_2126 = arith.constant 304 : index
    %swap3A_2127 = tpu.vector_load %arg12[%swap3A_2126] {strides = array<i32>} : memref<640xi32, #tpu.memory_space<vmem>>, vector<16xi32>,
    tpu.vector_store %arg12[%swap3A_2126], %min3A_2123 {strides = array<i32>} : memref<640xi32, #tpu.memory_space<vmem>>, vector<16xi32>,
    %add3A_2128 = arith.constant 320 : i32
    %add3A_2129 = vector.broadcast %add3A_2128 : i32 to vector<16xi32>
    %add3A_2130 = arith.addi %iota3A, %add3A_2129 : vector<16xi32>
    %min3A_2131 = arith.constant 624 : i32
    %min3A_2132 = vector.broadcast %min3A_2131 : i32 to vector<16xi32>
    %min3A_2133 = arith.minsi %add3A_2130, %min3A_2132 : vector<16xi32>
    %jit3A_2134 = arith.constant 25 : i32
    %div3A_2135 = vector.broadcast %jit3A_2134 : i32 to vector<16xi32>
    %div3A_2136 = arith.divsi %min3A_2133, %div3A_2135 : vector<16xi32>
    %sign3A_2137 = arith.constant 0 : i32
    %sign3A_2138 = vector.broadcast %sign3A_2137 : i32 to vector<16xi32>
    %sign3A_2139 = arith.cmpi sgt, %min3A_2133, %sign3A_2138 : vector<16xi32>
    %sign3A_2140 = arith.extui %sign3A_2139 : vector<16xi1> to vector<16xi32>
    %sign3A_2141 = arith.constant 0 : i32
    %sign3A_2142 = vector.broadcast %sign3A_2141 : i32 to vector<16xi32>
    %sign3A_2143 = arith.cmpi slt, %min3A_2133, %sign3A_2142 : vector<16xi32>
    %sign3A_2144 = arith.extui %sign3A_2143 : vector<16xi1> to vector<16xi32>
    %sign3A_2145 = arith.subi %sign3A_2140, %sign3A_2144 : vector<16xi32>
    %sign3A_2146 = arith.constant 0 : i32
    %sign3A_2147 = arith.cmpi sgt, %jit3A_2134, %sign3A_2146 : i32
    %sign3A_2148 = arith.extui %sign3A_2147 : i1 to i32
    %sign3A_2149 = arith.constant 0 : i32
    %sign3A_2150 = arith.cmpi slt, %jit3A_2134, %sign3A_2149 : i32
    %sign3A_2151 = arith.extui %sign3A_2150 : i1 to i32
    %sign3A_2152 = arith.subi %sign3A_2148, %sign3A_2151 : i32
    %ne3A_2153 = vector.broadcast %sign3A_2152 : i32 to vector<16xi32>
    %ne3A_2154 = arith.cmpi ne, %sign3A_2145, %ne3A_2153 : vector<16xi32>
    %rem3A_2155 = vector.broadcast %jit3A_2134 : i32 to vector<16xi32>
    %rem3A_2156 = arith.remsi %min3A_2133, %rem3A_2155 : vector<16xi32>
    %ne3A_2157 = arith.constant 0 : i32
    %ne3A_2158 = vector.broadcast %ne3A_2157 : i32 to vector<16xi32>
    %ne3A_2159 = arith.cmpi ne, %rem3A_2156, %ne3A_2158 : vector<16xi32>
    %and3A_2160 = arith.andi %ne3A_2154, %ne3A_2159 : vector<16xi1>
    %sub3A_2161 = arith.constant 1 : i32
    %sub3A_2162 = vector.broadcast %sub3A_2161 : i32 to vector<16xi32>
    %sub3A_2163 = arith.subi %div3A_2136, %sub3A_2162 : vector<16xi32>
    %select_n3A_2164 = arith.select %and3A_2160, %sub3A_2163, %div3A_2136 : vector<16xi1>, vector<16xi32>
    %mul3A_2165 = arith.constant 25 : i32
    %mul3A_2166 = vector.broadcast %mul3A_2165 : i32 to vector<16xi32>
    %mul3A_2167 = arith.muli %select_n3A_2164, %mul3A_2166 : vector<16xi32>
    %sub3A_2168 = arith.subi %min3A_2133, %mul3A_2167 : vector<16xi32>
    %mul3A_2169 = arith.constant 25 : i32
    %mul3A_2170 = arith.muli %add3A, %mul3A_2169 : i32
    %add3A_2171 = vector.broadcast %mul3A_2170 : i32 to vector<16xi32>
    %add3A_2172 = arith.addi %add3A_2171, %select_n3A_2164 : vector<16xi32>
    %mul3A_2173 = arith.constant 50 : i32
    %mul3A_2174 = vector.broadcast %mul3A_2173 : i32 to vector<16xi32>
    %mul3A_2175 = arith.muli %add3A_2172, %mul3A_2174 : vector<16xi32>
    %mul3A_2176 = arith.constant 2 : i32
    %mul3A_2177 = vector.broadcast %mul3A_2176 : i32 to vector<16xi32>
    %mul3A_2178 = arith.muli %mul3A_2177, %sub3A_2168 : vector<16xi32>
    %add3A_2179 = arith.addi %mul3A_2175, %mul3A_2178 : vector<16xi32>
    %gather3A_2180 = tpu.vector_load_idx %arg7[%add3A_2179] : memref<40000xf32, #tpu.memory_space<vmem>>[vector<16xi32>], vector<16xf32>,
    %mul3A_2181 = arith.constant 25 : i32
    %mul3A_2182 = arith.muli %add3A, %mul3A_2181 : i32
    %add3A_2183 = vector.broadcast %mul3A_2182 : i32 to vector<16xi32>
    %add3A_2184 = arith.addi %add3A_2183, %select_n3A_2164 : vector<16xi32>
    %mul3A_2185 = arith.constant 50 : i32
    %mul3A_2186 = vector.broadcast %mul3A_2185 : i32 to vector<16xi32>
    %mul3A_2187 = arith.muli %add3A_2184, %mul3A_2186 : vector<16xi32>
    %mul3A_2188 = arith.constant 2 : i32
    %mul3A_2189 = vector.broadcast %mul3A_2188 : i32 to vector<16xi32>
    %mul3A_2190 = arith.muli %mul3A_2189, %sub3A_2168 : vector<16xi32>
    %add3A_2191 = arith.addi %mul3A_2187, %mul3A_2190 : vector<16xi32>
    %add3A_2192 = arith.constant 1 : i32
    %add3A_2193 = vector.broadcast %add3A_2192 : i32 to vector<16xi32>
    %add3A_2194 = arith.addi %add3A_2191, %add3A_2193 : vector<16xi32>
    %gather3A_2195 = tpu.vector_load_idx %arg7[%add3A_2194] : memref<40000xf32, #tpu.memory_space<vmem>>[vector<16xi32>], vector<16xf32>,
    %mul3A_2196 = arith.constant 25 : i32
    %mul3A_2197 = arith.muli %add3A, %mul3A_2196 : i32
    %add3A_2198 = vector.broadcast %mul3A_2197 : i32 to vector<16xi32>
    %add3A_2199 = arith.addi %add3A_2198, %select_n3A_2164 : vector<16xi32>
    %mul3A_2200 = arith.constant 2 : i32
    %mul3A_2201 = vector.broadcast %mul3A_2200 : i32 to vector<16xi32>
    %mul3A_2202 = arith.muli %add3A_2199, %mul3A_2201 : vector<16xi32>
    %gather3A_2203 = tpu.vector_load_idx %arg8[%mul3A_2202] : memref<1600xf32, #tpu.memory_space<vmem>>[vector<16xi32>], vector<16xf32>,
    %add3A_2204 = arith.constant 1 : i32
    %add3A_2205 = vector.broadcast %add3A_2204 : i32 to vector<16xi32>
    %add3A_2206 = arith.addi %mul3A_2202, %add3A_2205 : vector<16xi32>
    %gather3A_2207 = tpu.vector_load_idx %arg8[%add3A_2206] : memref<1600xf32, #tpu.memory_space<vmem>>[vector<16xi32>], vector<16xf32>,
    %gather3A_2208 = tpu.vector_load_idx %arg9[%mul3A_2202] : memref<1600xf32, #tpu.memory_space<vmem>>[vector<16xi32>], vector<16xf32>,
    %add3A_2209 = arith.constant 1 : i32
    %add3A_2210 = vector.broadcast %add3A_2209 : i32 to vector<16xi32>
    %add3A_2211 = arith.addi %mul3A_2202, %add3A_2210 : vector<16xi32>
    %gather3A_2212 = tpu.vector_load_idx %arg9[%add3A_2211] : memref<1600xf32, #tpu.memory_space<vmem>>[vector<16xi32>], vector<16xf32>,
    %div3A_2213 = arith.divf %gather3A_2195, %gather3A_2203 : vector<16xf32>
    %add3A_2214 = arith.addf %div3A_2213, %gather3A_2208 : vector<16xf32>
    %convert_element_type3A_2215 = arith.fptosi %add3A_2214 : vector<16xf32> to vector<16xi32>
    %jit3A_2216 = arith.constant 0 : i32
    %jit3A_2217 = arith.constant 63 : i32
    %max3A_2218 = vector.broadcast %jit3A_2216 : i32 to vector<16xi32>
    %max3A_2219 = arith.maxsi %max3A_2218, %convert_element_type3A_2215 : vector<16xi32>
    %min3A_2220 = vector.broadcast %jit3A_2217 : i32 to vector<16xi32>
    %min3A_2221 = arith.minsi %min3A_2220, %max3A_2219 : vector<16xi32>
    %div3A_2222 = arith.divf %gather3A_2180, %gather3A_2207 : vector<16xf32>
    %add3A_2223 = arith.addf %div3A_2222, %gather3A_2212 : vector<16xf32>
    %convert_element_type3A_2224 = arith.fptosi %add3A_2223 : vector<16xf32> to vector<16xi32>
    %jit3A_2225 = arith.constant 0 : i32
    %jit3A_2226 = arith.constant 63 : i32
    %max3A_2227 = vector.broadcast %jit3A_2225 : i32 to vector<16xi32>
    %max3A_2228 = arith.maxsi %max3A_2227, %convert_element_type3A_2224 : vector<16xi32>
    %min3A_2229 = vector.broadcast %jit3A_2226 : i32 to vector<16xi32>
    %min3A_2230 = arith.minsi %min3A_2229, %max3A_2228 : vector<16xi32>
    %swap3A_2231 = arith.constant 320 : index
    %swap3A_2232 = tpu.vector_load %arg11[%swap3A_2231] {strides = array<i32>} : memref<640xi32, #tpu.memory_space<vmem>>, vector<16xi32>,
    tpu.vector_store %arg11[%swap3A_2231], %min3A_2221 {strides = array<i32>} : memref<640xi32, #tpu.memory_space<vmem>>, vector<16xi32>,
    %swap3A_2233 = arith.constant 320 : index
    %swap3A_2234 = tpu.vector_load %arg12[%swap3A_2233] {strides = array<i32>} : memref<640xi32, #tpu.memory_space<vmem>>, vector<16xi32>,
    tpu.vector_store %arg12[%swap3A_2233], %min3A_2230 {strides = array<i32>} : memref<640xi32, #tpu.memory_space<vmem>>, vector<16xi32>,
    %add3A_2235 = arith.constant 336 : i32
    %add3A_2236 = vector.broadcast %add3A_2235 : i32 to vector<16xi32>
    %add3A_2237 = arith.addi %iota3A, %add3A_2236 : vector<16xi32>
    %min3A_2238 = arith.constant 624 : i32
    %min3A_2239 = vector.broadcast %min3A_2238 : i32 to vector<16xi32>
    %min3A_2240 = arith.minsi %add3A_2237, %min3A_2239 : vector<16xi32>
    %jit3A_2241 = arith.constant 25 : i32
    %div3A_2242 = vector.broadcast %jit3A_2241 : i32 to vector<16xi32>
    %div3A_2243 = arith.divsi %min3A_2240, %div3A_2242 : vector<16xi32>
    %sign3A_2244 = arith.constant 0 : i32
    %sign3A_2245 = vector.broadcast %sign3A_2244 : i32 to vector<16xi32>
    %sign3A_2246 = arith.cmpi sgt, %min3A_2240, %sign3A_2245 : vector<16xi32>
    %sign3A_2247 = arith.extui %sign3A_2246 : vector<16xi1> to vector<16xi32>
    %sign3A_2248 = arith.constant 0 : i32
    %sign3A_2249 = vector.broadcast %sign3A_2248 : i32 to vector<16xi32>
    %sign3A_2250 = arith.cmpi slt, %min3A_2240, %sign3A_2249 : vector<16xi32>
    %sign3A_2251 = arith.extui %sign3A_2250 : vector<16xi1> to vector<16xi32>
    %sign3A_2252 = arith.subi %sign3A_2247, %sign3A_2251 : vector<16xi32>
    %sign3A_2253 = arith.constant 0 : i32
    %sign3A_2254 = arith.cmpi sgt, %jit3A_2241, %sign3A_2253 : i32
    %sign3A_2255 = arith.extui %sign3A_2254 : i1 to i32
    %sign3A_2256 = arith.constant 0 : i32
    %sign3A_2257 = arith.cmpi slt, %jit3A_2241, %sign3A_2256 : i32
    %sign3A_2258 = arith.extui %sign3A_2257 : i1 to i32
    %sign3A_2259 = arith.subi %sign3A_2255, %sign3A_2258 : i32
    %ne3A_2260 = vector.broadcast %sign3A_2259 : i32 to vector<16xi32>
    %ne3A_2261 = arith.cmpi ne, %sign3A_2252, %ne3A_2260 : vector<16xi32>
    %rem3A_2262 = vector.broadcast %jit3A_2241 : i32 to vector<16xi32>
    %rem3A_2263 = arith.remsi %min3A_2240, %rem3A_2262 : vector<16xi32>
    %ne3A_2264 = arith.constant 0 : i32
    %ne3A_2265 = vector.broadcast %ne3A_2264 : i32 to vector<16xi32>
    %ne3A_2266 = arith.cmpi ne, %rem3A_2263, %ne3A_2265 : vector<16xi32>
    %and3A_2267 = arith.andi %ne3A_2261, %ne3A_2266 : vector<16xi1>
    %sub3A_2268 = arith.constant 1 : i32
    %sub3A_2269 = vector.broadcast %sub3A_2268 : i32 to vector<16xi32>
    %sub3A_2270 = arith.subi %div3A_2243, %sub3A_2269 : vector<16xi32>
    %select_n3A_2271 = arith.select %and3A_2267, %sub3A_2270, %div3A_2243 : vector<16xi1>, vector<16xi32>
    %mul3A_2272 = arith.constant 25 : i32
    %mul3A_2273 = vector.broadcast %mul3A_2272 : i32 to vector<16xi32>
    %mul3A_2274 = arith.muli %select_n3A_2271, %mul3A_2273 : vector<16xi32>
    %sub3A_2275 = arith.subi %min3A_2240, %mul3A_2274 : vector<16xi32>
    %mul3A_2276 = arith.constant 25 : i32
    %mul3A_2277 = arith.muli %add3A, %mul3A_2276 : i32
    %add3A_2278 = vector.broadcast %mul3A_2277 : i32 to vector<16xi32>
    %add3A_2279 = arith.addi %add3A_2278, %select_n3A_2271 : vector<16xi32>
    %mul3A_2280 = arith.constant 50 : i32
    %mul3A_2281 = vector.broadcast %mul3A_2280 : i32 to vector<16xi32>
    %mul3A_2282 = arith.muli %add3A_2279, %mul3A_2281 : vector<16xi32>
    %mul3A_2283 = arith.constant 2 : i32
    %mul3A_2284 = vector.broadcast %mul3A_2283 : i32 to vector<16xi32>
    %mul3A_2285 = arith.muli %mul3A_2284, %sub3A_2275 : vector<16xi32>
    %add3A_2286 = arith.addi %mul3A_2282, %mul3A_2285 : vector<16xi32>
    %gather3A_2287 = tpu.vector_load_idx %arg7[%add3A_2286] : memref<40000xf32, #tpu.memory_space<vmem>>[vector<16xi32>], vector<16xf32>,
    %mul3A_2288 = arith.constant 25 : i32
    %mul3A_2289 = arith.muli %add3A, %mul3A_2288 : i32
    %add3A_2290 = vector.broadcast %mul3A_2289 : i32 to vector<16xi32>
    %add3A_2291 = arith.addi %add3A_2290, %select_n3A_2271 : vector<16xi32>
    %mul3A_2292 = arith.constant 50 : i32
    %mul3A_2293 = vector.broadcast %mul3A_2292 : i32 to vector<16xi32>
    %mul3A_2294 = arith.muli %add3A_2291, %mul3A_2293 : vector<16xi32>
    %mul3A_2295 = arith.constant 2 : i32
    %mul3A_2296 = vector.broadcast %mul3A_2295 : i32 to vector<16xi32>
    %mul3A_2297 = arith.muli %mul3A_2296, %sub3A_2275 : vector<16xi32>
    %add3A_2298 = arith.addi %mul3A_2294, %mul3A_2297 : vector<16xi32>
    %add3A_2299 = arith.constant 1 : i32
    %add3A_2300 = vector.broadcast %add3A_2299 : i32 to vector<16xi32>
    %add3A_2301 = arith.addi %add3A_2298, %add3A_2300 : vector<16xi32>
    %gather3A_2302 = tpu.vector_load_idx %arg7[%add3A_2301] : memref<40000xf32, #tpu.memory_space<vmem>>[vector<16xi32>], vector<16xf32>,
    %mul3A_2303 = arith.constant 25 : i32
    %mul3A_2304 = arith.muli %add3A, %mul3A_2303 : i32
    %add3A_2305 = vector.broadcast %mul3A_2304 : i32 to vector<16xi32>
    %add3A_2306 = arith.addi %add3A_2305, %select_n3A_2271 : vector<16xi32>
    %mul3A_2307 = arith.constant 2 : i32
    %mul3A_2308 = vector.broadcast %mul3A_2307 : i32 to vector<16xi32>
    %mul3A_2309 = arith.muli %add3A_2306, %mul3A_2308 : vector<16xi32>
    %gather3A_2310 = tpu.vector_load_idx %arg8[%mul3A_2309] : memref<1600xf32, #tpu.memory_space<vmem>>[vector<16xi32>], vector<16xf32>,
    %add3A_2311 = arith.constant 1 : i32
    %add3A_2312 = vector.broadcast %add3A_2311 : i32 to vector<16xi32>
    %add3A_2313 = arith.addi %mul3A_2309, %add3A_2312 : vector<16xi32>
    %gather3A_2314 = tpu.vector_load_idx %arg8[%add3A_2313] : memref<1600xf32, #tpu.memory_space<vmem>>[vector<16xi32>], vector<16xf32>,
    %gather3A_2315 = tpu.vector_load_idx %arg9[%mul3A_2309] : memref<1600xf32, #tpu.memory_space<vmem>>[vector<16xi32>], vector<16xf32>,
    %add3A_2316 = arith.constant 1 : i32
    %add3A_2317 = vector.broadcast %add3A_2316 : i32 to vector<16xi32>
    %add3A_2318 = arith.addi %mul3A_2309, %add3A_2317 : vector<16xi32>
    %gather3A_2319 = tpu.vector_load_idx %arg9[%add3A_2318] : memref<1600xf32, #tpu.memory_space<vmem>>[vector<16xi32>], vector<16xf32>,
    %div3A_2320 = arith.divf %gather3A_2302, %gather3A_2310 : vector<16xf32>
    %add3A_2321 = arith.addf %div3A_2320, %gather3A_2315 : vector<16xf32>
    %convert_element_type3A_2322 = arith.fptosi %add3A_2321 : vector<16xf32> to vector<16xi32>
    %jit3A_2323 = arith.constant 0 : i32
    %jit3A_2324 = arith.constant 63 : i32
    %max3A_2325 = vector.broadcast %jit3A_2323 : i32 to vector<16xi32>
    %max3A_2326 = arith.maxsi %max3A_2325, %convert_element_type3A_2322 : vector<16xi32>
    %min3A_2327 = vector.broadcast %jit3A_2324 : i32 to vector<16xi32>
    %min3A_2328 = arith.minsi %min3A_2327, %max3A_2326 : vector<16xi32>
    %div3A_2329 = arith.divf %gather3A_2287, %gather3A_2314 : vector<16xf32>
    %add3A_2330 = arith.addf %div3A_2329, %gather3A_2319 : vector<16xf32>
    %convert_element_type3A_2331 = arith.fptosi %add3A_2330 : vector<16xf32> to vector<16xi32>
    %jit3A_2332 = arith.constant 0 : i32
    %jit3A_2333 = arith.constant 63 : i32
    %max3A_2334 = vector.broadcast %jit3A_2332 : i32 to vector<16xi32>
    %max3A_2335 = arith.maxsi %max3A_2334, %convert_element_type3A_2331 : vector<16xi32>
    %min3A_2336 = vector.broadcast %jit3A_2333 : i32 to vector<16xi32>
    %min3A_2337 = arith.minsi %min3A_2336, %max3A_2335 : vector<16xi32>
    %swap3A_2338 = arith.constant 336 : index
    %swap3A_2339 = tpu.vector_load %arg11[%swap3A_2338] {strides = array<i32>} : memref<640xi32, #tpu.memory_space<vmem>>, vector<16xi32>,
    tpu.vector_store %arg11[%swap3A_2338], %min3A_2328 {strides = array<i32>} : memref<640xi32, #tpu.memory_space<vmem>>, vector<16xi32>,
    %swap3A_2340 = arith.constant 336 : index
    %swap3A_2341 = tpu.vector_load %arg12[%swap3A_2340] {strides = array<i32>} : memref<640xi32, #tpu.memory_space<vmem>>, vector<16xi32>,
    tpu.vector_store %arg12[%swap3A_2340], %min3A_2337 {strides = array<i32>} : memref<640xi32, #tpu.memory_space<vmem>>, vector<16xi32>,
    %add3A_2342 = arith.constant 352 : i32
    %add3A_2343 = vector.broadcast %add3A_2342 : i32 to vector<16xi32>
    %add3A_2344 = arith.addi %iota3A, %add3A_2343 : vector<16xi32>
    %min3A_2345 = arith.constant 624 : i32
    %min3A_2346 = vector.broadcast %min3A_2345 : i32 to vector<16xi32>
    %min3A_2347 = arith.minsi %add3A_2344, %min3A_2346 : vector<16xi32>
    %jit3A_2348 = arith.constant 25 : i32
    %div3A_2349 = vector.broadcast %jit3A_2348 : i32 to vector<16xi32>
    %div3A_2350 = arith.divsi %min3A_2347, %div3A_2349 : vector<16xi32>
    %sign3A_2351 = arith.constant 0 : i32
    %sign3A_2352 = vector.broadcast %sign3A_2351 : i32 to vector<16xi32>
    %sign3A_2353 = arith.cmpi sgt, %min3A_2347, %sign3A_2352 : vector<16xi32>
    %sign3A_2354 = arith.extui %sign3A_2353 : vector<16xi1> to vector<16xi32>
    %sign3A_2355 = arith.constant 0 : i32
    %sign3A_2356 = vector.broadcast %sign3A_2355 : i32 to vector<16xi32>
    %sign3A_2357 = arith.cmpi slt, %min3A_2347, %sign3A_2356 : vector<16xi32>
    %sign3A_2358 = arith.extui %sign3A_2357 : vector<16xi1> to vector<16xi32>
    %sign3A_2359 = arith.subi %sign3A_2354, %sign3A_2358 : vector<16xi32>
    %sign3A_2360 = arith.constant 0 : i32
    %sign3A_2361 = arith.cmpi sgt, %jit3A_2348, %sign3A_2360 : i32
    %sign3A_2362 = arith.extui %sign3A_2361 : i1 to i32
    %sign3A_2363 = arith.constant 0 : i32
    %sign3A_2364 = arith.cmpi slt, %jit3A_2348, %sign3A_2363 : i32
    %sign3A_2365 = arith.extui %sign3A_2364 : i1 to i32
    %sign3A_2366 = arith.subi %sign3A_2362, %sign3A_2365 : i32
    %ne3A_2367 = vector.broadcast %sign3A_2366 : i32 to vector<16xi32>
    %ne3A_2368 = arith.cmpi ne, %sign3A_2359, %ne3A_2367 : vector<16xi32>
    %rem3A_2369 = vector.broadcast %jit3A_2348 : i32 to vector<16xi32>
    %rem3A_2370 = arith.remsi %min3A_2347, %rem3A_2369 : vector<16xi32>
    %ne3A_2371 = arith.constant 0 : i32
    %ne3A_2372 = vector.broadcast %ne3A_2371 : i32 to vector<16xi32>
    %ne3A_2373 = arith.cmpi ne, %rem3A_2370, %ne3A_2372 : vector<16xi32>
    %and3A_2374 = arith.andi %ne3A_2368, %ne3A_2373 : vector<16xi1>
    %sub3A_2375 = arith.constant 1 : i32
    %sub3A_2376 = vector.broadcast %sub3A_2375 : i32 to vector<16xi32>
    %sub3A_2377 = arith.subi %div3A_2350, %sub3A_2376 : vector<16xi32>
    %select_n3A_2378 = arith.select %and3A_2374, %sub3A_2377, %div3A_2350 : vector<16xi1>, vector<16xi32>
    %mul3A_2379 = arith.constant 25 : i32
    %mul3A_2380 = vector.broadcast %mul3A_2379 : i32 to vector<16xi32>
    %mul3A_2381 = arith.muli %select_n3A_2378, %mul3A_2380 : vector<16xi32>
    %sub3A_2382 = arith.subi %min3A_2347, %mul3A_2381 : vector<16xi32>
    %mul3A_2383 = arith.constant 25 : i32
    %mul3A_2384 = arith.muli %add3A, %mul3A_2383 : i32
    %add3A_2385 = vector.broadcast %mul3A_2384 : i32 to vector<16xi32>
    %add3A_2386 = arith.addi %add3A_2385, %select_n3A_2378 : vector<16xi32>
    %mul3A_2387 = arith.constant 50 : i32
    %mul3A_2388 = vector.broadcast %mul3A_2387 : i32 to vector<16xi32>
    %mul3A_2389 = arith.muli %add3A_2386, %mul3A_2388 : vector<16xi32>
    %mul3A_2390 = arith.constant 2 : i32
    %mul3A_2391 = vector.broadcast %mul3A_2390 : i32 to vector<16xi32>
    %mul3A_2392 = arith.muli %mul3A_2391, %sub3A_2382 : vector<16xi32>
    %add3A_2393 = arith.addi %mul3A_2389, %mul3A_2392 : vector<16xi32>
    %gather3A_2394 = tpu.vector_load_idx %arg7[%add3A_2393] : memref<40000xf32, #tpu.memory_space<vmem>>[vector<16xi32>], vector<16xf32>,
    %mul3A_2395 = arith.constant 25 : i32
    %mul3A_2396 = arith.muli %add3A, %mul3A_2395 : i32
    %add3A_2397 = vector.broadcast %mul3A_2396 : i32 to vector<16xi32>
    %add3A_2398 = arith.addi %add3A_2397, %select_n3A_2378 : vector<16xi32>
    %mul3A_2399 = arith.constant 50 : i32
    %mul3A_2400 = vector.broadcast %mul3A_2399 : i32 to vector<16xi32>
    %mul3A_2401 = arith.muli %add3A_2398, %mul3A_2400 : vector<16xi32>
    %mul3A_2402 = arith.constant 2 : i32
    %mul3A_2403 = vector.broadcast %mul3A_2402 : i32 to vector<16xi32>
    %mul3A_2404 = arith.muli %mul3A_2403, %sub3A_2382 : vector<16xi32>
    %add3A_2405 = arith.addi %mul3A_2401, %mul3A_2404 : vector<16xi32>
    %add3A_2406 = arith.constant 1 : i32
    %add3A_2407 = vector.broadcast %add3A_2406 : i32 to vector<16xi32>
    %add3A_2408 = arith.addi %add3A_2405, %add3A_2407 : vector<16xi32>
    %gather3A_2409 = tpu.vector_load_idx %arg7[%add3A_2408] : memref<40000xf32, #tpu.memory_space<vmem>>[vector<16xi32>], vector<16xf32>,
    %mul3A_2410 = arith.constant 25 : i32
    %mul3A_2411 = arith.muli %add3A, %mul3A_2410 : i32
    %add3A_2412 = vector.broadcast %mul3A_2411 : i32 to vector<16xi32>
    %add3A_2413 = arith.addi %add3A_2412, %select_n3A_2378 : vector<16xi32>
    %mul3A_2414 = arith.constant 2 : i32
    %mul3A_2415 = vector.broadcast %mul3A_2414 : i32 to vector<16xi32>
    %mul3A_2416 = arith.muli %add3A_2413, %mul3A_2415 : vector<16xi32>
    %gather3A_2417 = tpu.vector_load_idx %arg8[%mul3A_2416] : memref<1600xf32, #tpu.memory_space<vmem>>[vector<16xi32>], vector<16xf32>,
    %add3A_2418 = arith.constant 1 : i32
    %add3A_2419 = vector.broadcast %add3A_2418 : i32 to vector<16xi32>
    %add3A_2420 = arith.addi %mul3A_2416, %add3A_2419 : vector<16xi32>
    %gather3A_2421 = tpu.vector_load_idx %arg8[%add3A_2420] : memref<1600xf32, #tpu.memory_space<vmem>>[vector<16xi32>], vector<16xf32>,
    %gather3A_2422 = tpu.vector_load_idx %arg9[%mul3A_2416] : memref<1600xf32, #tpu.memory_space<vmem>>[vector<16xi32>], vector<16xf32>,
    %add3A_2423 = arith.constant 1 : i32
    %add3A_2424 = vector.broadcast %add3A_2423 : i32 to vector<16xi32>
    %add3A_2425 = arith.addi %mul3A_2416, %add3A_2424 : vector<16xi32>
    %gather3A_2426 = tpu.vector_load_idx %arg9[%add3A_2425] : memref<1600xf32, #tpu.memory_space<vmem>>[vector<16xi32>], vector<16xf32>,
    %div3A_2427 = arith.divf %gather3A_2409, %gather3A_2417 : vector<16xf32>
    %add3A_2428 = arith.addf %div3A_2427, %gather3A_2422 : vector<16xf32>
    %convert_element_type3A_2429 = arith.fptosi %add3A_2428 : vector<16xf32> to vector<16xi32>
    %jit3A_2430 = arith.constant 0 : i32
    %jit3A_2431 = arith.constant 63 : i32
    %max3A_2432 = vector.broadcast %jit3A_2430 : i32 to vector<16xi32>
    %max3A_2433 = arith.maxsi %max3A_2432, %convert_element_type3A_2429 : vector<16xi32>
    %min3A_2434 = vector.broadcast %jit3A_2431 : i32 to vector<16xi32>
    %min3A_2435 = arith.minsi %min3A_2434, %max3A_2433 : vector<16xi32>
    %div3A_2436 = arith.divf %gather3A_2394, %gather3A_2421 : vector<16xf32>
    %add3A_2437 = arith.addf %div3A_2436, %gather3A_2426 : vector<16xf32>
    %convert_element_type3A_2438 = arith.fptosi %add3A_2437 : vector<16xf32> to vector<16xi32>
    %jit3A_2439 = arith.constant 0 : i32
    %jit3A_2440 = arith.constant 63 : i32
    %max3A_2441 = vector.broadcast %jit3A_2439 : i32 to vector<16xi32>
    %max3A_2442 = arith.maxsi %max3A_2441, %convert_element_type3A_2438 : vector<16xi32>
    %min3A_2443 = vector.broadcast %jit3A_2440 : i32 to vector<16xi32>
    %min3A_2444 = arith.minsi %min3A_2443, %max3A_2442 : vector<16xi32>
    %swap3A_2445 = arith.constant 352 : index
    %swap3A_2446 = tpu.vector_load %arg11[%swap3A_2445] {strides = array<i32>} : memref<640xi32, #tpu.memory_space<vmem>>, vector<16xi32>,
    tpu.vector_store %arg11[%swap3A_2445], %min3A_2435 {strides = array<i32>} : memref<640xi32, #tpu.memory_space<vmem>>, vector<16xi32>,
    %swap3A_2447 = arith.constant 352 : index
    %swap3A_2448 = tpu.vector_load %arg12[%swap3A_2447] {strides = array<i32>} : memref<640xi32, #tpu.memory_space<vmem>>, vector<16xi32>,
    tpu.vector_store %arg12[%swap3A_2447], %min3A_2444 {strides = array<i32>} : memref<640xi32, #tpu.memory_space<vmem>>, vector<16xi32>,
    %add3A_2449 = arith.constant 368 : i32
    %add3A_2450 = vector.broadcast %add3A_2449 : i32 to vector<16xi32>
    %add3A_2451 = arith.addi %iota3A, %add3A_2450 : vector<16xi32>
    %min3A_2452 = arith.constant 624 : i32
    %min3A_2453 = vector.broadcast %min3A_2452 : i32 to vector<16xi32>
    %min3A_2454 = arith.minsi %add3A_2451, %min3A_2453 : vector<16xi32>
    %jit3A_2455 = arith.constant 25 : i32
    %div3A_2456 = vector.broadcast %jit3A_2455 : i32 to vector<16xi32>
    %div3A_2457 = arith.divsi %min3A_2454, %div3A_2456 : vector<16xi32>
    %sign3A_2458 = arith.constant 0 : i32
    %sign3A_2459 = vector.broadcast %sign3A_2458 : i32 to vector<16xi32>
    %sign3A_2460 = arith.cmpi sgt, %min3A_2454, %sign3A_2459 : vector<16xi32>
    %sign3A_2461 = arith.extui %sign3A_2460 : vector<16xi1> to vector<16xi32>
    %sign3A_2462 = arith.constant 0 : i32
    %sign3A_2463 = vector.broadcast %sign3A_2462 : i32 to vector<16xi32>
    %sign3A_2464 = arith.cmpi slt, %min3A_2454, %sign3A_2463 : vector<16xi32>
    %sign3A_2465 = arith.extui %sign3A_2464 : vector<16xi1> to vector<16xi32>
    %sign3A_2466 = arith.subi %sign3A_2461, %sign3A_2465 : vector<16xi32>
    %sign3A_2467 = arith.constant 0 : i32
    %sign3A_2468 = arith.cmpi sgt, %jit3A_2455, %sign3A_2467 : i32
    %sign3A_2469 = arith.extui %sign3A_2468 : i1 to i32
    %sign3A_2470 = arith.constant 0 : i32
    %sign3A_2471 = arith.cmpi slt, %jit3A_2455, %sign3A_2470 : i32
    %sign3A_2472 = arith.extui %sign3A_2471 : i1 to i32
    %sign3A_2473 = arith.subi %sign3A_2469, %sign3A_2472 : i32
    %ne3A_2474 = vector.broadcast %sign3A_2473 : i32 to vector<16xi32>
    %ne3A_2475 = arith.cmpi ne, %sign3A_2466, %ne3A_2474 : vector<16xi32>
    %rem3A_2476 = vector.broadcast %jit3A_2455 : i32 to vector<16xi32>
    %rem3A_2477 = arith.remsi %min3A_2454, %rem3A_2476 : vector<16xi32>
    %ne3A_2478 = arith.constant 0 : i32
    %ne3A_2479 = vector.broadcast %ne3A_2478 : i32 to vector<16xi32>
    %ne3A_2480 = arith.cmpi ne, %rem3A_2477, %ne3A_2479 : vector<16xi32>
    %and3A_2481 = arith.andi %ne3A_2475, %ne3A_2480 : vector<16xi1>
    %sub3A_2482 = arith.constant 1 : i32
    %sub3A_2483 = vector.broadcast %sub3A_2482 : i32 to vector<16xi32>
    %sub3A_2484 = arith.subi %div3A_2457, %sub3A_2483 : vector<16xi32>
    %select_n3A_2485 = arith.select %and3A_2481, %sub3A_2484, %div3A_2457 : vector<16xi1>, vector<16xi32>
    %mul3A_2486 = arith.constant 25 : i32
    %mul3A_2487 = vector.broadcast %mul3A_2486 : i32 to vector<16xi32>
    %mul3A_2488 = arith.muli %select_n3A_2485, %mul3A_2487 : vector<16xi32>
    %sub3A_2489 = arith.subi %min3A_2454, %mul3A_2488 : vector<16xi32>
    %mul3A_2490 = arith.constant 25 : i32
    %mul3A_2491 = arith.muli %add3A, %mul3A_2490 : i32
    %add3A_2492 = vector.broadcast %mul3A_2491 : i32 to vector<16xi32>
    %add3A_2493 = arith.addi %add3A_2492, %select_n3A_2485 : vector<16xi32>
    %mul3A_2494 = arith.constant 50 : i32
    %mul3A_2495 = vector.broadcast %mul3A_2494 : i32 to vector<16xi32>
    %mul3A_2496 = arith.muli %add3A_2493, %mul3A_2495 : vector<16xi32>
    %mul3A_2497 = arith.constant 2 : i32
    %mul3A_2498 = vector.broadcast %mul3A_2497 : i32 to vector<16xi32>
    %mul3A_2499 = arith.muli %mul3A_2498, %sub3A_2489 : vector<16xi32>
    %add3A_2500 = arith.addi %mul3A_2496, %mul3A_2499 : vector<16xi32>
    %gather3A_2501 = tpu.vector_load_idx %arg7[%add3A_2500] : memref<40000xf32, #tpu.memory_space<vmem>>[vector<16xi32>], vector<16xf32>,
    %mul3A_2502 = arith.constant 25 : i32
    %mul3A_2503 = arith.muli %add3A, %mul3A_2502 : i32
    %add3A_2504 = vector.broadcast %mul3A_2503 : i32 to vector<16xi32>
    %add3A_2505 = arith.addi %add3A_2504, %select_n3A_2485 : vector<16xi32>
    %mul3A_2506 = arith.constant 50 : i32
    %mul3A_2507 = vector.broadcast %mul3A_2506 : i32 to vector<16xi32>
    %mul3A_2508 = arith.muli %add3A_2505, %mul3A_2507 : vector<16xi32>
    %mul3A_2509 = arith.constant 2 : i32
    %mul3A_2510 = vector.broadcast %mul3A_2509 : i32 to vector<16xi32>
    %mul3A_2511 = arith.muli %mul3A_2510, %sub3A_2489 : vector<16xi32>
    %add3A_2512 = arith.addi %mul3A_2508, %mul3A_2511 : vector<16xi32>
    %add3A_2513 = arith.constant 1 : i32
    %add3A_2514 = vector.broadcast %add3A_2513 : i32 to vector<16xi32>
    %add3A_2515 = arith.addi %add3A_2512, %add3A_2514 : vector<16xi32>
    %gather3A_2516 = tpu.vector_load_idx %arg7[%add3A_2515] : memref<40000xf32, #tpu.memory_space<vmem>>[vector<16xi32>], vector<16xf32>,
    %mul3A_2517 = arith.constant 25 : i32
    %mul3A_2518 = arith.muli %add3A, %mul3A_2517 : i32
    %add3A_2519 = vector.broadcast %mul3A_2518 : i32 to vector<16xi32>
    %add3A_2520 = arith.addi %add3A_2519, %select_n3A_2485 : vector<16xi32>
    %mul3A_2521 = arith.constant 2 : i32
    %mul3A_2522 = vector.broadcast %mul3A_2521 : i32 to vector<16xi32>
    %mul3A_2523 = arith.muli %add3A_2520, %mul3A_2522 : vector<16xi32>
    %gather3A_2524 = tpu.vector_load_idx %arg8[%mul3A_2523] : memref<1600xf32, #tpu.memory_space<vmem>>[vector<16xi32>], vector<16xf32>,
    %add3A_2525 = arith.constant 1 : i32
    %add3A_2526 = vector.broadcast %add3A_2525 : i32 to vector<16xi32>
    %add3A_2527 = arith.addi %mul3A_2523, %add3A_2526 : vector<16xi32>
    %gather3A_2528 = tpu.vector_load_idx %arg8[%add3A_2527] : memref<1600xf32, #tpu.memory_space<vmem>>[vector<16xi32>], vector<16xf32>,
    %gather3A_2529 = tpu.vector_load_idx %arg9[%mul3A_2523] : memref<1600xf32, #tpu.memory_space<vmem>>[vector<16xi32>], vector<16xf32>,
    %add3A_2530 = arith.constant 1 : i32
    %add3A_2531 = vector.broadcast %add3A_2530 : i32 to vector<16xi32>
    %add3A_2532 = arith.addi %mul3A_2523, %add3A_2531 : vector<16xi32>
    %gather3A_2533 = tpu.vector_load_idx %arg9[%add3A_2532] : memref<1600xf32, #tpu.memory_space<vmem>>[vector<16xi32>], vector<16xf32>,
    %div3A_2534 = arith.divf %gather3A_2516, %gather3A_2524 : vector<16xf32>
    %add3A_2535 = arith.addf %div3A_2534, %gather3A_2529 : vector<16xf32>
    %convert_element_type3A_2536 = arith.fptosi %add3A_2535 : vector<16xf32> to vector<16xi32>
    %jit3A_2537 = arith.constant 0 : i32
    %jit3A_2538 = arith.constant 63 : i32
    %max3A_2539 = vector.broadcast %jit3A_2537 : i32 to vector<16xi32>
    %max3A_2540 = arith.maxsi %max3A_2539, %convert_element_type3A_2536 : vector<16xi32>
    %min3A_2541 = vector.broadcast %jit3A_2538 : i32 to vector<16xi32>
    %min3A_2542 = arith.minsi %min3A_2541, %max3A_2540 : vector<16xi32>
    %div3A_2543 = arith.divf %gather3A_2501, %gather3A_2528 : vector<16xf32>
    %add3A_2544 = arith.addf %div3A_2543, %gather3A_2533 : vector<16xf32>
    %convert_element_type3A_2545 = arith.fptosi %add3A_2544 : vector<16xf32> to vector<16xi32>
    %jit3A_2546 = arith.constant 0 : i32
    %jit3A_2547 = arith.constant 63 : i32
    %max3A_2548 = vector.broadcast %jit3A_2546 : i32 to vector<16xi32>
    %max3A_2549 = arith.maxsi %max3A_2548, %convert_element_type3A_2545 : vector<16xi32>
    %min3A_2550 = vector.broadcast %jit3A_2547 : i32 to vector<16xi32>
    %min3A_2551 = arith.minsi %min3A_2550, %max3A_2549 : vector<16xi32>
    %swap3A_2552 = arith.constant 368 : index
    %swap3A_2553 = tpu.vector_load %arg11[%swap3A_2552] {strides = array<i32>} : memref<640xi32, #tpu.memory_space<vmem>>, vector<16xi32>,
    tpu.vector_store %arg11[%swap3A_2552], %min3A_2542 {strides = array<i32>} : memref<640xi32, #tpu.memory_space<vmem>>, vector<16xi32>,
    %swap3A_2554 = arith.constant 368 : index
    %swap3A_2555 = tpu.vector_load %arg12[%swap3A_2554] {strides = array<i32>} : memref<640xi32, #tpu.memory_space<vmem>>, vector<16xi32>,
    tpu.vector_store %arg12[%swap3A_2554], %min3A_2551 {strides = array<i32>} : memref<640xi32, #tpu.memory_space<vmem>>, vector<16xi32>,
    %add3A_2556 = arith.constant 384 : i32
    %add3A_2557 = vector.broadcast %add3A_2556 : i32 to vector<16xi32>
    %add3A_2558 = arith.addi %iota3A, %add3A_2557 : vector<16xi32>
    %min3A_2559 = arith.constant 624 : i32
    %min3A_2560 = vector.broadcast %min3A_2559 : i32 to vector<16xi32>
    %min3A_2561 = arith.minsi %add3A_2558, %min3A_2560 : vector<16xi32>
    %jit3A_2562 = arith.constant 25 : i32
    %div3A_2563 = vector.broadcast %jit3A_2562 : i32 to vector<16xi32>
    %div3A_2564 = arith.divsi %min3A_2561, %div3A_2563 : vector<16xi32>
    %sign3A_2565 = arith.constant 0 : i32
    %sign3A_2566 = vector.broadcast %sign3A_2565 : i32 to vector<16xi32>
    %sign3A_2567 = arith.cmpi sgt, %min3A_2561, %sign3A_2566 : vector<16xi32>
    %sign3A_2568 = arith.extui %sign3A_2567 : vector<16xi1> to vector<16xi32>
    %sign3A_2569 = arith.constant 0 : i32
    %sign3A_2570 = vector.broadcast %sign3A_2569 : i32 to vector<16xi32>
    %sign3A_2571 = arith.cmpi slt, %min3A_2561, %sign3A_2570 : vector<16xi32>
    %sign3A_2572 = arith.extui %sign3A_2571 : vector<16xi1> to vector<16xi32>
    %sign3A_2573 = arith.subi %sign3A_2568, %sign3A_2572 : vector<16xi32>
    %sign3A_2574 = arith.constant 0 : i32
    %sign3A_2575 = arith.cmpi sgt, %jit3A_2562, %sign3A_2574 : i32
    %sign3A_2576 = arith.extui %sign3A_2575 : i1 to i32
    %sign3A_2577 = arith.constant 0 : i32
    %sign3A_2578 = arith.cmpi slt, %jit3A_2562, %sign3A_2577 : i32
    %sign3A_2579 = arith.extui %sign3A_2578 : i1 to i32
    %sign3A_2580 = arith.subi %sign3A_2576, %sign3A_2579 : i32
    %ne3A_2581 = vector.broadcast %sign3A_2580 : i32 to vector<16xi32>
    %ne3A_2582 = arith.cmpi ne, %sign3A_2573, %ne3A_2581 : vector<16xi32>
    %rem3A_2583 = vector.broadcast %jit3A_2562 : i32 to vector<16xi32>
    %rem3A_2584 = arith.remsi %min3A_2561, %rem3A_2583 : vector<16xi32>
    %ne3A_2585 = arith.constant 0 : i32
    %ne3A_2586 = vector.broadcast %ne3A_2585 : i32 to vector<16xi32>
    %ne3A_2587 = arith.cmpi ne, %rem3A_2584, %ne3A_2586 : vector<16xi32>
    %and3A_2588 = arith.andi %ne3A_2582, %ne3A_2587 : vector<16xi1>
    %sub3A_2589 = arith.constant 1 : i32
    %sub3A_2590 = vector.broadcast %sub3A_2589 : i32 to vector<16xi32>
    %sub3A_2591 = arith.subi %div3A_2564, %sub3A_2590 : vector<16xi32>
    %select_n3A_2592 = arith.select %and3A_2588, %sub3A_2591, %div3A_2564 : vector<16xi1>, vector<16xi32>
    %mul3A_2593 = arith.constant 25 : i32
    %mul3A_2594 = vector.broadcast %mul3A_2593 : i32 to vector<16xi32>
    %mul3A_2595 = arith.muli %select_n3A_2592, %mul3A_2594 : vector<16xi32>
    %sub3A_2596 = arith.subi %min3A_2561, %mul3A_2595 : vector<16xi32>
    %mul3A_2597 = arith.constant 25 : i32
    %mul3A_2598 = arith.muli %add3A, %mul3A_2597 : i32
    %add3A_2599 = vector.broadcast %mul3A_2598 : i32 to vector<16xi32>
    %add3A_2600 = arith.addi %add3A_2599, %select_n3A_2592 : vector<16xi32>
    %mul3A_2601 = arith.constant 50 : i32
    %mul3A_2602 = vector.broadcast %mul3A_2601 : i32 to vector<16xi32>
    %mul3A_2603 = arith.muli %add3A_2600, %mul3A_2602 : vector<16xi32>
    %mul3A_2604 = arith.constant 2 : i32
    %mul3A_2605 = vector.broadcast %mul3A_2604 : i32 to vector<16xi32>
    %mul3A_2606 = arith.muli %mul3A_2605, %sub3A_2596 : vector<16xi32>
    %add3A_2607 = arith.addi %mul3A_2603, %mul3A_2606 : vector<16xi32>
    %gather3A_2608 = tpu.vector_load_idx %arg7[%add3A_2607] : memref<40000xf32, #tpu.memory_space<vmem>>[vector<16xi32>], vector<16xf32>,
    %mul3A_2609 = arith.constant 25 : i32
    %mul3A_2610 = arith.muli %add3A, %mul3A_2609 : i32
    %add3A_2611 = vector.broadcast %mul3A_2610 : i32 to vector<16xi32>
    %add3A_2612 = arith.addi %add3A_2611, %select_n3A_2592 : vector<16xi32>
    %mul3A_2613 = arith.constant 50 : i32
    %mul3A_2614 = vector.broadcast %mul3A_2613 : i32 to vector<16xi32>
    %mul3A_2615 = arith.muli %add3A_2612, %mul3A_2614 : vector<16xi32>
    %mul3A_2616 = arith.constant 2 : i32
    %mul3A_2617 = vector.broadcast %mul3A_2616 : i32 to vector<16xi32>
    %mul3A_2618 = arith.muli %mul3A_2617, %sub3A_2596 : vector<16xi32>
    %add3A_2619 = arith.addi %mul3A_2615, %mul3A_2618 : vector<16xi32>
    %add3A_2620 = arith.constant 1 : i32
    %add3A_2621 = vector.broadcast %add3A_2620 : i32 to vector<16xi32>
    %add3A_2622 = arith.addi %add3A_2619, %add3A_2621 : vector<16xi32>
    %gather3A_2623 = tpu.vector_load_idx %arg7[%add3A_2622] : memref<40000xf32, #tpu.memory_space<vmem>>[vector<16xi32>], vector<16xf32>,
    %mul3A_2624 = arith.constant 25 : i32
    %mul3A_2625 = arith.muli %add3A, %mul3A_2624 : i32
    %add3A_2626 = vector.broadcast %mul3A_2625 : i32 to vector<16xi32>
    %add3A_2627 = arith.addi %add3A_2626, %select_n3A_2592 : vector<16xi32>
    %mul3A_2628 = arith.constant 2 : i32
    %mul3A_2629 = vector.broadcast %mul3A_2628 : i32 to vector<16xi32>
    %mul3A_2630 = arith.muli %add3A_2627, %mul3A_2629 : vector<16xi32>
    %gather3A_2631 = tpu.vector_load_idx %arg8[%mul3A_2630] : memref<1600xf32, #tpu.memory_space<vmem>>[vector<16xi32>], vector<16xf32>,
    %add3A_2632 = arith.constant 1 : i32
    %add3A_2633 = vector.broadcast %add3A_2632 : i32 to vector<16xi32>
    %add3A_2634 = arith.addi %mul3A_2630, %add3A_2633 : vector<16xi32>
    %gather3A_2635 = tpu.vector_load_idx %arg8[%add3A_2634] : memref<1600xf32, #tpu.memory_space<vmem>>[vector<16xi32>], vector<16xf32>,
    %gather3A_2636 = tpu.vector_load_idx %arg9[%mul3A_2630] : memref<1600xf32, #tpu.memory_space<vmem>>[vector<16xi32>], vector<16xf32>,
    %add3A_2637 = arith.constant 1 : i32
    %add3A_2638 = vector.broadcast %add3A_2637 : i32 to vector<16xi32>
    %add3A_2639 = arith.addi %mul3A_2630, %add3A_2638 : vector<16xi32>
    %gather3A_2640 = tpu.vector_load_idx %arg9[%add3A_2639] : memref<1600xf32, #tpu.memory_space<vmem>>[vector<16xi32>], vector<16xf32>,
    %div3A_2641 = arith.divf %gather3A_2623, %gather3A_2631 : vector<16xf32>
    %add3A_2642 = arith.addf %div3A_2641, %gather3A_2636 : vector<16xf32>
    %convert_element_type3A_2643 = arith.fptosi %add3A_2642 : vector<16xf32> to vector<16xi32>
    %jit3A_2644 = arith.constant 0 : i32
    %jit3A_2645 = arith.constant 63 : i32
    %max3A_2646 = vector.broadcast %jit3A_2644 : i32 to vector<16xi32>
    %max3A_2647 = arith.maxsi %max3A_2646, %convert_element_type3A_2643 : vector<16xi32>
    %min3A_2648 = vector.broadcast %jit3A_2645 : i32 to vector<16xi32>
    %min3A_2649 = arith.minsi %min3A_2648, %max3A_2647 : vector<16xi32>
    %div3A_2650 = arith.divf %gather3A_2608, %gather3A_2635 : vector<16xf32>
    %add3A_2651 = arith.addf %div3A_2650, %gather3A_2640 : vector<16xf32>
    %convert_element_type3A_2652 = arith.fptosi %add3A_2651 : vector<16xf32> to vector<16xi32>
    %jit3A_2653 = arith.constant 0 : i32
    %jit3A_2654 = arith.constant 63 : i32
    %max3A_2655 = vector.broadcast %jit3A_2653 : i32 to vector<16xi32>
    %max3A_2656 = arith.maxsi %max3A_2655, %convert_element_type3A_2652 : vector<16xi32>
    %min3A_2657 = vector.broadcast %jit3A_2654 : i32 to vector<16xi32>
    %min3A_2658 = arith.minsi %min3A_2657, %max3A_2656 : vector<16xi32>
    %swap3A_2659 = arith.constant 384 : index
    %swap3A_2660 = tpu.vector_load %arg11[%swap3A_2659] {strides = array<i32>} : memref<640xi32, #tpu.memory_space<vmem>>, vector<16xi32>,
    tpu.vector_store %arg11[%swap3A_2659], %min3A_2649 {strides = array<i32>} : memref<640xi32, #tpu.memory_space<vmem>>, vector<16xi32>,
    %swap3A_2661 = arith.constant 384 : index
    %swap3A_2662 = tpu.vector_load %arg12[%swap3A_2661] {strides = array<i32>} : memref<640xi32, #tpu.memory_space<vmem>>, vector<16xi32>,
    tpu.vector_store %arg12[%swap3A_2661], %min3A_2658 {strides = array<i32>} : memref<640xi32, #tpu.memory_space<vmem>>, vector<16xi32>,
    %add3A_2663 = arith.constant 400 : i32
    %add3A_2664 = vector.broadcast %add3A_2663 : i32 to vector<16xi32>
    %add3A_2665 = arith.addi %iota3A, %add3A_2664 : vector<16xi32>
    %min3A_2666 = arith.constant 624 : i32
    %min3A_2667 = vector.broadcast %min3A_2666 : i32 to vector<16xi32>
    %min3A_2668 = arith.minsi %add3A_2665, %min3A_2667 : vector<16xi32>
    %jit3A_2669 = arith.constant 25 : i32
    %div3A_2670 = vector.broadcast %jit3A_2669 : i32 to vector<16xi32>
    %div3A_2671 = arith.divsi %min3A_2668, %div3A_2670 : vector<16xi32>
    %sign3A_2672 = arith.constant 0 : i32
    %sign3A_2673 = vector.broadcast %sign3A_2672 : i32 to vector<16xi32>
    %sign3A_2674 = arith.cmpi sgt, %min3A_2668, %sign3A_2673 : vector<16xi32>
    %sign3A_2675 = arith.extui %sign3A_2674 : vector<16xi1> to vector<16xi32>
    %sign3A_2676 = arith.constant 0 : i32
    %sign3A_2677 = vector.broadcast %sign3A_2676 : i32 to vector<16xi32>
    %sign3A_2678 = arith.cmpi slt, %min3A_2668, %sign3A_2677 : vector<16xi32>
    %sign3A_2679 = arith.extui %sign3A_2678 : vector<16xi1> to vector<16xi32>
    %sign3A_2680 = arith.subi %sign3A_2675, %sign3A_2679 : vector<16xi32>
    %sign3A_2681 = arith.constant 0 : i32
    %sign3A_2682 = arith.cmpi sgt, %jit3A_2669, %sign3A_2681 : i32
    %sign3A_2683 = arith.extui %sign3A_2682 : i1 to i32
    %sign3A_2684 = arith.constant 0 : i32
    %sign3A_2685 = arith.cmpi slt, %jit3A_2669, %sign3A_2684 : i32
    %sign3A_2686 = arith.extui %sign3A_2685 : i1 to i32
    %sign3A_2687 = arith.subi %sign3A_2683, %sign3A_2686 : i32
    %ne3A_2688 = vector.broadcast %sign3A_2687 : i32 to vector<16xi32>
    %ne3A_2689 = arith.cmpi ne, %sign3A_2680, %ne3A_2688 : vector<16xi32>
    %rem3A_2690 = vector.broadcast %jit3A_2669 : i32 to vector<16xi32>
    %rem3A_2691 = arith.remsi %min3A_2668, %rem3A_2690 : vector<16xi32>
    %ne3A_2692 = arith.constant 0 : i32
    %ne3A_2693 = vector.broadcast %ne3A_2692 : i32 to vector<16xi32>
    %ne3A_2694 = arith.cmpi ne, %rem3A_2691, %ne3A_2693 : vector<16xi32>
    %and3A_2695 = arith.andi %ne3A_2689, %ne3A_2694 : vector<16xi1>
    %sub3A_2696 = arith.constant 1 : i32
    %sub3A_2697 = vector.broadcast %sub3A_2696 : i32 to vector<16xi32>
    %sub3A_2698 = arith.subi %div3A_2671, %sub3A_2697 : vector<16xi32>
    %select_n3A_2699 = arith.select %and3A_2695, %sub3A_2698, %div3A_2671 : vector<16xi1>, vector<16xi32>
    %mul3A_2700 = arith.constant 25 : i32
    %mul3A_2701 = vector.broadcast %mul3A_2700 : i32 to vector<16xi32>
    %mul3A_2702 = arith.muli %select_n3A_2699, %mul3A_2701 : vector<16xi32>
    %sub3A_2703 = arith.subi %min3A_2668, %mul3A_2702 : vector<16xi32>
    %mul3A_2704 = arith.constant 25 : i32
    %mul3A_2705 = arith.muli %add3A, %mul3A_2704 : i32
    %add3A_2706 = vector.broadcast %mul3A_2705 : i32 to vector<16xi32>
    %add3A_2707 = arith.addi %add3A_2706, %select_n3A_2699 : vector<16xi32>
    %mul3A_2708 = arith.constant 50 : i32
    %mul3A_2709 = vector.broadcast %mul3A_2708 : i32 to vector<16xi32>
    %mul3A_2710 = arith.muli %add3A_2707, %mul3A_2709 : vector<16xi32>
    %mul3A_2711 = arith.constant 2 : i32
    %mul3A_2712 = vector.broadcast %mul3A_2711 : i32 to vector<16xi32>
    %mul3A_2713 = arith.muli %mul3A_2712, %sub3A_2703 : vector<16xi32>
    %add3A_2714 = arith.addi %mul3A_2710, %mul3A_2713 : vector<16xi32>
    %gather3A_2715 = tpu.vector_load_idx %arg7[%add3A_2714] : memref<40000xf32, #tpu.memory_space<vmem>>[vector<16xi32>], vector<16xf32>,
    %mul3A_2716 = arith.constant 25 : i32
    %mul3A_2717 = arith.muli %add3A, %mul3A_2716 : i32
    %add3A_2718 = vector.broadcast %mul3A_2717 : i32 to vector<16xi32>
    %add3A_2719 = arith.addi %add3A_2718, %select_n3A_2699 : vector<16xi32>
    %mul3A_2720 = arith.constant 50 : i32
    %mul3A_2721 = vector.broadcast %mul3A_2720 : i32 to vector<16xi32>
    %mul3A_2722 = arith.muli %add3A_2719, %mul3A_2721 : vector<16xi32>
    %mul3A_2723 = arith.constant 2 : i32
    %mul3A_2724 = vector.broadcast %mul3A_2723 : i32 to vector<16xi32>
    %mul3A_2725 = arith.muli %mul3A_2724, %sub3A_2703 : vector<16xi32>
    %add3A_2726 = arith.addi %mul3A_2722, %mul3A_2725 : vector<16xi32>
    %add3A_2727 = arith.constant 1 : i32
    %add3A_2728 = vector.broadcast %add3A_2727 : i32 to vector<16xi32>
    %add3A_2729 = arith.addi %add3A_2726, %add3A_2728 : vector<16xi32>
    %gather3A_2730 = tpu.vector_load_idx %arg7[%add3A_2729] : memref<40000xf32, #tpu.memory_space<vmem>>[vector<16xi32>], vector<16xf32>,
    %mul3A_2731 = arith.constant 25 : i32
    %mul3A_2732 = arith.muli %add3A, %mul3A_2731 : i32
    %add3A_2733 = vector.broadcast %mul3A_2732 : i32 to vector<16xi32>
    %add3A_2734 = arith.addi %add3A_2733, %select_n3A_2699 : vector<16xi32>
    %mul3A_2735 = arith.constant 2 : i32
    %mul3A_2736 = vector.broadcast %mul3A_2735 : i32 to vector<16xi32>
    %mul3A_2737 = arith.muli %add3A_2734, %mul3A_2736 : vector<16xi32>
    %gather3A_2738 = tpu.vector_load_idx %arg8[%mul3A_2737] : memref<1600xf32, #tpu.memory_space<vmem>>[vector<16xi32>], vector<16xf32>,
    %add3A_2739 = arith.constant 1 : i32
    %add3A_2740 = vector.broadcast %add3A_2739 : i32 to vector<16xi32>
    %add3A_2741 = arith.addi %mul3A_2737, %add3A_2740 : vector<16xi32>
    %gather3A_2742 = tpu.vector_load_idx %arg8[%add3A_2741] : memref<1600xf32, #tpu.memory_space<vmem>>[vector<16xi32>], vector<16xf32>,
    %gather3A_2743 = tpu.vector_load_idx %arg9[%mul3A_2737] : memref<1600xf32, #tpu.memory_space<vmem>>[vector<16xi32>], vector<16xf32>,
    %add3A_2744 = arith.constant 1 : i32
    %add3A_2745 = vector.broadcast %add3A_2744 : i32 to vector<16xi32>
    %add3A_2746 = arith.addi %mul3A_2737, %add3A_2745 : vector<16xi32>
    %gather3A_2747 = tpu.vector_load_idx %arg9[%add3A_2746] : memref<1600xf32, #tpu.memory_space<vmem>>[vector<16xi32>], vector<16xf32>,
    %div3A_2748 = arith.divf %gather3A_2730, %gather3A_2738 : vector<16xf32>
    %add3A_2749 = arith.addf %div3A_2748, %gather3A_2743 : vector<16xf32>
    %convert_element_type3A_2750 = arith.fptosi %add3A_2749 : vector<16xf32> to vector<16xi32>
    %jit3A_2751 = arith.constant 0 : i32
    %jit3A_2752 = arith.constant 63 : i32
    %max3A_2753 = vector.broadcast %jit3A_2751 : i32 to vector<16xi32>
    %max3A_2754 = arith.maxsi %max3A_2753, %convert_element_type3A_2750 : vector<16xi32>
    %min3A_2755 = vector.broadcast %jit3A_2752 : i32 to vector<16xi32>
    %min3A_2756 = arith.minsi %min3A_2755, %max3A_2754 : vector<16xi32>
    %div3A_2757 = arith.divf %gather3A_2715, %gather3A_2742 : vector<16xf32>
    %add3A_2758 = arith.addf %div3A_2757, %gather3A_2747 : vector<16xf32>
    %convert_element_type3A_2759 = arith.fptosi %add3A_2758 : vector<16xf32> to vector<16xi32>
    %jit3A_2760 = arith.constant 0 : i32
    %jit3A_2761 = arith.constant 63 : i32
    %max3A_2762 = vector.broadcast %jit3A_2760 : i32 to vector<16xi32>
    %max3A_2763 = arith.maxsi %max3A_2762, %convert_element_type3A_2759 : vector<16xi32>
    %min3A_2764 = vector.broadcast %jit3A_2761 : i32 to vector<16xi32>
    %min3A_2765 = arith.minsi %min3A_2764, %max3A_2763 : vector<16xi32>
    %swap3A_2766 = arith.constant 400 : index
    %swap3A_2767 = tpu.vector_load %arg11[%swap3A_2766] {strides = array<i32>} : memref<640xi32, #tpu.memory_space<vmem>>, vector<16xi32>,
    tpu.vector_store %arg11[%swap3A_2766], %min3A_2756 {strides = array<i32>} : memref<640xi32, #tpu.memory_space<vmem>>, vector<16xi32>,
    %swap3A_2768 = arith.constant 400 : index
    %swap3A_2769 = tpu.vector_load %arg12[%swap3A_2768] {strides = array<i32>} : memref<640xi32, #tpu.memory_space<vmem>>, vector<16xi32>,
    tpu.vector_store %arg12[%swap3A_2768], %min3A_2765 {strides = array<i32>} : memref<640xi32, #tpu.memory_space<vmem>>, vector<16xi32>,
    %add3A_2770 = arith.constant 416 : i32
    %add3A_2771 = vector.broadcast %add3A_2770 : i32 to vector<16xi32>
    %add3A_2772 = arith.addi %iota3A, %add3A_2771 : vector<16xi32>
    %min3A_2773 = arith.constant 624 : i32
    %min3A_2774 = vector.broadcast %min3A_2773 : i32 to vector<16xi32>
    %min3A_2775 = arith.minsi %add3A_2772, %min3A_2774 : vector<16xi32>
    %jit3A_2776 = arith.constant 25 : i32
    %div3A_2777 = vector.broadcast %jit3A_2776 : i32 to vector<16xi32>
    %div3A_2778 = arith.divsi %min3A_2775, %div3A_2777 : vector<16xi32>
    %sign3A_2779 = arith.constant 0 : i32
    %sign3A_2780 = vector.broadcast %sign3A_2779 : i32 to vector<16xi32>
    %sign3A_2781 = arith.cmpi sgt, %min3A_2775, %sign3A_2780 : vector<16xi32>
    %sign3A_2782 = arith.extui %sign3A_2781 : vector<16xi1> to vector<16xi32>
    %sign3A_2783 = arith.constant 0 : i32
    %sign3A_2784 = vector.broadcast %sign3A_2783 : i32 to vector<16xi32>
    %sign3A_2785 = arith.cmpi slt, %min3A_2775, %sign3A_2784 : vector<16xi32>
    %sign3A_2786 = arith.extui %sign3A_2785 : vector<16xi1> to vector<16xi32>
    %sign3A_2787 = arith.subi %sign3A_2782, %sign3A_2786 : vector<16xi32>
    %sign3A_2788 = arith.constant 0 : i32
    %sign3A_2789 = arith.cmpi sgt, %jit3A_2776, %sign3A_2788 : i32
    %sign3A_2790 = arith.extui %sign3A_2789 : i1 to i32
    %sign3A_2791 = arith.constant 0 : i32
    %sign3A_2792 = arith.cmpi slt, %jit3A_2776, %sign3A_2791 : i32
    %sign3A_2793 = arith.extui %sign3A_2792 : i1 to i32
    %sign3A_2794 = arith.subi %sign3A_2790, %sign3A_2793 : i32
    %ne3A_2795 = vector.broadcast %sign3A_2794 : i32 to vector<16xi32>
    %ne3A_2796 = arith.cmpi ne, %sign3A_2787, %ne3A_2795 : vector<16xi32>
    %rem3A_2797 = vector.broadcast %jit3A_2776 : i32 to vector<16xi32>
    %rem3A_2798 = arith.remsi %min3A_2775, %rem3A_2797 : vector<16xi32>
    %ne3A_2799 = arith.constant 0 : i32
    %ne3A_2800 = vector.broadcast %ne3A_2799 : i32 to vector<16xi32>
    %ne3A_2801 = arith.cmpi ne, %rem3A_2798, %ne3A_2800 : vector<16xi32>
    %and3A_2802 = arith.andi %ne3A_2796, %ne3A_2801 : vector<16xi1>
    %sub3A_2803 = arith.constant 1 : i32
    %sub3A_2804 = vector.broadcast %sub3A_2803 : i32 to vector<16xi32>
    %sub3A_2805 = arith.subi %div3A_2778, %sub3A_2804 : vector<16xi32>
    %select_n3A_2806 = arith.select %and3A_2802, %sub3A_2805, %div3A_2778 : vector<16xi1>, vector<16xi32>
    %mul3A_2807 = arith.constant 25 : i32
    %mul3A_2808 = vector.broadcast %mul3A_2807 : i32 to vector<16xi32>
    %mul3A_2809 = arith.muli %select_n3A_2806, %mul3A_2808 : vector<16xi32>
    %sub3A_2810 = arith.subi %min3A_2775, %mul3A_2809 : vector<16xi32>
    %mul3A_2811 = arith.constant 25 : i32
    %mul3A_2812 = arith.muli %add3A, %mul3A_2811 : i32
    %add3A_2813 = vector.broadcast %mul3A_2812 : i32 to vector<16xi32>
    %add3A_2814 = arith.addi %add3A_2813, %select_n3A_2806 : vector<16xi32>
    %mul3A_2815 = arith.constant 50 : i32
    %mul3A_2816 = vector.broadcast %mul3A_2815 : i32 to vector<16xi32>
    %mul3A_2817 = arith.muli %add3A_2814, %mul3A_2816 : vector<16xi32>
    %mul3A_2818 = arith.constant 2 : i32
    %mul3A_2819 = vector.broadcast %mul3A_2818 : i32 to vector<16xi32>
    %mul3A_2820 = arith.muli %mul3A_2819, %sub3A_2810 : vector<16xi32>
    %add3A_2821 = arith.addi %mul3A_2817, %mul3A_2820 : vector<16xi32>
    %gather3A_2822 = tpu.vector_load_idx %arg7[%add3A_2821] : memref<40000xf32, #tpu.memory_space<vmem>>[vector<16xi32>], vector<16xf32>,
    %mul3A_2823 = arith.constant 25 : i32
    %mul3A_2824 = arith.muli %add3A, %mul3A_2823 : i32
    %add3A_2825 = vector.broadcast %mul3A_2824 : i32 to vector<16xi32>
    %add3A_2826 = arith.addi %add3A_2825, %select_n3A_2806 : vector<16xi32>
    %mul3A_2827 = arith.constant 50 : i32
    %mul3A_2828 = vector.broadcast %mul3A_2827 : i32 to vector<16xi32>
    %mul3A_2829 = arith.muli %add3A_2826, %mul3A_2828 : vector<16xi32>
    %mul3A_2830 = arith.constant 2 : i32
    %mul3A_2831 = vector.broadcast %mul3A_2830 : i32 to vector<16xi32>
    %mul3A_2832 = arith.muli %mul3A_2831, %sub3A_2810 : vector<16xi32>
    %add3A_2833 = arith.addi %mul3A_2829, %mul3A_2832 : vector<16xi32>
    %add3A_2834 = arith.constant 1 : i32
    %add3A_2835 = vector.broadcast %add3A_2834 : i32 to vector<16xi32>
    %add3A_2836 = arith.addi %add3A_2833, %add3A_2835 : vector<16xi32>
    %gather3A_2837 = tpu.vector_load_idx %arg7[%add3A_2836] : memref<40000xf32, #tpu.memory_space<vmem>>[vector<16xi32>], vector<16xf32>,
    %mul3A_2838 = arith.constant 25 : i32
    %mul3A_2839 = arith.muli %add3A, %mul3A_2838 : i32
    %add3A_2840 = vector.broadcast %mul3A_2839 : i32 to vector<16xi32>
    %add3A_2841 = arith.addi %add3A_2840, %select_n3A_2806 : vector<16xi32>
    %mul3A_2842 = arith.constant 2 : i32
    %mul3A_2843 = vector.broadcast %mul3A_2842 : i32 to vector<16xi32>
    %mul3A_2844 = arith.muli %add3A_2841, %mul3A_2843 : vector<16xi32>
    %gather3A_2845 = tpu.vector_load_idx %arg8[%mul3A_2844] : memref<1600xf32, #tpu.memory_space<vmem>>[vector<16xi32>], vector<16xf32>,
    %add3A_2846 = arith.constant 1 : i32
    %add3A_2847 = vector.broadcast %add3A_2846 : i32 to vector<16xi32>
    %add3A_2848 = arith.addi %mul3A_2844, %add3A_2847 : vector<16xi32>
    %gather3A_2849 = tpu.vector_load_idx %arg8[%add3A_2848] : memref<1600xf32, #tpu.memory_space<vmem>>[vector<16xi32>], vector<16xf32>,
    %gather3A_2850 = tpu.vector_load_idx %arg9[%mul3A_2844] : memref<1600xf32, #tpu.memory_space<vmem>>[vector<16xi32>], vector<16xf32>,
    %add3A_2851 = arith.constant 1 : i32
    %add3A_2852 = vector.broadcast %add3A_2851 : i32 to vector<16xi32>
    %add3A_2853 = arith.addi %mul3A_2844, %add3A_2852 : vector<16xi32>
    %gather3A_2854 = tpu.vector_load_idx %arg9[%add3A_2853] : memref<1600xf32, #tpu.memory_space<vmem>>[vector<16xi32>], vector<16xf32>,
    %div3A_2855 = arith.divf %gather3A_2837, %gather3A_2845 : vector<16xf32>
    %add3A_2856 = arith.addf %div3A_2855, %gather3A_2850 : vector<16xf32>
    %convert_element_type3A_2857 = arith.fptosi %add3A_2856 : vector<16xf32> to vector<16xi32>
    %jit3A_2858 = arith.constant 0 : i32
    %jit3A_2859 = arith.constant 63 : i32
    %max3A_2860 = vector.broadcast %jit3A_2858 : i32 to vector<16xi32>
    %max3A_2861 = arith.maxsi %max3A_2860, %convert_element_type3A_2857 : vector<16xi32>
    %min3A_2862 = vector.broadcast %jit3A_2859 : i32 to vector<16xi32>
    %min3A_2863 = arith.minsi %min3A_2862, %max3A_2861 : vector<16xi32>
    %div3A_2864 = arith.divf %gather3A_2822, %gather3A_2849 : vector<16xf32>
    %add3A_2865 = arith.addf %div3A_2864, %gather3A_2854 : vector<16xf32>
    %convert_element_type3A_2866 = arith.fptosi %add3A_2865 : vector<16xf32> to vector<16xi32>
    %jit3A_2867 = arith.constant 0 : i32
    %jit3A_2868 = arith.constant 63 : i32
    %max3A_2869 = vector.broadcast %jit3A_2867 : i32 to vector<16xi32>
    %max3A_2870 = arith.maxsi %max3A_2869, %convert_element_type3A_2866 : vector<16xi32>
    %min3A_2871 = vector.broadcast %jit3A_2868 : i32 to vector<16xi32>
    %min3A_2872 = arith.minsi %min3A_2871, %max3A_2870 : vector<16xi32>
    %swap3A_2873 = arith.constant 416 : index
    %swap3A_2874 = tpu.vector_load %arg11[%swap3A_2873] {strides = array<i32>} : memref<640xi32, #tpu.memory_space<vmem>>, vector<16xi32>,
    tpu.vector_store %arg11[%swap3A_2873], %min3A_2863 {strides = array<i32>} : memref<640xi32, #tpu.memory_space<vmem>>, vector<16xi32>,
    %swap3A_2875 = arith.constant 416 : index
    %swap3A_2876 = tpu.vector_load %arg12[%swap3A_2875] {strides = array<i32>} : memref<640xi32, #tpu.memory_space<vmem>>, vector<16xi32>,
    tpu.vector_store %arg12[%swap3A_2875], %min3A_2872 {strides = array<i32>} : memref<640xi32, #tpu.memory_space<vmem>>, vector<16xi32>,
    %add3A_2877 = arith.constant 432 : i32
    %add3A_2878 = vector.broadcast %add3A_2877 : i32 to vector<16xi32>
    %add3A_2879 = arith.addi %iota3A, %add3A_2878 : vector<16xi32>
    %min3A_2880 = arith.constant 624 : i32
    %min3A_2881 = vector.broadcast %min3A_2880 : i32 to vector<16xi32>
    %min3A_2882 = arith.minsi %add3A_2879, %min3A_2881 : vector<16xi32>
    %jit3A_2883 = arith.constant 25 : i32
    %div3A_2884 = vector.broadcast %jit3A_2883 : i32 to vector<16xi32>
    %div3A_2885 = arith.divsi %min3A_2882, %div3A_2884 : vector<16xi32>
    %sign3A_2886 = arith.constant 0 : i32
    %sign3A_2887 = vector.broadcast %sign3A_2886 : i32 to vector<16xi32>
    %sign3A_2888 = arith.cmpi sgt, %min3A_2882, %sign3A_2887 : vector<16xi32>
    %sign3A_2889 = arith.extui %sign3A_2888 : vector<16xi1> to vector<16xi32>
    %sign3A_2890 = arith.constant 0 : i32
    %sign3A_2891 = vector.broadcast %sign3A_2890 : i32 to vector<16xi32>
    %sign3A_2892 = arith.cmpi slt, %min3A_2882, %sign3A_2891 : vector<16xi32>
    %sign3A_2893 = arith.extui %sign3A_2892 : vector<16xi1> to vector<16xi32>
    %sign3A_2894 = arith.subi %sign3A_2889, %sign3A_2893 : vector<16xi32>
    %sign3A_2895 = arith.constant 0 : i32
    %sign3A_2896 = arith.cmpi sgt, %jit3A_2883, %sign3A_2895 : i32
    %sign3A_2897 = arith.extui %sign3A_2896 : i1 to i32
    %sign3A_2898 = arith.constant 0 : i32
    %sign3A_2899 = arith.cmpi slt, %jit3A_2883, %sign3A_2898 : i32
    %sign3A_2900 = arith.extui %sign3A_2899 : i1 to i32
    %sign3A_2901 = arith.subi %sign3A_2897, %sign3A_2900 : i32
    %ne3A_2902 = vector.broadcast %sign3A_2901 : i32 to vector<16xi32>
    %ne3A_2903 = arith.cmpi ne, %sign3A_2894, %ne3A_2902 : vector<16xi32>
    %rem3A_2904 = vector.broadcast %jit3A_2883 : i32 to vector<16xi32>
    %rem3A_2905 = arith.remsi %min3A_2882, %rem3A_2904 : vector<16xi32>
    %ne3A_2906 = arith.constant 0 : i32
    %ne3A_2907 = vector.broadcast %ne3A_2906 : i32 to vector<16xi32>
    %ne3A_2908 = arith.cmpi ne, %rem3A_2905, %ne3A_2907 : vector<16xi32>
    %and3A_2909 = arith.andi %ne3A_2903, %ne3A_2908 : vector<16xi1>
    %sub3A_2910 = arith.constant 1 : i32
    %sub3A_2911 = vector.broadcast %sub3A_2910 : i32 to vector<16xi32>
    %sub3A_2912 = arith.subi %div3A_2885, %sub3A_2911 : vector<16xi32>
    %select_n3A_2913 = arith.select %and3A_2909, %sub3A_2912, %div3A_2885 : vector<16xi1>, vector<16xi32>
    %mul3A_2914 = arith.constant 25 : i32
    %mul3A_2915 = vector.broadcast %mul3A_2914 : i32 to vector<16xi32>
    %mul3A_2916 = arith.muli %select_n3A_2913, %mul3A_2915 : vector<16xi32>
    %sub3A_2917 = arith.subi %min3A_2882, %mul3A_2916 : vector<16xi32>
    %mul3A_2918 = arith.constant 25 : i32
    %mul3A_2919 = arith.muli %add3A, %mul3A_2918 : i32
    %add3A_2920 = vector.broadcast %mul3A_2919 : i32 to vector<16xi32>
    %add3A_2921 = arith.addi %add3A_2920, %select_n3A_2913 : vector<16xi32>
    %mul3A_2922 = arith.constant 50 : i32
    %mul3A_2923 = vector.broadcast %mul3A_2922 : i32 to vector<16xi32>
    %mul3A_2924 = arith.muli %add3A_2921, %mul3A_2923 : vector<16xi32>
    %mul3A_2925 = arith.constant 2 : i32
    %mul3A_2926 = vector.broadcast %mul3A_2925 : i32 to vector<16xi32>
    %mul3A_2927 = arith.muli %mul3A_2926, %sub3A_2917 : vector<16xi32>
    %add3A_2928 = arith.addi %mul3A_2924, %mul3A_2927 : vector<16xi32>
    %gather3A_2929 = tpu.vector_load_idx %arg7[%add3A_2928] : memref<40000xf32, #tpu.memory_space<vmem>>[vector<16xi32>], vector<16xf32>,
    %mul3A_2930 = arith.constant 25 : i32
    %mul3A_2931 = arith.muli %add3A, %mul3A_2930 : i32
    %add3A_2932 = vector.broadcast %mul3A_2931 : i32 to vector<16xi32>
    %add3A_2933 = arith.addi %add3A_2932, %select_n3A_2913 : vector<16xi32>
    %mul3A_2934 = arith.constant 50 : i32
    %mul3A_2935 = vector.broadcast %mul3A_2934 : i32 to vector<16xi32>
    %mul3A_2936 = arith.muli %add3A_2933, %mul3A_2935 : vector<16xi32>
    %mul3A_2937 = arith.constant 2 : i32
    %mul3A_2938 = vector.broadcast %mul3A_2937 : i32 to vector<16xi32>
    %mul3A_2939 = arith.muli %mul3A_2938, %sub3A_2917 : vector<16xi32>
    %add3A_2940 = arith.addi %mul3A_2936, %mul3A_2939 : vector<16xi32>
    %add3A_2941 = arith.constant 1 : i32
    %add3A_2942 = vector.broadcast %add3A_2941 : i32 to vector<16xi32>
    %add3A_2943 = arith.addi %add3A_2940, %add3A_2942 : vector<16xi32>
    %gather3A_2944 = tpu.vector_load_idx %arg7[%add3A_2943] : memref<40000xf32, #tpu.memory_space<vmem>>[vector<16xi32>], vector<16xf32>,
    %mul3A_2945 = arith.constant 25 : i32
    %mul3A_2946 = arith.muli %add3A, %mul3A_2945 : i32
    %add3A_2947 = vector.broadcast %mul3A_2946 : i32 to vector<16xi32>
    %add3A_2948 = arith.addi %add3A_2947, %select_n3A_2913 : vector<16xi32>
    %mul3A_2949 = arith.constant 2 : i32
    %mul3A_2950 = vector.broadcast %mul3A_2949 : i32 to vector<16xi32>
    %mul3A_2951 = arith.muli %add3A_2948, %mul3A_2950 : vector<16xi32>
    %gather3A_2952 = tpu.vector_load_idx %arg8[%mul3A_2951] : memref<1600xf32, #tpu.memory_space<vmem>>[vector<16xi32>], vector<16xf32>,
    %add3A_2953 = arith.constant 1 : i32
    %add3A_2954 = vector.broadcast %add3A_2953 : i32 to vector<16xi32>
    %add3A_2955 = arith.addi %mul3A_2951, %add3A_2954 : vector<16xi32>
    %gather3A_2956 = tpu.vector_load_idx %arg8[%add3A_2955] : memref<1600xf32, #tpu.memory_space<vmem>>[vector<16xi32>], vector<16xf32>,
    %gather3A_2957 = tpu.vector_load_idx %arg9[%mul3A_2951] : memref<1600xf32, #tpu.memory_space<vmem>>[vector<16xi32>], vector<16xf32>,
    %add3A_2958 = arith.constant 1 : i32
    %add3A_2959 = vector.broadcast %add3A_2958 : i32 to vector<16xi32>
    %add3A_2960 = arith.addi %mul3A_2951, %add3A_2959 : vector<16xi32>
    %gather3A_2961 = tpu.vector_load_idx %arg9[%add3A_2960] : memref<1600xf32, #tpu.memory_space<vmem>>[vector<16xi32>], vector<16xf32>,
    %div3A_2962 = arith.divf %gather3A_2944, %gather3A_2952 : vector<16xf32>
    %add3A_2963 = arith.addf %div3A_2962, %gather3A_2957 : vector<16xf32>
    %convert_element_type3A_2964 = arith.fptosi %add3A_2963 : vector<16xf32> to vector<16xi32>
    %jit3A_2965 = arith.constant 0 : i32
    %jit3A_2966 = arith.constant 63 : i32
    %max3A_2967 = vector.broadcast %jit3A_2965 : i32 to vector<16xi32>
    %max3A_2968 = arith.maxsi %max3A_2967, %convert_element_type3A_2964 : vector<16xi32>
    %min3A_2969 = vector.broadcast %jit3A_2966 : i32 to vector<16xi32>
    %min3A_2970 = arith.minsi %min3A_2969, %max3A_2968 : vector<16xi32>
    %div3A_2971 = arith.divf %gather3A_2929, %gather3A_2956 : vector<16xf32>
    %add3A_2972 = arith.addf %div3A_2971, %gather3A_2961 : vector<16xf32>
    %convert_element_type3A_2973 = arith.fptosi %add3A_2972 : vector<16xf32> to vector<16xi32>
    %jit3A_2974 = arith.constant 0 : i32
    %jit3A_2975 = arith.constant 63 : i32
    %max3A_2976 = vector.broadcast %jit3A_2974 : i32 to vector<16xi32>
    %max3A_2977 = arith.maxsi %max3A_2976, %convert_element_type3A_2973 : vector<16xi32>
    %min3A_2978 = vector.broadcast %jit3A_2975 : i32 to vector<16xi32>
    %min3A_2979 = arith.minsi %min3A_2978, %max3A_2977 : vector<16xi32>
    %swap3A_2980 = arith.constant 432 : index
    %swap3A_2981 = tpu.vector_load %arg11[%swap3A_2980] {strides = array<i32>} : memref<640xi32, #tpu.memory_space<vmem>>, vector<16xi32>,
    tpu.vector_store %arg11[%swap3A_2980], %min3A_2970 {strides = array<i32>} : memref<640xi32, #tpu.memory_space<vmem>>, vector<16xi32>,
    %swap3A_2982 = arith.constant 432 : index
    %swap3A_2983 = tpu.vector_load %arg12[%swap3A_2982] {strides = array<i32>} : memref<640xi32, #tpu.memory_space<vmem>>, vector<16xi32>,
    tpu.vector_store %arg12[%swap3A_2982], %min3A_2979 {strides = array<i32>} : memref<640xi32, #tpu.memory_space<vmem>>, vector<16xi32>,
    %add3A_2984 = arith.constant 448 : i32
    %add3A_2985 = vector.broadcast %add3A_2984 : i32 to vector<16xi32>
    %add3A_2986 = arith.addi %iota3A, %add3A_2985 : vector<16xi32>
    %min3A_2987 = arith.constant 624 : i32
    %min3A_2988 = vector.broadcast %min3A_2987 : i32 to vector<16xi32>
    %min3A_2989 = arith.minsi %add3A_2986, %min3A_2988 : vector<16xi32>
    %jit3A_2990 = arith.constant 25 : i32
    %div3A_2991 = vector.broadcast %jit3A_2990 : i32 to vector<16xi32>
    %div3A_2992 = arith.divsi %min3A_2989, %div3A_2991 : vector<16xi32>
    %sign3A_2993 = arith.constant 0 : i32
    %sign3A_2994 = vector.broadcast %sign3A_2993 : i32 to vector<16xi32>
    %sign3A_2995 = arith.cmpi sgt, %min3A_2989, %sign3A_2994 : vector<16xi32>
    %sign3A_2996 = arith.extui %sign3A_2995 : vector<16xi1> to vector<16xi32>
    %sign3A_2997 = arith.constant 0 : i32
    %sign3A_2998 = vector.broadcast %sign3A_2997 : i32 to vector<16xi32>
    %sign3A_2999 = arith.cmpi slt, %min3A_2989, %sign3A_2998 : vector<16xi32>
    %sign3A_3000 = arith.extui %sign3A_2999 : vector<16xi1> to vector<16xi32>
    %sign3A_3001 = arith.subi %sign3A_2996, %sign3A_3000 : vector<16xi32>
    %sign3A_3002 = arith.constant 0 : i32
    %sign3A_3003 = arith.cmpi sgt, %jit3A_2990, %sign3A_3002 : i32
    %sign3A_3004 = arith.extui %sign3A_3003 : i1 to i32
    %sign3A_3005 = arith.constant 0 : i32
    %sign3A_3006 = arith.cmpi slt, %jit3A_2990, %sign3A_3005 : i32
    %sign3A_3007 = arith.extui %sign3A_3006 : i1 to i32
    %sign3A_3008 = arith.subi %sign3A_3004, %sign3A_3007 : i32
    %ne3A_3009 = vector.broadcast %sign3A_3008 : i32 to vector<16xi32>
    %ne3A_3010 = arith.cmpi ne, %sign3A_3001, %ne3A_3009 : vector<16xi32>
    %rem3A_3011 = vector.broadcast %jit3A_2990 : i32 to vector<16xi32>
    %rem3A_3012 = arith.remsi %min3A_2989, %rem3A_3011 : vector<16xi32>
    %ne3A_3013 = arith.constant 0 : i32
    %ne3A_3014 = vector.broadcast %ne3A_3013 : i32 to vector<16xi32>
    %ne3A_3015 = arith.cmpi ne, %rem3A_3012, %ne3A_3014 : vector<16xi32>
    %and3A_3016 = arith.andi %ne3A_3010, %ne3A_3015 : vector<16xi1>
    %sub3A_3017 = arith.constant 1 : i32
    %sub3A_3018 = vector.broadcast %sub3A_3017 : i32 to vector<16xi32>
    %sub3A_3019 = arith.subi %div3A_2992, %sub3A_3018 : vector<16xi32>
    %select_n3A_3020 = arith.select %and3A_3016, %sub3A_3019, %div3A_2992 : vector<16xi1>, vector<16xi32>
    %mul3A_3021 = arith.constant 25 : i32
    %mul3A_3022 = vector.broadcast %mul3A_3021 : i32 to vector<16xi32>
    %mul3A_3023 = arith.muli %select_n3A_3020, %mul3A_3022 : vector<16xi32>
    %sub3A_3024 = arith.subi %min3A_2989, %mul3A_3023 : vector<16xi32>
    %mul3A_3025 = arith.constant 25 : i32
    %mul3A_3026 = arith.muli %add3A, %mul3A_3025 : i32
    %add3A_3027 = vector.broadcast %mul3A_3026 : i32 to vector<16xi32>
    %add3A_3028 = arith.addi %add3A_3027, %select_n3A_3020 : vector<16xi32>
    %mul3A_3029 = arith.constant 50 : i32
    %mul3A_3030 = vector.broadcast %mul3A_3029 : i32 to vector<16xi32>
    %mul3A_3031 = arith.muli %add3A_3028, %mul3A_3030 : vector<16xi32>
    %mul3A_3032 = arith.constant 2 : i32
    %mul3A_3033 = vector.broadcast %mul3A_3032 : i32 to vector<16xi32>
    %mul3A_3034 = arith.muli %mul3A_3033, %sub3A_3024 : vector<16xi32>
    %add3A_3035 = arith.addi %mul3A_3031, %mul3A_3034 : vector<16xi32>
    %gather3A_3036 = tpu.vector_load_idx %arg7[%add3A_3035] : memref<40000xf32, #tpu.memory_space<vmem>>[vector<16xi32>], vector<16xf32>,
    %mul3A_3037 = arith.constant 25 : i32
    %mul3A_3038 = arith.muli %add3A, %mul3A_3037 : i32
    %add3A_3039 = vector.broadcast %mul3A_3038 : i32 to vector<16xi32>
    %add3A_3040 = arith.addi %add3A_3039, %select_n3A_3020 : vector<16xi32>
    %mul3A_3041 = arith.constant 50 : i32
    %mul3A_3042 = vector.broadcast %mul3A_3041 : i32 to vector<16xi32>
    %mul3A_3043 = arith.muli %add3A_3040, %mul3A_3042 : vector<16xi32>
    %mul3A_3044 = arith.constant 2 : i32
    %mul3A_3045 = vector.broadcast %mul3A_3044 : i32 to vector<16xi32>
    %mul3A_3046 = arith.muli %mul3A_3045, %sub3A_3024 : vector<16xi32>
    %add3A_3047 = arith.addi %mul3A_3043, %mul3A_3046 : vector<16xi32>
    %add3A_3048 = arith.constant 1 : i32
    %add3A_3049 = vector.broadcast %add3A_3048 : i32 to vector<16xi32>
    %add3A_3050 = arith.addi %add3A_3047, %add3A_3049 : vector<16xi32>
    %gather3A_3051 = tpu.vector_load_idx %arg7[%add3A_3050] : memref<40000xf32, #tpu.memory_space<vmem>>[vector<16xi32>], vector<16xf32>,
    %mul3A_3052 = arith.constant 25 : i32
    %mul3A_3053 = arith.muli %add3A, %mul3A_3052 : i32
    %add3A_3054 = vector.broadcast %mul3A_3053 : i32 to vector<16xi32>
    %add3A_3055 = arith.addi %add3A_3054, %select_n3A_3020 : vector<16xi32>
    %mul3A_3056 = arith.constant 2 : i32
    %mul3A_3057 = vector.broadcast %mul3A_3056 : i32 to vector<16xi32>
    %mul3A_3058 = arith.muli %add3A_3055, %mul3A_3057 : vector<16xi32>
    %gather3A_3059 = tpu.vector_load_idx %arg8[%mul3A_3058] : memref<1600xf32, #tpu.memory_space<vmem>>[vector<16xi32>], vector<16xf32>,
    %add3A_3060 = arith.constant 1 : i32
    %add3A_3061 = vector.broadcast %add3A_3060 : i32 to vector<16xi32>
    %add3A_3062 = arith.addi %mul3A_3058, %add3A_3061 : vector<16xi32>
    %gather3A_3063 = tpu.vector_load_idx %arg8[%add3A_3062] : memref<1600xf32, #tpu.memory_space<vmem>>[vector<16xi32>], vector<16xf32>,
    %gather3A_3064 = tpu.vector_load_idx %arg9[%mul3A_3058] : memref<1600xf32, #tpu.memory_space<vmem>>[vector<16xi32>], vector<16xf32>,
    %add3A_3065 = arith.constant 1 : i32
    %add3A_3066 = vector.broadcast %add3A_3065 : i32 to vector<16xi32>
    %add3A_3067 = arith.addi %mul3A_3058, %add3A_3066 : vector<16xi32>
    %gather3A_3068 = tpu.vector_load_idx %arg9[%add3A_3067] : memref<1600xf32, #tpu.memory_space<vmem>>[vector<16xi32>], vector<16xf32>,
    %div3A_3069 = arith.divf %gather3A_3051, %gather3A_3059 : vector<16xf32>
    %add3A_3070 = arith.addf %div3A_3069, %gather3A_3064 : vector<16xf32>
    %convert_element_type3A_3071 = arith.fptosi %add3A_3070 : vector<16xf32> to vector<16xi32>
    %jit3A_3072 = arith.constant 0 : i32
    %jit3A_3073 = arith.constant 63 : i32
    %max3A_3074 = vector.broadcast %jit3A_3072 : i32 to vector<16xi32>
    %max3A_3075 = arith.maxsi %max3A_3074, %convert_element_type3A_3071 : vector<16xi32>
    %min3A_3076 = vector.broadcast %jit3A_3073 : i32 to vector<16xi32>
    %min3A_3077 = arith.minsi %min3A_3076, %max3A_3075 : vector<16xi32>
    %div3A_3078 = arith.divf %gather3A_3036, %gather3A_3063 : vector<16xf32>
    %add3A_3079 = arith.addf %div3A_3078, %gather3A_3068 : vector<16xf32>
    %convert_element_type3A_3080 = arith.fptosi %add3A_3079 : vector<16xf32> to vector<16xi32>
    %jit3A_3081 = arith.constant 0 : i32
    %jit3A_3082 = arith.constant 63 : i32
    %max3A_3083 = vector.broadcast %jit3A_3081 : i32 to vector<16xi32>
    %max3A_3084 = arith.maxsi %max3A_3083, %convert_element_type3A_3080 : vector<16xi32>
    %min3A_3085 = vector.broadcast %jit3A_3082 : i32 to vector<16xi32>
    %min3A_3086 = arith.minsi %min3A_3085, %max3A_3084 : vector<16xi32>
    %swap3A_3087 = arith.constant 448 : index
    %swap3A_3088 = tpu.vector_load %arg11[%swap3A_3087] {strides = array<i32>} : memref<640xi32, #tpu.memory_space<vmem>>, vector<16xi32>,
    tpu.vector_store %arg11[%swap3A_3087], %min3A_3077 {strides = array<i32>} : memref<640xi32, #tpu.memory_space<vmem>>, vector<16xi32>,
    %swap3A_3089 = arith.constant 448 : index
    %swap3A_3090 = tpu.vector_load %arg12[%swap3A_3089] {strides = array<i32>} : memref<640xi32, #tpu.memory_space<vmem>>, vector<16xi32>,
    tpu.vector_store %arg12[%swap3A_3089], %min3A_3086 {strides = array<i32>} : memref<640xi32, #tpu.memory_space<vmem>>, vector<16xi32>,
    %add3A_3091 = arith.constant 464 : i32
    %add3A_3092 = vector.broadcast %add3A_3091 : i32 to vector<16xi32>
    %add3A_3093 = arith.addi %iota3A, %add3A_3092 : vector<16xi32>
    %min3A_3094 = arith.constant 624 : i32
    %min3A_3095 = vector.broadcast %min3A_3094 : i32 to vector<16xi32>
    %min3A_3096 = arith.minsi %add3A_3093, %min3A_3095 : vector<16xi32>
    %jit3A_3097 = arith.constant 25 : i32
    %div3A_3098 = vector.broadcast %jit3A_3097 : i32 to vector<16xi32>
    %div3A_3099 = arith.divsi %min3A_3096, %div3A_3098 : vector<16xi32>
    %sign3A_3100 = arith.constant 0 : i32
    %sign3A_3101 = vector.broadcast %sign3A_3100 : i32 to vector<16xi32>
    %sign3A_3102 = arith.cmpi sgt, %min3A_3096, %sign3A_3101 : vector<16xi32>
    %sign3A_3103 = arith.extui %sign3A_3102 : vector<16xi1> to vector<16xi32>
    %sign3A_3104 = arith.constant 0 : i32
    %sign3A_3105 = vector.broadcast %sign3A_3104 : i32 to vector<16xi32>
    %sign3A_3106 = arith.cmpi slt, %min3A_3096, %sign3A_3105 : vector<16xi32>
    %sign3A_3107 = arith.extui %sign3A_3106 : vector<16xi1> to vector<16xi32>
    %sign3A_3108 = arith.subi %sign3A_3103, %sign3A_3107 : vector<16xi32>
    %sign3A_3109 = arith.constant 0 : i32
    %sign3A_3110 = arith.cmpi sgt, %jit3A_3097, %sign3A_3109 : i32
    %sign3A_3111 = arith.extui %sign3A_3110 : i1 to i32
    %sign3A_3112 = arith.constant 0 : i32
    %sign3A_3113 = arith.cmpi slt, %jit3A_3097, %sign3A_3112 : i32
    %sign3A_3114 = arith.extui %sign3A_3113 : i1 to i32
    %sign3A_3115 = arith.subi %sign3A_3111, %sign3A_3114 : i32
    %ne3A_3116 = vector.broadcast %sign3A_3115 : i32 to vector<16xi32>
    %ne3A_3117 = arith.cmpi ne, %sign3A_3108, %ne3A_3116 : vector<16xi32>
    %rem3A_3118 = vector.broadcast %jit3A_3097 : i32 to vector<16xi32>
    %rem3A_3119 = arith.remsi %min3A_3096, %rem3A_3118 : vector<16xi32>
    %ne3A_3120 = arith.constant 0 : i32
    %ne3A_3121 = vector.broadcast %ne3A_3120 : i32 to vector<16xi32>
    %ne3A_3122 = arith.cmpi ne, %rem3A_3119, %ne3A_3121 : vector<16xi32>
    %and3A_3123 = arith.andi %ne3A_3117, %ne3A_3122 : vector<16xi1>
    %sub3A_3124 = arith.constant 1 : i32
    %sub3A_3125 = vector.broadcast %sub3A_3124 : i32 to vector<16xi32>
    %sub3A_3126 = arith.subi %div3A_3099, %sub3A_3125 : vector<16xi32>
    %select_n3A_3127 = arith.select %and3A_3123, %sub3A_3126, %div3A_3099 : vector<16xi1>, vector<16xi32>
    %mul3A_3128 = arith.constant 25 : i32
    %mul3A_3129 = vector.broadcast %mul3A_3128 : i32 to vector<16xi32>
    %mul3A_3130 = arith.muli %select_n3A_3127, %mul3A_3129 : vector<16xi32>
    %sub3A_3131 = arith.subi %min3A_3096, %mul3A_3130 : vector<16xi32>
    %mul3A_3132 = arith.constant 25 : i32
    %mul3A_3133 = arith.muli %add3A, %mul3A_3132 : i32
    %add3A_3134 = vector.broadcast %mul3A_3133 : i32 to vector<16xi32>
    %add3A_3135 = arith.addi %add3A_3134, %select_n3A_3127 : vector<16xi32>
    %mul3A_3136 = arith.constant 50 : i32
    %mul3A_3137 = vector.broadcast %mul3A_3136 : i32 to vector<16xi32>
    %mul3A_3138 = arith.muli %add3A_3135, %mul3A_3137 : vector<16xi32>
    %mul3A_3139 = arith.constant 2 : i32
    %mul3A_3140 = vector.broadcast %mul3A_3139 : i32 to vector<16xi32>
    %mul3A_3141 = arith.muli %mul3A_3140, %sub3A_3131 : vector<16xi32>
    %add3A_3142 = arith.addi %mul3A_3138, %mul3A_3141 : vector<16xi32>
    %gather3A_3143 = tpu.vector_load_idx %arg7[%add3A_3142] : memref<40000xf32, #tpu.memory_space<vmem>>[vector<16xi32>], vector<16xf32>,
    %mul3A_3144 = arith.constant 25 : i32
    %mul3A_3145 = arith.muli %add3A, %mul3A_3144 : i32
    %add3A_3146 = vector.broadcast %mul3A_3145 : i32 to vector<16xi32>
    %add3A_3147 = arith.addi %add3A_3146, %select_n3A_3127 : vector<16xi32>
    %mul3A_3148 = arith.constant 50 : i32
    %mul3A_3149 = vector.broadcast %mul3A_3148 : i32 to vector<16xi32>
    %mul3A_3150 = arith.muli %add3A_3147, %mul3A_3149 : vector<16xi32>
    %mul3A_3151 = arith.constant 2 : i32
    %mul3A_3152 = vector.broadcast %mul3A_3151 : i32 to vector<16xi32>
    %mul3A_3153 = arith.muli %mul3A_3152, %sub3A_3131 : vector<16xi32>
    %add3A_3154 = arith.addi %mul3A_3150, %mul3A_3153 : vector<16xi32>
    %add3A_3155 = arith.constant 1 : i32
    %add3A_3156 = vector.broadcast %add3A_3155 : i32 to vector<16xi32>
    %add3A_3157 = arith.addi %add3A_3154, %add3A_3156 : vector<16xi32>
    %gather3A_3158 = tpu.vector_load_idx %arg7[%add3A_3157] : memref<40000xf32, #tpu.memory_space<vmem>>[vector<16xi32>], vector<16xf32>,
    %mul3A_3159 = arith.constant 25 : i32
    %mul3A_3160 = arith.muli %add3A, %mul3A_3159 : i32
    %add3A_3161 = vector.broadcast %mul3A_3160 : i32 to vector<16xi32>
    %add3A_3162 = arith.addi %add3A_3161, %select_n3A_3127 : vector<16xi32>
    %mul3A_3163 = arith.constant 2 : i32
    %mul3A_3164 = vector.broadcast %mul3A_3163 : i32 to vector<16xi32>
    %mul3A_3165 = arith.muli %add3A_3162, %mul3A_3164 : vector<16xi32>
    %gather3A_3166 = tpu.vector_load_idx %arg8[%mul3A_3165] : memref<1600xf32, #tpu.memory_space<vmem>>[vector<16xi32>], vector<16xf32>,
    %add3A_3167 = arith.constant 1 : i32
    %add3A_3168 = vector.broadcast %add3A_3167 : i32 to vector<16xi32>
    %add3A_3169 = arith.addi %mul3A_3165, %add3A_3168 : vector<16xi32>
    %gather3A_3170 = tpu.vector_load_idx %arg8[%add3A_3169] : memref<1600xf32, #tpu.memory_space<vmem>>[vector<16xi32>], vector<16xf32>,
    %gather3A_3171 = tpu.vector_load_idx %arg9[%mul3A_3165] : memref<1600xf32, #tpu.memory_space<vmem>>[vector<16xi32>], vector<16xf32>,
    %add3A_3172 = arith.constant 1 : i32
    %add3A_3173 = vector.broadcast %add3A_3172 : i32 to vector<16xi32>
    %add3A_3174 = arith.addi %mul3A_3165, %add3A_3173 : vector<16xi32>
    %gather3A_3175 = tpu.vector_load_idx %arg9[%add3A_3174] : memref<1600xf32, #tpu.memory_space<vmem>>[vector<16xi32>], vector<16xf32>,
    %div3A_3176 = arith.divf %gather3A_3158, %gather3A_3166 : vector<16xf32>
    %add3A_3177 = arith.addf %div3A_3176, %gather3A_3171 : vector<16xf32>
    %convert_element_type3A_3178 = arith.fptosi %add3A_3177 : vector<16xf32> to vector<16xi32>
    %jit3A_3179 = arith.constant 0 : i32
    %jit3A_3180 = arith.constant 63 : i32
    %max3A_3181 = vector.broadcast %jit3A_3179 : i32 to vector<16xi32>
    %max3A_3182 = arith.maxsi %max3A_3181, %convert_element_type3A_3178 : vector<16xi32>
    %min3A_3183 = vector.broadcast %jit3A_3180 : i32 to vector<16xi32>
    %min3A_3184 = arith.minsi %min3A_3183, %max3A_3182 : vector<16xi32>
    %div3A_3185 = arith.divf %gather3A_3143, %gather3A_3170 : vector<16xf32>
    %add3A_3186 = arith.addf %div3A_3185, %gather3A_3175 : vector<16xf32>
    %convert_element_type3A_3187 = arith.fptosi %add3A_3186 : vector<16xf32> to vector<16xi32>
    %jit3A_3188 = arith.constant 0 : i32
    %jit3A_3189 = arith.constant 63 : i32
    %max3A_3190 = vector.broadcast %jit3A_3188 : i32 to vector<16xi32>
    %max3A_3191 = arith.maxsi %max3A_3190, %convert_element_type3A_3187 : vector<16xi32>
    %min3A_3192 = vector.broadcast %jit3A_3189 : i32 to vector<16xi32>
    %min3A_3193 = arith.minsi %min3A_3192, %max3A_3191 : vector<16xi32>
    %swap3A_3194 = arith.constant 464 : index
    %swap3A_3195 = tpu.vector_load %arg11[%swap3A_3194] {strides = array<i32>} : memref<640xi32, #tpu.memory_space<vmem>>, vector<16xi32>,
    tpu.vector_store %arg11[%swap3A_3194], %min3A_3184 {strides = array<i32>} : memref<640xi32, #tpu.memory_space<vmem>>, vector<16xi32>,
    %swap3A_3196 = arith.constant 464 : index
    %swap3A_3197 = tpu.vector_load %arg12[%swap3A_3196] {strides = array<i32>} : memref<640xi32, #tpu.memory_space<vmem>>, vector<16xi32>,
    tpu.vector_store %arg12[%swap3A_3196], %min3A_3193 {strides = array<i32>} : memref<640xi32, #tpu.memory_space<vmem>>, vector<16xi32>,
    %add3A_3198 = arith.constant 480 : i32
    %add3A_3199 = vector.broadcast %add3A_3198 : i32 to vector<16xi32>
    %add3A_3200 = arith.addi %iota3A, %add3A_3199 : vector<16xi32>
    %min3A_3201 = arith.constant 624 : i32
    %min3A_3202 = vector.broadcast %min3A_3201 : i32 to vector<16xi32>
    %min3A_3203 = arith.minsi %add3A_3200, %min3A_3202 : vector<16xi32>
    %jit3A_3204 = arith.constant 25 : i32
    %div3A_3205 = vector.broadcast %jit3A_3204 : i32 to vector<16xi32>
    %div3A_3206 = arith.divsi %min3A_3203, %div3A_3205 : vector<16xi32>
    %sign3A_3207 = arith.constant 0 : i32
    %sign3A_3208 = vector.broadcast %sign3A_3207 : i32 to vector<16xi32>
    %sign3A_3209 = arith.cmpi sgt, %min3A_3203, %sign3A_3208 : vector<16xi32>
    %sign3A_3210 = arith.extui %sign3A_3209 : vector<16xi1> to vector<16xi32>
    %sign3A_3211 = arith.constant 0 : i32
    %sign3A_3212 = vector.broadcast %sign3A_3211 : i32 to vector<16xi32>
    %sign3A_3213 = arith.cmpi slt, %min3A_3203, %sign3A_3212 : vector<16xi32>
    %sign3A_3214 = arith.extui %sign3A_3213 : vector<16xi1> to vector<16xi32>
    %sign3A_3215 = arith.subi %sign3A_3210, %sign3A_3214 : vector<16xi32>
    %sign3A_3216 = arith.constant 0 : i32
    %sign3A_3217 = arith.cmpi sgt, %jit3A_3204, %sign3A_3216 : i32
    %sign3A_3218 = arith.extui %sign3A_3217 : i1 to i32
    %sign3A_3219 = arith.constant 0 : i32
    %sign3A_3220 = arith.cmpi slt, %jit3A_3204, %sign3A_3219 : i32
    %sign3A_3221 = arith.extui %sign3A_3220 : i1 to i32
    %sign3A_3222 = arith.subi %sign3A_3218, %sign3A_3221 : i32
    %ne3A_3223 = vector.broadcast %sign3A_3222 : i32 to vector<16xi32>
    %ne3A_3224 = arith.cmpi ne, %sign3A_3215, %ne3A_3223 : vector<16xi32>
    %rem3A_3225 = vector.broadcast %jit3A_3204 : i32 to vector<16xi32>
    %rem3A_3226 = arith.remsi %min3A_3203, %rem3A_3225 : vector<16xi32>
    %ne3A_3227 = arith.constant 0 : i32
    %ne3A_3228 = vector.broadcast %ne3A_3227 : i32 to vector<16xi32>
    %ne3A_3229 = arith.cmpi ne, %rem3A_3226, %ne3A_3228 : vector<16xi32>
    %and3A_3230 = arith.andi %ne3A_3224, %ne3A_3229 : vector<16xi1>
    %sub3A_3231 = arith.constant 1 : i32
    %sub3A_3232 = vector.broadcast %sub3A_3231 : i32 to vector<16xi32>
    %sub3A_3233 = arith.subi %div3A_3206, %sub3A_3232 : vector<16xi32>
    %select_n3A_3234 = arith.select %and3A_3230, %sub3A_3233, %div3A_3206 : vector<16xi1>, vector<16xi32>
    %mul3A_3235 = arith.constant 25 : i32
    %mul3A_3236 = vector.broadcast %mul3A_3235 : i32 to vector<16xi32>
    %mul3A_3237 = arith.muli %select_n3A_3234, %mul3A_3236 : vector<16xi32>
    %sub3A_3238 = arith.subi %min3A_3203, %mul3A_3237 : vector<16xi32>
    %mul3A_3239 = arith.constant 25 : i32
    %mul3A_3240 = arith.muli %add3A, %mul3A_3239 : i32
    %add3A_3241 = vector.broadcast %mul3A_3240 : i32 to vector<16xi32>
    %add3A_3242 = arith.addi %add3A_3241, %select_n3A_3234 : vector<16xi32>
    %mul3A_3243 = arith.constant 50 : i32
    %mul3A_3244 = vector.broadcast %mul3A_3243 : i32 to vector<16xi32>
    %mul3A_3245 = arith.muli %add3A_3242, %mul3A_3244 : vector<16xi32>
    %mul3A_3246 = arith.constant 2 : i32
    %mul3A_3247 = vector.broadcast %mul3A_3246 : i32 to vector<16xi32>
    %mul3A_3248 = arith.muli %mul3A_3247, %sub3A_3238 : vector<16xi32>
    %add3A_3249 = arith.addi %mul3A_3245, %mul3A_3248 : vector<16xi32>
    %gather3A_3250 = tpu.vector_load_idx %arg7[%add3A_3249] : memref<40000xf32, #tpu.memory_space<vmem>>[vector<16xi32>], vector<16xf32>,
    %mul3A_3251 = arith.constant 25 : i32
    %mul3A_3252 = arith.muli %add3A, %mul3A_3251 : i32
    %add3A_3253 = vector.broadcast %mul3A_3252 : i32 to vector<16xi32>
    %add3A_3254 = arith.addi %add3A_3253, %select_n3A_3234 : vector<16xi32>
    %mul3A_3255 = arith.constant 50 : i32
    %mul3A_3256 = vector.broadcast %mul3A_3255 : i32 to vector<16xi32>
    %mul3A_3257 = arith.muli %add3A_3254, %mul3A_3256 : vector<16xi32>
    %mul3A_3258 = arith.constant 2 : i32
    %mul3A_3259 = vector.broadcast %mul3A_3258 : i32 to vector<16xi32>
    %mul3A_3260 = arith.muli %mul3A_3259, %sub3A_3238 : vector<16xi32>
    %add3A_3261 = arith.addi %mul3A_3257, %mul3A_3260 : vector<16xi32>
    %add3A_3262 = arith.constant 1 : i32
    %add3A_3263 = vector.broadcast %add3A_3262 : i32 to vector<16xi32>
    %add3A_3264 = arith.addi %add3A_3261, %add3A_3263 : vector<16xi32>
    %gather3A_3265 = tpu.vector_load_idx %arg7[%add3A_3264] : memref<40000xf32, #tpu.memory_space<vmem>>[vector<16xi32>], vector<16xf32>,
    %mul3A_3266 = arith.constant 25 : i32
    %mul3A_3267 = arith.muli %add3A, %mul3A_3266 : i32
    %add3A_3268 = vector.broadcast %mul3A_3267 : i32 to vector<16xi32>
    %add3A_3269 = arith.addi %add3A_3268, %select_n3A_3234 : vector<16xi32>
    %mul3A_3270 = arith.constant 2 : i32
    %mul3A_3271 = vector.broadcast %mul3A_3270 : i32 to vector<16xi32>
    %mul3A_3272 = arith.muli %add3A_3269, %mul3A_3271 : vector<16xi32>
    %gather3A_3273 = tpu.vector_load_idx %arg8[%mul3A_3272] : memref<1600xf32, #tpu.memory_space<vmem>>[vector<16xi32>], vector<16xf32>,
    %add3A_3274 = arith.constant 1 : i32
    %add3A_3275 = vector.broadcast %add3A_3274 : i32 to vector<16xi32>
    %add3A_3276 = arith.addi %mul3A_3272, %add3A_3275 : vector<16xi32>
    %gather3A_3277 = tpu.vector_load_idx %arg8[%add3A_3276] : memref<1600xf32, #tpu.memory_space<vmem>>[vector<16xi32>], vector<16xf32>,
    %gather3A_3278 = tpu.vector_load_idx %arg9[%mul3A_3272] : memref<1600xf32, #tpu.memory_space<vmem>>[vector<16xi32>], vector<16xf32>,
    %add3A_3279 = arith.constant 1 : i32
    %add3A_3280 = vector.broadcast %add3A_3279 : i32 to vector<16xi32>
    %add3A_3281 = arith.addi %mul3A_3272, %add3A_3280 : vector<16xi32>
    %gather3A_3282 = tpu.vector_load_idx %arg9[%add3A_3281] : memref<1600xf32, #tpu.memory_space<vmem>>[vector<16xi32>], vector<16xf32>,
    %div3A_3283 = arith.divf %gather3A_3265, %gather3A_3273 : vector<16xf32>
    %add3A_3284 = arith.addf %div3A_3283, %gather3A_3278 : vector<16xf32>
    %convert_element_type3A_3285 = arith.fptosi %add3A_3284 : vector<16xf32> to vector<16xi32>
    %jit3A_3286 = arith.constant 0 : i32
    %jit3A_3287 = arith.constant 63 : i32
    %max3A_3288 = vector.broadcast %jit3A_3286 : i32 to vector<16xi32>
    %max3A_3289 = arith.maxsi %max3A_3288, %convert_element_type3A_3285 : vector<16xi32>
    %min3A_3290 = vector.broadcast %jit3A_3287 : i32 to vector<16xi32>
    %min3A_3291 = arith.minsi %min3A_3290, %max3A_3289 : vector<16xi32>
    %div3A_3292 = arith.divf %gather3A_3250, %gather3A_3277 : vector<16xf32>
    %add3A_3293 = arith.addf %div3A_3292, %gather3A_3282 : vector<16xf32>
    %convert_element_type3A_3294 = arith.fptosi %add3A_3293 : vector<16xf32> to vector<16xi32>
    %jit3A_3295 = arith.constant 0 : i32
    %jit3A_3296 = arith.constant 63 : i32
    %max3A_3297 = vector.broadcast %jit3A_3295 : i32 to vector<16xi32>
    %max3A_3298 = arith.maxsi %max3A_3297, %convert_element_type3A_3294 : vector<16xi32>
    %min3A_3299 = vector.broadcast %jit3A_3296 : i32 to vector<16xi32>
    %min3A_3300 = arith.minsi %min3A_3299, %max3A_3298 : vector<16xi32>
    %swap3A_3301 = arith.constant 480 : index
    %swap3A_3302 = tpu.vector_load %arg11[%swap3A_3301] {strides = array<i32>} : memref<640xi32, #tpu.memory_space<vmem>>, vector<16xi32>,
    tpu.vector_store %arg11[%swap3A_3301], %min3A_3291 {strides = array<i32>} : memref<640xi32, #tpu.memory_space<vmem>>, vector<16xi32>,
    %swap3A_3303 = arith.constant 480 : index
    %swap3A_3304 = tpu.vector_load %arg12[%swap3A_3303] {strides = array<i32>} : memref<640xi32, #tpu.memory_space<vmem>>, vector<16xi32>,
    tpu.vector_store %arg12[%swap3A_3303], %min3A_3300 {strides = array<i32>} : memref<640xi32, #tpu.memory_space<vmem>>, vector<16xi32>,
    %add3A_3305 = arith.constant 496 : i32
    %add3A_3306 = vector.broadcast %add3A_3305 : i32 to vector<16xi32>
    %add3A_3307 = arith.addi %iota3A, %add3A_3306 : vector<16xi32>
    %min3A_3308 = arith.constant 624 : i32
    %min3A_3309 = vector.broadcast %min3A_3308 : i32 to vector<16xi32>
    %min3A_3310 = arith.minsi %add3A_3307, %min3A_3309 : vector<16xi32>
    %jit3A_3311 = arith.constant 25 : i32
    %div3A_3312 = vector.broadcast %jit3A_3311 : i32 to vector<16xi32>
    %div3A_3313 = arith.divsi %min3A_3310, %div3A_3312 : vector<16xi32>
    %sign3A_3314 = arith.constant 0 : i32
    %sign3A_3315 = vector.broadcast %sign3A_3314 : i32 to vector<16xi32>
    %sign3A_3316 = arith.cmpi sgt, %min3A_3310, %sign3A_3315 : vector<16xi32>
    %sign3A_3317 = arith.extui %sign3A_3316 : vector<16xi1> to vector<16xi32>
    %sign3A_3318 = arith.constant 0 : i32
    %sign3A_3319 = vector.broadcast %sign3A_3318 : i32 to vector<16xi32>
    %sign3A_3320 = arith.cmpi slt, %min3A_3310, %sign3A_3319 : vector<16xi32>
    %sign3A_3321 = arith.extui %sign3A_3320 : vector<16xi1> to vector<16xi32>
    %sign3A_3322 = arith.subi %sign3A_3317, %sign3A_3321 : vector<16xi32>
    %sign3A_3323 = arith.constant 0 : i32
    %sign3A_3324 = arith.cmpi sgt, %jit3A_3311, %sign3A_3323 : i32
    %sign3A_3325 = arith.extui %sign3A_3324 : i1 to i32
    %sign3A_3326 = arith.constant 0 : i32
    %sign3A_3327 = arith.cmpi slt, %jit3A_3311, %sign3A_3326 : i32
    %sign3A_3328 = arith.extui %sign3A_3327 : i1 to i32
    %sign3A_3329 = arith.subi %sign3A_3325, %sign3A_3328 : i32
    %ne3A_3330 = vector.broadcast %sign3A_3329 : i32 to vector<16xi32>
    %ne3A_3331 = arith.cmpi ne, %sign3A_3322, %ne3A_3330 : vector<16xi32>
    %rem3A_3332 = vector.broadcast %jit3A_3311 : i32 to vector<16xi32>
    %rem3A_3333 = arith.remsi %min3A_3310, %rem3A_3332 : vector<16xi32>
    %ne3A_3334 = arith.constant 0 : i32
    %ne3A_3335 = vector.broadcast %ne3A_3334 : i32 to vector<16xi32>
    %ne3A_3336 = arith.cmpi ne, %rem3A_3333, %ne3A_3335 : vector<16xi32>
    %and3A_3337 = arith.andi %ne3A_3331, %ne3A_3336 : vector<16xi1>
    %sub3A_3338 = arith.constant 1 : i32
    %sub3A_3339 = vector.broadcast %sub3A_3338 : i32 to vector<16xi32>
    %sub3A_3340 = arith.subi %div3A_3313, %sub3A_3339 : vector<16xi32>
    %select_n3A_3341 = arith.select %and3A_3337, %sub3A_3340, %div3A_3313 : vector<16xi1>, vector<16xi32>
    %mul3A_3342 = arith.constant 25 : i32
    %mul3A_3343 = vector.broadcast %mul3A_3342 : i32 to vector<16xi32>
    %mul3A_3344 = arith.muli %select_n3A_3341, %mul3A_3343 : vector<16xi32>
    %sub3A_3345 = arith.subi %min3A_3310, %mul3A_3344 : vector<16xi32>
    %mul3A_3346 = arith.constant 25 : i32
    %mul3A_3347 = arith.muli %add3A, %mul3A_3346 : i32
    %add3A_3348 = vector.broadcast %mul3A_3347 : i32 to vector<16xi32>
    %add3A_3349 = arith.addi %add3A_3348, %select_n3A_3341 : vector<16xi32>
    %mul3A_3350 = arith.constant 50 : i32
    %mul3A_3351 = vector.broadcast %mul3A_3350 : i32 to vector<16xi32>
    %mul3A_3352 = arith.muli %add3A_3349, %mul3A_3351 : vector<16xi32>
    %mul3A_3353 = arith.constant 2 : i32
    %mul3A_3354 = vector.broadcast %mul3A_3353 : i32 to vector<16xi32>
    %mul3A_3355 = arith.muli %mul3A_3354, %sub3A_3345 : vector<16xi32>
    %add3A_3356 = arith.addi %mul3A_3352, %mul3A_3355 : vector<16xi32>
    %gather3A_3357 = tpu.vector_load_idx %arg7[%add3A_3356] : memref<40000xf32, #tpu.memory_space<vmem>>[vector<16xi32>], vector<16xf32>,
    %mul3A_3358 = arith.constant 25 : i32
    %mul3A_3359 = arith.muli %add3A, %mul3A_3358 : i32
    %add3A_3360 = vector.broadcast %mul3A_3359 : i32 to vector<16xi32>
    %add3A_3361 = arith.addi %add3A_3360, %select_n3A_3341 : vector<16xi32>
    %mul3A_3362 = arith.constant 50 : i32
    %mul3A_3363 = vector.broadcast %mul3A_3362 : i32 to vector<16xi32>
    %mul3A_3364 = arith.muli %add3A_3361, %mul3A_3363 : vector<16xi32>
    %mul3A_3365 = arith.constant 2 : i32
    %mul3A_3366 = vector.broadcast %mul3A_3365 : i32 to vector<16xi32>
    %mul3A_3367 = arith.muli %mul3A_3366, %sub3A_3345 : vector<16xi32>
    %add3A_3368 = arith.addi %mul3A_3364, %mul3A_3367 : vector<16xi32>
    %add3A_3369 = arith.constant 1 : i32
    %add3A_3370 = vector.broadcast %add3A_3369 : i32 to vector<16xi32>
    %add3A_3371 = arith.addi %add3A_3368, %add3A_3370 : vector<16xi32>
    %gather3A_3372 = tpu.vector_load_idx %arg7[%add3A_3371] : memref<40000xf32, #tpu.memory_space<vmem>>[vector<16xi32>], vector<16xf32>,
    %mul3A_3373 = arith.constant 25 : i32
    %mul3A_3374 = arith.muli %add3A, %mul3A_3373 : i32
    %add3A_3375 = vector.broadcast %mul3A_3374 : i32 to vector<16xi32>
    %add3A_3376 = arith.addi %add3A_3375, %select_n3A_3341 : vector<16xi32>
    %mul3A_3377 = arith.constant 2 : i32
    %mul3A_3378 = vector.broadcast %mul3A_3377 : i32 to vector<16xi32>
    %mul3A_3379 = arith.muli %add3A_3376, %mul3A_3378 : vector<16xi32>
    %gather3A_3380 = tpu.vector_load_idx %arg8[%mul3A_3379] : memref<1600xf32, #tpu.memory_space<vmem>>[vector<16xi32>], vector<16xf32>,
    %add3A_3381 = arith.constant 1 : i32
    %add3A_3382 = vector.broadcast %add3A_3381 : i32 to vector<16xi32>
    %add3A_3383 = arith.addi %mul3A_3379, %add3A_3382 : vector<16xi32>
    %gather3A_3384 = tpu.vector_load_idx %arg8[%add3A_3383] : memref<1600xf32, #tpu.memory_space<vmem>>[vector<16xi32>], vector<16xf32>,
    %gather3A_3385 = tpu.vector_load_idx %arg9[%mul3A_3379] : memref<1600xf32, #tpu.memory_space<vmem>>[vector<16xi32>], vector<16xf32>,
    %add3A_3386 = arith.constant 1 : i32
    %add3A_3387 = vector.broadcast %add3A_3386 : i32 to vector<16xi32>
    %add3A_3388 = arith.addi %mul3A_3379, %add3A_3387 : vector<16xi32>
    %gather3A_3389 = tpu.vector_load_idx %arg9[%add3A_3388] : memref<1600xf32, #tpu.memory_space<vmem>>[vector<16xi32>], vector<16xf32>,
    %div3A_3390 = arith.divf %gather3A_3372, %gather3A_3380 : vector<16xf32>
    %add3A_3391 = arith.addf %div3A_3390, %gather3A_3385 : vector<16xf32>
    %convert_element_type3A_3392 = arith.fptosi %add3A_3391 : vector<16xf32> to vector<16xi32>
    %jit3A_3393 = arith.constant 0 : i32
    %jit3A_3394 = arith.constant 63 : i32
    %max3A_3395 = vector.broadcast %jit3A_3393 : i32 to vector<16xi32>
    %max3A_3396 = arith.maxsi %max3A_3395, %convert_element_type3A_3392 : vector<16xi32>
    %min3A_3397 = vector.broadcast %jit3A_3394 : i32 to vector<16xi32>
    %min3A_3398 = arith.minsi %min3A_3397, %max3A_3396 : vector<16xi32>
    %div3A_3399 = arith.divf %gather3A_3357, %gather3A_3384 : vector<16xf32>
    %add3A_3400 = arith.addf %div3A_3399, %gather3A_3389 : vector<16xf32>
    %convert_element_type3A_3401 = arith.fptosi %add3A_3400 : vector<16xf32> to vector<16xi32>
    %jit3A_3402 = arith.constant 0 : i32
    %jit3A_3403 = arith.constant 63 : i32
    %max3A_3404 = vector.broadcast %jit3A_3402 : i32 to vector<16xi32>
    %max3A_3405 = arith.maxsi %max3A_3404, %convert_element_type3A_3401 : vector<16xi32>
    %min3A_3406 = vector.broadcast %jit3A_3403 : i32 to vector<16xi32>
    %min3A_3407 = arith.minsi %min3A_3406, %max3A_3405 : vector<16xi32>
    %swap3A_3408 = arith.constant 496 : index
    %swap3A_3409 = tpu.vector_load %arg11[%swap3A_3408] {strides = array<i32>} : memref<640xi32, #tpu.memory_space<vmem>>, vector<16xi32>,
    tpu.vector_store %arg11[%swap3A_3408], %min3A_3398 {strides = array<i32>} : memref<640xi32, #tpu.memory_space<vmem>>, vector<16xi32>,
    %swap3A_3410 = arith.constant 496 : index
    %swap3A_3411 = tpu.vector_load %arg12[%swap3A_3410] {strides = array<i32>} : memref<640xi32, #tpu.memory_space<vmem>>, vector<16xi32>,
    tpu.vector_store %arg12[%swap3A_3410], %min3A_3407 {strides = array<i32>} : memref<640xi32, #tpu.memory_space<vmem>>, vector<16xi32>,
    %add3A_3412 = arith.constant 512 : i32
    %add3A_3413 = vector.broadcast %add3A_3412 : i32 to vector<16xi32>
    %add3A_3414 = arith.addi %iota3A, %add3A_3413 : vector<16xi32>
    %min3A_3415 = arith.constant 624 : i32
    %min3A_3416 = vector.broadcast %min3A_3415 : i32 to vector<16xi32>
    %min3A_3417 = arith.minsi %add3A_3414, %min3A_3416 : vector<16xi32>
    %jit3A_3418 = arith.constant 25 : i32
    %div3A_3419 = vector.broadcast %jit3A_3418 : i32 to vector<16xi32>
    %div3A_3420 = arith.divsi %min3A_3417, %div3A_3419 : vector<16xi32>
    %sign3A_3421 = arith.constant 0 : i32
    %sign3A_3422 = vector.broadcast %sign3A_3421 : i32 to vector<16xi32>
    %sign3A_3423 = arith.cmpi sgt, %min3A_3417, %sign3A_3422 : vector<16xi32>
    %sign3A_3424 = arith.extui %sign3A_3423 : vector<16xi1> to vector<16xi32>
    %sign3A_3425 = arith.constant 0 : i32
    %sign3A_3426 = vector.broadcast %sign3A_3425 : i32 to vector<16xi32>
    %sign3A_3427 = arith.cmpi slt, %min3A_3417, %sign3A_3426 : vector<16xi32>
    %sign3A_3428 = arith.extui %sign3A_3427 : vector<16xi1> to vector<16xi32>
    %sign3A_3429 = arith.subi %sign3A_3424, %sign3A_3428 : vector<16xi32>
    %sign3A_3430 = arith.constant 0 : i32
    %sign3A_3431 = arith.cmpi sgt, %jit3A_3418, %sign3A_3430 : i32
    %sign3A_3432 = arith.extui %sign3A_3431 : i1 to i32
    %sign3A_3433 = arith.constant 0 : i32
    %sign3A_3434 = arith.cmpi slt, %jit3A_3418, %sign3A_3433 : i32
    %sign3A_3435 = arith.extui %sign3A_3434 : i1 to i32
    %sign3A_3436 = arith.subi %sign3A_3432, %sign3A_3435 : i32
    %ne3A_3437 = vector.broadcast %sign3A_3436 : i32 to vector<16xi32>
    %ne3A_3438 = arith.cmpi ne, %sign3A_3429, %ne3A_3437 : vector<16xi32>
    %rem3A_3439 = vector.broadcast %jit3A_3418 : i32 to vector<16xi32>
    %rem3A_3440 = arith.remsi %min3A_3417, %rem3A_3439 : vector<16xi32>
    %ne3A_3441 = arith.constant 0 : i32
    %ne3A_3442 = vector.broadcast %ne3A_3441 : i32 to vector<16xi32>
    %ne3A_3443 = arith.cmpi ne, %rem3A_3440, %ne3A_3442 : vector<16xi32>
    %and3A_3444 = arith.andi %ne3A_3438, %ne3A_3443 : vector<16xi1>
    %sub3A_3445 = arith.constant 1 : i32
    %sub3A_3446 = vector.broadcast %sub3A_3445 : i32 to vector<16xi32>
    %sub3A_3447 = arith.subi %div3A_3420, %sub3A_3446 : vector<16xi32>
    %select_n3A_3448 = arith.select %and3A_3444, %sub3A_3447, %div3A_3420 : vector<16xi1>, vector<16xi32>
    %mul3A_3449 = arith.constant 25 : i32
    %mul3A_3450 = vector.broadcast %mul3A_3449 : i32 to vector<16xi32>
    %mul3A_3451 = arith.muli %select_n3A_3448, %mul3A_3450 : vector<16xi32>
    %sub3A_3452 = arith.subi %min3A_3417, %mul3A_3451 : vector<16xi32>
    %mul3A_3453 = arith.constant 25 : i32
    %mul3A_3454 = arith.muli %add3A, %mul3A_3453 : i32
    %add3A_3455 = vector.broadcast %mul3A_3454 : i32 to vector<16xi32>
    %add3A_3456 = arith.addi %add3A_3455, %select_n3A_3448 : vector<16xi32>
    %mul3A_3457 = arith.constant 50 : i32
    %mul3A_3458 = vector.broadcast %mul3A_3457 : i32 to vector<16xi32>
    %mul3A_3459 = arith.muli %add3A_3456, %mul3A_3458 : vector<16xi32>
    %mul3A_3460 = arith.constant 2 : i32
    %mul3A_3461 = vector.broadcast %mul3A_3460 : i32 to vector<16xi32>
    %mul3A_3462 = arith.muli %mul3A_3461, %sub3A_3452 : vector<16xi32>
    %add3A_3463 = arith.addi %mul3A_3459, %mul3A_3462 : vector<16xi32>
    %gather3A_3464 = tpu.vector_load_idx %arg7[%add3A_3463] : memref<40000xf32, #tpu.memory_space<vmem>>[vector<16xi32>], vector<16xf32>,
    %mul3A_3465 = arith.constant 25 : i32
    %mul3A_3466 = arith.muli %add3A, %mul3A_3465 : i32
    %add3A_3467 = vector.broadcast %mul3A_3466 : i32 to vector<16xi32>
    %add3A_3468 = arith.addi %add3A_3467, %select_n3A_3448 : vector<16xi32>
    %mul3A_3469 = arith.constant 50 : i32
    %mul3A_3470 = vector.broadcast %mul3A_3469 : i32 to vector<16xi32>
    %mul3A_3471 = arith.muli %add3A_3468, %mul3A_3470 : vector<16xi32>
    %mul3A_3472 = arith.constant 2 : i32
    %mul3A_3473 = vector.broadcast %mul3A_3472 : i32 to vector<16xi32>
    %mul3A_3474 = arith.muli %mul3A_3473, %sub3A_3452 : vector<16xi32>
    %add3A_3475 = arith.addi %mul3A_3471, %mul3A_3474 : vector<16xi32>
    %add3A_3476 = arith.constant 1 : i32
    %add3A_3477 = vector.broadcast %add3A_3476 : i32 to vector<16xi32>
    %add3A_3478 = arith.addi %add3A_3475, %add3A_3477 : vector<16xi32>
    %gather3A_3479 = tpu.vector_load_idx %arg7[%add3A_3478] : memref<40000xf32, #tpu.memory_space<vmem>>[vector<16xi32>], vector<16xf32>,
    %mul3A_3480 = arith.constant 25 : i32
    %mul3A_3481 = arith.muli %add3A, %mul3A_3480 : i32
    %add3A_3482 = vector.broadcast %mul3A_3481 : i32 to vector<16xi32>
    %add3A_3483 = arith.addi %add3A_3482, %select_n3A_3448 : vector<16xi32>
    %mul3A_3484 = arith.constant 2 : i32
    %mul3A_3485 = vector.broadcast %mul3A_3484 : i32 to vector<16xi32>
    %mul3A_3486 = arith.muli %add3A_3483, %mul3A_3485 : vector<16xi32>
    %gather3A_3487 = tpu.vector_load_idx %arg8[%mul3A_3486] : memref<1600xf32, #tpu.memory_space<vmem>>[vector<16xi32>], vector<16xf32>,
    %add3A_3488 = arith.constant 1 : i32
    %add3A_3489 = vector.broadcast %add3A_3488 : i32 to vector<16xi32>
    %add3A_3490 = arith.addi %mul3A_3486, %add3A_3489 : vector<16xi32>
    %gather3A_3491 = tpu.vector_load_idx %arg8[%add3A_3490] : memref<1600xf32, #tpu.memory_space<vmem>>[vector<16xi32>], vector<16xf32>,
    %gather3A_3492 = tpu.vector_load_idx %arg9[%mul3A_3486] : memref<1600xf32, #tpu.memory_space<vmem>>[vector<16xi32>], vector<16xf32>,
    %add3A_3493 = arith.constant 1 : i32
    %add3A_3494 = vector.broadcast %add3A_3493 : i32 to vector<16xi32>
    %add3A_3495 = arith.addi %mul3A_3486, %add3A_3494 : vector<16xi32>
    %gather3A_3496 = tpu.vector_load_idx %arg9[%add3A_3495] : memref<1600xf32, #tpu.memory_space<vmem>>[vector<16xi32>], vector<16xf32>,
    %div3A_3497 = arith.divf %gather3A_3479, %gather3A_3487 : vector<16xf32>
    %add3A_3498 = arith.addf %div3A_3497, %gather3A_3492 : vector<16xf32>
    %convert_element_type3A_3499 = arith.fptosi %add3A_3498 : vector<16xf32> to vector<16xi32>
    %jit3A_3500 = arith.constant 0 : i32
    %jit3A_3501 = arith.constant 63 : i32
    %max3A_3502 = vector.broadcast %jit3A_3500 : i32 to vector<16xi32>
    %max3A_3503 = arith.maxsi %max3A_3502, %convert_element_type3A_3499 : vector<16xi32>
    %min3A_3504 = vector.broadcast %jit3A_3501 : i32 to vector<16xi32>
    %min3A_3505 = arith.minsi %min3A_3504, %max3A_3503 : vector<16xi32>
    %div3A_3506 = arith.divf %gather3A_3464, %gather3A_3491 : vector<16xf32>
    %add3A_3507 = arith.addf %div3A_3506, %gather3A_3496 : vector<16xf32>
    %convert_element_type3A_3508 = arith.fptosi %add3A_3507 : vector<16xf32> to vector<16xi32>
    %jit3A_3509 = arith.constant 0 : i32
    %jit3A_3510 = arith.constant 63 : i32
    %max3A_3511 = vector.broadcast %jit3A_3509 : i32 to vector<16xi32>
    %max3A_3512 = arith.maxsi %max3A_3511, %convert_element_type3A_3508 : vector<16xi32>
    %min3A_3513 = vector.broadcast %jit3A_3510 : i32 to vector<16xi32>
    %min3A_3514 = arith.minsi %min3A_3513, %max3A_3512 : vector<16xi32>
    %swap3A_3515 = arith.constant 512 : index
    %swap3A_3516 = tpu.vector_load %arg11[%swap3A_3515] {strides = array<i32>} : memref<640xi32, #tpu.memory_space<vmem>>, vector<16xi32>,
    tpu.vector_store %arg11[%swap3A_3515], %min3A_3505 {strides = array<i32>} : memref<640xi32, #tpu.memory_space<vmem>>, vector<16xi32>,
    %swap3A_3517 = arith.constant 512 : index
    %swap3A_3518 = tpu.vector_load %arg12[%swap3A_3517] {strides = array<i32>} : memref<640xi32, #tpu.memory_space<vmem>>, vector<16xi32>,
    tpu.vector_store %arg12[%swap3A_3517], %min3A_3514 {strides = array<i32>} : memref<640xi32, #tpu.memory_space<vmem>>, vector<16xi32>,
    %add3A_3519 = arith.constant 528 : i32
    %add3A_3520 = vector.broadcast %add3A_3519 : i32 to vector<16xi32>
    %add3A_3521 = arith.addi %iota3A, %add3A_3520 : vector<16xi32>
    %min3A_3522 = arith.constant 624 : i32
    %min3A_3523 = vector.broadcast %min3A_3522 : i32 to vector<16xi32>
    %min3A_3524 = arith.minsi %add3A_3521, %min3A_3523 : vector<16xi32>
    %jit3A_3525 = arith.constant 25 : i32
    %div3A_3526 = vector.broadcast %jit3A_3525 : i32 to vector<16xi32>
    %div3A_3527 = arith.divsi %min3A_3524, %div3A_3526 : vector<16xi32>
    %sign3A_3528 = arith.constant 0 : i32
    %sign3A_3529 = vector.broadcast %sign3A_3528 : i32 to vector<16xi32>
    %sign3A_3530 = arith.cmpi sgt, %min3A_3524, %sign3A_3529 : vector<16xi32>
    %sign3A_3531 = arith.extui %sign3A_3530 : vector<16xi1> to vector<16xi32>
    %sign3A_3532 = arith.constant 0 : i32
    %sign3A_3533 = vector.broadcast %sign3A_3532 : i32 to vector<16xi32>
    %sign3A_3534 = arith.cmpi slt, %min3A_3524, %sign3A_3533 : vector<16xi32>
    %sign3A_3535 = arith.extui %sign3A_3534 : vector<16xi1> to vector<16xi32>
    %sign3A_3536 = arith.subi %sign3A_3531, %sign3A_3535 : vector<16xi32>
    %sign3A_3537 = arith.constant 0 : i32
    %sign3A_3538 = arith.cmpi sgt, %jit3A_3525, %sign3A_3537 : i32
    %sign3A_3539 = arith.extui %sign3A_3538 : i1 to i32
    %sign3A_3540 = arith.constant 0 : i32
    %sign3A_3541 = arith.cmpi slt, %jit3A_3525, %sign3A_3540 : i32
    %sign3A_3542 = arith.extui %sign3A_3541 : i1 to i32
    %sign3A_3543 = arith.subi %sign3A_3539, %sign3A_3542 : i32
    %ne3A_3544 = vector.broadcast %sign3A_3543 : i32 to vector<16xi32>
    %ne3A_3545 = arith.cmpi ne, %sign3A_3536, %ne3A_3544 : vector<16xi32>
    %rem3A_3546 = vector.broadcast %jit3A_3525 : i32 to vector<16xi32>
    %rem3A_3547 = arith.remsi %min3A_3524, %rem3A_3546 : vector<16xi32>
    %ne3A_3548 = arith.constant 0 : i32
    %ne3A_3549 = vector.broadcast %ne3A_3548 : i32 to vector<16xi32>
    %ne3A_3550 = arith.cmpi ne, %rem3A_3547, %ne3A_3549 : vector<16xi32>
    %and3A_3551 = arith.andi %ne3A_3545, %ne3A_3550 : vector<16xi1>
    %sub3A_3552 = arith.constant 1 : i32
    %sub3A_3553 = vector.broadcast %sub3A_3552 : i32 to vector<16xi32>
    %sub3A_3554 = arith.subi %div3A_3527, %sub3A_3553 : vector<16xi32>
    %select_n3A_3555 = arith.select %and3A_3551, %sub3A_3554, %div3A_3527 : vector<16xi1>, vector<16xi32>
    %mul3A_3556 = arith.constant 25 : i32
    %mul3A_3557 = vector.broadcast %mul3A_3556 : i32 to vector<16xi32>
    %mul3A_3558 = arith.muli %select_n3A_3555, %mul3A_3557 : vector<16xi32>
    %sub3A_3559 = arith.subi %min3A_3524, %mul3A_3558 : vector<16xi32>
    %mul3A_3560 = arith.constant 25 : i32
    %mul3A_3561 = arith.muli %add3A, %mul3A_3560 : i32
    %add3A_3562 = vector.broadcast %mul3A_3561 : i32 to vector<16xi32>
    %add3A_3563 = arith.addi %add3A_3562, %select_n3A_3555 : vector<16xi32>
    %mul3A_3564 = arith.constant 50 : i32
    %mul3A_3565 = vector.broadcast %mul3A_3564 : i32 to vector<16xi32>
    %mul3A_3566 = arith.muli %add3A_3563, %mul3A_3565 : vector<16xi32>
    %mul3A_3567 = arith.constant 2 : i32
    %mul3A_3568 = vector.broadcast %mul3A_3567 : i32 to vector<16xi32>
    %mul3A_3569 = arith.muli %mul3A_3568, %sub3A_3559 : vector<16xi32>
    %add3A_3570 = arith.addi %mul3A_3566, %mul3A_3569 : vector<16xi32>
    %gather3A_3571 = tpu.vector_load_idx %arg7[%add3A_3570] : memref<40000xf32, #tpu.memory_space<vmem>>[vector<16xi32>], vector<16xf32>,
    %mul3A_3572 = arith.constant 25 : i32
    %mul3A_3573 = arith.muli %add3A, %mul3A_3572 : i32
    %add3A_3574 = vector.broadcast %mul3A_3573 : i32 to vector<16xi32>
    %add3A_3575 = arith.addi %add3A_3574, %select_n3A_3555 : vector<16xi32>
    %mul3A_3576 = arith.constant 50 : i32
    %mul3A_3577 = vector.broadcast %mul3A_3576 : i32 to vector<16xi32>
    %mul3A_3578 = arith.muli %add3A_3575, %mul3A_3577 : vector<16xi32>
    %mul3A_3579 = arith.constant 2 : i32
    %mul3A_3580 = vector.broadcast %mul3A_3579 : i32 to vector<16xi32>
    %mul3A_3581 = arith.muli %mul3A_3580, %sub3A_3559 : vector<16xi32>
    %add3A_3582 = arith.addi %mul3A_3578, %mul3A_3581 : vector<16xi32>
    %add3A_3583 = arith.constant 1 : i32
    %add3A_3584 = vector.broadcast %add3A_3583 : i32 to vector<16xi32>
    %add3A_3585 = arith.addi %add3A_3582, %add3A_3584 : vector<16xi32>
    %gather3A_3586 = tpu.vector_load_idx %arg7[%add3A_3585] : memref<40000xf32, #tpu.memory_space<vmem>>[vector<16xi32>], vector<16xf32>,
    %mul3A_3587 = arith.constant 25 : i32
    %mul3A_3588 = arith.muli %add3A, %mul3A_3587 : i32
    %add3A_3589 = vector.broadcast %mul3A_3588 : i32 to vector<16xi32>
    %add3A_3590 = arith.addi %add3A_3589, %select_n3A_3555 : vector<16xi32>
    %mul3A_3591 = arith.constant 2 : i32
    %mul3A_3592 = vector.broadcast %mul3A_3591 : i32 to vector<16xi32>
    %mul3A_3593 = arith.muli %add3A_3590, %mul3A_3592 : vector<16xi32>
    %gather3A_3594 = tpu.vector_load_idx %arg8[%mul3A_3593] : memref<1600xf32, #tpu.memory_space<vmem>>[vector<16xi32>], vector<16xf32>,
    %add3A_3595 = arith.constant 1 : i32
    %add3A_3596 = vector.broadcast %add3A_3595 : i32 to vector<16xi32>
    %add3A_3597 = arith.addi %mul3A_3593, %add3A_3596 : vector<16xi32>
    %gather3A_3598 = tpu.vector_load_idx %arg8[%add3A_3597] : memref<1600xf32, #tpu.memory_space<vmem>>[vector<16xi32>], vector<16xf32>,
    %gather3A_3599 = tpu.vector_load_idx %arg9[%mul3A_3593] : memref<1600xf32, #tpu.memory_space<vmem>>[vector<16xi32>], vector<16xf32>,
    %add3A_3600 = arith.constant 1 : i32
    %add3A_3601 = vector.broadcast %add3A_3600 : i32 to vector<16xi32>
    %add3A_3602 = arith.addi %mul3A_3593, %add3A_3601 : vector<16xi32>
    %gather3A_3603 = tpu.vector_load_idx %arg9[%add3A_3602] : memref<1600xf32, #tpu.memory_space<vmem>>[vector<16xi32>], vector<16xf32>,
    %div3A_3604 = arith.divf %gather3A_3586, %gather3A_3594 : vector<16xf32>
    %add3A_3605 = arith.addf %div3A_3604, %gather3A_3599 : vector<16xf32>
    %convert_element_type3A_3606 = arith.fptosi %add3A_3605 : vector<16xf32> to vector<16xi32>
    %jit3A_3607 = arith.constant 0 : i32
    %jit3A_3608 = arith.constant 63 : i32
    %max3A_3609 = vector.broadcast %jit3A_3607 : i32 to vector<16xi32>
    %max3A_3610 = arith.maxsi %max3A_3609, %convert_element_type3A_3606 : vector<16xi32>
    %min3A_3611 = vector.broadcast %jit3A_3608 : i32 to vector<16xi32>
    %min3A_3612 = arith.minsi %min3A_3611, %max3A_3610 : vector<16xi32>
    %div3A_3613 = arith.divf %gather3A_3571, %gather3A_3598 : vector<16xf32>
    %add3A_3614 = arith.addf %div3A_3613, %gather3A_3603 : vector<16xf32>
    %convert_element_type3A_3615 = arith.fptosi %add3A_3614 : vector<16xf32> to vector<16xi32>
    %jit3A_3616 = arith.constant 0 : i32
    %jit3A_3617 = arith.constant 63 : i32
    %max3A_3618 = vector.broadcast %jit3A_3616 : i32 to vector<16xi32>
    %max3A_3619 = arith.maxsi %max3A_3618, %convert_element_type3A_3615 : vector<16xi32>
    %min3A_3620 = vector.broadcast %jit3A_3617 : i32 to vector<16xi32>
    %min3A_3621 = arith.minsi %min3A_3620, %max3A_3619 : vector<16xi32>
    %swap3A_3622 = arith.constant 528 : index
    %swap3A_3623 = tpu.vector_load %arg11[%swap3A_3622] {strides = array<i32>} : memref<640xi32, #tpu.memory_space<vmem>>, vector<16xi32>,
    tpu.vector_store %arg11[%swap3A_3622], %min3A_3612 {strides = array<i32>} : memref<640xi32, #tpu.memory_space<vmem>>, vector<16xi32>,
    %swap3A_3624 = arith.constant 528 : index
    %swap3A_3625 = tpu.vector_load %arg12[%swap3A_3624] {strides = array<i32>} : memref<640xi32, #tpu.memory_space<vmem>>, vector<16xi32>,
    tpu.vector_store %arg12[%swap3A_3624], %min3A_3621 {strides = array<i32>} : memref<640xi32, #tpu.memory_space<vmem>>, vector<16xi32>,
    %add3A_3626 = arith.constant 544 : i32
    %add3A_3627 = vector.broadcast %add3A_3626 : i32 to vector<16xi32>
    %add3A_3628 = arith.addi %iota3A, %add3A_3627 : vector<16xi32>
    %min3A_3629 = arith.constant 624 : i32
    %min3A_3630 = vector.broadcast %min3A_3629 : i32 to vector<16xi32>
    %min3A_3631 = arith.minsi %add3A_3628, %min3A_3630 : vector<16xi32>
    %jit3A_3632 = arith.constant 25 : i32
    %div3A_3633 = vector.broadcast %jit3A_3632 : i32 to vector<16xi32>
    %div3A_3634 = arith.divsi %min3A_3631, %div3A_3633 : vector<16xi32>
    %sign3A_3635 = arith.constant 0 : i32
    %sign3A_3636 = vector.broadcast %sign3A_3635 : i32 to vector<16xi32>
    %sign3A_3637 = arith.cmpi sgt, %min3A_3631, %sign3A_3636 : vector<16xi32>
    %sign3A_3638 = arith.extui %sign3A_3637 : vector<16xi1> to vector<16xi32>
    %sign3A_3639 = arith.constant 0 : i32
    %sign3A_3640 = vector.broadcast %sign3A_3639 : i32 to vector<16xi32>
    %sign3A_3641 = arith.cmpi slt, %min3A_3631, %sign3A_3640 : vector<16xi32>
    %sign3A_3642 = arith.extui %sign3A_3641 : vector<16xi1> to vector<16xi32>
    %sign3A_3643 = arith.subi %sign3A_3638, %sign3A_3642 : vector<16xi32>
    %sign3A_3644 = arith.constant 0 : i32
    %sign3A_3645 = arith.cmpi sgt, %jit3A_3632, %sign3A_3644 : i32
    %sign3A_3646 = arith.extui %sign3A_3645 : i1 to i32
    %sign3A_3647 = arith.constant 0 : i32
    %sign3A_3648 = arith.cmpi slt, %jit3A_3632, %sign3A_3647 : i32
    %sign3A_3649 = arith.extui %sign3A_3648 : i1 to i32
    %sign3A_3650 = arith.subi %sign3A_3646, %sign3A_3649 : i32
    %ne3A_3651 = vector.broadcast %sign3A_3650 : i32 to vector<16xi32>
    %ne3A_3652 = arith.cmpi ne, %sign3A_3643, %ne3A_3651 : vector<16xi32>
    %rem3A_3653 = vector.broadcast %jit3A_3632 : i32 to vector<16xi32>
    %rem3A_3654 = arith.remsi %min3A_3631, %rem3A_3653 : vector<16xi32>
    %ne3A_3655 = arith.constant 0 : i32
    %ne3A_3656 = vector.broadcast %ne3A_3655 : i32 to vector<16xi32>
    %ne3A_3657 = arith.cmpi ne, %rem3A_3654, %ne3A_3656 : vector<16xi32>
    %and3A_3658 = arith.andi %ne3A_3652, %ne3A_3657 : vector<16xi1>
    %sub3A_3659 = arith.constant 1 : i32
    %sub3A_3660 = vector.broadcast %sub3A_3659 : i32 to vector<16xi32>
    %sub3A_3661 = arith.subi %div3A_3634, %sub3A_3660 : vector<16xi32>
    %select_n3A_3662 = arith.select %and3A_3658, %sub3A_3661, %div3A_3634 : vector<16xi1>, vector<16xi32>
    %mul3A_3663 = arith.constant 25 : i32
    %mul3A_3664 = vector.broadcast %mul3A_3663 : i32 to vector<16xi32>
    %mul3A_3665 = arith.muli %select_n3A_3662, %mul3A_3664 : vector<16xi32>
    %sub3A_3666 = arith.subi %min3A_3631, %mul3A_3665 : vector<16xi32>
    %mul3A_3667 = arith.constant 25 : i32
    %mul3A_3668 = arith.muli %add3A, %mul3A_3667 : i32
    %add3A_3669 = vector.broadcast %mul3A_3668 : i32 to vector<16xi32>
    %add3A_3670 = arith.addi %add3A_3669, %select_n3A_3662 : vector<16xi32>
    %mul3A_3671 = arith.constant 50 : i32
    %mul3A_3672 = vector.broadcast %mul3A_3671 : i32 to vector<16xi32>
    %mul3A_3673 = arith.muli %add3A_3670, %mul3A_3672 : vector<16xi32>
    %mul3A_3674 = arith.constant 2 : i32
    %mul3A_3675 = vector.broadcast %mul3A_3674 : i32 to vector<16xi32>
    %mul3A_3676 = arith.muli %mul3A_3675, %sub3A_3666 : vector<16xi32>
    %add3A_3677 = arith.addi %mul3A_3673, %mul3A_3676 : vector<16xi32>
    %gather3A_3678 = tpu.vector_load_idx %arg7[%add3A_3677] : memref<40000xf32, #tpu.memory_space<vmem>>[vector<16xi32>], vector<16xf32>,
    %mul3A_3679 = arith.constant 25 : i32
    %mul3A_3680 = arith.muli %add3A, %mul3A_3679 : i32
    %add3A_3681 = vector.broadcast %mul3A_3680 : i32 to vector<16xi32>
    %add3A_3682 = arith.addi %add3A_3681, %select_n3A_3662 : vector<16xi32>
    %mul3A_3683 = arith.constant 50 : i32
    %mul3A_3684 = vector.broadcast %mul3A_3683 : i32 to vector<16xi32>
    %mul3A_3685 = arith.muli %add3A_3682, %mul3A_3684 : vector<16xi32>
    %mul3A_3686 = arith.constant 2 : i32
    %mul3A_3687 = vector.broadcast %mul3A_3686 : i32 to vector<16xi32>
    %mul3A_3688 = arith.muli %mul3A_3687, %sub3A_3666 : vector<16xi32>
    %add3A_3689 = arith.addi %mul3A_3685, %mul3A_3688 : vector<16xi32>
    %add3A_3690 = arith.constant 1 : i32
    %add3A_3691 = vector.broadcast %add3A_3690 : i32 to vector<16xi32>
    %add3A_3692 = arith.addi %add3A_3689, %add3A_3691 : vector<16xi32>
    %gather3A_3693 = tpu.vector_load_idx %arg7[%add3A_3692] : memref<40000xf32, #tpu.memory_space<vmem>>[vector<16xi32>], vector<16xf32>,
    %mul3A_3694 = arith.constant 25 : i32
    %mul3A_3695 = arith.muli %add3A, %mul3A_3694 : i32
    %add3A_3696 = vector.broadcast %mul3A_3695 : i32 to vector<16xi32>
    %add3A_3697 = arith.addi %add3A_3696, %select_n3A_3662 : vector<16xi32>
    %mul3A_3698 = arith.constant 2 : i32
    %mul3A_3699 = vector.broadcast %mul3A_3698 : i32 to vector<16xi32>
    %mul3A_3700 = arith.muli %add3A_3697, %mul3A_3699 : vector<16xi32>
    %gather3A_3701 = tpu.vector_load_idx %arg8[%mul3A_3700] : memref<1600xf32, #tpu.memory_space<vmem>>[vector<16xi32>], vector<16xf32>,
    %add3A_3702 = arith.constant 1 : i32
    %add3A_3703 = vector.broadcast %add3A_3702 : i32 to vector<16xi32>
    %add3A_3704 = arith.addi %mul3A_3700, %add3A_3703 : vector<16xi32>
    %gather3A_3705 = tpu.vector_load_idx %arg8[%add3A_3704] : memref<1600xf32, #tpu.memory_space<vmem>>[vector<16xi32>], vector<16xf32>,
    %gather3A_3706 = tpu.vector_load_idx %arg9[%mul3A_3700] : memref<1600xf32, #tpu.memory_space<vmem>>[vector<16xi32>], vector<16xf32>,
    %add3A_3707 = arith.constant 1 : i32
    %add3A_3708 = vector.broadcast %add3A_3707 : i32 to vector<16xi32>
    %add3A_3709 = arith.addi %mul3A_3700, %add3A_3708 : vector<16xi32>
    %gather3A_3710 = tpu.vector_load_idx %arg9[%add3A_3709] : memref<1600xf32, #tpu.memory_space<vmem>>[vector<16xi32>], vector<16xf32>,
    %div3A_3711 = arith.divf %gather3A_3693, %gather3A_3701 : vector<16xf32>
    %add3A_3712 = arith.addf %div3A_3711, %gather3A_3706 : vector<16xf32>
    %convert_element_type3A_3713 = arith.fptosi %add3A_3712 : vector<16xf32> to vector<16xi32>
    %jit3A_3714 = arith.constant 0 : i32
    %jit3A_3715 = arith.constant 63 : i32
    %max3A_3716 = vector.broadcast %jit3A_3714 : i32 to vector<16xi32>
    %max3A_3717 = arith.maxsi %max3A_3716, %convert_element_type3A_3713 : vector<16xi32>
    %min3A_3718 = vector.broadcast %jit3A_3715 : i32 to vector<16xi32>
    %min3A_3719 = arith.minsi %min3A_3718, %max3A_3717 : vector<16xi32>
    %div3A_3720 = arith.divf %gather3A_3678, %gather3A_3705 : vector<16xf32>
    %add3A_3721 = arith.addf %div3A_3720, %gather3A_3710 : vector<16xf32>
    %convert_element_type3A_3722 = arith.fptosi %add3A_3721 : vector<16xf32> to vector<16xi32>
    %jit3A_3723 = arith.constant 0 : i32
    %jit3A_3724 = arith.constant 63 : i32
    %max3A_3725 = vector.broadcast %jit3A_3723 : i32 to vector<16xi32>
    %max3A_3726 = arith.maxsi %max3A_3725, %convert_element_type3A_3722 : vector<16xi32>
    %min3A_3727 = vector.broadcast %jit3A_3724 : i32 to vector<16xi32>
    %min3A_3728 = arith.minsi %min3A_3727, %max3A_3726 : vector<16xi32>
    %swap3A_3729 = arith.constant 544 : index
    %swap3A_3730 = tpu.vector_load %arg11[%swap3A_3729] {strides = array<i32>} : memref<640xi32, #tpu.memory_space<vmem>>, vector<16xi32>,
    tpu.vector_store %arg11[%swap3A_3729], %min3A_3719 {strides = array<i32>} : memref<640xi32, #tpu.memory_space<vmem>>, vector<16xi32>,
    %swap3A_3731 = arith.constant 544 : index
    %swap3A_3732 = tpu.vector_load %arg12[%swap3A_3731] {strides = array<i32>} : memref<640xi32, #tpu.memory_space<vmem>>, vector<16xi32>,
    tpu.vector_store %arg12[%swap3A_3731], %min3A_3728 {strides = array<i32>} : memref<640xi32, #tpu.memory_space<vmem>>, vector<16xi32>,
    %add3A_3733 = arith.constant 560 : i32
    %add3A_3734 = vector.broadcast %add3A_3733 : i32 to vector<16xi32>
    %add3A_3735 = arith.addi %iota3A, %add3A_3734 : vector<16xi32>
    %min3A_3736 = arith.constant 624 : i32
    %min3A_3737 = vector.broadcast %min3A_3736 : i32 to vector<16xi32>
    %min3A_3738 = arith.minsi %add3A_3735, %min3A_3737 : vector<16xi32>
    %jit3A_3739 = arith.constant 25 : i32
    %div3A_3740 = vector.broadcast %jit3A_3739 : i32 to vector<16xi32>
    %div3A_3741 = arith.divsi %min3A_3738, %div3A_3740 : vector<16xi32>
    %sign3A_3742 = arith.constant 0 : i32
    %sign3A_3743 = vector.broadcast %sign3A_3742 : i32 to vector<16xi32>
    %sign3A_3744 = arith.cmpi sgt, %min3A_3738, %sign3A_3743 : vector<16xi32>
    %sign3A_3745 = arith.extui %sign3A_3744 : vector<16xi1> to vector<16xi32>
    %sign3A_3746 = arith.constant 0 : i32
    %sign3A_3747 = vector.broadcast %sign3A_3746 : i32 to vector<16xi32>
    %sign3A_3748 = arith.cmpi slt, %min3A_3738, %sign3A_3747 : vector<16xi32>
    %sign3A_3749 = arith.extui %sign3A_3748 : vector<16xi1> to vector<16xi32>
    %sign3A_3750 = arith.subi %sign3A_3745, %sign3A_3749 : vector<16xi32>
    %sign3A_3751 = arith.constant 0 : i32
    %sign3A_3752 = arith.cmpi sgt, %jit3A_3739, %sign3A_3751 : i32
    %sign3A_3753 = arith.extui %sign3A_3752 : i1 to i32
    %sign3A_3754 = arith.constant 0 : i32
    %sign3A_3755 = arith.cmpi slt, %jit3A_3739, %sign3A_3754 : i32
    %sign3A_3756 = arith.extui %sign3A_3755 : i1 to i32
    %sign3A_3757 = arith.subi %sign3A_3753, %sign3A_3756 : i32
    %ne3A_3758 = vector.broadcast %sign3A_3757 : i32 to vector<16xi32>
    %ne3A_3759 = arith.cmpi ne, %sign3A_3750, %ne3A_3758 : vector<16xi32>
    %rem3A_3760 = vector.broadcast %jit3A_3739 : i32 to vector<16xi32>
    %rem3A_3761 = arith.remsi %min3A_3738, %rem3A_3760 : vector<16xi32>
    %ne3A_3762 = arith.constant 0 : i32
    %ne3A_3763 = vector.broadcast %ne3A_3762 : i32 to vector<16xi32>
    %ne3A_3764 = arith.cmpi ne, %rem3A_3761, %ne3A_3763 : vector<16xi32>
    %and3A_3765 = arith.andi %ne3A_3759, %ne3A_3764 : vector<16xi1>
    %sub3A_3766 = arith.constant 1 : i32
    %sub3A_3767 = vector.broadcast %sub3A_3766 : i32 to vector<16xi32>
    %sub3A_3768 = arith.subi %div3A_3741, %sub3A_3767 : vector<16xi32>
    %select_n3A_3769 = arith.select %and3A_3765, %sub3A_3768, %div3A_3741 : vector<16xi1>, vector<16xi32>
    %mul3A_3770 = arith.constant 25 : i32
    %mul3A_3771 = vector.broadcast %mul3A_3770 : i32 to vector<16xi32>
    %mul3A_3772 = arith.muli %select_n3A_3769, %mul3A_3771 : vector<16xi32>
    %sub3A_3773 = arith.subi %min3A_3738, %mul3A_3772 : vector<16xi32>
    %mul3A_3774 = arith.constant 25 : i32
    %mul3A_3775 = arith.muli %add3A, %mul3A_3774 : i32
    %add3A_3776 = vector.broadcast %mul3A_3775 : i32 to vector<16xi32>
    %add3A_3777 = arith.addi %add3A_3776, %select_n3A_3769 : vector<16xi32>
    %mul3A_3778 = arith.constant 50 : i32
    %mul3A_3779 = vector.broadcast %mul3A_3778 : i32 to vector<16xi32>
    %mul3A_3780 = arith.muli %add3A_3777, %mul3A_3779 : vector<16xi32>
    %mul3A_3781 = arith.constant 2 : i32
    %mul3A_3782 = vector.broadcast %mul3A_3781 : i32 to vector<16xi32>
    %mul3A_3783 = arith.muli %mul3A_3782, %sub3A_3773 : vector<16xi32>
    %add3A_3784 = arith.addi %mul3A_3780, %mul3A_3783 : vector<16xi32>
    %gather3A_3785 = tpu.vector_load_idx %arg7[%add3A_3784] : memref<40000xf32, #tpu.memory_space<vmem>>[vector<16xi32>], vector<16xf32>,
    %mul3A_3786 = arith.constant 25 : i32
    %mul3A_3787 = arith.muli %add3A, %mul3A_3786 : i32
    %add3A_3788 = vector.broadcast %mul3A_3787 : i32 to vector<16xi32>
    %add3A_3789 = arith.addi %add3A_3788, %select_n3A_3769 : vector<16xi32>
    %mul3A_3790 = arith.constant 50 : i32
    %mul3A_3791 = vector.broadcast %mul3A_3790 : i32 to vector<16xi32>
    %mul3A_3792 = arith.muli %add3A_3789, %mul3A_3791 : vector<16xi32>
    %mul3A_3793 = arith.constant 2 : i32
    %mul3A_3794 = vector.broadcast %mul3A_3793 : i32 to vector<16xi32>
    %mul3A_3795 = arith.muli %mul3A_3794, %sub3A_3773 : vector<16xi32>
    %add3A_3796 = arith.addi %mul3A_3792, %mul3A_3795 : vector<16xi32>
    %add3A_3797 = arith.constant 1 : i32
    %add3A_3798 = vector.broadcast %add3A_3797 : i32 to vector<16xi32>
    %add3A_3799 = arith.addi %add3A_3796, %add3A_3798 : vector<16xi32>
    %gather3A_3800 = tpu.vector_load_idx %arg7[%add3A_3799] : memref<40000xf32, #tpu.memory_space<vmem>>[vector<16xi32>], vector<16xf32>,
    %mul3A_3801 = arith.constant 25 : i32
    %mul3A_3802 = arith.muli %add3A, %mul3A_3801 : i32
    %add3A_3803 = vector.broadcast %mul3A_3802 : i32 to vector<16xi32>
    %add3A_3804 = arith.addi %add3A_3803, %select_n3A_3769 : vector<16xi32>
    %mul3A_3805 = arith.constant 2 : i32
    %mul3A_3806 = vector.broadcast %mul3A_3805 : i32 to vector<16xi32>
    %mul3A_3807 = arith.muli %add3A_3804, %mul3A_3806 : vector<16xi32>
    %gather3A_3808 = tpu.vector_load_idx %arg8[%mul3A_3807] : memref<1600xf32, #tpu.memory_space<vmem>>[vector<16xi32>], vector<16xf32>,
    %add3A_3809 = arith.constant 1 : i32
    %add3A_3810 = vector.broadcast %add3A_3809 : i32 to vector<16xi32>
    %add3A_3811 = arith.addi %mul3A_3807, %add3A_3810 : vector<16xi32>
    %gather3A_3812 = tpu.vector_load_idx %arg8[%add3A_3811] : memref<1600xf32, #tpu.memory_space<vmem>>[vector<16xi32>], vector<16xf32>,
    %gather3A_3813 = tpu.vector_load_idx %arg9[%mul3A_3807] : memref<1600xf32, #tpu.memory_space<vmem>>[vector<16xi32>], vector<16xf32>,
    %add3A_3814 = arith.constant 1 : i32
    %add3A_3815 = vector.broadcast %add3A_3814 : i32 to vector<16xi32>
    %add3A_3816 = arith.addi %mul3A_3807, %add3A_3815 : vector<16xi32>
    %gather3A_3817 = tpu.vector_load_idx %arg9[%add3A_3816] : memref<1600xf32, #tpu.memory_space<vmem>>[vector<16xi32>], vector<16xf32>,
    %div3A_3818 = arith.divf %gather3A_3800, %gather3A_3808 : vector<16xf32>
    %add3A_3819 = arith.addf %div3A_3818, %gather3A_3813 : vector<16xf32>
    %convert_element_type3A_3820 = arith.fptosi %add3A_3819 : vector<16xf32> to vector<16xi32>
    %jit3A_3821 = arith.constant 0 : i32
    %jit3A_3822 = arith.constant 63 : i32
    %max3A_3823 = vector.broadcast %jit3A_3821 : i32 to vector<16xi32>
    %max3A_3824 = arith.maxsi %max3A_3823, %convert_element_type3A_3820 : vector<16xi32>
    %min3A_3825 = vector.broadcast %jit3A_3822 : i32 to vector<16xi32>
    %min3A_3826 = arith.minsi %min3A_3825, %max3A_3824 : vector<16xi32>
    %div3A_3827 = arith.divf %gather3A_3785, %gather3A_3812 : vector<16xf32>
    %add3A_3828 = arith.addf %div3A_3827, %gather3A_3817 : vector<16xf32>
    %convert_element_type3A_3829 = arith.fptosi %add3A_3828 : vector<16xf32> to vector<16xi32>
    %jit3A_3830 = arith.constant 0 : i32
    %jit3A_3831 = arith.constant 63 : i32
    %max3A_3832 = vector.broadcast %jit3A_3830 : i32 to vector<16xi32>
    %max3A_3833 = arith.maxsi %max3A_3832, %convert_element_type3A_3829 : vector<16xi32>
    %min3A_3834 = vector.broadcast %jit3A_3831 : i32 to vector<16xi32>
    %min3A_3835 = arith.minsi %min3A_3834, %max3A_3833 : vector<16xi32>
    %swap3A_3836 = arith.constant 560 : index
    %swap3A_3837 = tpu.vector_load %arg11[%swap3A_3836] {strides = array<i32>} : memref<640xi32, #tpu.memory_space<vmem>>, vector<16xi32>,
    tpu.vector_store %arg11[%swap3A_3836], %min3A_3826 {strides = array<i32>} : memref<640xi32, #tpu.memory_space<vmem>>, vector<16xi32>,
    %swap3A_3838 = arith.constant 560 : index
    %swap3A_3839 = tpu.vector_load %arg12[%swap3A_3838] {strides = array<i32>} : memref<640xi32, #tpu.memory_space<vmem>>, vector<16xi32>,
    tpu.vector_store %arg12[%swap3A_3838], %min3A_3835 {strides = array<i32>} : memref<640xi32, #tpu.memory_space<vmem>>, vector<16xi32>,
    %add3A_3840 = arith.constant 576 : i32
    %add3A_3841 = vector.broadcast %add3A_3840 : i32 to vector<16xi32>
    %add3A_3842 = arith.addi %iota3A, %add3A_3841 : vector<16xi32>
    %min3A_3843 = arith.constant 624 : i32
    %min3A_3844 = vector.broadcast %min3A_3843 : i32 to vector<16xi32>
    %min3A_3845 = arith.minsi %add3A_3842, %min3A_3844 : vector<16xi32>
    %jit3A_3846 = arith.constant 25 : i32
    %div3A_3847 = vector.broadcast %jit3A_3846 : i32 to vector<16xi32>
    %div3A_3848 = arith.divsi %min3A_3845, %div3A_3847 : vector<16xi32>
    %sign3A_3849 = arith.constant 0 : i32
    %sign3A_3850 = vector.broadcast %sign3A_3849 : i32 to vector<16xi32>
    %sign3A_3851 = arith.cmpi sgt, %min3A_3845, %sign3A_3850 : vector<16xi32>
    %sign3A_3852 = arith.extui %sign3A_3851 : vector<16xi1> to vector<16xi32>
    %sign3A_3853 = arith.constant 0 : i32
    %sign3A_3854 = vector.broadcast %sign3A_3853 : i32 to vector<16xi32>
    %sign3A_3855 = arith.cmpi slt, %min3A_3845, %sign3A_3854 : vector<16xi32>
    %sign3A_3856 = arith.extui %sign3A_3855 : vector<16xi1> to vector<16xi32>
    %sign3A_3857 = arith.subi %sign3A_3852, %sign3A_3856 : vector<16xi32>
    %sign3A_3858 = arith.constant 0 : i32
    %sign3A_3859 = arith.cmpi sgt, %jit3A_3846, %sign3A_3858 : i32
    %sign3A_3860 = arith.extui %sign3A_3859 : i1 to i32
    %sign3A_3861 = arith.constant 0 : i32
    %sign3A_3862 = arith.cmpi slt, %jit3A_3846, %sign3A_3861 : i32
    %sign3A_3863 = arith.extui %sign3A_3862 : i1 to i32
    %sign3A_3864 = arith.subi %sign3A_3860, %sign3A_3863 : i32
    %ne3A_3865 = vector.broadcast %sign3A_3864 : i32 to vector<16xi32>
    %ne3A_3866 = arith.cmpi ne, %sign3A_3857, %ne3A_3865 : vector<16xi32>
    %rem3A_3867 = vector.broadcast %jit3A_3846 : i32 to vector<16xi32>
    %rem3A_3868 = arith.remsi %min3A_3845, %rem3A_3867 : vector<16xi32>
    %ne3A_3869 = arith.constant 0 : i32
    %ne3A_3870 = vector.broadcast %ne3A_3869 : i32 to vector<16xi32>
    %ne3A_3871 = arith.cmpi ne, %rem3A_3868, %ne3A_3870 : vector<16xi32>
    %and3A_3872 = arith.andi %ne3A_3866, %ne3A_3871 : vector<16xi1>
    %sub3A_3873 = arith.constant 1 : i32
    %sub3A_3874 = vector.broadcast %sub3A_3873 : i32 to vector<16xi32>
    %sub3A_3875 = arith.subi %div3A_3848, %sub3A_3874 : vector<16xi32>
    %select_n3A_3876 = arith.select %and3A_3872, %sub3A_3875, %div3A_3848 : vector<16xi1>, vector<16xi32>
    %mul3A_3877 = arith.constant 25 : i32
    %mul3A_3878 = vector.broadcast %mul3A_3877 : i32 to vector<16xi32>
    %mul3A_3879 = arith.muli %select_n3A_3876, %mul3A_3878 : vector<16xi32>
    %sub3A_3880 = arith.subi %min3A_3845, %mul3A_3879 : vector<16xi32>
    %mul3A_3881 = arith.constant 25 : i32
    %mul3A_3882 = arith.muli %add3A, %mul3A_3881 : i32
    %add3A_3883 = vector.broadcast %mul3A_3882 : i32 to vector<16xi32>
    %add3A_3884 = arith.addi %add3A_3883, %select_n3A_3876 : vector<16xi32>
    %mul3A_3885 = arith.constant 50 : i32
    %mul3A_3886 = vector.broadcast %mul3A_3885 : i32 to vector<16xi32>
    %mul3A_3887 = arith.muli %add3A_3884, %mul3A_3886 : vector<16xi32>
    %mul3A_3888 = arith.constant 2 : i32
    %mul3A_3889 = vector.broadcast %mul3A_3888 : i32 to vector<16xi32>
    %mul3A_3890 = arith.muli %mul3A_3889, %sub3A_3880 : vector<16xi32>
    %add3A_3891 = arith.addi %mul3A_3887, %mul3A_3890 : vector<16xi32>
    %gather3A_3892 = tpu.vector_load_idx %arg7[%add3A_3891] : memref<40000xf32, #tpu.memory_space<vmem>>[vector<16xi32>], vector<16xf32>,
    %mul3A_3893 = arith.constant 25 : i32
    %mul3A_3894 = arith.muli %add3A, %mul3A_3893 : i32
    %add3A_3895 = vector.broadcast %mul3A_3894 : i32 to vector<16xi32>
    %add3A_3896 = arith.addi %add3A_3895, %select_n3A_3876 : vector<16xi32>
    %mul3A_3897 = arith.constant 50 : i32
    %mul3A_3898 = vector.broadcast %mul3A_3897 : i32 to vector<16xi32>
    %mul3A_3899 = arith.muli %add3A_3896, %mul3A_3898 : vector<16xi32>
    %mul3A_3900 = arith.constant 2 : i32
    %mul3A_3901 = vector.broadcast %mul3A_3900 : i32 to vector<16xi32>
    %mul3A_3902 = arith.muli %mul3A_3901, %sub3A_3880 : vector<16xi32>
    %add3A_3903 = arith.addi %mul3A_3899, %mul3A_3902 : vector<16xi32>
    %add3A_3904 = arith.constant 1 : i32
    %add3A_3905 = vector.broadcast %add3A_3904 : i32 to vector<16xi32>
    %add3A_3906 = arith.addi %add3A_3903, %add3A_3905 : vector<16xi32>
    %gather3A_3907 = tpu.vector_load_idx %arg7[%add3A_3906] : memref<40000xf32, #tpu.memory_space<vmem>>[vector<16xi32>], vector<16xf32>,
    %mul3A_3908 = arith.constant 25 : i32
    %mul3A_3909 = arith.muli %add3A, %mul3A_3908 : i32
    %add3A_3910 = vector.broadcast %mul3A_3909 : i32 to vector<16xi32>
    %add3A_3911 = arith.addi %add3A_3910, %select_n3A_3876 : vector<16xi32>
    %mul3A_3912 = arith.constant 2 : i32
    %mul3A_3913 = vector.broadcast %mul3A_3912 : i32 to vector<16xi32>
    %mul3A_3914 = arith.muli %add3A_3911, %mul3A_3913 : vector<16xi32>
    %gather3A_3915 = tpu.vector_load_idx %arg8[%mul3A_3914] : memref<1600xf32, #tpu.memory_space<vmem>>[vector<16xi32>], vector<16xf32>,
    %add3A_3916 = arith.constant 1 : i32
    %add3A_3917 = vector.broadcast %add3A_3916 : i32 to vector<16xi32>
    %add3A_3918 = arith.addi %mul3A_3914, %add3A_3917 : vector<16xi32>
    %gather3A_3919 = tpu.vector_load_idx %arg8[%add3A_3918] : memref<1600xf32, #tpu.memory_space<vmem>>[vector<16xi32>], vector<16xf32>,
    %gather3A_3920 = tpu.vector_load_idx %arg9[%mul3A_3914] : memref<1600xf32, #tpu.memory_space<vmem>>[vector<16xi32>], vector<16xf32>,
    %add3A_3921 = arith.constant 1 : i32
    %add3A_3922 = vector.broadcast %add3A_3921 : i32 to vector<16xi32>
    %add3A_3923 = arith.addi %mul3A_3914, %add3A_3922 : vector<16xi32>
    %gather3A_3924 = tpu.vector_load_idx %arg9[%add3A_3923] : memref<1600xf32, #tpu.memory_space<vmem>>[vector<16xi32>], vector<16xf32>,
    %div3A_3925 = arith.divf %gather3A_3907, %gather3A_3915 : vector<16xf32>
    %add3A_3926 = arith.addf %div3A_3925, %gather3A_3920 : vector<16xf32>
    %convert_element_type3A_3927 = arith.fptosi %add3A_3926 : vector<16xf32> to vector<16xi32>
    %jit3A_3928 = arith.constant 0 : i32
    %jit3A_3929 = arith.constant 63 : i32
    %max3A_3930 = vector.broadcast %jit3A_3928 : i32 to vector<16xi32>
    %max3A_3931 = arith.maxsi %max3A_3930, %convert_element_type3A_3927 : vector<16xi32>
    %min3A_3932 = vector.broadcast %jit3A_3929 : i32 to vector<16xi32>
    %min3A_3933 = arith.minsi %min3A_3932, %max3A_3931 : vector<16xi32>
    %div3A_3934 = arith.divf %gather3A_3892, %gather3A_3919 : vector<16xf32>
    %add3A_3935 = arith.addf %div3A_3934, %gather3A_3924 : vector<16xf32>
    %convert_element_type3A_3936 = arith.fptosi %add3A_3935 : vector<16xf32> to vector<16xi32>
    %jit3A_3937 = arith.constant 0 : i32
    %jit3A_3938 = arith.constant 63 : i32
    %max3A_3939 = vector.broadcast %jit3A_3937 : i32 to vector<16xi32>
    %max3A_3940 = arith.maxsi %max3A_3939, %convert_element_type3A_3936 : vector<16xi32>
    %min3A_3941 = vector.broadcast %jit3A_3938 : i32 to vector<16xi32>
    %min3A_3942 = arith.minsi %min3A_3941, %max3A_3940 : vector<16xi32>
    %swap3A_3943 = arith.constant 576 : index
    %swap3A_3944 = tpu.vector_load %arg11[%swap3A_3943] {strides = array<i32>} : memref<640xi32, #tpu.memory_space<vmem>>, vector<16xi32>,
    tpu.vector_store %arg11[%swap3A_3943], %min3A_3933 {strides = array<i32>} : memref<640xi32, #tpu.memory_space<vmem>>, vector<16xi32>,
    %swap3A_3945 = arith.constant 576 : index
    %swap3A_3946 = tpu.vector_load %arg12[%swap3A_3945] {strides = array<i32>} : memref<640xi32, #tpu.memory_space<vmem>>, vector<16xi32>,
    tpu.vector_store %arg12[%swap3A_3945], %min3A_3942 {strides = array<i32>} : memref<640xi32, #tpu.memory_space<vmem>>, vector<16xi32>,
    %add3A_3947 = arith.constant 592 : i32
    %add3A_3948 = vector.broadcast %add3A_3947 : i32 to vector<16xi32>
    %add3A_3949 = arith.addi %iota3A, %add3A_3948 : vector<16xi32>
    %min3A_3950 = arith.constant 624 : i32
    %min3A_3951 = vector.broadcast %min3A_3950 : i32 to vector<16xi32>
    %min3A_3952 = arith.minsi %add3A_3949, %min3A_3951 : vector<16xi32>
    %jit3A_3953 = arith.constant 25 : i32
    %div3A_3954 = vector.broadcast %jit3A_3953 : i32 to vector<16xi32>
    %div3A_3955 = arith.divsi %min3A_3952, %div3A_3954 : vector<16xi32>
    %sign3A_3956 = arith.constant 0 : i32
    %sign3A_3957 = vector.broadcast %sign3A_3956 : i32 to vector<16xi32>
    %sign3A_3958 = arith.cmpi sgt, %min3A_3952, %sign3A_3957 : vector<16xi32>
    %sign3A_3959 = arith.extui %sign3A_3958 : vector<16xi1> to vector<16xi32>
    %sign3A_3960 = arith.constant 0 : i32
    %sign3A_3961 = vector.broadcast %sign3A_3960 : i32 to vector<16xi32>
    %sign3A_3962 = arith.cmpi slt, %min3A_3952, %sign3A_3961 : vector<16xi32>
    %sign3A_3963 = arith.extui %sign3A_3962 : vector<16xi1> to vector<16xi32>
    %sign3A_3964 = arith.subi %sign3A_3959, %sign3A_3963 : vector<16xi32>
    %sign3A_3965 = arith.constant 0 : i32
    %sign3A_3966 = arith.cmpi sgt, %jit3A_3953, %sign3A_3965 : i32
    %sign3A_3967 = arith.extui %sign3A_3966 : i1 to i32
    %sign3A_3968 = arith.constant 0 : i32
    %sign3A_3969 = arith.cmpi slt, %jit3A_3953, %sign3A_3968 : i32
    %sign3A_3970 = arith.extui %sign3A_3969 : i1 to i32
    %sign3A_3971 = arith.subi %sign3A_3967, %sign3A_3970 : i32
    %ne3A_3972 = vector.broadcast %sign3A_3971 : i32 to vector<16xi32>
    %ne3A_3973 = arith.cmpi ne, %sign3A_3964, %ne3A_3972 : vector<16xi32>
    %rem3A_3974 = vector.broadcast %jit3A_3953 : i32 to vector<16xi32>
    %rem3A_3975 = arith.remsi %min3A_3952, %rem3A_3974 : vector<16xi32>
    %ne3A_3976 = arith.constant 0 : i32
    %ne3A_3977 = vector.broadcast %ne3A_3976 : i32 to vector<16xi32>
    %ne3A_3978 = arith.cmpi ne, %rem3A_3975, %ne3A_3977 : vector<16xi32>
    %and3A_3979 = arith.andi %ne3A_3973, %ne3A_3978 : vector<16xi1>
    %sub3A_3980 = arith.constant 1 : i32
    %sub3A_3981 = vector.broadcast %sub3A_3980 : i32 to vector<16xi32>
    %sub3A_3982 = arith.subi %div3A_3955, %sub3A_3981 : vector<16xi32>
    %select_n3A_3983 = arith.select %and3A_3979, %sub3A_3982, %div3A_3955 : vector<16xi1>, vector<16xi32>
    %mul3A_3984 = arith.constant 25 : i32
    %mul3A_3985 = vector.broadcast %mul3A_3984 : i32 to vector<16xi32>
    %mul3A_3986 = arith.muli %select_n3A_3983, %mul3A_3985 : vector<16xi32>
    %sub3A_3987 = arith.subi %min3A_3952, %mul3A_3986 : vector<16xi32>
    %mul3A_3988 = arith.constant 25 : i32
    %mul3A_3989 = arith.muli %add3A, %mul3A_3988 : i32
    %add3A_3990 = vector.broadcast %mul3A_3989 : i32 to vector<16xi32>
    %add3A_3991 = arith.addi %add3A_3990, %select_n3A_3983 : vector<16xi32>
    %mul3A_3992 = arith.constant 50 : i32
    %mul3A_3993 = vector.broadcast %mul3A_3992 : i32 to vector<16xi32>
    %mul3A_3994 = arith.muli %add3A_3991, %mul3A_3993 : vector<16xi32>
    %mul3A_3995 = arith.constant 2 : i32
    %mul3A_3996 = vector.broadcast %mul3A_3995 : i32 to vector<16xi32>
    %mul3A_3997 = arith.muli %mul3A_3996, %sub3A_3987 : vector<16xi32>
    %add3A_3998 = arith.addi %mul3A_3994, %mul3A_3997 : vector<16xi32>
    %gather3A_3999 = tpu.vector_load_idx %arg7[%add3A_3998] : memref<40000xf32, #tpu.memory_space<vmem>>[vector<16xi32>], vector<16xf32>,
    %mul3A_4000 = arith.constant 25 : i32
    %mul3A_4001 = arith.muli %add3A, %mul3A_4000 : i32
    %add3A_4002 = vector.broadcast %mul3A_4001 : i32 to vector<16xi32>
    %add3A_4003 = arith.addi %add3A_4002, %select_n3A_3983 : vector<16xi32>
    %mul3A_4004 = arith.constant 50 : i32
    %mul3A_4005 = vector.broadcast %mul3A_4004 : i32 to vector<16xi32>
    %mul3A_4006 = arith.muli %add3A_4003, %mul3A_4005 : vector<16xi32>
    %mul3A_4007 = arith.constant 2 : i32
    %mul3A_4008 = vector.broadcast %mul3A_4007 : i32 to vector<16xi32>
    %mul3A_4009 = arith.muli %mul3A_4008, %sub3A_3987 : vector<16xi32>
    %add3A_4010 = arith.addi %mul3A_4006, %mul3A_4009 : vector<16xi32>
    %add3A_4011 = arith.constant 1 : i32
    %add3A_4012 = vector.broadcast %add3A_4011 : i32 to vector<16xi32>
    %add3A_4013 = arith.addi %add3A_4010, %add3A_4012 : vector<16xi32>
    %gather3A_4014 = tpu.vector_load_idx %arg7[%add3A_4013] : memref<40000xf32, #tpu.memory_space<vmem>>[vector<16xi32>], vector<16xf32>,
    %mul3A_4015 = arith.constant 25 : i32
    %mul3A_4016 = arith.muli %add3A, %mul3A_4015 : i32
    %add3A_4017 = vector.broadcast %mul3A_4016 : i32 to vector<16xi32>
    %add3A_4018 = arith.addi %add3A_4017, %select_n3A_3983 : vector<16xi32>
    %mul3A_4019 = arith.constant 2 : i32
    %mul3A_4020 = vector.broadcast %mul3A_4019 : i32 to vector<16xi32>
    %mul3A_4021 = arith.muli %add3A_4018, %mul3A_4020 : vector<16xi32>
    %gather3A_4022 = tpu.vector_load_idx %arg8[%mul3A_4021] : memref<1600xf32, #tpu.memory_space<vmem>>[vector<16xi32>], vector<16xf32>,
    %add3A_4023 = arith.constant 1 : i32
    %add3A_4024 = vector.broadcast %add3A_4023 : i32 to vector<16xi32>
    %add3A_4025 = arith.addi %mul3A_4021, %add3A_4024 : vector<16xi32>
    %gather3A_4026 = tpu.vector_load_idx %arg8[%add3A_4025] : memref<1600xf32, #tpu.memory_space<vmem>>[vector<16xi32>], vector<16xf32>,
    %gather3A_4027 = tpu.vector_load_idx %arg9[%mul3A_4021] : memref<1600xf32, #tpu.memory_space<vmem>>[vector<16xi32>], vector<16xf32>,
    %add3A_4028 = arith.constant 1 : i32
    %add3A_4029 = vector.broadcast %add3A_4028 : i32 to vector<16xi32>
    %add3A_4030 = arith.addi %mul3A_4021, %add3A_4029 : vector<16xi32>
    %gather3A_4031 = tpu.vector_load_idx %arg9[%add3A_4030] : memref<1600xf32, #tpu.memory_space<vmem>>[vector<16xi32>], vector<16xf32>,
    %div3A_4032 = arith.divf %gather3A_4014, %gather3A_4022 : vector<16xf32>
    %add3A_4033 = arith.addf %div3A_4032, %gather3A_4027 : vector<16xf32>
    %convert_element_type3A_4034 = arith.fptosi %add3A_4033 : vector<16xf32> to vector<16xi32>
    %jit3A_4035 = arith.constant 0 : i32
    %jit3A_4036 = arith.constant 63 : i32
    %max3A_4037 = vector.broadcast %jit3A_4035 : i32 to vector<16xi32>
    %max3A_4038 = arith.maxsi %max3A_4037, %convert_element_type3A_4034 : vector<16xi32>
    %min3A_4039 = vector.broadcast %jit3A_4036 : i32 to vector<16xi32>
    %min3A_4040 = arith.minsi %min3A_4039, %max3A_4038 : vector<16xi32>
    %div3A_4041 = arith.divf %gather3A_3999, %gather3A_4026 : vector<16xf32>
    %add3A_4042 = arith.addf %div3A_4041, %gather3A_4031 : vector<16xf32>
    %convert_element_type3A_4043 = arith.fptosi %add3A_4042 : vector<16xf32> to vector<16xi32>
    %jit3A_4044 = arith.constant 0 : i32
    %jit3A_4045 = arith.constant 63 : i32
    %max3A_4046 = vector.broadcast %jit3A_4044 : i32 to vector<16xi32>
    %max3A_4047 = arith.maxsi %max3A_4046, %convert_element_type3A_4043 : vector<16xi32>
    %min3A_4048 = vector.broadcast %jit3A_4045 : i32 to vector<16xi32>
    %min3A_4049 = arith.minsi %min3A_4048, %max3A_4047 : vector<16xi32>
    %swap3A_4050 = arith.constant 592 : index
    %swap3A_4051 = tpu.vector_load %arg11[%swap3A_4050] {strides = array<i32>} : memref<640xi32, #tpu.memory_space<vmem>>, vector<16xi32>,
    tpu.vector_store %arg11[%swap3A_4050], %min3A_4040 {strides = array<i32>} : memref<640xi32, #tpu.memory_space<vmem>>, vector<16xi32>,
    %swap3A_4052 = arith.constant 592 : index
    %swap3A_4053 = tpu.vector_load %arg12[%swap3A_4052] {strides = array<i32>} : memref<640xi32, #tpu.memory_space<vmem>>, vector<16xi32>,
    tpu.vector_store %arg12[%swap3A_4052], %min3A_4049 {strides = array<i32>} : memref<640xi32, #tpu.memory_space<vmem>>, vector<16xi32>,
    %add3A_4054 = arith.constant 608 : i32
    %add3A_4055 = vector.broadcast %add3A_4054 : i32 to vector<16xi32>
    %add3A_4056 = arith.addi %iota3A, %add3A_4055 : vector<16xi32>
    %min3A_4057 = arith.constant 624 : i32
    %min3A_4058 = vector.broadcast %min3A_4057 : i32 to vector<16xi32>
    %min3A_4059 = arith.minsi %add3A_4056, %min3A_4058 : vector<16xi32>
    %jit3A_4060 = arith.constant 25 : i32
    %div3A_4061 = vector.broadcast %jit3A_4060 : i32 to vector<16xi32>
    %div3A_4062 = arith.divsi %min3A_4059, %div3A_4061 : vector<16xi32>
    %sign3A_4063 = arith.constant 0 : i32
    %sign3A_4064 = vector.broadcast %sign3A_4063 : i32 to vector<16xi32>
    %sign3A_4065 = arith.cmpi sgt, %min3A_4059, %sign3A_4064 : vector<16xi32>
    %sign3A_4066 = arith.extui %sign3A_4065 : vector<16xi1> to vector<16xi32>
    %sign3A_4067 = arith.constant 0 : i32
    %sign3A_4068 = vector.broadcast %sign3A_4067 : i32 to vector<16xi32>
    %sign3A_4069 = arith.cmpi slt, %min3A_4059, %sign3A_4068 : vector<16xi32>
    %sign3A_4070 = arith.extui %sign3A_4069 : vector<16xi1> to vector<16xi32>
    %sign3A_4071 = arith.subi %sign3A_4066, %sign3A_4070 : vector<16xi32>
    %sign3A_4072 = arith.constant 0 : i32
    %sign3A_4073 = arith.cmpi sgt, %jit3A_4060, %sign3A_4072 : i32
    %sign3A_4074 = arith.extui %sign3A_4073 : i1 to i32
    %sign3A_4075 = arith.constant 0 : i32
    %sign3A_4076 = arith.cmpi slt, %jit3A_4060, %sign3A_4075 : i32
    %sign3A_4077 = arith.extui %sign3A_4076 : i1 to i32
    %sign3A_4078 = arith.subi %sign3A_4074, %sign3A_4077 : i32
    %ne3A_4079 = vector.broadcast %sign3A_4078 : i32 to vector<16xi32>
    %ne3A_4080 = arith.cmpi ne, %sign3A_4071, %ne3A_4079 : vector<16xi32>
    %rem3A_4081 = vector.broadcast %jit3A_4060 : i32 to vector<16xi32>
    %rem3A_4082 = arith.remsi %min3A_4059, %rem3A_4081 : vector<16xi32>
    %ne3A_4083 = arith.constant 0 : i32
    %ne3A_4084 = vector.broadcast %ne3A_4083 : i32 to vector<16xi32>
    %ne3A_4085 = arith.cmpi ne, %rem3A_4082, %ne3A_4084 : vector<16xi32>
    %and3A_4086 = arith.andi %ne3A_4080, %ne3A_4085 : vector<16xi1>
    %sub3A_4087 = arith.constant 1 : i32
    %sub3A_4088 = vector.broadcast %sub3A_4087 : i32 to vector<16xi32>
    %sub3A_4089 = arith.subi %div3A_4062, %sub3A_4088 : vector<16xi32>
    %select_n3A_4090 = arith.select %and3A_4086, %sub3A_4089, %div3A_4062 : vector<16xi1>, vector<16xi32>
    %mul3A_4091 = arith.constant 25 : i32
    %mul3A_4092 = vector.broadcast %mul3A_4091 : i32 to vector<16xi32>
    %mul3A_4093 = arith.muli %select_n3A_4090, %mul3A_4092 : vector<16xi32>
    %sub3A_4094 = arith.subi %min3A_4059, %mul3A_4093 : vector<16xi32>
    %mul3A_4095 = arith.constant 25 : i32
    %mul3A_4096 = arith.muli %add3A, %mul3A_4095 : i32
    %add3A_4097 = vector.broadcast %mul3A_4096 : i32 to vector<16xi32>
    %add3A_4098 = arith.addi %add3A_4097, %select_n3A_4090 : vector<16xi32>
    %mul3A_4099 = arith.constant 50 : i32
    %mul3A_4100 = vector.broadcast %mul3A_4099 : i32 to vector<16xi32>
    %mul3A_4101 = arith.muli %add3A_4098, %mul3A_4100 : vector<16xi32>
    %mul3A_4102 = arith.constant 2 : i32
    %mul3A_4103 = vector.broadcast %mul3A_4102 : i32 to vector<16xi32>
    %mul3A_4104 = arith.muli %mul3A_4103, %sub3A_4094 : vector<16xi32>
    %add3A_4105 = arith.addi %mul3A_4101, %mul3A_4104 : vector<16xi32>
    %gather3A_4106 = tpu.vector_load_idx %arg7[%add3A_4105] : memref<40000xf32, #tpu.memory_space<vmem>>[vector<16xi32>], vector<16xf32>,
    %mul3A_4107 = arith.constant 25 : i32
    %mul3A_4108 = arith.muli %add3A, %mul3A_4107 : i32
    %add3A_4109 = vector.broadcast %mul3A_4108 : i32 to vector<16xi32>
    %add3A_4110 = arith.addi %add3A_4109, %select_n3A_4090 : vector<16xi32>
    %mul3A_4111 = arith.constant 50 : i32
    %mul3A_4112 = vector.broadcast %mul3A_4111 : i32 to vector<16xi32>
    %mul3A_4113 = arith.muli %add3A_4110, %mul3A_4112 : vector<16xi32>
    %mul3A_4114 = arith.constant 2 : i32
    %mul3A_4115 = vector.broadcast %mul3A_4114 : i32 to vector<16xi32>
    %mul3A_4116 = arith.muli %mul3A_4115, %sub3A_4094 : vector<16xi32>
    %add3A_4117 = arith.addi %mul3A_4113, %mul3A_4116 : vector<16xi32>
    %add3A_4118 = arith.constant 1 : i32
    %add3A_4119 = vector.broadcast %add3A_4118 : i32 to vector<16xi32>
    %add3A_4120 = arith.addi %add3A_4117, %add3A_4119 : vector<16xi32>
    %gather3A_4121 = tpu.vector_load_idx %arg7[%add3A_4120] : memref<40000xf32, #tpu.memory_space<vmem>>[vector<16xi32>], vector<16xf32>,
    %mul3A_4122 = arith.constant 25 : i32
    %mul3A_4123 = arith.muli %add3A, %mul3A_4122 : i32
    %add3A_4124 = vector.broadcast %mul3A_4123 : i32 to vector<16xi32>
    %add3A_4125 = arith.addi %add3A_4124, %select_n3A_4090 : vector<16xi32>
    %mul3A_4126 = arith.constant 2 : i32
    %mul3A_4127 = vector.broadcast %mul3A_4126 : i32 to vector<16xi32>
    %mul3A_4128 = arith.muli %add3A_4125, %mul3A_4127 : vector<16xi32>
    %gather3A_4129 = tpu.vector_load_idx %arg8[%mul3A_4128] : memref<1600xf32, #tpu.memory_space<vmem>>[vector<16xi32>], vector<16xf32>,
    %add3A_4130 = arith.constant 1 : i32
    %add3A_4131 = vector.broadcast %add3A_4130 : i32 to vector<16xi32>
    %add3A_4132 = arith.addi %mul3A_4128, %add3A_4131 : vector<16xi32>
    %gather3A_4133 = tpu.vector_load_idx %arg8[%add3A_4132] : memref<1600xf32, #tpu.memory_space<vmem>>[vector<16xi32>], vector<16xf32>,
    %gather3A_4134 = tpu.vector_load_idx %arg9[%mul3A_4128] : memref<1600xf32, #tpu.memory_space<vmem>>[vector<16xi32>], vector<16xf32>,
    %add3A_4135 = arith.constant 1 : i32
    %add3A_4136 = vector.broadcast %add3A_4135 : i32 to vector<16xi32>
    %add3A_4137 = arith.addi %mul3A_4128, %add3A_4136 : vector<16xi32>
    %gather3A_4138 = tpu.vector_load_idx %arg9[%add3A_4137] : memref<1600xf32, #tpu.memory_space<vmem>>[vector<16xi32>], vector<16xf32>,
    %div3A_4139 = arith.divf %gather3A_4121, %gather3A_4129 : vector<16xf32>
    %add3A_4140 = arith.addf %div3A_4139, %gather3A_4134 : vector<16xf32>
    %convert_element_type3A_4141 = arith.fptosi %add3A_4140 : vector<16xf32> to vector<16xi32>
    %jit3A_4142 = arith.constant 0 : i32
    %jit3A_4143 = arith.constant 63 : i32
    %max3A_4144 = vector.broadcast %jit3A_4142 : i32 to vector<16xi32>
    %max3A_4145 = arith.maxsi %max3A_4144, %convert_element_type3A_4141 : vector<16xi32>
    %min3A_4146 = vector.broadcast %jit3A_4143 : i32 to vector<16xi32>
    %min3A_4147 = arith.minsi %min3A_4146, %max3A_4145 : vector<16xi32>
    %div3A_4148 = arith.divf %gather3A_4106, %gather3A_4133 : vector<16xf32>
    %add3A_4149 = arith.addf %div3A_4148, %gather3A_4138 : vector<16xf32>
    %convert_element_type3A_4150 = arith.fptosi %add3A_4149 : vector<16xf32> to vector<16xi32>
    %jit3A_4151 = arith.constant 0 : i32
    %jit3A_4152 = arith.constant 63 : i32
    %max3A_4153 = vector.broadcast %jit3A_4151 : i32 to vector<16xi32>
    %max3A_4154 = arith.maxsi %max3A_4153, %convert_element_type3A_4150 : vector<16xi32>
    %min3A_4155 = vector.broadcast %jit3A_4152 : i32 to vector<16xi32>
    %min3A_4156 = arith.minsi %min3A_4155, %max3A_4154 : vector<16xi32>
    %swap3A_4157 = arith.constant 608 : index
    %swap3A_4158 = tpu.vector_load %arg11[%swap3A_4157] {strides = array<i32>} : memref<640xi32, #tpu.memory_space<vmem>>, vector<16xi32>,
    tpu.vector_store %arg11[%swap3A_4157], %min3A_4147 {strides = array<i32>} : memref<640xi32, #tpu.memory_space<vmem>>, vector<16xi32>,
    %swap3A_4159 = arith.constant 608 : index
    %swap3A_4160 = tpu.vector_load %arg12[%swap3A_4159] {strides = array<i32>} : memref<640xi32, #tpu.memory_space<vmem>>, vector<16xi32>,
    tpu.vector_store %arg12[%swap3A_4159], %min3A_4156 {strides = array<i32>} : memref<640xi32, #tpu.memory_space<vmem>>, vector<16xi32>,
    %add3A_4161 = arith.constant 624 : i32
    %add3A_4162 = vector.broadcast %add3A_4161 : i32 to vector<16xi32>
    %add3A_4163 = arith.addi %iota3A, %add3A_4162 : vector<16xi32>
    %min3A_4164 = arith.constant 624 : i32
    %min3A_4165 = vector.broadcast %min3A_4164 : i32 to vector<16xi32>
    %min3A_4166 = arith.minsi %add3A_4163, %min3A_4165 : vector<16xi32>
    %jit3A_4167 = arith.constant 25 : i32
    %div3A_4168 = vector.broadcast %jit3A_4167 : i32 to vector<16xi32>
    %div3A_4169 = arith.divsi %min3A_4166, %div3A_4168 : vector<16xi32>
    %sign3A_4170 = arith.constant 0 : i32
    %sign3A_4171 = vector.broadcast %sign3A_4170 : i32 to vector<16xi32>
    %sign3A_4172 = arith.cmpi sgt, %min3A_4166, %sign3A_4171 : vector<16xi32>
    %sign3A_4173 = arith.extui %sign3A_4172 : vector<16xi1> to vector<16xi32>
    %sign3A_4174 = arith.constant 0 : i32
    %sign3A_4175 = vector.broadcast %sign3A_4174 : i32 to vector<16xi32>
    %sign3A_4176 = arith.cmpi slt, %min3A_4166, %sign3A_4175 : vector<16xi32>
    %sign3A_4177 = arith.extui %sign3A_4176 : vector<16xi1> to vector<16xi32>
    %sign3A_4178 = arith.subi %sign3A_4173, %sign3A_4177 : vector<16xi32>
    %sign3A_4179 = arith.constant 0 : i32
    %sign3A_4180 = arith.cmpi sgt, %jit3A_4167, %sign3A_4179 : i32
    %sign3A_4181 = arith.extui %sign3A_4180 : i1 to i32
    %sign3A_4182 = arith.constant 0 : i32
    %sign3A_4183 = arith.cmpi slt, %jit3A_4167, %sign3A_4182 : i32
    %sign3A_4184 = arith.extui %sign3A_4183 : i1 to i32
    %sign3A_4185 = arith.subi %sign3A_4181, %sign3A_4184 : i32
    %ne3A_4186 = vector.broadcast %sign3A_4185 : i32 to vector<16xi32>
    %ne3A_4187 = arith.cmpi ne, %sign3A_4178, %ne3A_4186 : vector<16xi32>
    %rem3A_4188 = vector.broadcast %jit3A_4167 : i32 to vector<16xi32>
    %rem3A_4189 = arith.remsi %min3A_4166, %rem3A_4188 : vector<16xi32>
    %ne3A_4190 = arith.constant 0 : i32
    %ne3A_4191 = vector.broadcast %ne3A_4190 : i32 to vector<16xi32>
    %ne3A_4192 = arith.cmpi ne, %rem3A_4189, %ne3A_4191 : vector<16xi32>
    %and3A_4193 = arith.andi %ne3A_4187, %ne3A_4192 : vector<16xi1>
    %sub3A_4194 = arith.constant 1 : i32
    %sub3A_4195 = vector.broadcast %sub3A_4194 : i32 to vector<16xi32>
    %sub3A_4196 = arith.subi %div3A_4169, %sub3A_4195 : vector<16xi32>
    %select_n3A_4197 = arith.select %and3A_4193, %sub3A_4196, %div3A_4169 : vector<16xi1>, vector<16xi32>
    %mul3A_4198 = arith.constant 25 : i32
    %mul3A_4199 = vector.broadcast %mul3A_4198 : i32 to vector<16xi32>
    %mul3A_4200 = arith.muli %select_n3A_4197, %mul3A_4199 : vector<16xi32>
    %sub3A_4201 = arith.subi %min3A_4166, %mul3A_4200 : vector<16xi32>
    %mul3A_4202 = arith.constant 25 : i32
    %mul3A_4203 = arith.muli %add3A, %mul3A_4202 : i32
    %add3A_4204 = vector.broadcast %mul3A_4203 : i32 to vector<16xi32>
    %add3A_4205 = arith.addi %add3A_4204, %select_n3A_4197 : vector<16xi32>
    %mul3A_4206 = arith.constant 50 : i32
    %mul3A_4207 = vector.broadcast %mul3A_4206 : i32 to vector<16xi32>
    %mul3A_4208 = arith.muli %add3A_4205, %mul3A_4207 : vector<16xi32>
    %mul3A_4209 = arith.constant 2 : i32
    %mul3A_4210 = vector.broadcast %mul3A_4209 : i32 to vector<16xi32>
    %mul3A_4211 = arith.muli %mul3A_4210, %sub3A_4201 : vector<16xi32>
    %add3A_4212 = arith.addi %mul3A_4208, %mul3A_4211 : vector<16xi32>
    %gather3A_4213 = tpu.vector_load_idx %arg7[%add3A_4212] : memref<40000xf32, #tpu.memory_space<vmem>>[vector<16xi32>], vector<16xf32>,
    %mul3A_4214 = arith.constant 25 : i32
    %mul3A_4215 = arith.muli %add3A, %mul3A_4214 : i32
    %add3A_4216 = vector.broadcast %mul3A_4215 : i32 to vector<16xi32>
    %add3A_4217 = arith.addi %add3A_4216, %select_n3A_4197 : vector<16xi32>
    %mul3A_4218 = arith.constant 50 : i32
    %mul3A_4219 = vector.broadcast %mul3A_4218 : i32 to vector<16xi32>
    %mul3A_4220 = arith.muli %add3A_4217, %mul3A_4219 : vector<16xi32>
    %mul3A_4221 = arith.constant 2 : i32
    %mul3A_4222 = vector.broadcast %mul3A_4221 : i32 to vector<16xi32>
    %mul3A_4223 = arith.muli %mul3A_4222, %sub3A_4201 : vector<16xi32>
    %add3A_4224 = arith.addi %mul3A_4220, %mul3A_4223 : vector<16xi32>
    %add3A_4225 = arith.constant 1 : i32
    %add3A_4226 = vector.broadcast %add3A_4225 : i32 to vector<16xi32>
    %add3A_4227 = arith.addi %add3A_4224, %add3A_4226 : vector<16xi32>
    %gather3A_4228 = tpu.vector_load_idx %arg7[%add3A_4227] : memref<40000xf32, #tpu.memory_space<vmem>>[vector<16xi32>], vector<16xf32>,
    %mul3A_4229 = arith.constant 25 : i32
    %mul3A_4230 = arith.muli %add3A, %mul3A_4229 : i32
    %add3A_4231 = vector.broadcast %mul3A_4230 : i32 to vector<16xi32>
    %add3A_4232 = arith.addi %add3A_4231, %select_n3A_4197 : vector<16xi32>
    %mul3A_4233 = arith.constant 2 : i32
    %mul3A_4234 = vector.broadcast %mul3A_4233 : i32 to vector<16xi32>
    %mul3A_4235 = arith.muli %add3A_4232, %mul3A_4234 : vector<16xi32>
    %gather3A_4236 = tpu.vector_load_idx %arg8[%mul3A_4235] : memref<1600xf32, #tpu.memory_space<vmem>>[vector<16xi32>], vector<16xf32>,
    %add3A_4237 = arith.constant 1 : i32
    %add3A_4238 = vector.broadcast %add3A_4237 : i32 to vector<16xi32>
    %add3A_4239 = arith.addi %mul3A_4235, %add3A_4238 : vector<16xi32>
    %gather3A_4240 = tpu.vector_load_idx %arg8[%add3A_4239] : memref<1600xf32, #tpu.memory_space<vmem>>[vector<16xi32>], vector<16xf32>,
    %gather3A_4241 = tpu.vector_load_idx %arg9[%mul3A_4235] : memref<1600xf32, #tpu.memory_space<vmem>>[vector<16xi32>], vector<16xf32>,
    %add3A_4242 = arith.constant 1 : i32
    %add3A_4243 = vector.broadcast %add3A_4242 : i32 to vector<16xi32>
    %add3A_4244 = arith.addi %mul3A_4235, %add3A_4243 : vector<16xi32>
    %gather3A_4245 = tpu.vector_load_idx %arg9[%add3A_4244] : memref<1600xf32, #tpu.memory_space<vmem>>[vector<16xi32>], vector<16xf32>,
    %div3A_4246 = arith.divf %gather3A_4228, %gather3A_4236 : vector<16xf32>
    %add3A_4247 = arith.addf %div3A_4246, %gather3A_4241 : vector<16xf32>
    %convert_element_type3A_4248 = arith.fptosi %add3A_4247 : vector<16xf32> to vector<16xi32>
    %jit3A_4249 = arith.constant 0 : i32
    %jit3A_4250 = arith.constant 63 : i32
    %max3A_4251 = vector.broadcast %jit3A_4249 : i32 to vector<16xi32>
    %max3A_4252 = arith.maxsi %max3A_4251, %convert_element_type3A_4248 : vector<16xi32>
    %min3A_4253 = vector.broadcast %jit3A_4250 : i32 to vector<16xi32>
    %min3A_4254 = arith.minsi %min3A_4253, %max3A_4252 : vector<16xi32>
    %div3A_4255 = arith.divf %gather3A_4213, %gather3A_4240 : vector<16xf32>
    %add3A_4256 = arith.addf %div3A_4255, %gather3A_4245 : vector<16xf32>
    %convert_element_type3A_4257 = arith.fptosi %add3A_4256 : vector<16xf32> to vector<16xi32>
    %jit3A_4258 = arith.constant 0 : i32
    %jit3A_4259 = arith.constant 63 : i32
    %max3A_4260 = vector.broadcast %jit3A_4258 : i32 to vector<16xi32>
    %max3A_4261 = arith.maxsi %max3A_4260, %convert_element_type3A_4257 : vector<16xi32>
    %min3A_4262 = vector.broadcast %jit3A_4259 : i32 to vector<16xi32>
    %min3A_4263 = arith.minsi %min3A_4262, %max3A_4261 : vector<16xi32>
    %swap3A_4264 = arith.constant 624 : index
    %swap3A_4265 = tpu.vector_load %arg11[%swap3A_4264] {strides = array<i32>} : memref<640xi32, #tpu.memory_space<vmem>>, vector<16xi32>,
    tpu.vector_store %arg11[%swap3A_4264], %min3A_4254 {strides = array<i32>} : memref<640xi32, #tpu.memory_space<vmem>>, vector<16xi32>,
    %swap3A_4266 = arith.constant 624 : index
    %swap3A_4267 = tpu.vector_load %arg12[%swap3A_4266] {strides = array<i32>} : memref<640xi32, #tpu.memory_space<vmem>>, vector<16xi32>,
    tpu.vector_store %arg12[%swap3A_4266], %min3A_4263 {strides = array<i32>} : memref<640xi32, #tpu.memory_space<vmem>>, vector<16xi32>,
    %broadcast_in_dim3A = arith.constant 1.000000e+00 : f32
    %broadcast_in_dim3A_4268 = vector.broadcast %broadcast_in_dim3A : f32 to vector<16xf32>
    %broadcast_in_dim3A_4269 = arith.constant 0.000000e+00 : f32
    %broadcast_in_dim3A_4270 = vector.broadcast %broadcast_in_dim3A_4269 : f32 to vector<16xf32>
    %min3A_4271 = arith.constant 4 : i32
    %min3A_4272 = vector.broadcast %min3A_4271 : i32 to vector<16xi32>
    %min3A_4273 = arith.minsi %iota3A, %min3A_4272 : vector<16xi32>
    %lt3A = arith.constant 5 : i32
    %lt3A_4274 = vector.broadcast %lt3A : i32 to vector<16xi32>
    %lt3A_4275 = arith.cmpi slt, %iota3A, %lt3A_4274 : vector<16xi32>
    %mul3A_4276 = arith.constant 625 : i32
    %mul3A_4277 = arith.muli %add3A, %mul3A_4276 : i32
    %scan3A = arith.constant 0 : i32
    %scan3A_4278 = arith.constant 0 : i32
    %scan3A_4279 = arith.constant 125 : i32
    %scan3A_4280 = arith.addi %scan3A_4278, %scan3A_4279 : i32
    %scan3A_4281 = arith.constant 1 : i32
    scf.for %scan3A_4283 = %scan3A_4278 to %scan3A_4280 step %scan3A_4281  : i32 {
      %mul3A_4284 = arith.constant 5 : i32
      %mul3A_4285 = arith.muli %scan3A_4283, %mul3A_4284 : i32
      %get3A = arith.index_cast %mul3A_4285 : i32 to index
      %get3A_4286 = tpu.vector_load %arg11[%get3A] {strides = array<i32>} : memref<640xi32, #tpu.memory_space<vmem>>, vector<16xi32>,
      %mul3A_4287 = arith.constant 5 : i32
      %mul3A_4288 = arith.muli %scan3A_4283, %mul3A_4287 : i32
      %get3A_4289 = arith.index_cast %mul3A_4288 : i32 to index
      %get3A_4290 = tpu.vector_load %arg12[%get3A_4289] {strides = array<i32>} : memref<640xi32, #tpu.memory_space<vmem>>, vector<16xi32>,
      tpu.vector_store_idx %arg10[%min3A_4273, %get3A_4286, %get3A_4290], %broadcast_in_dim3A_4268 masked %lt3A_4275 : memref<5x64x64xf32, #tpu.memory_space<vmem>>[vector<16xi32>, vector<16xi32>, vector<16xi32>], vector<16xf32>, vector<16xi1>
      %mul3A_4291 = arith.constant 5 : i32
      %mul3A_4292 = arith.muli %scan3A_4283, %mul3A_4291 : i32
      %add3A_4293 = arith.addi %mul3A_4277, %mul3A_4292 : i32
      "tpu.region"() ({
        %run_scoped3A = tpu.sem_alloc : memref<!tpu.dma_semaphore, #tpu.memory_space<semaphore_mem>>
        %dma_start3A = arith.constant 0 : i32
        %dma_start3A_4294 = arith.constant 0 : i32
        %dma_start3A_4295 = tpu.memref_slice %arg6[%add3A_4293, %dma_start3A, %dma_start3A_4294] : memref<20000x64x64xf32, #tpu.memory_space<hbm>> -> memref<5x64x64xf32, #tpu.memory_space<hbm>>
        %dma_start3A_4296 = arith.constant 0 : i32
        %dma_start3A_4297 = arith.constant 0 : i32
        %dma_start3A_4298 = tpu.memref_slice %arg6[%add3A_4293, %dma_start3A_4296, %dma_start3A_4297] : memref<20000x64x64xf32, #tpu.memory_space<hbm>> -> memref<5x64x64xf32, #tpu.memory_space<hbm>>
        tpu.enqueue_dma source(%arg10 : memref<5x64x64xf32, #tpu.memory_space<vmem>>) target(%dma_start3A_4298 : memref<5x64x64xf32, #tpu.memory_space<hbm>>) target_semaphore(%run_scoped3A : memref<!tpu.dma_semaphore, #tpu.memory_space<semaphore_mem>>)
        %dma_wait3A = arith.constant 0 : i32
        %dma_wait3A_4299 = arith.constant 0 : i32
        %dma_wait3A_4300 = tpu.memref_slice %arg6[%add3A_4293, %dma_wait3A, %dma_wait3A_4299] : memref<20000x64x64xf32, #tpu.memory_space<hbm>> -> memref<5x64x64xf32, #tpu.memory_space<hbm>>
        %dma_wait3A_4301 = arith.constant 0 : i32
        %dma_wait3A_4302 = arith.constant 0 : i32
        %dma_wait3A_4303 = tpu.memref_slice %arg6[%add3A_4293, %dma_wait3A_4301, %dma_wait3A_4302] : memref<20000x64x64xf32, #tpu.memory_space<hbm>> -> memref<5x64x64xf32, #tpu.memory_space<hbm>>
        tpu.wait_dma2 semaphore(%run_scoped3A : memref<!tpu.dma_semaphore, #tpu.memory_space<semaphore_mem>>) src(%arg10 : memref<5x64x64xf32, #tpu.memory_space<vmem>>) dst(%dma_wait3A_4303 : memref<5x64x64xf32, #tpu.memory_space<hbm>>)
        tpu.yield
      }) : () -> ()
      tpu.vector_store_idx %arg10[%min3A_4273, %get3A_4286, %get3A_4290], %broadcast_in_dim3A_4270 masked %lt3A_4275 : memref<5x64x64xf32, #tpu.memory_space<vmem>>[vector<16xi32>, vector<16xi32>, vector<16xi32>], vector<16xf32>, vector<16xi1>
    }
    %scan3A_4282 = arith.constant 125 : i32
    return
  }
}

</mosaic_0001>

<sc_bundles>
// kernel: kernel.3.cloned.1.call-start
scs
__scs_entry_jumppad:
0x0: {  	(pc) =	sbr.rel $0x88, $3  }
0x1: {  	(tag) =	ssettag $0x0;
	lr =	simm.s32 $0x1  }
0x2: {  	[smem:$0x3F9E] =	sst lr;
	_ =	strace $0xD0000000  }
0x3: {  	_ = 	snop  }
0x4: {  	_ = 	snop  }
0x5: {  	_ = 	snop  }
0x6: {  	_ = 	snop  }
0x7: {  	_ = 	snop  }
__scs_overlays_trampoline_lowered:
0x8: {  	[smem:$0x3FAD] =	sst s0  }
0x9: {  	[smem:$0x3FAE] =	sst s1  }
0xa: {  	[smem:$0x3FAF] =	sst s2  }
0xb: {  	[smem:$0x3FB0] =	sst s3  }
0xc: {  	[smem:$0x3FB1] =	sst s4  }
0xd: {  	[smem:$0x3FB2] =	sst s5  }
0xe: {  	[smem:$0x3FB3] =	sst s6  }
0xf: {  	[smem:$0x3FB4] =	sst s7  }
0x10: {  	[smem:$0x3FB5] =	sst s8  }
0x11: {  	[smem:$0x3FB6] =	sst s9;
	s0 =	simm.s32 @!p0 $0x0  }
0x12: {  	s1 =	sld [smem:$0x3F9C];
	s0 =	simm.s32 @p0 $0x1  }
0x13: {  	[smem:$0x3FB7] =	sst s0;
	s0 =	simm.s32 @!p1 $0x0  }
0x14: {  	s2 =	sld [smem:$0x3F9B];
	s0 =	simm.s32 @p1 $0x1  }
0x15: {  	[smem:$0x3FB8] =	sst s0;
	s0 =	simm.s32 @!p2 $0x0  }
0x16: {  	s3 =	sld [smem:$0x3FDB];
	s0 =	simm.s32 @p2 $0x1  }
0x17: {  	s4 =	simm.s32 $0x1BF5;
	[smem:$0x3FBA] =	sst s0  }
0x18: {  	s0 =	sld [smem:$0x3F9D];
	_ =	swait.ge [sflag:s4], $0x0  }
0x19: {  	s7 =	sld [smem:$0x3F9E]  }
0x1a: {  	s8 =	sadd.s32 $0xFFFFE003, lr  }
0x1b: {  	s9 =	sadd.s32 $0xFFFFFEF7, lr;
	s5 =	simm.s32 $0xFFFFFFFF;
	p2 =	slt.u32 s8, $0xFFFFF086  }
0x1c: {  	p1 =	slt.u32 s9, $0xF7A;
	s5 =	simm.s32 @!p2 $0x0  }
0x1d: {  	s5 =	simm.s32 @p1 $0x1;
	p0 =	seq.s32 s7, s2  }
0x1e: {  	s7 =	smul.u32 @!p0 $0xF7A, s2;
	p2 =	seq.s32 @!p0 s5, $0x0  }
0x1f: {  	s9 =	smul.u32 $0xF7A, s1;
	s8 =	simm.s32 @!p0 $0x1BF5;
	p2 =	por !p2, p0  }
0x20: {  	[sflag:s8] =	ssyncset.s32 @!p0 $0xFFFFF086;
	s6 =	sadd.s32 @!p0 s3, s7;
	s7 =	simm.s32 @!p0 $0x108  }
0x21: {  	s3 =	sadd.s32 s3, s9;
	s6 =	sadd.s32 @!p0 $0x88, s6;
	s7 =	simm.s32 @p2 $0x1082  }
0x22: {  	[simem:s7], [sflag:s8] =	dma.local @!p0 [hbm:s6], $0xF7A  }
0x23: {  	s9 =	sor.u32 $0xD0000000, s2;
	s6 =	simm.s32 $0x108;
	_ =	swait.ge @!p0 [sflag:s8], $0x0  }
0x24: {  	s3 =	sadd.s32 $0x88, s3;
	s6 =	simm.s32 @!p1 $0x1082;
	[sflag:s4] =	ssyncset.s32 $0xFFFFF086  }
0x25: {  	[simem:s6], [sflag:s4] =	dma.local [hbm:s3], $0xF7A  }
0x26: {  	[smem:$0x3F9E] =	sst s1;
	(tag) =	ssettag s2;
	_ =	strace s9  }
0x27: {  	s1 =	sld [smem:$0x3FAE]  }
0x28: {  	s2 =	sld [smem:$0x3FAF]  }
0x29: {  	s4 =	sld [smem:$0x3FB1]  }
0x2a: {  	p0 =	seq.s32 s5, $0x0;
	s5 =	sld [smem:$0x3FB2]  }
0x2b: {  	s6 =	sld [smem:$0x3FB3]  }
0x2c: {  	s7 =	sld [smem:$0x3FB4]  }
0x2d: {  	s3 =	simm.s32 $0x108;
	s8 =	sld [smem:$0x3FB5]  }
0x2e: {  	s3 =	simm.s32 @!p0 $0x1082;
	s9 =	sld [smem:$0x3FB6]  }
0x2f: {  	lr =	sadd.s32 s0, s3;
	s0 =	sld [smem:$0x3FAD]  }
0x30: {  	s3 =	sld [smem:$0x3FB0]  }
0x31: {  	[smem:$0x3FB9] =	sst s10  }
0x32: {  	s10 =	sld [smem:$0x3FB7];
	_ =	sdelay $0x3  }
0x33: {  	p0 =	seq.s32 s10, $0x1;
	s10 =	sld [smem:$0x3FB9];
	_ =	sdelay $0x3  }
0x34: {  	[smem:$0x3FB9] =	sst s10  }
0x35: {  	s10 =	sld [smem:$0x3FB8];
	_ =	sdelay $0x3  }
0x36: {  	p1 =	seq.s32 s10, $0x1;
	s10 =	sld [smem:$0x3FB9];
	_ =	sdelay $0x3  }
0x37: {  	[smem:$0x3FB9] =	sst s10  }
0x38: {  	s10 =	sld [smem:$0x3FBA]  }
0x39: {  	_ = 	snop;
	(pc) =	sbr.ind lr, $3  }
0x3a: {  	_ = 	snop  }
0x3b: {  	_ = 	snop  }
0x3c: {  	p2 =	seq.s32 s10, $0x1;
	s10 =	sld [smem:$0x3FB9]  }
0x3d: {  	_ =	shalt  }
0x3e: {  	_ =	shalt  }
0x3f: {  	_ =	shalt  }
0x40: {  	_ =	shalt  }
0x41: {  	_ =	shalt  }
0x42: {  	_ =	shalt  }
0x43: {  	_ =	shalt  }
0x44: {  	_ =	shalt  }
0x45: {  	_ =	shalt  }
0x46: {  	_ =	shalt  }
0x47: {  	_ =	shalt  }
0x48: {  	_ =	shalt  }
0x49: {  	_ =	shalt  }
0x4a: {  	_ =	shalt  }
0x4b: {  	_ =	shalt  }
0x4c: {  	_ =	shalt  }
0x4d: {  	_ =	shalt  }
0x4e: {  	_ =	shalt  }
0x4f: {  	_ =	shalt  }
0x50: {  	_ =	shalt  }
0x51: {  	_ =	shalt  }
0x52: {  	_ =	shalt  }
0x53: {  	_ =	shalt  }
0x54: {  	_ =	shalt  }
0x55: {  	_ =	shalt  }
0x56: {  	_ =	shalt  }
0x57: {  	_ =	shalt  }
0x58: {  	_ =	shalt  }
0x59: {  	_ =	shalt  }
0x5a: {  	_ =	shalt  }
0x5b: {  	_ =	shalt  }
0x5c: {  	_ =	shalt  }
0x5d: {  	_ =	shalt  }
0x5e: {  	_ =	shalt  }
0x5f: {  	_ =	shalt  }
0x60: {  	_ =	shalt  }
0x61: {  	_ =	shalt  }
0x62: {  	_ =	shalt  }
0x63: {  	_ =	shalt  }
0x64: {  	_ =	shalt  }
0x65: {  	_ =	shalt  }
0x66: {  	_ =	shalt  }
0x67: {  	_ =	shalt  }
0x68: {  	_ =	shalt  }
0x69: {  	_ =	shalt  }
0x6a: {  	_ =	shalt  }
0x6b: {  	_ =	shalt  }
0x6c: {  	_ =	shalt  }
0x6d: {  	_ =	shalt  }
0x6e: {  	_ =	shalt  }
0x6f: {  	_ =	shalt  }
0x70: {  	_ =	shalt  }
0x71: {  	_ =	shalt  }
0x72: {  	_ =	shalt  }
0x73: {  	_ =	shalt  }
0x74: {  	_ =	shalt  }
0x75: {  	_ =	shalt  }
0x76: {  	_ =	shalt  }
0x77: {  	_ =	shalt  }
0x78: {  	_ =	shalt  }
0x79: {  	_ =	shalt  }
0x7a: {  	_ =	shalt  }
0x7b: {  	_ =	shalt  }
0x7c: {  	_ =	shalt  }
0x7d: {  	_ =	shalt  }
0x7e: {  	_ =	shalt  }
0x7f: {  	_ =	shalt  }
0x80: {  	_ =	shalt  }
0x81: {  	_ =	shalt  }
0x82: {  	_ =	shalt  }
0x83: {  	_ =	shalt  }
0x84: {  	_ =	shalt  }
0x85: {  	_ =	shalt  }
0x86: {  	_ =	shalt  }
0x87: {  	_ =	shalt  }
.Lfunc_end0:
.L_simem_size_0:
called_computation_lowered:
.L_overlay_start_0:
0x88: {  	s2 =	sld [smem:$0x3FD9]  }
0x89: {  	s3 =	sld [smem:$0x3FFE];
	_ =	sdelay $0x1  }
0x8a: {  	s1 =	srdreg.scid  }
0x8b: {  	s0 =	sand.u32 $0x1, s1  }
0x8c: {  	s17 =	sshll.u32 s0, $0xA;
	s2 =	sadd.s32 s3, s2  }
0x8d: {  	s2 =	sadd.s32 s2, s17  }
0x8e: {  	[smem:$0x3FC5] =	sst s2  }
0x8f: {  	_ = 	snop  }
0x90: {  	s2 =	sld [smem:$0x3FD0];
	(tm) =	ssettm $0x1  }
0x91: {  	s18 =	sld [smem:$0x3FFB];
	_ =	sdelay $0x3  }
0x92: {  	_ =	strace s18  }
0x93: {  	s3 =	sld [smem:$0x3FFC];
	_ =	sdelay $0x3  }
0x94: {  	_ =	strace s3  }
0x95: {  	s3 =	sld [smem:$0x3FFD];
	_ =	sdelay $0x3  }
0x96: {  	_ =	strace s3  }
0x97: {  	_ =	strace $0x8FFFFFFF  }
0x98: {  	s19 =	sld [smem:$0x3FDB];
	_ =	sdelay $0x1  }
0x99: {  	s4 =	simm.s32 $_scs_section_size  }
0x9a: {  	s5 =	simm.s32 $_size__tile_overlayer_lowered;
	s6 =	simm.s32 $_tile_overlayer_lowered  }
0x9b: {  	s22 =	simm.s32 $0x1BFF;
	s21 =	sshll.u32 s6, $0x1;
	s3 =	sadd.s32 s4, s19  }
0x9c: {  	s7 =	simm.s32 $0x0;
	s20 =	sshll.u32 s5, $0x1;
	s5 =	sadd.s32 s21, s3  }
0x9d: {  	[timem:s7], [sflag:s22] =	dma.local [hbm:s5], s20  }
0x9e: {  	_ =	swait.ge [sflag:s22], s20  }
0x9f: {  	s4 =	ssub.s32 $0x0, s20;
	[sflag:s22] =	ssyncset.done $0x0  }
0xa0: {  	[sflag:s22] =	ssyncadd.s32 s4;
	_ =	sdelay $0x1  }
0xa1: {  	s23 =	simm.s32 $0x1B8B  }
0xa2: {  	_ =	swait.ge [sflag:s23], $0x1  }
0xa3: {  	[sflag:s23] =	ssyncset.done $0x0  }
0xa4: {  	s25 =	simm.s32 $0x1B8E;
	s24 =	sld [smem:$0x3FFE];
	[sflag:s23] =	ssyncadd.s32 $0xFFFFFFFF  }
0xa5: {  	s26 =	simm.s32 $execute0_lowered;
	[smem:$0x3FD2] =	sst s25  }
0xa6: {  	s5 =	sshll.u32 s26, $0x1;
	_ =	strace $0x80000046;
	[dreg:$0x1] =	wrdreg $0xFFFFFFFF  }
0xa7: {  	s28 =	simm.s32 $_size_execute0_lowered;
	s3 =	sadd.s32 s3, s5;
	[dreg:$0x0] =	wrdreg $0x0  }
0xa8: {  	s5 =	sshll.u32 s28, $0x1;
	[dreg:$0x2] =	wrdreg s3  }
0xa9: {  	[dreg:$0x3] =	wrdreg s5  }
0xaa: {  	[dreg:$0x4] =	wrdreg $0xC0  }
0xab: {  	_ =	task [dreg:s7], $0x5FFFF  }
0xac: {  	[dreg:$0x1] =	wrdreg $0xFFFFFFFF  }
0xad: {  	[dreg:$0x0] =	wrdreg $0x60  }
0xae: {  	[dreg:$0x2] =	wrdreg s24  }
0xaf: {  	[dreg:$0x3] =	wrdreg s2  }
0xb0: {  	[dreg:$0x4] =	wrdreg $0x9  }
0xb1: {  	_ =	task.clear_ibuf [dreg:s7], $0x5FFFF;
	_ =	strace $0x90000046  }
0xb2: {  	s29 =	simm.s32 $0x9;
	_ =	strace $0x80000048  }
0xb3: {  	_ =	swait.ge [sflag:s29], $0x1  }
0xb4: {  	[sflag:s29] =	ssyncadd.s32 $0xFFFFFFFF  }
0xb5: {  	_ =	strace $0x90000048  }
0xb6: {  	_ =	sfence  }
0xb7: {  	s30 =	sld [smem:$0x0];
	_ =	sdelay $0x2  }
0xb8: {  	s31 =	sshll.u32 s1, $0xD;
	s1 =	sshrl.u32 s1, $0x2  }
0xb9: {  	s3 =	sand.u32 $0x4000, s31;
	s1 =	sadd.s32 s1, s30  }
0xba: {  	s0 =	sor.u32 s3, s0;
	s1 =	sshll.u32 s1, $0x11  }
0xbb: {  	s0 =	sor.u32 s1, s0  }
0xbc: {  	s0 =	sadd.s32 $0x8F2B, s0  }
0xbd: {  	[sflag:s0] =	ssyncadd.remote.s32 $0x1  }
0xbe: {  	_ =	sfence.sel $0xFFFF  }
0xbf: {  	[dreg:$0x0] =	wrdreg $0xFFFFFFFF;
	(pc) =	sbr.abs _section_cstart, $3  }
0xc0: {  	[dreg:$0x1] =	wrdreg $0xFFFFFFFF  }
0xc1: {  	_ =	task.clear_ibuf [dreg:s7], $0x2FFFF;
	_ =	strace $0x9FFFFFFF  }
0xc2: {  	(tm) =	ssettm $0x7FFFFFFF  }
0xc3: {  	_ =	shalt  }
tec
execute0_lowered:
.L_overlay_start_1:
0x0: {  	(tag) =	ssettag $0x1  }
0x1: {  	vm0 =	vcmask $0x1700;
	v1 =	vimm.s32 $0x41A  }
0x2: {  	vm1 =	vcmask $0x3300;
	vm2 =	vcmask $0xF00;
	vm3 =	vcmask $0x2B00  }
0x3: {  	vm4 =	vcmask $0x700;
	vm5 =	vcmask $0x2300;
	vm6 =	vcmask $0x1B00  }
0x4: {  	vm7 =	vcmask $0x3700;
	vm8 =	vcmask $0x1300;
	vm9 =	vcmask $0x2F00  }
0x5: {  	v9 =	vimm.s32 $0x226;
	vm10 =	vcmask $0xB00;
	v11 =	vimm.s32 $0xA86400EC  }
0x6: {  	vm11 =	vcmask $0x2700;
	vm13 =	vcmask $0x1F10;
	v12 =	vimm.s32 $0x4020030  }
0x7: {  	v15 =	vimm.s32 $0x301312F;
	vm12 =	vcmask $0x2710;
	v18 =	vimm.s32 $0x6420ECA8  }
0x8: {  	v24 =	vimm.s32 $0xCA86000E;
	v26 =	vimm.s32 $0x86420ECA;
	v32 =	vimm.s32 $0x1D1B1900  }
0x9: {  	v33 =	vimm.s32 $0x97530FDB;
	v54 =	vimm.s32 $0xFDB97;
	v55 =	vimm.s32 $0x2E2C2A28  }
0xa: {  	v41 =	vimm.s32 $0x32;
	v45 =	vimm.s32 $0x27252321;
	v49 =	vimm.s32 $0x2F2D2B29  }
0xb: {  	v59 =	vimm.s32 $0x8060402;
	v60 =	vimm.s32 $0x22201E1C;
	v61 =	vimm.s32 $0x2A282624  }
0xc: {  	v62 =	vimm.s32 $0x9070503;
	v2 =	vsel vm1, $0x3E8, v1;
	v1 =	vimm.s32 $0x3E8  }
0xd: {  	v16 =	vsel vm10, $0x1F4, v9;
	v9 =	vimm.s32 $0x1F4;
	v20 =	vunpack.c.0.s8.s32 v15  }
0xe: {  	v15 =	vimm.s32 $0x5030131;
	v22 =	vunpack.c.l.s4.s8 v18;
	v31 =	vunpack.c.0.s8.s32 v12  }
0xf: {  	v12 =	vimm.s32 $0x302E2C2A;
	v26 =	vunpack.c.l.s4.s8 v26;
	v32 =	vunpack.c.0.s8.s32 v32  }
0x10: {  	v33 =	vunpack.c.l.s4.s8 v33;
	v51 =	vunpack.c.0.s8.s32 v45;
	v49 =	vunpack.c.0.s8.s32 v49  }
0x11: {  	v56 =	vsel vm5, $0x0, v41;
	v53 =	vunpack.c.0.s8.s32 v60;
	v60 =	vimm.s32 $0x1B191715  }
0x12: {  	v3 =	vsel vm2, $0x3B6, v1;
	v1 =	vimm.s32 $0x3B6;
	v29 =	vunpack.c.0.s8.s32 v15  }
0x13: {  	v25 =	vunpack.c.0.s8.s32 v12;
	v4 =	vsel vm3, $0x384, v1;
	v1 =	vimm.s32 $0x384  }
0x14: {  	v12 =	vimm.s32 $0x7531FDB9;
	v5 =	vsel vm4, $0x352, v1;
	v1 =	vimm.s32 $0x352  }
0x15: {  	v15 =	vimm.s32 $0x312F2D2B;
	v6 =	vsel vm5, $0x320, v1;
	v1 =	vimm.s32 $0x2EE  }
0x16: {  	v43 =	vsel vm11, $0x1C2, v9;
	v7 =	vsel vm6, $0x2BC, v1;
	v1 =	vimm.s32 $0x2BC  }
0x17: {  	v12 =	vunpack.c.l.s4.s8 v12;
	v8 =	vsel vm7, $0x28A, v1;
	v1 =	vimm.s32 $0x28A  }
0x18: {  	v27 =	vunpack.c.0.s8.s32 v15;
	v10 =	vsel vm8, $0x258, v1;
	v1 =	vimm.s32 $0x258  }
0x19: {  	v14 =	vsel vm9, $0x226, v1;
	v1 =	vunpack.c.l.s4.s8 v11;
	v11 =	vimm.s32 $0x200302E  }
0x1a: {  	v15 =	vimm.s32 $0xECA864;
	v19 =	vunpack.c.0.s8.s32 v11;
	v11 =	vimm.s32 $0xB97500FD  }
0x1b: {  	v9 =	vunpack.c.l.s4.s8 v54;
	v15 =	vunpack.c.l.s4.s8 v15;
	v11 =	vunpack.c.l.s4.s8 v11  }
0x1c: {  	v54 =	vimm.s32 $0x23211F1D;
	v12 =	vunpack.c.0.s8.s32 v12;
	v1 =	vunpack.c.0.s8.s32 v1  }
0x1d: {  	v17 =	vnsel vm2, $0x1B, v20;
	v15 =	vunpack.c.0.s8.s32 v15;
	v11 =	vunpack.c.0.s8.s32 v11  }
0x1e: {  	v12 =	vand.u32 $0xF, v12;
	v13 =	vnsel vm2, $0x1A, v19;
	v1 =	vand.u32 $0xF, v1  }
0x1f: {  	v1 =	vsel vm12, v1, v13;
	v13 =	vimm.s32 $0x12101614;
	v11 =	vand.u32 $0xF, v11  }
0x20: {  	v13 =	vunpack.c.0.s8.s32 v13;
	v11 =	vsel vm12, v11, v17;
	v17 =	vimm.s32 $0x13111715  }
0x21: {  	v15 =	vand.u32 $0xF, v15;
	vm12 =	vcmask $0x3728;
	v21 =	vunpack.c.0.s8.s32 v17  }
0x22: {  	v17 =	vsel vm12, v13, v1;
	v1 =	vimm.s32 $0x302E2C;
	v13 =	vimm.s32 $0x16141210  }
0x23: {  	v23 =	vunpack.c.0.s8.s32 v1;
	v1 =	vimm.s32 $0x1312F2D;
	v13 =	vunpack.c.0.s8.s32 v13  }
0x24: {  	v18 =	vsel vm12, v21, v11;
	v11 =	vunpack.c.0.s8.s32 v22;
	v21 =	vimm.s32 $0x17151311  }
0x25: {  	vm12 =	vcmask $0x2F10;
	v22 =	vimm.s32 $0x2C2A2826;
	v21 =	vunpack.c.0.s8.s32 v21  }
0x26: {  	v28 =	vunpack.c.0.s8.s32 v22;
	v12 =	vsel vm12, v12, v27;
	v11 =	vand.u32 $0xF, v11  }
0x27: {  	v22 =	vimm.s32 $0x2D2B2927;
	v11 =	vsel vm12, v11, v25;
	vm12 =	vcmask $0x3F30  }
0x28: {  	v30 =	vunpack.c.0.s8.s32 v22;
	v12 =	vsel vm12, v21, v12;
	v21 =	vimm.s32 $0xFDB975  }
0x29: {  	v22 =	vunpack.c.l.s4.s8 v24;
	v24 =	vimm.s32 $0xDB97000F;
	v21 =	vunpack.c.l.s4.s8 v21  }
0x2a: {  	v24 =	vunpack.c.l.s4.s8 v24;
	v11 =	vsel vm12, v13, v11;
	v13 =	vnsel vm2, $0x12, v28  }
0x2b: {  	vm12 =	vcmask $0x3720;
	v13 =	vsel vm13, v19, v13;
	v21 =	vunpack.c.0.s8.s32 v21  }
0x2c: {  	v22 =	vunpack.c.0.s8.s32 v22;
	v13 =	vsel vm12, v15, v13;
	v15 =	vnsel vm2, $0x13, v30  }
0x2d: {  	v24 =	vunpack.c.0.s8.s32 v24;
	v15 =	vsel vm13, v20, v15;
	v21 =	vand.u32 $0xF, v21  }
0x2e: {  	v15 =	vsel vm12, v21, v15;
	v21 =	vand.u32 $0xF, v22;
	v22 =	vimm.s32 $0x14121016  }
0x2f: {  	v24 =	vand.u32 $0xF, v24;
	vm12 =	vcmask $0x2310;
	v22 =	vunpack.c.0.s8.s32 v22  }
0x30: {  	v21 =	vsel vm12, v21, v31;
	v24 =	vsel vm12, v24, v29;
	vm12 =	vcmask $0x3324  }
0x31: {  	v38 =	vunpack.c.0.s8.s32 v1;
	v1 =	vsel vm12, v22, v21;
	v21 =	vimm.s32 $0x15131117  }
0x32: {  	v58 =	vsel vm13, v49, v51;
	v22 =	vimm.s32 $0x1C1A1800;
	v21 =	vunpack.c.0.s8.s32 v21  }
0x33: {  	v54 =	vunpack.c.0.s8.s32 v54;
	v9 =	vunpack.c.0.s8.s32 v9;
	v22 =	vunpack.c.0.s8.s32 v22  }
0x34: {  	v49 =	vsel vm13, v29, v49;
	v21 =	vsel vm12, v21, v24;
	vm12 =	vcmask $0x3F34  }
0x35: {  	v24 =	vunpack.c.0.s8.s32 v26;
	v26 =	vnsel vm2, $0x19, v38;
	v35 =	vsel vm12, v22, v1  }
0x36: {  	s1 =	srdreg.scid;
	s0 =	stileid.u32;
	v36 =	vsel vm12, v32, v21;
	v1 =	vunpack.c.0.s8.s32 v33;
	v21 =	vnsel vm2, $0x18, v23  }
0x37: {  	s6 =	sand.u32 $0x1, s1;
	s30 =	sshll.u32 s0, $0x1;
	vm12 =	vcmask $0x2B10;
	v22 =	vand.u32 $0xF, v24;
	v24 =	vimm.s32 $0x10161412  }
0x38: {  	s1 =	sor.u32 s6, s30;
	v1 =	vand.u32 $0xF, v1;
	v21 =	vsel vm12, v22, v21;
	v22 =	vunpack.c.0.s8.s32 v24  }
0x39: {  	s1 =	smul.u32 $0x19, s1;
	v24 =	vimm.s32 $0x11171513;
	v1 =	vsel vm12, v1, v26;
	v26 =	vimm.s32 $0xECA86  }
0x3a: {  	vm12 =	vcmask $0x3B2C;
	v24 =	vunpack.c.0.s8.s32 v24;
	v26 =	vunpack.c.l.s4.s8 v26  }
0x3b: {  	v0 =	vmov s1;
	v32 =	vunpack.c.0.s8.s32 v55;
	v39 =	vsel vm12, v22, v21  }
0x3c: {  	v40 =	vsel vm12, v24, v1;
	v1 =	vimm.s32 $0x14121000;
	v21 =	vunpack.c.0.s8.s32 v26  }
0x3d: {  	v55 =	vimm.s32 $0x2B292725;
	v22 =	vimm.s32 $0x15131100;
	v1 =	vunpack.c.0.s8.s32 v1  }
0x3e: {  	vm12 =	vcmask $0x1F14;
	v22 =	vunpack.c.0.s8.s32 v22;
	v21 =	vand.u32 $0xF, v21  }
0x3f: {  	v55 =	vunpack.c.0.s8.s32 v55;
	v37 =	vsel vm12, v1, v21;
	v1 =	vand.u32 $0xF, v9  }
0x40: {  	v24 =	vimm.s32 $0x1C2;
	v9 =	vimm.s32 $0x96;
	v34 =	vsel vm12, v22, v1  }
0x41: {  	vm12 =	vcmask $0x300;
	v1 =	vimm.s32 $0x12C;
	v46 =	vsel vm3, $0x64, v9  }
0x42: {  	v9 =	vimm.s32 $0xC0A0806;
	v22 =	vimm.s32 $0x26242220;
	v47 =	vsel vm12, $0x190, v24  }
0x43: {  	v21 =	vsel vm0, $0xFA, v1;
	v1 =	vimm.s32 $0xFA;
	v9 =	vunpack.c.0.s8.s32 v9  }
0x44: {  	v33 =	vunpack.c.0.s8.s32 v22;
	v24 =	vsel vm1, $0xC8, v1;
	v1 =	vimm.s32 $0xC8  }
0x45: {  	v22 =	vlaneseq.u32;
	v26 =	vsel vm2, $0x96, v1;
	v1 =	vimm.s32 $0x64  }
0x46: {  	v42 =	vsel vm13, v9, v31;
	v44 =	vsel vm13, v32, v33;
	v9 =	vimm.s32 $0xD0B0907  }
0x47: {  	v48 =	vsel vm4, $0x32, v1;
	v1 =	vmul.u32 $0x32, v0;
	v50 =	vunpack.c.0.s8.s32 v9  }
0x48: {  	v41 =	vcombine.low v44, v42;
	v44 =	vunpack.c.0.s8.s32 v59;
	v59 =	vimm.s32 $0x1F1D1B19  }
0x49: {  	v9 =	vmul.u32 $0x2, v22;
	v63 =	vunpack.c.0.s8.s32 v59;
	v59 =	vimm.s32 $0x28262422  }
0x4a: {  	v52 =	vadd.s32 v56, v1;
	v57 =	vsel vm13, v50, v29;
	v50 =	vunpack.c.0.s8.s32 v61  }
0x4b: {  	v44 =	vsel vm13, v44, v23;
	v29 =	vunpack.c.0.s8.s32 v60;
	v61 =	vimm.s32 $0xECA86420  }
0x4c: {  	v47 =	vadd.s32 v47, v1;
	v16 =	vadd.s32 v16, v1;
	v14 =	vadd.s32 v14, v1  }
0x4d: {  	v45 =	vadd.s32 v41, v52;
	v42 =	vcombine.low v58, v57;
	v57 =	vimm.s32 $0x1E1C1A18  }
0x4e: {  	v58 =	vsel vm13, v55, v54;
	v51 =	vsel vm13, v51, v63;
	v63 =	vsel vm13, v38, v55  }
0x4f: {  	v35 =	vadd.s32 v35, v47;
	[tilespmem:$0x1F9A0] =	vst v45;
	v45 =	vunpack.c.0.s8.s32 v62;
	v56 =	vsel vm13, v50, v53  }
0x50: {  	v57 =	vunpack.c.0.s8.s32 v57;
	v62 =	vsel vm13, v23, v50;
	v29 =	vsel vm13, v54, v29  }
0x51: {  	v54 =	vunpack.c.0.s8.s32 v59;
	v50 =	vnsel vm2, $0x10, v50;
	v45 =	vsel vm13, v45, v38  }
0x52: {  	v45 =	vcombine.low v58, v45;
	v58 =	vsel vm13, v31, v32;
	v31 =	vimm.s32 $0x1A181614  }
0x53: {  	v32 =	vunpack.c.l.s4.s8 v61;
	v61 =	vimm.s32 $0xFDB97531;
	v31 =	vunpack.c.0.s8.s32 v31  }
0x54: {  	v57 =	vsel vm13, v33, v57;
	v33 =	vcombine.low v29, v63;
	v29 =	vunpack.c.l.s4.s8 v61  }
0x55: {  	v44 =	vcombine.low v56, v44;
	v60 =	vunpack.c.0.s8.s32 v32;
	v31 =	vsel vm13, v53, v31  }
0x56: {  	v52 =	vadd.s32 v42, v52;
	v59 =	vunpack.c.0.s8.s32 v29;
	v32 =	vcombine.low v31, v62  }
0x57: {  	v31 =	vsel vm13, v25, v54;
	v53 =	vand.u32 $0xF, v60;
	v62 =	vimm.s32 $0x29272523  }
0x58: {  	v60 =	vimm.s32 $0xA080604;
	v56 =	vunpack.c.0.s8.s32 v62;
	v29 =	vcombine.low v31, v53  }
0x59: {  	v53 =	vunpack.c.0.s8.s32 v60;
	v31 =	vimm.s32 $0x2422201E;
	v59 =	vand.u32 $0xF, v59  }
0x5a: {  	v62 =	vimm.s32 $0x201E1C1A;
	v61 =	vunpack.c.0.s8.s32 v31;
	v60 =	vsel vm13, v27, v56  }
0x5b: {  	v53 =	vsel vm13, v53, v19;
	v31 =	vcombine.low v60, v59;
	v59 =	vimm.s32 $0x6040200  }
0x5c: {  	v19 =	vsel vm13, v19, v28;
	v60 =	vsel vm13, v28, v61;
	v59 =	vunpack.c.0.s8.s32 v59  }
0x5d: {  	v53 =	vcombine.low v60, v53;
	v60 =	vunpack.c.0.s8.s32 v62;
	v62 =	vimm.s32 $0x7050301  }
0x5e: {  	v25 =	vsel vm13, v59, v25;
	v59 =	vunpack.c.0.s8.s32 v62;
	v62 =	vimm.s32 $0x211F1D1B  }
0x5f: {  	v54 =	vsel vm13, v54, v60;
	v60 =	vimm.s32 $0xB090705;
	v62 =	vunpack.c.0.s8.s32 v62  }
0x60: {  	v28 =	vimm.s32 $0x1D1B1917;
	v60 =	vunpack.c.0.s8.s32 v60;
	v27 =	vsel vm13, v59, v27  }
0x61: {  	v59 =	vimm.s32 $0x1C1A1816;
	v56 =	vsel vm13, v56, v62;
	v62 =	vimm.s32 $0x2523211F  }
0x62: {  	v28 =	vunpack.c.0.s8.s32 v28;
	v59 =	vunpack.c.0.s8.s32 v59;
	v62 =	vunpack.c.0.s8.s32 v62  }
0x63: {  	v25 =	vcombine.low v54, v25;
	v60 =	vsel vm13, v60, v20;
	v20 =	vsel vm13, v20, v30  }
0x64: {  	v59 =	vsel vm13, v61, v59;
	v61 =	vsel vm13, v30, v62;
	v30 =	vimm.s32 $0xECA8642  }
0x65: {  	v23 =	vsel vm13, v23, v50;
	[tilespmem:$0x1F9B0] =	vst v52;
	v52 =	vadd.s32 $0xE, v9;
	v30 =	vunpack.c.l.s4.s8 v30  }
0x66: {  	v25 =	vadd.s32 v25, v14;
	v28 =	vsel vm13, v62, v28;
	v62 =	vimm.s32 $0xFDB9753  }
0x67: {  	v63 =	vunpack.c.l.s4.s8 v62;
	v62 =	vnsel vm2, $0x11, v55;
	v30 =	vunpack.c.0.s8.s32 v30  }
0x68: {  	v55 =	vadd.s32 $0x32, v1;
	v60 =	vcombine.low v61, v60;
	v38 =	vsel vm13, v38, v62  }
0x69: {  	vm13 =	vcmask $0x3B20;
	v63 =	vunpack.c.0.s8.s32 v63;
	v30 =	vand.u32 $0xF, v30  }
0x6a: {  	v62 =	vadd.s32 v52, v55;
	v23 =	vsel vm13, v30, v23;
	v30 =	vadd.s32 $0xF, v9  }
0x6b: {  	[tilespmem:$0x1F9E0] =	vst v35;
	v50 =	vand.u32 $0xF, v63;
	v63 =	vadd.s32 v30, v55;
	v55 =	vadd.s32 v43, v1  }
0x6c: {  	[tilespmem:$0x1FAA0] =	vst v25;
	v35 =	vadd.s32 v60, v55;
	v60 =	vadd.s32 v39, v16;
	v16 =	vadd.s32 v40, v16  }
0x6d: {  	[tilespmem:$0x1FA90] =	vst v16;
	v16 =	vcombine.low v56, v27  }
0x6e: {  	[tilespmem:$0x1F9C0] =	vst v62;
	v38 =	vsel vm13, v50, v38;
	v50 =	vadd.s32 v36, v47  }
0x6f: {  	v25 =	vadd.s32 $0x258, v1;
	[tilespmem:$0x1F9F0] =	vst v50;
	v27 =	vadd.s32 $0x8, v9;
	v14 =	vadd.s32 v16, v14  }
0x70: {  	v34 =	vcombine.low v49, v34;
	v48 =	vadd.s32 v48, v1;
	[tilespmem:$0x1FAB0] =	vst v14;
	v14 =	vadd.s32 v27, v25  }
0x71: {  	v10 =	vadd.s32 v10, v1;
	vm13 =	vcmask $0x3B38;
	[tilespmem:$0x1FAC0] =	vst v14;
	v14 =	vadd.s32 $0x9, v9  }
0x72: {  	v18 =	vsel vm13, $0x19, v18;
	[tilespmem:$0x1F9D0] =	vst v63;
	v14 =	vadd.s32 v14, v25;
	v25 =	vcombine.low v58, v37  }
0x73: {  	v8 =	vadd.s32 v8, v1;
	v19 =	vcombine.low v59, v19;
	v50 =	vadd.s32 v18, v48;
	[tilespmem:$0x1FA10] =	vst v35  }
0x74: {  	v20 =	vcombine.low v28, v20;
	[tilespmem:$0x1FA50] =	vst v50;
	v25 =	vadd.s32 v25, v10;
	v10 =	vadd.s32 v34, v10  }
0x75: {  	[tilespmem:$0x1FB00] =	vst v10;
	v10 =	vadd.s32 v19, v8  }
0x76: {  	v61 =	vadd.s32 $0x1F4, v1;
	v36 =	vadd.s32 $0xD, v9;
	v8 =	vadd.s32 v20, v8;
	[tilespmem:$0x1FB10] =	vst v10  }
0x77: {  	v35 =	vadd.s32 v36, v61;
	[tilespmem:$0x1FB20] =	vst v8;
	v8 =	vadd.s32 $0x2BC, v1;
	v10 =	vadd.s32 $0x4, v9  }
0x78: {  	[tilespmem:$0x1FA30] =	vst v35;
	v10 =	vadd.s32 v10, v8  }
0x79: {  	[tilespmem:$0x1FB30] =	vst v10;
	v10 =	vadd.s32 $0x5, v9  }
0x7a: {  	v7 =	vadd.s32 v7, v1;
	[tilespmem:$0x1FAD0] =	vst v14;
	v8 =	vadd.s32 v10, v8  }
0x7b: {  	[tilespmem:$0x1FB40] =	vst v8;
	v8 =	vadd.s32 v23, v7  }
0x7c: {  	v7 =	vadd.s32 v38, v7;
	[tilespmem:$0x1FB50] =	vst v8  }
0x7d: {  	[tilespmem:$0x1FB60] =	vst v7;
	v7 =	vadd.s32 $0x2EE, v1;
	v8 =	vadd.s32 $0x12, v9  }
0x7e: {  	[tilespmem:$0x1FAF0] =	vst v25;
	v10 =	vadd.s32 $0x13, v9;
	v8 =	vadd.s32 v8, v7  }
0x7f: {  	v6 =	vadd.s32 v6, v1;
	v7 =	vadd.s32 v10, v7;
	[tilespmem:$0x1FB70] =	vst v8  }
0x80: {  	v10 =	vadd.s32 v41, v6;
	[tilespmem:$0x1FB80] =	vst v7  }
0x81: {  	v14 =	vadd.s32 $0x96, v1;
	v6 =	vadd.s32 v42, v6;
	v7 =	vadd.s32 $0xB, v9;
	[tilespmem:$0x1FBA0] =	vst v10  }
0x82: {  	[tilespmem:$0x1FBB0] =	vst v6;
	v6 =	vadd.s32 $0x352, v1;
	v8 =	vadd.s32 v7, v14  }
0x83: {  	v10 =	vadd.s32 v52, v6;
	v6 =	vadd.s32 v30, v6;
	[tilespmem:$0x1FB90] =	vst v8;
	v8 =	vadd.s32 v26, v1  }
0x84: {  	v5 =	vadd.s32 v5, v1;
	[tilespmem:$0x1FBD0] =	vst v6;
	v6 =	vadd.s32 v11, v8  }
0x85: {  	v4 =	vadd.s32 v4, v1;
	v17 =	vsel vm13, $0x18, v17;
	[tilespmem:$0x1FBE0] =	vst v6;
	v6 =	vadd.s32 v12, v8  }
0x86: {  	v62 =	vadd.s32 $0xC, v9;
	v8 =	vadd.s32 v17, v5;
	v5 =	vadd.s32 v18, v5;
	[tilespmem:$0x1FBF0] =	vst v6  }
0x87: {  	v63 =	vadd.s32 v62, v61;
	v16 =	vcombine.low v57, v58;
	[tilespmem:$0x1FC10] =	vst v5;
	v5 =	vadd.s32 v44, v4  }
0x88: {  	v61 =	vcombine.low v51, v49;
	v6 =	vadd.s32 v24, v1;
	v4 =	vadd.s32 v45, v4;
	[tilespmem:$0x1FC20] =	vst v5  }
0x89: {  	[tilespmem:$0x1FC30] =	vst v4;
	v5 =	vadd.s32 v16, v6  }
0x8a: {  	v27 =	vadd.s32 $0xA, v9;
	v4 =	vadd.s32 $0x3B6, v1;
	[tilespmem:$0x1FC40] =	vst v5;
	v5 =	vadd.s32 v61, v6  }
0x8b: {  	[tilespmem:$0x1FC50] =	vst v5;
	v5 =	vadd.s32 v27, v4  }
0x8c: {  	vm14 =	vcmask $0xB08;
	v3 =	vadd.s32 v3, v1;
	v4 =	vadd.s32 v7, v4;
	[tilespmem:$0x1FC60] =	vst v5  }
0x8d: {  	vm15 =	vcmask $0xF0C;
	v2 =	vadd.s32 v2, v1;
	[tilespmem:$0x1FC70] =	vst v4;
	v5 =	vadd.s32 v11, v3  }
0x8e: {  	v43 =	vadd.s32 v53, v55;
	v53 =	vadd.s32 v46, v1;
	v3 =	vadd.s32 v12, v3;
	[tilespmem:$0x1FC80] =	vst v5  }
0x8f: {  	v47 =	vadd.s32 v17, v48;
	v55 =	vadd.s32 v44, v53;
	[tilespmem:$0x1FC90] =	vst v3;
	v5 =	vadd.s32 v16, v2  }
0x90: {  	v4 =	vadd.s32 $0xFA, v1;
	v3 =	vadd.s32 $0x6, v9;
	v2 =	vadd.s32 v61, v2;
	[tilespmem:$0x1FCA0] =	vst v5  }
0x91: {  	v50 =	vshll.u32 v0, $0x1;
	[tilespmem:$0x1FCB0] =	vst v2;
	v2 =	vadd.s32 v3, v4;
	v5 =	vadd.s32 $0x41A, v1  }
0x92: {  	v35 =	vadd.s32 v45, v53;
	[tilespmem:$0x1FCC0] =	vst v2;
	v2 =	vadd.s32 $0x7, v9;
	v3 =	vadd.s32 v3, v5  }
0x93: {  	v56 =	vor.u32 $0x1, v50;
	v62 =	vadd.s32 v27, v14;
	v4 =	vadd.s32 v2, v4;
	[tilespmem:$0x1FCE0] =	vst v3  }
0x94: {  	v3 =	vimm.s32 $0x44C;
	v2 =	vadd.s32 v2, v5;
	v5 =	vsel vm13, $0x11, v15;
	[tilespmem:$0x1FCD0] =	vst v4  }
0x95: {  	[tilespmem:$0x1FCF0] =	vst v2;
	v2 =	vsel vm0, $0x41A, v3;
	v3 =	vadd.s32 v21, v1;
	v4 =	vsel vm13, $0x10, v13  }
0x96: {  	[tilespmem:$0x1FBC0] =	vst v10;
	v2 =	vadd.s32 v2, v1;
	v6 =	vadd.s32 v4, v3;
	v3 =	vadd.s32 v5, v3  }
0x97: {  	v19 =	vimm.s32 $0x15;
	[tilespmem:$0x1FD10] =	vst v3;
	v3 =	vadd.s32 v4, v2;
	v2 =	vadd.s32 v5, v2  }
0x98: {  	v25 =	vimm.s32 $0x17;
	vm13 =	vcmask $0x3B00;
	[tilespmem:$0x1FD30] =	vst v2;
	v2 =	vimm.s32 $0x15E  }
0x99: {  	v19 =	vsel vm1, $0x14, v19;
	v10 =	vimm.s32 $0xF;
	[tilespmem:$0x1FD20] =	vst v3;
	v3 =	vsel vm13, $0x12C, v2  }
0x9a: {  	v10 =	vsel vm6, $0xE, v10;
	[tilespmem:$0x1FC00] =	vst v8;
	v4 =	vimm.s32 $0x47E;
	v3 =	vadd.s32 v3, v1  }
0x9b: {  	[tilespmem:$0x1FD00] =	vst v6;
	v4 =	vsel vm13, $0x44C, v4;
	v6 =	vadd.s32 v32, v3;
	v3 =	vadd.s32 v33, v3  }
0x9c: {  	v8 =	vadd.s32 $0x47E, v1;
	v2 =	vshrl.u32 v22, $0x3;
	[tilespmem:$0x1FD50] =	vst v3;
	v3 =	vadd.s32 v4, v1  }
0x9d: {  	v24 =	vimm.s32 $0x7;
	v5 =	vmul.u32 $0x32, v2;
	[tilespmem:$0x1FD40] =	vst v6;
	v4 =	vadd.s32 v32, v3  }
0x9e: {  	v16 =	vimm.s32 $0x13;
	v6 =	vadd.s32 $0x2, v9;
	v3 =	vadd.s32 v33, v3;
	[tilespmem:$0x1FD60] =	vst v4  }
0x9f: {  	[tilespmem:$0x1FD70] =	vst v3;
	v3 =	vadd.s32 $0x47E, v5;
	v4 =	vadd.s32 $0x15E, v5;
	v5 =	vadd.s32 $0x15E, v1  }
0xa0: {  	v16 =	vsel vm3, $0x12, v16;
	v13 =	vimm.s32 $0x12;
	v7 =	vadd.s32 v6, v5  }
0xa1: {  	v13 =	vsel vm4, $0x11, v13;
	v24 =	vsel vm13, $0x6, v24;
	[tilespmem:$0x1FD80] =	vst v7;
	v7 =	vadd.s32 $0x3, v9  }
0xa2: {  	v25 =	vsel vm13, $0x16, v25;
	v22 =	vimm.s32 $0x8000;
	v5 =	vadd.s32 v7, v5  }
0xa3: {  	v4 =	vadd.s32 v4, v1;
	[tilespmem:$0x1FD90] =	vst v5;
	v5 =	vadd.s32 v6, v8;
	v6 =	vimm.s32 $0xD  }
0xa4: {  	v3 =	vadd.s32 v3, v1;
	[tilespmem:$0x1FDA0] =	vst v5;
	v5 =	vadd.s32 v7, v8;
	v7 =	vsel vm8, $0xC, v6  }
0xa5: {  	v6 =	vimm.s32 $0xE;
	[tilespmem:$0x1FDB0] =	vst v5;
	v5 =	vadd.s32 v29, v4;
	v4 =	vadd.s32 v31, v4  }
0xa6: {  	v8 =	vsel vm7, $0xD, v6;
	v6 =	vimm.s32 $0x1;
	[tilespmem:$0x1FDD0] =	vst v4;
	v4 =	vadd.s32 v29, v3  }
0xa7: {  	[tilespmem:$0x1FDC0] =	vst v5;
	v3 =	vadd.s32 v31, v3;
	v5 =	vimm.s32 $0xC;
	v11 =	vsel vm5, $0x0, v6  }
0xa8: {  	v6 =	vimm.s32 $0x11;
	[tilespmem:$0x1FDE0] =	vst v4;
	v4 =	vimm.s32 $0xA;
	v5 =	vsel vm9, $0xB, v5  }
0xa9: {  	v12 =	vsel vm5, $0x10, v6;
	v6 =	vimm.s32 $0x2;
	v11 =	vadd.s32 s1, v11  }
0xaa: {  	[tilespmem:$0x1FDF0] =	vst v3;
	v3 =	vsel vm11, $0x9, v4;
	v4 =	vimm.s32 $0xB;
	v14 =	vsel vm4, $0x1, v6  }
0xab: {  	v6 =	vimm.s32 $0x3;
	v26 =	vshll.u32 v11, $0x1;
	v4 =	vsel vm10, $0xA, v4  }
0xac: {  	v15 =	vsel vm3, $0x2, v6;
	v6 =	vimm.s32 $0x4;
	v11 =	vadd.s32 s1, v14  }
0xad: {  	v14 =	vadd.s32 $0x1, v0;
	v3 =	vadd.s32 s1, v3;
	v57 =	vor.u32 $0x1, v26  }
0xae: {  	v17 =	vsel vm2, $0x3, v6;
	v6 =	vimm.s32 $0x14;
	v27 =	vshll.u32 v14, $0x1  }
0xaf: {  	v28 =	vshll.u32 v11, $0x1;
	v11 =	vadd.s32 s1, v15;
	v14 =	vadd.s32 $0x3, v0  }
0xb0: {  	v18 =	vsel vm2, $0x13, v6;
	v6 =	vimm.s32 $0x5;
	v15 =	vshll.u32 v11, $0x1  }
0xb1: {  	v11 =	vadd.s32 s1, v17;
	v17 =	vshll.u32 v14, $0x1;
	v14 =	vadd.s32 $0x5, v0  }
0xb2: {  	v58 =	vor.u32 $0x1, v27;
	[tilespmem:$0x1FEC0] =	vst v28;
	v59 =	vor.u32 $0x1, v28;
	v28 =	vimm.f32 $1.000000000e+00  }
0xb3: {  	v20 =	vsel vm1, $0x4, v6;
	v6 =	vimm.s32 $0x6;
	v29 =	vshll.u32 v11, $0x1  }
0xb4: {  	[tilespmem:$0x1FA80] =	vst v60;
	v60 =	vor.u32 $0x1, v15;
	v61 =	vor.u32 $0x1, v17;
	v21 =	vsel vm0, $0x5, v6  }
0xb5: {  	[tilespmem:$0x1FAE0] =	vst v62;
	v6 =	vimm.s32 $0x9;
	v11 =	vadd.s32 s1, v20;
	v62 =	vor.u32 $0x1, v29  }
0xb6: {  	[tilespmem:$0x1FEF0] =	vst v29;
	v29 =	vimm.f32 $0.0e+00;
	v20 =	vshll.u32 v11, $0x1;
	v11 =	vadd.s32 s1, v21  }
0xb7: {  	v21 =	vshll.u32 v14, $0x1;
	v30 =	vshll.u32 v11, $0x1;
	v11 =	vadd.s32 s1, v24  }
0xb8: {  	v14 =	vadd.s32 $0x7, v2;
	v24 =	vshll.u32 v11, $0x1;
	v11 =	vadd.s32 $0x7, v0  }
0xb9: {  	v31 =	vshll.u32 v11, $0x1;
	v11 =	vadd.s32 s1, v14;
	v14 =	vor.u32 $0x1, v9  }
0xba: {  	[tilespmem:$0x1FA00] =	vst v43;
	v23 =	vsel vm12, $0x8, v6;
	v32 =	vshll.u32 v11, $0x1;
	v11 =	vadd.s32 v14, v1  }
0xbb: {  	v6 =	vsel vm12, $0x0, v22;
	vm12 =	vcmask $0x704;
	[tilespmem:$0x1FE00] =	vst v11;
	v11 =	vadd.s32 $0x320, v1  }
0xbc: {  	[tilespmem:$0x1FA20] =	vst v63;
	v22 =	vimm.s32 $0x16;
	v2 =	vadd.s32 $0x17, v2;
	v14 =	vadd.s32 v14, v11  }
0xbd: {  	v6 =	vsel vm12, $0x2000, v6;
	v22 =	vsel vm0, $0x15, v22;
	v11 =	vadd.s32 v9, v11;
	[tilespmem:$0x1FE10] =	vst v14  }
0xbe: {  	v2 =	vadd.s32 s1, v2;
	v6 =	vsel vm14, $0x4000, v6;
	[tilespmem:$0x1FE20] =	vst v11;
	v11 =	vadd.s32 v9, v1  }
0xbf: {  	v14 =	vadd.s32 $0x190, v1;
	[tilespmem:$0x1FE30] =	vst v11;
	v11 =	vadd.s32 $0x10, v9;
	v9 =	vadd.s32 $0x11, v9  }
0xc0: {  	[tilespmem:$0x1FEA0] =	vst v26;
	v1 =	vadd.s32 $0x4B0, v1;
	v63 =	vadd.s32 v11, v14;
	v14 =	vadd.s32 v9, v14  }
0xc1: {  	v49 =	vshll.u32 v2, $0x1;
	v6 =	vsel vm15, $0x6000, v6;
	v2 =	vadd.s32 v11, v1;
	[tilespmem:$0x1FE50] =	vst v14  }
0xc2: {  	v26 =	vor.u32 $0x1, v49;
	v14 =	vadd.s32 $0x8, v0;
	[tilespmem:$0x1FE60] =	vst v2;
	v2 =	vadd.s32 v9, v1  }
0xc3: {  	[tilespmem:$0x1FE40] =	vst v63;
	v63 =	vor.u32 $0x1, v20;
	v33 =	vshll.u32 v14, $0x1;
	v14 =	vadd.s32 s1, v23  }
0xc4: {  	v23 =	vshll.u32 v3, $0x1;
	v3 =	vadd.s32 $0xA, v0;
	[tilespmem:$0x1FE70] =	vst v2;
	v2 =	vor.u32 $0x1, v24  }
0xc5: {  	[tilespmem:$0x1FA40] =	vst v47;
	v14 =	vshll.u32 v14, $0x1;
	v34 =	vshll.u32 v3, $0x1;
	v3 =	vadd.s32 s1, v4  }
0xc6: {  	[tilespmem:$0x1FF00] =	vst v20;
	v4 =	vadd.s32 s1, v5;
	v5 =	vor.u32 $0x1, v33;
	v20 =	vor.u32 $0x1, v23  }
0xc7: {  	[tilespmem:$0x1FA60] =	vst v55;
	v51 =	vshll.u32 v3, $0x1;
	v52 =	vshll.u32 v4, $0x1;
	v3 =	vadd.s32 $0xC, v0  }
0xc8: {  	[tilespmem:$0x1FA70] =	vst v35;
	v4 =	vadd.s32 s1, v8;
	v54 =	vshll.u32 v3, $0x1;
	v3 =	vadd.s32 s1, v7  }
0xc9: {  	[tilespmem:$0x1FF80] =	vst v23;
	v8 =	vshll.u32 v4, $0x1;
	v4 =	vadd.s32 $0xF, v0;
	v23 =	vor.u32 $0x1, v52  }
0xca: {  	[tilespmem:$0x1FF30] =	vst v24;
	v7 =	vshll.u32 v3, $0x1;
	v3 =	vadd.s32 $0xE, v0;
	v36 =	vshll.u32 v4, $0x1  }
0xcb: {  	[tilespmem:$0x1FFB0] =	vst v52;
	v4 =	vadd.s32 $0x11, v0;
	v24 =	vor.u32 $0x1, v54;
	v52 =	vor.u32 $0x1, v8  }
0xcc: {  	[tilespmem:$0x1FEB0] =	vst v27;
	v55 =	vshll.u32 v3, $0x1;
	v3 =	vadd.s32 s1, v10;
	v39 =	vshll.u32 v4, $0x1  }
0xcd: {  	[tilespmem:$0x1FED0] =	vst v15;
	v4 =	vadd.s32 $0x13, v0;
	v35 =	vshll.u32 v3, $0x1;
	v3 =	vadd.s32 $0x10, v0  }
0xce: {  	[tilespmem:$0x1FFC0] =	vst v54;
	v42 =	vshll.u32 v4, $0x1;
	v4 =	vadd.s32 $0x15, v0;
	v54 =	vor.u32 $0x1, v55  }
0xcf: {  	[tilespmem:$0x1FEE0] =	vst v17;
	v10 =	vor.u32 $0x1, v39;
	v37 =	vshll.u32 v3, $0x1;
	v3 =	vadd.s32 s1, v12  }
0xd0: {  	[tilespmem:$0x1FFF0] =	vst v55;
	v45 =	vshll.u32 v4, $0x1;
	v4 =	vor.u32 $0x1, v32;
	v55 =	vor.u32 $0x1, v35  }
0xd1: {  	[tilespmem:$0x1FFE0] =	vst v8;
	v38 =	vshll.u32 v3, $0x1;
	v3 =	vadd.s32 s1, v13;
	v8 =	vor.u32 $0x1, v37  }
0xd2: {  	[tilespmem:$0x1FF10] =	vst v21;
	v13 =	vor.u32 $0x1, v42;
	v40 =	vshll.u32 v3, $0x1;
	v3 =	vadd.s32 s1, v16  }
0xd3: {  	[tilespmem:$0x1FF20] =	vst v30;
	v9 =	vor.u32 $0x1, v38;
	v41 =	vshll.u32 v3, $0x1;
	v3 =	vadd.s32 s1, v18  }
0xd4: {  	[tilespmem:$0x1FF40] =	vst v31;
	v16 =	vor.u32 $0x1, v45;
	v11 =	vor.u32 $0x1, v40;
	v43 =	vshll.u32 v3, $0x1  }
0xd5: {  	s7 =	rddreg [dreg:$0x0];
	[tilespmem:$0x1FF70] =	vst v14;
	v3 =	vadd.s32 s1, v19;
	v19 =	vor.u32 $0x1, v14;
	v12 =	vor.u32 $0x1, v41  }
0xd6: {  	s8 =	rddreg [dreg:$0x1];
	[tilespmem:$0x1FFA0] =	vst v51;
	v44 =	vshll.u32 v3, $0x1;
	v3 =	vadd.s32 s1, v22;
	v22 =	vor.u32 $0x1, v51  }
0xd7: {  	s2 =	simm.s32 $0x0;
	s12 =	simm.s32 $0xA980;
	s13 =	simm.s32 $0x0;
	[tilespmem:$0x1FFD0] =	vst v7;
	v51 =	vor.u32 $0x1, v7;
	v7 =	vor.u32 $0x1, v36;
	v14 =	vor.u32 $0x1, v43  }
0xd8: {  	[smem:$0x7FF] =	sst s2;
	s3 =	sadd.s32 $0x400, s7;
	s4 =	sadd.s32 $0x1800, s7;
	[tilespmem:$0x1FF50] =	vst v32;
	v46 =	vshll.u32 v3, $0x1;
	v3 =	vadd.s32 s1, v25;
	v15 =	vor.u32 $0x1, v44  }
0xd9: {  	s11 =	smul.u32 $0x138800, s0;
	s5 =	sadd.s32 $0x1A00, s7;
	s9 =	ssub.s32 $0x2, s6;
	[tilespmem:$0x1FF60] =	vst v33;
	v47 =	vshll.u32 v3, $0x1;
	v3 =	vadd.s32 $0x17, v0;
	v0 =	vadd.s32 $0x18, v0  }
0xda: {  	s31 =	smul.u32 $0x9C400, s6;
	s6 =	sadd.s32 $0x1C00, s7;
	s10 =	sshrl.u32 s9, $0x1;
	[tilespmem:$0x1FF90] =	vst v34;
	v17 =	vor.u32 $0x1, v46;
	v53 =	vshll.u32 v0, $0x1;
	v0 =	vadd.s32 $0x30, v1  }
0xdb: {  	s8 =	sadd.s32 s11, s8;
	s11 =	simm.s32 $0xA300;
	s9 =	ssub.s32 s9, s10;
	v48 =	vshll.u32 v3, $0x1;
	v3 =	vor.u32 $0x1, v31;
	[tilespmem:$0x1FE80] =	vst v0;
	v0 =	vadd.s32 $0x31, v1  }
0xdc: {  	s8 =	sadd.s32 s31, s8;
	s10 =	simm.s32 $0x9C80;
	s7 =	smax.u32 s9, $0x1;
	v18 =	vor.u32 $0x1, v47;
	v1 =	vor.u32 $0x1, v30;
	v25 =	vor.u32 $0x1, v48;
	[tilespmem:$0x1FE90] =	vst v0  }
0xdd: {  	s9 =	simm.s32 $0x1;
	s1 =	rddreg [dreg:$0x2];
	v27 =	vor.u32 $0x1, v53;
	v0 =	vor.u32 $0x1, v21;
	v21 =	vor.u32 $0x1, v34;
	_ =	strace $0x80000047  }
.LBB2_1:
0xde: {  	[tilespmem:s2], [sflag:$0x1] =	stream.linear.gather [hbm4b:s3+s2], $0x9C80, $0x38;
	[tilespmem:$0x14E80] =	vst v63  }
0xdf: {  	_ =	swait.ge [sflag:s9], $0x9C80  }
0xe0: {  	[sflag:s9] =	ssyncset.done $0x0  }
0xe1: {  	[sflag:s9] =	ssyncadd.s32 $0xFFFF6380  }
0xe2: {  	[tilespmem:s10], [sflag:$0x1] =	stream.linear.gather [hbm4b:s4+s2], $0x680, $0x38;
	[tilespmem:$0x14E80] =	vst v63  }
0xe3: {  	_ =	swait.ge [sflag:s9], $0x680  }
0xe4: {  	[sflag:s9] =	ssyncset.done $0x0  }
0xe5: {  	[sflag:s9] =	ssyncadd.s32 $0xFFFFF980  }
0xe6: {  	[tilespmem:s11], [sflag:$0x1] =	stream.linear.gather [hbm4b:s5+s2], $0x680, $0x38;
	[tilespmem:$0x14E80] =	vst v63  }
0xe7: {  	_ =	swait.ge [sflag:s9], $0x680  }
0xe8: {  	[sflag:s9] =	ssyncset.done $0x0  }
0xe9: {  	[sflag:s9] =	ssyncadd.s32 $0xFFFFF980  }
0xea: {  	[tilespmem:s12], [sflag:$0x1] =	stream.linear.gather [hbm4b:s6+s2], $0xA000, $0x38;
	[tilespmem:$0x14E80] =	vst v63  }
0xeb: {  	_ =	swait.ge [sflag:s9], $0xA000  }
0xec: {  	[sflag:s9] =	ssyncset.done $0x0  }
0xed: {  	[sflag:s9] =	ssyncadd.s32 $0xFFFF6000  }
0xee: {  	v30 =	vld.idx.msk [tilespmem:v50+s10+$0x0], $0xffff  }
0xef: {  	v31 =	vld.idx.msk [tilespmem:v56+s10+$0x0], $0xffff;
	_ =	sdelay $0x3  }
0xf0: {  	(erf) = vrcp.f32 v30;
	v30 =	vld [tilespmem:$0x1FE00]  }
0xf1: {  	(erf) = vrcp.f32 v31;
	v31 =	vld [tilespmem:$0x1FE30];
	_ =	sdelay $0x6  }
0xf2: {  	v30 =	vld.idx.msk [tilespmem:v30+s2+$0x0], $0xffff  }
0xf3: {  	v31 =	vld.idx.msk [tilespmem:v31+s2+$0x0], $0xffff  }
0xf4: {  	v32 =	vld.idx.msk [tilespmem:v50+s11+$0x0], $0xffff  }
0xf5: {  	v33 =	vld.idx.msk [tilespmem:v56+s11+$0x0], $0xffff  }
0xf6: {  	v34 =	vpop (erf)  }
0xf7: {  	v30 =	vmul.f32 v34, v30;
	v34 =	vpop (erf)  }
0xf8: {  	v31 =	vmul.f32 v34, v31  }
0xf9: {  	v30 =	vadd.f32 v32, v30  }
0xfa: {  	v31 =	vadd.f32 v33, v31  }
0xfb: {  	v32 =	vld [tilespmem:$0x1FEA0];
	v30 =	vtrunc.f32 v30  }
0xfc: {  	v30 =	vcvt.f32.s32 v30;
	v31 =	vtrunc.f32 v31  }
0xfd: {  	v31 =	vcvt.f32.s32 v31  }
0xfe: {  	vm0 =	vgt.s32 v30, $0x0  }
0xff: {  	v30 =	vnsel vm0, $0x0, v30;
	vm9 =	vgt.s32 v31, $0x0  }
0x100: {  	v30 =	vmin.u32 v30, $0x3F;
	v31 =	vnsel vm9, $0x0, v31  }
0x101: {  	v31 =	vmin.u32 v31, $0x3F;
	[tilespmem:$0x14980] =	vst v30  }
0x102: {  	[tilespmem:$0x14C00] =	vst v31  }
0x103: {  	v30 =	vld.idx.msk [tilespmem:v32+s10+$0x0], $0xffff  }
0x104: {  	v31 =	vld.idx.msk [tilespmem:v57+s10+$0x0], $0xffff;
	_ =	sdelay $0x3  }
0x105: {  	(erf) = vrcp.f32 v30;
	v30 =	vld [tilespmem:$0x1F9B0]  }
0x106: {  	(erf) = vrcp.f32 v31;
	v31 =	vld [tilespmem:$0x1F9A0];
	_ =	sdelay $0x6  }
0x107: {  	v30 =	vld.idx.msk [tilespmem:v30+s2+$0x0], $0xffff  }
0x108: {  	v31 =	vld.idx.msk [tilespmem:v31+s2+$0x0], $0xffff  }
0x109: {  	v32 =	vld.idx.msk [tilespmem:v32+s11+$0x0], $0xffff  }
0x10a: {  	v33 =	vld.idx.msk [tilespmem:v57+s11+$0x0], $0xffff  }
0x10b: {  	v34 =	vpop (erf)  }
0x10c: {  	v30 =	vmul.f32 v34, v30;
	v34 =	vpop (erf)  }
0x10d: {  	v31 =	vmul.f32 v34, v31  }
0x10e: {  	v30 =	vadd.f32 v32, v30  }
0x10f: {  	v31 =	vadd.f32 v33, v31  }
0x110: {  	v32 =	vld [tilespmem:$0x1FEB0];
	v30 =	vtrunc.f32 v30  }
0x111: {  	v30 =	vcvt.f32.s32 v30;
	v31 =	vtrunc.f32 v31  }
0x112: {  	v31 =	vcvt.f32.s32 v31  }
0x113: {  	vm10 =	vgt.s32 v30, $0x0  }
0x114: {  	v30 =	vnsel vm10, $0x0, v30;
	vm11 =	vgt.s32 v31, $0x0  }
0x115: {  	v30 =	vmin.u32 v30, $0x3F;
	v31 =	vnsel vm11, $0x0, v31  }
0x116: {  	v31 =	vmin.u32 v31, $0x3F;
	[tilespmem:$0x14990] =	vst v30  }
0x117: {  	[tilespmem:$0x14C10] =	vst v31  }
0x118: {  	v30 =	vld.idx.msk [tilespmem:v32+s10+$0x0], $0xffff  }
0x119: {  	v31 =	vld.idx.msk [tilespmem:v58+s10+$0x0], $0xffff;
	_ =	sdelay $0x3  }
0x11a: {  	(erf) = vrcp.f32 v30;
	v30 =	vld [tilespmem:$0x1F9D0]  }
0x11b: {  	(erf) = vrcp.f32 v31;
	v31 =	vld [tilespmem:$0x1F9C0];
	_ =	sdelay $0x6  }
0x11c: {  	v30 =	vld.idx.msk [tilespmem:v30+s2+$0x0], $0xffff  }
0x11d: {  	v31 =	vld.idx.msk [tilespmem:v31+s2+$0x0], $0xffff  }
0x11e: {  	v32 =	vld.idx.msk [tilespmem:v32+s11+$0x0], $0xffff  }
0x11f: {  	v33 =	vld.idx.msk [tilespmem:v58+s11+$0x0], $0xffff  }
0x120: {  	v34 =	vpop (erf)  }
0x121: {  	v30 =	vmul.f32 v34, v30;
	v34 =	vpop (erf)  }
0x122: {  	v31 =	vmul.f32 v34, v31  }
0x123: {  	v30 =	vadd.f32 v32, v30  }
0x124: {  	v31 =	vadd.f32 v33, v31  }
0x125: {  	v32 =	vld [tilespmem:$0x1FEC0];
	v30 =	vtrunc.f32 v30  }
0x126: {  	v30 =	vcvt.f32.s32 v30;
	v31 =	vtrunc.f32 v31  }
0x127: {  	v31 =	vcvt.f32.s32 v31  }
0x128: {  	vm12 =	vgt.s32 v30, $0x0  }
0x129: {  	v30 =	vnsel vm12, $0x0, v30;
	vm13 =	vgt.s32 v31, $0x0  }
0x12a: {  	v30 =	vmin.u32 v30, $0x3F;
	v31 =	vnsel vm13, $0x0, v31  }
0x12b: {  	v31 =	vmin.u32 v31, $0x3F;
	[tilespmem:$0x149A0] =	vst v30  }
0x12c: {  	[tilespmem:$0x14C20] =	vst v31  }
0x12d: {  	v30 =	vld.idx.msk [tilespmem:v32+s10+$0x0], $0xffff  }
0x12e: {  	v31 =	vld.idx.msk [tilespmem:v59+s10+$0x0], $0xffff;
	_ =	sdelay $0x3  }
0x12f: {  	(erf) = vrcp.f32 v30;
	v30 =	vld [tilespmem:$0x1FA50]  }
0x130: {  	(erf) = vrcp.f32 v31;
	v31 =	vld [tilespmem:$0x1FA40];
	_ =	sdelay $0x6  }
0x131: {  	v30 =	vld.idx.msk [tilespmem:v30+s2+$0x0], $0xffff  }
0x132: {  	v31 =	vld.idx.msk [tilespmem:v31+s2+$0x0], $0xffff  }
0x133: {  	v32 =	vld.idx.msk [tilespmem:v32+s11+$0x0], $0xffff  }
0x134: {  	v33 =	vld.idx.msk [tilespmem:v59+s11+$0x0], $0xffff  }
0x135: {  	v34 =	vpop (erf)  }
0x136: {  	v30 =	vmul.f32 v34, v30;
	v34 =	vpop (erf)  }
0x137: {  	v31 =	vmul.f32 v34, v31  }
0x138: {  	v30 =	vadd.f32 v32, v30  }
0x139: {  	v31 =	vadd.f32 v33, v31  }
0x13a: {  	v32 =	vld [tilespmem:$0x1FED0];
	v30 =	vtrunc.f32 v30  }
0x13b: {  	v30 =	vcvt.f32.s32 v30;
	v31 =	vtrunc.f32 v31  }
0x13c: {  	v31 =	vcvt.f32.s32 v31  }
0x13d: {  	vm14 =	vgt.s32 v30, $0x0  }
0x13e: {  	v30 =	vnsel vm14, $0x0, v30;
	vm15 =	vgt.s32 v31, $0x0  }
0x13f: {  	v30 =	vmin.u32 v30, $0x3F;
	v31 =	vnsel vm15, $0x0, v31  }
0x140: {  	v31 =	vmin.u32 v31, $0x3F;
	[tilespmem:$0x149B0] =	vst v30  }
0x141: {  	[tilespmem:$0x14C30] =	vst v31  }
0x142: {  	v30 =	vld.idx.msk [tilespmem:v32+s10+$0x0], $0xffff  }
0x143: {  	v31 =	vld.idx.msk [tilespmem:v60+s10+$0x0], $0xffff;
	_ =	sdelay $0x3  }
0x144: {  	(erf) = vrcp.f32 v30;
	v30 =	vld [tilespmem:$0x1FA70]  }
0x145: {  	(erf) = vrcp.f32 v31;
	v31 =	vld [tilespmem:$0x1FA60];
	_ =	sdelay $0x6  }
0x146: {  	v30 =	vld.idx.msk [tilespmem:v30+s2+$0x0], $0xffff  }
0x147: {  	v31 =	vld.idx.msk [tilespmem:v31+s2+$0x0], $0xffff  }
0x148: {  	v32 =	vld.idx.msk [tilespmem:v32+s11+$0x0], $0xffff  }
0x149: {  	v33 =	vld.idx.msk [tilespmem:v60+s11+$0x0], $0xffff  }
0x14a: {  	v34 =	vpop (erf)  }
0x14b: {  	v30 =	vmul.f32 v34, v30;
	v34 =	vpop (erf)  }
0x14c: {  	v31 =	vmul.f32 v34, v31  }
0x14d: {  	v30 =	vadd.f32 v32, v30  }
0x14e: {  	v31 =	vadd.f32 v33, v31  }
0x14f: {  	v32 =	vld [tilespmem:$0x1FEE0];
	v30 =	vtrunc.f32 v30  }
0x150: {  	v30 =	vcvt.f32.s32 v30;
	v31 =	vtrunc.f32 v31  }
0x151: {  	v31 =	vcvt.f32.s32 v31  }
0x152: {  	vm4 =	vgt.s32 v30, $0x0  }
0x153: {  	v30 =	vnsel vm4, $0x0, v30;
	vm5 =	vgt.s32 v31, $0x0  }
0x154: {  	v30 =	vmin.u32 v30, $0x3F;
	v31 =	vnsel vm5, $0x0, v31  }
0x155: {  	v31 =	vmin.u32 v31, $0x3F;
	[tilespmem:$0x149C0] =	vst v30  }
0x156: {  	[tilespmem:$0x14C40] =	vst v31  }
0x157: {  	v30 =	vld.idx.msk [tilespmem:v32+s10+$0x0], $0xffff;
	_ =	sdelay $0x4  }
0x158: {  	(erf) = vrcp.f32 v30;
	v30 =	vld [tilespmem:$0x1FB90];
	_ =	sdelay $0x1  }
0x159: {  	v31 =	vld.idx.msk [tilespmem:v61+s10+$0x0], $0xffff;
	_ =	sdelay $0x4  }
0x15a: {  	(erf) = vrcp.f32 v31;
	v31 =	vld [tilespmem:$0x1FAE0]  }
0x15b: {  	v30 =	vld.idx.msk [tilespmem:v30+s2+$0x0], $0xffff;
	_ =	sdelay $0x1  }
0x15c: {  	v32 =	vld.idx.msk [tilespmem:v32+s11+$0x0], $0xffff;
	_ =	sdelay $0x1  }
0x15d: {  	v34 =	vpop (erf)  }
0x15e: {  	v30 =	vmul.f32 v34, v30;
	_ =	sdelay $0x1  }
0x15f: {  	v30 =	vadd.f32 v32, v30  }
0x160: {  	v31 =	vld.idx.msk [tilespmem:v31+s2+$0x0], $0xffff  }
0x161: {  	v30 =	vtrunc.f32 v30  }
0x162: {  	v33 =	vld.idx.msk [tilespmem:v61+s11+$0x0], $0xffff;
	v30 =	vcvt.f32.s32 v30;
	_ =	sdelay $0x1  }
0x163: {  	v34 =	vpop (erf);
	vm6 =	vgt.s32 v30, $0x0  }
0x164: {  	v31 =	vmul.f32 v34, v31;
	v30 =	vnsel vm6, $0x0, v30  }
0x165: {  	v30 =	vmin.u32 v30, $0x3F  }
0x166: {  	v31 =	vadd.f32 v33, v31;
	[tilespmem:$0x149D0] =	vst v30  }
0x167: {  	v32 =	vld [tilespmem:$0x1FEF0]  }
0x168: {  	v31 =	vtrunc.f32 v31  }
0x169: {  	v31 =	vcvt.f32.s32 v31;
	_ =	sdelay $0x1  }
0x16a: {  	vm7 =	vgt.s32 v31, $0x0  }
0x16b: {  	v31 =	vnsel vm7, $0x0, v31  }
0x16c: {  	v31 =	vmin.u32 v31, $0x3F  }
0x16d: {  	[tilespmem:$0x14C50] =	vst v31  }
0x16e: {  	v30 =	vld.idx.msk [tilespmem:v32+s10+$0x0], $0xffff  }
0x16f: {  	v31 =	vld.idx.msk [tilespmem:v62+s10+$0x0], $0xffff;
	_ =	sdelay $0x3  }
0x170: {  	(erf) = vrcp.f32 v30;
	v30 =	vld [tilespmem:$0x1FBF0]  }
0x171: {  	(erf) = vrcp.f32 v31;
	v31 =	vld [tilespmem:$0x1FBE0];
	_ =	sdelay $0x6  }
0x172: {  	v30 =	vld.idx.msk [tilespmem:v30+s2+$0x0], $0xffff  }
0x173: {  	v31 =	vld.idx.msk [tilespmem:v31+s2+$0x0], $0xffff  }
0x174: {  	v32 =	vld.idx.msk [tilespmem:v32+s11+$0x0], $0xffff  }
0x175: {  	v33 =	vld.idx.msk [tilespmem:v62+s11+$0x0], $0xffff  }
0x176: {  	v34 =	vpop (erf)  }
0x177: {  	v30 =	vmul.f32 v34, v30;
	v34 =	vpop (erf)  }
0x178: {  	v31 =	vmul.f32 v34, v31  }
0x179: {  	v30 =	vadd.f32 v32, v30  }
0x17a: {  	v31 =	vadd.f32 v33, v31  }
0x17b: {  	v32 =	vld [tilespmem:$0x1FF00];
	v30 =	vtrunc.f32 v30  }
0x17c: {  	v30 =	vcvt.f32.s32 v30;
	v31 =	vtrunc.f32 v31  }
0x17d: {  	v31 =	vcvt.f32.s32 v31  }
0x17e: {  	vm8 =	vgt.s32 v30, $0x0  }
0x17f: {  	v30 =	vnsel vm8, $0x0, v30;
	vm9 =	vgt.s32 v31, $0x0  }
0x180: {  	v30 =	vmin.u32 v30, $0x3F;
	v31 =	vnsel vm9, $0x0, v31  }
0x181: {  	v31 =	vmin.u32 v31, $0x3F;
	[tilespmem:$0x149E0] =	vst v30  }
0x182: {  	[tilespmem:$0x14C60] =	vst v31  }
0x183: {  	v30 =	vld.idx.msk [tilespmem:v32+s10+$0x0], $0xffff  }
0x184: {  	v31 =	vld.idx.msk [tilespmem:v63+s10+$0x0], $0xffff;
	_ =	sdelay $0x3  }
0x185: {  	(erf) = vrcp.f32 v30;
	v30 =	vld [tilespmem:$0x1FC50]  }
0x186: {  	(erf) = vrcp.f32 v31;
	v31 =	vld [tilespmem:$0x1FC40];
	_ =	sdelay $0x6  }
0x187: {  	v30 =	vld.idx.msk [tilespmem:v30+s2+$0x0], $0xffff  }
0x188: {  	v31 =	vld.idx.msk [tilespmem:v31+s2+$0x0], $0xffff  }
0x189: {  	v32 =	vld.idx.msk [tilespmem:v32+s11+$0x0], $0xffff  }
0x18a: {  	v33 =	vld.idx.msk [tilespmem:v63+s11+$0x0], $0xffff  }
0x18b: {  	v34 =	vpop (erf)  }
0x18c: {  	v30 =	vmul.f32 v34, v30;
	v34 =	vpop (erf)  }
0x18d: {  	v31 =	vmul.f32 v34, v31  }
0x18e: {  	v30 =	vadd.f32 v32, v30  }
0x18f: {  	v31 =	vadd.f32 v33, v31  }
0x190: {  	v32 =	vld [tilespmem:$0x1FF10];
	v30 =	vtrunc.f32 v30  }
0x191: {  	v30 =	vcvt.f32.s32 v30;
	v31 =	vtrunc.f32 v31  }
0x192: {  	v31 =	vcvt.f32.s32 v31  }
0x193: {  	vm10 =	vgt.s32 v30, $0x0  }
0x194: {  	v30 =	vnsel vm10, $0x0, v30;
	vm11 =	vgt.s32 v31, $0x0  }
0x195: {  	v30 =	vmin.u32 v30, $0x3F;
	v31 =	vnsel vm11, $0x0, v31  }
0x196: {  	v31 =	vmin.u32 v31, $0x3F;
	[tilespmem:$0x149F0] =	vst v30  }
0x197: {  	[tilespmem:$0x14C70] =	vst v31  }
0x198: {  	v30 =	vld.idx.msk [tilespmem:v32+s10+$0x0], $0xffff  }
0x199: {  	v31 =	vld.idx.msk [tilespmem:v0+s10+$0x0], $0xffff;
	_ =	sdelay $0x3  }
0x19a: {  	(erf) = vrcp.f32 v30;
	v30 =	vld [tilespmem:$0x1FCD0]  }
0x19b: {  	(erf) = vrcp.f32 v31;
	v31 =	vld [tilespmem:$0x1FCC0];
	_ =	sdelay $0x6  }
0x19c: {  	v30 =	vld.idx.msk [tilespmem:v30+s2+$0x0], $0xffff  }
0x19d: {  	v31 =	vld.idx.msk [tilespmem:v31+s2+$0x0], $0xffff  }
0x19e: {  	v32 =	vld.idx.msk [tilespmem:v32+s11+$0x0], $0xffff  }
0x19f: {  	v33 =	vld.idx.msk [tilespmem:v0+s11+$0x0], $0xffff  }
0x1a0: {  	v34 =	vpop (erf)  }
0x1a1: {  	v30 =	vmul.f32 v34, v30;
	v34 =	vpop (erf)  }
0x1a2: {  	v31 =	vmul.f32 v34, v31  }
0x1a3: {  	v30 =	vadd.f32 v32, v30  }
0x1a4: {  	v31 =	vadd.f32 v33, v31  }
0x1a5: {  	v32 =	vld [tilespmem:$0x1FF20];
	v30 =	vtrunc.f32 v30  }
0x1a6: {  	v30 =	vcvt.f32.s32 v30;
	v31 =	vtrunc.f32 v31  }
0x1a7: {  	v31 =	vcvt.f32.s32 v31  }
0x1a8: {  	vm12 =	vgt.s32 v30, $0x0  }
0x1a9: {  	v30 =	vnsel vm12, $0x0, v30;
	vm13 =	vgt.s32 v31, $0x0  }
0x1aa: {  	v30 =	vmin.u32 v30, $0x3F;
	v31 =	vnsel vm13, $0x0, v31  }
0x1ab: {  	v31 =	vmin.u32 v31, $0x3F;
	[tilespmem:$0x14A00] =	vst v30  }
0x1ac: {  	[tilespmem:$0x14C80] =	vst v31  }
0x1ad: {  	v30 =	vld.idx.msk [tilespmem:v32+s10+$0x0], $0xffff  }
0x1ae: {  	v31 =	vld.idx.msk [tilespmem:v1+s10+$0x0], $0xffff;
	_ =	sdelay $0x3  }
0x1af: {  	(erf) = vrcp.f32 v30;
	v30 =	vld [tilespmem:$0x1FD10]  }
0x1b0: {  	(erf) = vrcp.f32 v31;
	v31 =	vld [tilespmem:$0x1FD00];
	_ =	sdelay $0x6  }
0x1b1: {  	v30 =	vld.idx.msk [tilespmem:v30+s2+$0x0], $0xffff  }
0x1b2: {  	v31 =	vld.idx.msk [tilespmem:v31+s2+$0x0], $0xffff  }
0x1b3: {  	v32 =	vld.idx.msk [tilespmem:v32+s11+$0x0], $0xffff  }
0x1b4: {  	v33 =	vld.idx.msk [tilespmem:v1+s11+$0x0], $0xffff  }
0x1b5: {  	v34 =	vpop (erf)  }
0x1b6: {  	v30 =	vmul.f32 v34, v30;
	v34 =	vpop (erf)  }
0x1b7: {  	v31 =	vmul.f32 v34, v31  }
0x1b8: {  	v30 =	vadd.f32 v32, v30  }
0x1b9: {  	v31 =	vadd.f32 v33, v31  }
0x1ba: {  	v32 =	vld [tilespmem:$0x1FF30];
	v30 =	vtrunc.f32 v30  }
0x1bb: {  	v30 =	vcvt.f32.s32 v30;
	v31 =	vtrunc.f32 v31  }
0x1bc: {  	v31 =	vcvt.f32.s32 v31  }
0x1bd: {  	vm14 =	vgt.s32 v30, $0x0  }
0x1be: {  	v30 =	vnsel vm14, $0x0, v30;
	vm15 =	vgt.s32 v31, $0x0  }
0x1bf: {  	v30 =	vmin.u32 v30, $0x3F;
	v31 =	vnsel vm15, $0x0, v31  }
0x1c0: {  	v31 =	vmin.u32 v31, $0x3F;
	[tilespmem:$0x14A10] =	vst v30  }
0x1c1: {  	[tilespmem:$0x14C90] =	vst v31  }
0x1c2: {  	v30 =	vld.idx.msk [tilespmem:v32+s10+$0x0], $0xffff  }
0x1c3: {  	v31 =	vld.idx.msk [tilespmem:v2+s10+$0x0], $0xffff;
	_ =	sdelay $0x3  }
0x1c4: {  	(erf) = vrcp.f32 v30;
	v30 =	vld [tilespmem:$0x1FD50]  }
0x1c5: {  	(erf) = vrcp.f32 v31;
	v31 =	vld [tilespmem:$0x1FD40];
	_ =	sdelay $0x6  }
0x1c6: {  	v30 =	vld.idx.msk [tilespmem:v30+s2+$0x0], $0xffff  }
0x1c7: {  	v31 =	vld.idx.msk [tilespmem:v31+s2+$0x0], $0xffff  }
0x1c8: {  	v32 =	vld.idx.msk [tilespmem:v32+s11+$0x0], $0xffff  }
0x1c9: {  	v33 =	vld.idx.msk [tilespmem:v2+s11+$0x0], $0xffff  }
0x1ca: {  	v34 =	vpop (erf)  }
0x1cb: {  	v30 =	vmul.f32 v34, v30;
	v34 =	vpop (erf)  }
0x1cc: {  	v31 =	vmul.f32 v34, v31  }
0x1cd: {  	v30 =	vadd.f32 v32, v30  }
0x1ce: {  	v31 =	vadd.f32 v33, v31  }
0x1cf: {  	v32 =	vld [tilespmem:$0x1FF40];
	v30 =	vtrunc.f32 v30  }
0x1d0: {  	v30 =	vcvt.f32.s32 v30;
	v31 =	vtrunc.f32 v31  }
0x1d1: {  	v31 =	vcvt.f32.s32 v31  }
0x1d2: {  	vm4 =	vgt.s32 v30, $0x0  }
0x1d3: {  	v30 =	vnsel vm4, $0x0, v30;
	vm5 =	vgt.s32 v31, $0x0  }
0x1d4: {  	v30 =	vmin.u32 v30, $0x3F;
	v31 =	vnsel vm5, $0x0, v31  }
0x1d5: {  	v31 =	vmin.u32 v31, $0x3F;
	[tilespmem:$0x14A20] =	vst v30  }
0x1d6: {  	[tilespmem:$0x14CA0] =	vst v31  }
0x1d7: {  	v30 =	vld.idx.msk [tilespmem:v32+s10+$0x0], $0xffff  }
0x1d8: {  	v31 =	vld.idx.msk [tilespmem:v3+s10+$0x0], $0xffff;
	_ =	sdelay $0x3  }
0x1d9: {  	(erf) = vrcp.f32 v30;
	v30 =	vld [tilespmem:$0x1FD90]  }
0x1da: {  	(erf) = vrcp.f32 v31;
	v31 =	vld [tilespmem:$0x1FD80];
	_ =	sdelay $0x6  }
0x1db: {  	v30 =	vld.idx.msk [tilespmem:v30+s2+$0x0], $0xffff  }
0x1dc: {  	v31 =	vld.idx.msk [tilespmem:v31+s2+$0x0], $0xffff  }
0x1dd: {  	v32 =	vld.idx.msk [tilespmem:v32+s11+$0x0], $0xffff  }
0x1de: {  	v33 =	vld.idx.msk [tilespmem:v3+s11+$0x0], $0xffff  }
0x1df: {  	v34 =	vpop (erf)  }
0x1e0: {  	v30 =	vmul.f32 v34, v30;
	v34 =	vpop (erf)  }
0x1e1: {  	v31 =	vmul.f32 v34, v31  }
0x1e2: {  	v30 =	vadd.f32 v32, v30  }
0x1e3: {  	v31 =	vadd.f32 v33, v31  }
0x1e4: {  	v32 =	vld [tilespmem:$0x1FF50];
	v30 =	vtrunc.f32 v30  }
0x1e5: {  	v30 =	vcvt.f32.s32 v30;
	v31 =	vtrunc.f32 v31  }
0x1e6: {  	v31 =	vcvt.f32.s32 v31  }
0x1e7: {  	vm6 =	vgt.s32 v30, $0x0  }
0x1e8: {  	v30 =	vnsel vm6, $0x0, v30;
	vm7 =	vgt.s32 v31, $0x0  }
0x1e9: {  	v30 =	vmin.u32 v30, $0x3F;
	v31 =	vnsel vm7, $0x0, v31  }
0x1ea: {  	v31 =	vmin.u32 v31, $0x3F;
	[tilespmem:$0x14A30] =	vst v30  }
0x1eb: {  	[tilespmem:$0x14CB0] =	vst v31  }
0x1ec: {  	v30 =	vld.idx.msk [tilespmem:v32+s10+$0x0], $0xffff  }
0x1ed: {  	v31 =	vld.idx.msk [tilespmem:v4+s10+$0x0], $0xffff;
	_ =	sdelay $0x3  }
0x1ee: {  	(erf) = vrcp.f32 v30;
	v30 =	vld [tilespmem:$0x1FDD0]  }
0x1ef: {  	(erf) = vrcp.f32 v31;
	v31 =	vld [tilespmem:$0x1FDC0];
	_ =	sdelay $0x6  }
0x1f0: {  	v30 =	vld.idx.msk [tilespmem:v30+s2+$0x0], $0xffff  }
0x1f1: {  	v31 =	vld.idx.msk [tilespmem:v31+s2+$0x0], $0xffff  }
0x1f2: {  	v32 =	vld.idx.msk [tilespmem:v32+s11+$0x0], $0xffff  }
0x1f3: {  	v33 =	vld.idx.msk [tilespmem:v4+s11+$0x0], $0xffff  }
0x1f4: {  	v34 =	vpop (erf)  }
0x1f5: {  	v30 =	vmul.f32 v34, v30;
	v34 =	vpop (erf)  }
0x1f6: {  	v31 =	vmul.f32 v34, v31  }
0x1f7: {  	v30 =	vadd.f32 v32, v30  }
0x1f8: {  	v31 =	vadd.f32 v33, v31  }
0x1f9: {  	v32 =	vld [tilespmem:$0x1FF60];
	v30 =	vtrunc.f32 v30  }
0x1fa: {  	v30 =	vcvt.f32.s32 v30;
	v31 =	vtrunc.f32 v31  }
0x1fb: {  	v31 =	vcvt.f32.s32 v31  }
0x1fc: {  	vm8 =	vgt.s32 v30, $0x0  }
0x1fd: {  	v30 =	vnsel vm8, $0x0, v30;
	vm9 =	vgt.s32 v31, $0x0  }
0x1fe: {  	v30 =	vmin.u32 v30, $0x3F;
	v31 =	vnsel vm9, $0x0, v31  }
0x1ff: {  	v31 =	vmin.u32 v31, $0x3F;
	[tilespmem:$0x14A40] =	vst v30  }
0x200: {  	[tilespmem:$0x14CC0] =	vst v31  }
0x201: {  	v30 =	vld.idx.msk [tilespmem:v32+s10+$0x0], $0xffff  }
0x202: {  	v31 =	vld.idx.msk [tilespmem:v5+s10+$0x0], $0xffff;
	_ =	sdelay $0x3  }
0x203: {  	(erf) = vrcp.f32 v30;
	v30 =	vld [tilespmem:$0x1FE50]  }
0x204: {  	(erf) = vrcp.f32 v31;
	v31 =	vld [tilespmem:$0x1FE40];
	_ =	sdelay $0x6  }
0x205: {  	v30 =	vld.idx.msk [tilespmem:v30+s2+$0x0], $0xffff  }
0x206: {  	v31 =	vld.idx.msk [tilespmem:v31+s2+$0x0], $0xffff  }
0x207: {  	v32 =	vld.idx.msk [tilespmem:v32+s11+$0x0], $0xffff  }
0x208: {  	v33 =	vld.idx.msk [tilespmem:v5+s11+$0x0], $0xffff  }
0x209: {  	v34 =	vpop (erf)  }
0x20a: {  	v30 =	vmul.f32 v34, v30;
	v34 =	vpop (erf)  }
0x20b: {  	v31 =	vmul.f32 v34, v31  }
0x20c: {  	v30 =	vadd.f32 v32, v30  }
0x20d: {  	v31 =	vadd.f32 v33, v31  }
0x20e: {  	v32 =	vld [tilespmem:$0x1FF70];
	v30 =	vtrunc.f32 v30  }
0x20f: {  	v30 =	vcvt.f32.s32 v30;
	v31 =	vtrunc.f32 v31  }
0x210: {  	v31 =	vcvt.f32.s32 v31  }
0x211: {  	vm10 =	vgt.s32 v30, $0x0  }
0x212: {  	v30 =	vnsel vm10, $0x0, v30;
	vm11 =	vgt.s32 v31, $0x0  }
0x213: {  	v30 =	vmin.u32 v30, $0x3F;
	v31 =	vnsel vm11, $0x0, v31  }
0x214: {  	v31 =	vmin.u32 v31, $0x3F;
	[tilespmem:$0x14A50] =	vst v30  }
0x215: {  	[tilespmem:$0x14CD0] =	vst v31  }
0x216: {  	v30 =	vld.idx.msk [tilespmem:v32+s10+$0x0], $0xffff  }
0x217: {  	v31 =	vld.idx.msk [tilespmem:v19+s10+$0x0], $0xffff;
	_ =	sdelay $0x3  }
0x218: {  	(erf) = vrcp.f32 v30;
	v30 =	vld [tilespmem:$0x1F9F0]  }
0x219: {  	(erf) = vrcp.f32 v31;
	v31 =	vld [tilespmem:$0x1F9E0];
	_ =	sdelay $0x6  }
0x21a: {  	v30 =	vld.idx.msk [tilespmem:v30+s2+$0x0], $0xffff  }
0x21b: {  	v31 =	vld.idx.msk [tilespmem:v31+s2+$0x0], $0xffff  }
0x21c: {  	v32 =	vld.idx.msk [tilespmem:v32+s11+$0x0], $0xffff  }
0x21d: {  	v33 =	vld.idx.msk [tilespmem:v19+s11+$0x0], $0xffff  }
0x21e: {  	v34 =	vpop (erf)  }
0x21f: {  	v30 =	vmul.f32 v34, v30;
	v34 =	vpop (erf)  }
0x220: {  	v31 =	vmul.f32 v34, v31  }
0x221: {  	v30 =	vadd.f32 v32, v30  }
0x222: {  	v31 =	vadd.f32 v33, v31  }
0x223: {  	v32 =	vld [tilespmem:$0x1FF80];
	v30 =	vtrunc.f32 v30  }
0x224: {  	v30 =	vcvt.f32.s32 v30;
	v31 =	vtrunc.f32 v31  }
0x225: {  	v31 =	vcvt.f32.s32 v31  }
0x226: {  	vm12 =	vgt.s32 v30, $0x0  }
0x227: {  	v30 =	vnsel vm12, $0x0, v30;
	vm13 =	vgt.s32 v31, $0x0  }
0x228: {  	v30 =	vmin.u32 v30, $0x3F;
	v31 =	vnsel vm13, $0x0, v31  }
0x229: {  	v31 =	vmin.u32 v31, $0x3F;
	[tilespmem:$0x14A60] =	vst v30  }
0x22a: {  	[tilespmem:$0x14CE0] =	vst v31  }
0x22b: {  	v30 =	vld.idx.msk [tilespmem:v32+s10+$0x0], $0xffff  }
0x22c: {  	v31 =	vld.idx.msk [tilespmem:v20+s10+$0x0], $0xffff;
	_ =	sdelay $0x3  }
0x22d: {  	(erf) = vrcp.f32 v30;
	v30 =	vld [tilespmem:$0x1FA10]  }
0x22e: {  	(erf) = vrcp.f32 v31;
	v31 =	vld [tilespmem:$0x1FA00];
	_ =	sdelay $0x6  }
0x22f: {  	v30 =	vld.idx.msk [tilespmem:v30+s2+$0x0], $0xffff  }
0x230: {  	v31 =	vld.idx.msk [tilespmem:v31+s2+$0x0], $0xffff  }
0x231: {  	v32 =	vld.idx.msk [tilespmem:v32+s11+$0x0], $0xffff  }
0x232: {  	v33 =	vld.idx.msk [tilespmem:v20+s11+$0x0], $0xffff  }
0x233: {  	v34 =	vpop (erf)  }
0x234: {  	v30 =	vmul.f32 v34, v30;
	v34 =	vpop (erf)  }
0x235: {  	v31 =	vmul.f32 v34, v31  }
0x236: {  	v30 =	vadd.f32 v32, v30  }
0x237: {  	v31 =	vadd.f32 v33, v31  }
0x238: {  	v32 =	vld [tilespmem:$0x1FF90];
	v30 =	vtrunc.f32 v30  }
0x239: {  	v30 =	vcvt.f32.s32 v30;
	v31 =	vtrunc.f32 v31  }
0x23a: {  	v31 =	vcvt.f32.s32 v31  }
0x23b: {  	vm14 =	vgt.s32 v30, $0x0  }
0x23c: {  	v30 =	vnsel vm14, $0x0, v30;
	vm15 =	vgt.s32 v31, $0x0  }
0x23d: {  	v30 =	vmin.u32 v30, $0x3F;
	v31 =	vnsel vm15, $0x0, v31  }
0x23e: {  	v31 =	vmin.u32 v31, $0x3F;
	[tilespmem:$0x14A70] =	vst v30  }
0x23f: {  	[tilespmem:$0x14CF0] =	vst v31  }
0x240: {  	v30 =	vld.idx.msk [tilespmem:v32+s10+$0x0], $0xffff  }
0x241: {  	v31 =	vld.idx.msk [tilespmem:v21+s10+$0x0], $0xffff;
	_ =	sdelay $0x3  }
0x242: {  	(erf) = vrcp.f32 v30;
	v30 =	vld [tilespmem:$0x1FA30]  }
0x243: {  	(erf) = vrcp.f32 v31;
	v31 =	vld [tilespmem:$0x1FA20];
	_ =	sdelay $0x6  }
0x244: {  	v30 =	vld.idx.msk [tilespmem:v30+s2+$0x0], $0xffff  }
0x245: {  	v31 =	vld.idx.msk [tilespmem:v31+s2+$0x0], $0xffff  }
0x246: {  	v32 =	vld.idx.msk [tilespmem:v32+s11+$0x0], $0xffff  }
0x247: {  	v33 =	vld.idx.msk [tilespmem:v21+s11+$0x0], $0xffff  }
0x248: {  	v34 =	vpop (erf)  }
0x249: {  	v30 =	vmul.f32 v34, v30;
	v34 =	vpop (erf)  }
0x24a: {  	v31 =	vmul.f32 v34, v31  }
0x24b: {  	v30 =	vadd.f32 v32, v30  }
0x24c: {  	v31 =	vadd.f32 v33, v31  }
0x24d: {  	v32 =	vld [tilespmem:$0x1FFA0];
	v30 =	vtrunc.f32 v30  }
0x24e: {  	v30 =	vcvt.f32.s32 v30;
	v31 =	vtrunc.f32 v31  }
0x24f: {  	v31 =	vcvt.f32.s32 v31  }
0x250: {  	vm4 =	vgt.s32 v30, $0x0  }
0x251: {  	v30 =	vnsel vm4, $0x0, v30;
	vm5 =	vgt.s32 v31, $0x0  }
0x252: {  	v30 =	vmin.u32 v30, $0x3F;
	v31 =	vnsel vm5, $0x0, v31  }
0x253: {  	v31 =	vmin.u32 v31, $0x3F;
	[tilespmem:$0x14A80] =	vst v30  }
0x254: {  	[tilespmem:$0x14D00] =	vst v31  }
0x255: {  	v30 =	vld.idx.msk [tilespmem:v32+s10+$0x0], $0xffff  }
0x256: {  	v31 =	vld.idx.msk [tilespmem:v22+s10+$0x0], $0xffff;
	_ =	sdelay $0x3  }
0x257: {  	(erf) = vrcp.f32 v30;
	v30 =	vld [tilespmem:$0x1FA90]  }
0x258: {  	(erf) = vrcp.f32 v31;
	v31 =	vld [tilespmem:$0x1FA80];
	_ =	sdelay $0x6  }
0x259: {  	v30 =	vld.idx.msk [tilespmem:v30+s2+$0x0], $0xffff  }
0x25a: {  	v31 =	vld.idx.msk [tilespmem:v31+s2+$0x0], $0xffff  }
0x25b: {  	v32 =	vld.idx.msk [tilespmem:v32+s11+$0x0], $0xffff  }
0x25c: {  	v33 =	vld.idx.msk [tilespmem:v22+s11+$0x0], $0xffff  }
0x25d: {  	v34 =	vpop (erf)  }
0x25e: {  	v30 =	vmul.f32 v34, v30;
	v34 =	vpop (erf)  }
0x25f: {  	v31 =	vmul.f32 v34, v31  }
0x260: {  	v30 =	vadd.f32 v32, v30  }
0x261: {  	v31 =	vadd.f32 v33, v31  }
0x262: {  	v32 =	vld [tilespmem:$0x1FFB0];
	v30 =	vtrunc.f32 v30  }
0x263: {  	v30 =	vcvt.f32.s32 v30;
	v31 =	vtrunc.f32 v31  }
0x264: {  	v31 =	vcvt.f32.s32 v31  }
0x265: {  	vm6 =	vgt.s32 v30, $0x0  }
0x266: {  	v30 =	vnsel vm6, $0x0, v30;
	vm7 =	vgt.s32 v31, $0x0  }
0x267: {  	v30 =	vmin.u32 v30, $0x3F;
	v31 =	vnsel vm7, $0x0, v31  }
0x268: {  	v31 =	vmin.u32 v31, $0x3F;
	[tilespmem:$0x14A90] =	vst v30  }
0x269: {  	[tilespmem:$0x14D10] =	vst v31  }
0x26a: {  	v30 =	vld.idx.msk [tilespmem:v32+s10+$0x0], $0xffff  }
0x26b: {  	v31 =	vld.idx.msk [tilespmem:v23+s10+$0x0], $0xffff;
	_ =	sdelay $0x3  }
0x26c: {  	(erf) = vrcp.f32 v30;
	v30 =	vld [tilespmem:$0x1FAB0]  }
0x26d: {  	(erf) = vrcp.f32 v31;
	v31 =	vld [tilespmem:$0x1FAA0];
	_ =	sdelay $0x6  }
0x26e: {  	v30 =	vld.idx.msk [tilespmem:v30+s2+$0x0], $0xffff  }
0x26f: {  	v31 =	vld.idx.msk [tilespmem:v31+s2+$0x0], $0xffff  }
0x270: {  	v32 =	vld.idx.msk [tilespmem:v32+s11+$0x0], $0xffff  }
0x271: {  	v33 =	vld.idx.msk [tilespmem:v23+s11+$0x0], $0xffff  }
0x272: {  	v34 =	vpop (erf)  }
0x273: {  	v30 =	vmul.f32 v34, v30;
	v34 =	vpop (erf)  }
0x274: {  	v31 =	vmul.f32 v34, v31  }
0x275: {  	v30 =	vadd.f32 v32, v30  }
0x276: {  	v31 =	vadd.f32 v33, v31  }
0x277: {  	v32 =	vld [tilespmem:$0x1FFC0];
	v30 =	vtrunc.f32 v30  }
0x278: {  	v30 =	vcvt.f32.s32 v30;
	v31 =	vtrunc.f32 v31  }
0x279: {  	v31 =	vcvt.f32.s32 v31  }
0x27a: {  	vm8 =	vgt.s32 v30, $0x0  }
0x27b: {  	v30 =	vnsel vm8, $0x0, v30;
	vm9 =	vgt.s32 v31, $0x0  }
0x27c: {  	v30 =	vmin.u32 v30, $0x3F;
	v31 =	vnsel vm9, $0x0, v31  }
0x27d: {  	v31 =	vmin.u32 v31, $0x3F;
	[tilespmem:$0x14AA0] =	vst v30  }
0x27e: {  	[tilespmem:$0x14D20] =	vst v31  }
0x27f: {  	v30 =	vld.idx.msk [tilespmem:v32+s10+$0x0], $0xffff  }
0x280: {  	v31 =	vld.idx.msk [tilespmem:v24+s10+$0x0], $0xffff;
	_ =	sdelay $0x3  }
0x281: {  	(erf) = vrcp.f32 v30;
	v30 =	vld [tilespmem:$0x1FAD0]  }
0x282: {  	(erf) = vrcp.f32 v31;
	v31 =	vld [tilespmem:$0x1FAC0];
	_ =	sdelay $0x6  }
0x283: {  	v30 =	vld.idx.msk [tilespmem:v30+s2+$0x0], $0xffff  }
0x284: {  	v31 =	vld.idx.msk [tilespmem:v31+s2+$0x0], $0xffff  }
0x285: {  	v32 =	vld.idx.msk [tilespmem:v32+s11+$0x0], $0xffff  }
0x286: {  	v33 =	vld.idx.msk [tilespmem:v24+s11+$0x0], $0xffff  }
0x287: {  	v34 =	vpop (erf)  }
0x288: {  	v30 =	vmul.f32 v34, v30;
	v34 =	vpop (erf)  }
0x289: {  	v31 =	vmul.f32 v34, v31  }
0x28a: {  	v30 =	vadd.f32 v32, v30  }
0x28b: {  	v31 =	vadd.f32 v33, v31  }
0x28c: {  	v32 =	vld [tilespmem:$0x1FFD0];
	v30 =	vtrunc.f32 v30  }
0x28d: {  	v30 =	vcvt.f32.s32 v30;
	v31 =	vtrunc.f32 v31  }
0x28e: {  	v31 =	vcvt.f32.s32 v31  }
0x28f: {  	vm10 =	vgt.s32 v30, $0x0  }
0x290: {  	v30 =	vnsel vm10, $0x0, v30;
	vm11 =	vgt.s32 v31, $0x0  }
0x291: {  	v30 =	vmin.u32 v30, $0x3F;
	v31 =	vnsel vm11, $0x0, v31  }
0x292: {  	v31 =	vmin.u32 v31, $0x3F;
	[tilespmem:$0x14AB0] =	vst v30  }
0x293: {  	[tilespmem:$0x14D30] =	vst v31  }
0x294: {  	v30 =	vld.idx.msk [tilespmem:v32+s10+$0x0], $0xffff  }
0x295: {  	v31 =	vld.idx.msk [tilespmem:v51+s10+$0x0], $0xffff;
	_ =	sdelay $0x3  }
0x296: {  	(erf) = vrcp.f32 v30;
	v30 =	vld [tilespmem:$0x1FB00]  }
0x297: {  	(erf) = vrcp.f32 v31;
	v31 =	vld [tilespmem:$0x1FAF0];
	_ =	sdelay $0x6  }
0x298: {  	v30 =	vld.idx.msk [tilespmem:v30+s2+$0x0], $0xffff  }
0x299: {  	v31 =	vld.idx.msk [tilespmem:v31+s2+$0x0], $0xffff  }
0x29a: {  	v32 =	vld.idx.msk [tilespmem:v32+s11+$0x0], $0xffff  }
0x29b: {  	v33 =	vld.idx.msk [tilespmem:v51+s11+$0x0], $0xffff  }
0x29c: {  	v34 =	vpop (erf)  }
0x29d: {  	v30 =	vmul.f32 v34, v30;
	v34 =	vpop (erf)  }
0x29e: {  	v31 =	vmul.f32 v34, v31  }
0x29f: {  	v30 =	vadd.f32 v32, v30  }
0x2a0: {  	v31 =	vadd.f32 v33, v31  }
0x2a1: {  	v32 =	vld [tilespmem:$0x1FFE0];
	v30 =	vtrunc.f32 v30  }
0x2a2: {  	v30 =	vcvt.f32.s32 v30;
	v31 =	vtrunc.f32 v31  }
0x2a3: {  	v31 =	vcvt.f32.s32 v31  }
0x2a4: {  	vm12 =	vgt.s32 v30, $0x0  }
0x2a5: {  	v30 =	vnsel vm12, $0x0, v30;
	vm13 =	vgt.s32 v31, $0x0  }
0x2a6: {  	v30 =	vmin.u32 v30, $0x3F;
	v31 =	vnsel vm13, $0x0, v31  }
0x2a7: {  	v31 =	vmin.u32 v31, $0x3F;
	[tilespmem:$0x14AC0] =	vst v30  }
0x2a8: {  	[tilespmem:$0x14D40] =	vst v31  }
0x2a9: {  	v30 =	vld.idx.msk [tilespmem:v32+s10+$0x0], $0xffff  }
0x2aa: {  	v31 =	vld.idx.msk [tilespmem:v52+s10+$0x0], $0xffff;
	_ =	sdelay $0x3  }
0x2ab: {  	(erf) = vrcp.f32 v30;
	v30 =	vld [tilespmem:$0x1FB20]  }
0x2ac: {  	(erf) = vrcp.f32 v31;
	v31 =	vld [tilespmem:$0x1FB10];
	_ =	sdelay $0x6  }
0x2ad: {  	v30 =	vld.idx.msk [tilespmem:v30+s2+$0x0], $0xffff  }
0x2ae: {  	v31 =	vld.idx.msk [tilespmem:v31+s2+$0x0], $0xffff  }
0x2af: {  	v32 =	vld.idx.msk [tilespmem:v32+s11+$0x0], $0xffff  }
0x2b0: {  	v33 =	vld.idx.msk [tilespmem:v52+s11+$0x0], $0xffff  }
0x2b1: {  	v34 =	vpop (erf)  }
0x2b2: {  	v30 =	vmul.f32 v34, v30;
	v34 =	vpop (erf)  }
0x2b3: {  	v31 =	vmul.f32 v34, v31  }
0x2b4: {  	v30 =	vadd.f32 v32, v30  }
0x2b5: {  	v31 =	vadd.f32 v33, v31  }
0x2b6: {  	v32 =	vld [tilespmem:$0x1FFF0];
	v30 =	vtrunc.f32 v30  }
0x2b7: {  	v30 =	vcvt.f32.s32 v30;
	v31 =	vtrunc.f32 v31  }
0x2b8: {  	v31 =	vcvt.f32.s32 v31  }
0x2b9: {  	vm14 =	vgt.s32 v30, $0x0  }
0x2ba: {  	v30 =	vnsel vm14, $0x0, v30;
	vm15 =	vgt.s32 v31, $0x0  }
0x2bb: {  	v30 =	vmin.u32 v30, $0x3F;
	v31 =	vnsel vm15, $0x0, v31  }
0x2bc: {  	v31 =	vmin.u32 v31, $0x3F;
	[tilespmem:$0x14AD0] =	vst v30  }
0x2bd: {  	[tilespmem:$0x14D50] =	vst v31  }
0x2be: {  	v30 =	vld.idx.msk [tilespmem:v32+s10+$0x0], $0xffff  }
0x2bf: {  	v31 =	vld.idx.msk [tilespmem:v54+s10+$0x0], $0xffff;
	_ =	sdelay $0x3  }
0x2c0: {  	(erf) = vrcp.f32 v30;
	v30 =	vld [tilespmem:$0x1FB40]  }
0x2c1: {  	(erf) = vrcp.f32 v31;
	v31 =	vld [tilespmem:$0x1FB30];
	_ =	sdelay $0x6  }
0x2c2: {  	v30 =	vld.idx.msk [tilespmem:v30+s2+$0x0], $0xffff  }
0x2c3: {  	v31 =	vld.idx.msk [tilespmem:v31+s2+$0x0], $0xffff  }
0x2c4: {  	v32 =	vld.idx.msk [tilespmem:v32+s11+$0x0], $0xffff  }
0x2c5: {  	v33 =	vld.idx.msk [tilespmem:v54+s11+$0x0], $0xffff  }
0x2c6: {  	v34 =	vpop (erf)  }
0x2c7: {  	v30 =	vmul.f32 v34, v30;
	v34 =	vpop (erf)  }
0x2c8: {  	v31 =	vmul.f32 v34, v31  }
0x2c9: {  	v30 =	vadd.f32 v32, v30  }
0x2ca: {  	v31 =	vadd.f32 v33, v31  }
0x2cb: {  	v30 =	vtrunc.f32 v30  }
0x2cc: {  	v30 =	vcvt.f32.s32 v30;
	v31 =	vtrunc.f32 v31  }
0x2cd: {  	v31 =	vcvt.f32.s32 v31  }
0x2ce: {  	vm4 =	vgt.s32 v30, $0x0  }
0x2cf: {  	v30 =	vnsel vm4, $0x0, v30;
	vm5 =	vgt.s32 v31, $0x0  }
0x2d0: {  	v30 =	vmin.u32 v30, $0x3F;
	v31 =	vnsel vm5, $0x0, v31  }
0x2d1: {  	v31 =	vmin.u32 v31, $0x3F;
	[tilespmem:$0x14AE0] =	vst v30  }
0x2d2: {  	[tilespmem:$0x14D60] =	vst v31  }
0x2d3: {  	v30 =	vld.idx.msk [tilespmem:v35+s10+$0x0], $0xffff  }
0x2d4: {  	v31 =	vld.idx.msk [tilespmem:v55+s10+$0x0], $0xffff;
	_ =	sdelay $0x3  }
0x2d5: {  	(erf) = vrcp.f32 v30;
	v30 =	vld [tilespmem:$0x1FB60]  }
0x2d6: {  	(erf) = vrcp.f32 v31;
	v31 =	vld [tilespmem:$0x1FB50];
	_ =	sdelay $0x6  }
0x2d7: {  	v30 =	vld.idx.msk [tilespmem:v30+s2+$0x0], $0xffff  }
0x2d8: {  	v31 =	vld.idx.msk [tilespmem:v31+s2+$0x0], $0xffff  }
0x2d9: {  	v32 =	vld.idx.msk [tilespmem:v35+s11+$0x0], $0xffff  }
0x2da: {  	v33 =	vld.idx.msk [tilespmem:v55+s11+$0x0], $0xffff  }
0x2db: {  	v34 =	vpop (erf)  }
0x2dc: {  	v30 =	vmul.f32 v34, v30;
	v34 =	vpop (erf)  }
0x2dd: {  	v31 =	vmul.f32 v34, v31  }
0x2de: {  	v30 =	vadd.f32 v32, v30  }
0x2df: {  	v31 =	vadd.f32 v33, v31  }
0x2e0: {  	v30 =	vtrunc.f32 v30  }
0x2e1: {  	v30 =	vcvt.f32.s32 v30;
	v31 =	vtrunc.f32 v31  }
0x2e2: {  	v31 =	vcvt.f32.s32 v31  }
0x2e3: {  	vm6 =	vgt.s32 v30, $0x0  }
0x2e4: {  	v30 =	vnsel vm6, $0x0, v30;
	vm7 =	vgt.s32 v31, $0x0  }
0x2e5: {  	v30 =	vmin.u32 v30, $0x3F;
	v31 =	vnsel vm7, $0x0, v31  }
0x2e6: {  	v31 =	vmin.u32 v31, $0x3F;
	[tilespmem:$0x14AF0] =	vst v30  }
0x2e7: {  	[tilespmem:$0x14D70] =	vst v31  }
0x2e8: {  	v30 =	vld.idx.msk [tilespmem:v36+s10+$0x0], $0xffff  }
0x2e9: {  	v31 =	vld.idx.msk [tilespmem:v7+s10+$0x0], $0xffff;
	_ =	sdelay $0x3  }
0x2ea: {  	(erf) = vrcp.f32 v30;
	v30 =	vld [tilespmem:$0x1FB80]  }
0x2eb: {  	(erf) = vrcp.f32 v31;
	v31 =	vld [tilespmem:$0x1FB70];
	_ =	sdelay $0x6  }
0x2ec: {  	v30 =	vld.idx.msk [tilespmem:v30+s2+$0x0], $0xffff  }
0x2ed: {  	v31 =	vld.idx.msk [tilespmem:v31+s2+$0x0], $0xffff  }
0x2ee: {  	v32 =	vld.idx.msk [tilespmem:v36+s11+$0x0], $0xffff  }
0x2ef: {  	v33 =	vld.idx.msk [tilespmem:v7+s11+$0x0], $0xffff  }
0x2f0: {  	v34 =	vpop (erf)  }
0x2f1: {  	v30 =	vmul.f32 v34, v30;
	v34 =	vpop (erf)  }
0x2f2: {  	v31 =	vmul.f32 v34, v31  }
0x2f3: {  	v30 =	vadd.f32 v32, v30  }
0x2f4: {  	v31 =	vadd.f32 v33, v31  }
0x2f5: {  	v30 =	vtrunc.f32 v30  }
0x2f6: {  	v30 =	vcvt.f32.s32 v30;
	v31 =	vtrunc.f32 v31  }
0x2f7: {  	v31 =	vcvt.f32.s32 v31  }
0x2f8: {  	vm8 =	vgt.s32 v30, $0x0  }
0x2f9: {  	v30 =	vnsel vm8, $0x0, v30;
	vm9 =	vgt.s32 v31, $0x0  }
0x2fa: {  	v30 =	vmin.u32 v30, $0x3F;
	v31 =	vnsel vm9, $0x0, v31  }
0x2fb: {  	v31 =	vmin.u32 v31, $0x3F;
	[tilespmem:$0x14B00] =	vst v30  }
0x2fc: {  	[tilespmem:$0x14D80] =	vst v31  }
0x2fd: {  	v30 =	vld.idx.msk [tilespmem:v37+s10+$0x0], $0xffff  }
0x2fe: {  	v31 =	vld.idx.msk [tilespmem:v8+s10+$0x0], $0xffff;
	_ =	sdelay $0x3  }
0x2ff: {  	(erf) = vrcp.f32 v30;
	v30 =	vld [tilespmem:$0x1FE10]  }
0x300: {  	(erf) = vrcp.f32 v31;
	v31 =	vld [tilespmem:$0x1FE20];
	_ =	sdelay $0x6  }
0x301: {  	v30 =	vld.idx.msk [tilespmem:v30+s2+$0x0], $0xffff  }
0x302: {  	v31 =	vld.idx.msk [tilespmem:v31+s2+$0x0], $0xffff  }
0x303: {  	v32 =	vld.idx.msk [tilespmem:v37+s11+$0x0], $0xffff  }
0x304: {  	v33 =	vld.idx.msk [tilespmem:v8+s11+$0x0], $0xffff  }
0x305: {  	v34 =	vpop (erf)  }
0x306: {  	v30 =	vmul.f32 v34, v30;
	v34 =	vpop (erf)  }
0x307: {  	v31 =	vmul.f32 v34, v31  }
0x308: {  	v30 =	vadd.f32 v32, v30  }
0x309: {  	v31 =	vadd.f32 v33, v31  }
0x30a: {  	v30 =	vtrunc.f32 v30  }
0x30b: {  	v30 =	vcvt.f32.s32 v30;
	v31 =	vtrunc.f32 v31  }
0x30c: {  	v31 =	vcvt.f32.s32 v31  }
0x30d: {  	vm10 =	vgt.s32 v30, $0x0  }
0x30e: {  	v30 =	vnsel vm10, $0x0, v30;
	vm11 =	vgt.s32 v31, $0x0  }
0x30f: {  	v30 =	vmin.u32 v30, $0x3F;
	v31 =	vnsel vm11, $0x0, v31  }
0x310: {  	v31 =	vmin.u32 v31, $0x3F;
	[tilespmem:$0x14B10] =	vst v30  }
0x311: {  	[tilespmem:$0x14D90] =	vst v31  }
0x312: {  	v30 =	vld.idx.msk [tilespmem:v38+s10+$0x0], $0xffff  }
0x313: {  	v31 =	vld.idx.msk [tilespmem:v9+s10+$0x0], $0xffff;
	_ =	sdelay $0x3  }
0x314: {  	(erf) = vrcp.f32 v30;
	v30 =	vld [tilespmem:$0x1FBB0]  }
0x315: {  	(erf) = vrcp.f32 v31;
	v31 =	vld [tilespmem:$0x1FBA0];
	_ =	sdelay $0x6  }
0x316: {  	v30 =	vld.idx.msk [tilespmem:v30+s2+$0x0], $0xffff  }
0x317: {  	v31 =	vld.idx.msk [tilespmem:v31+s2+$0x0], $0xffff  }
0x318: {  	v32 =	vld.idx.msk [tilespmem:v38+s11+$0x0], $0xffff  }
0x319: {  	v33 =	vld.idx.msk [tilespmem:v9+s11+$0x0], $0xffff  }
0x31a: {  	v34 =	vpop (erf)  }
0x31b: {  	v30 =	vmul.f32 v34, v30;
	v34 =	vpop (erf)  }
0x31c: {  	v31 =	vmul.f32 v34, v31  }
0x31d: {  	v30 =	vadd.f32 v32, v30  }
0x31e: {  	v31 =	vadd.f32 v33, v31  }
0x31f: {  	v30 =	vtrunc.f32 v30  }
0x320: {  	v30 =	vcvt.f32.s32 v30;
	v31 =	vtrunc.f32 v31  }
0x321: {  	v31 =	vcvt.f32.s32 v31  }
0x322: {  	vm12 =	vgt.s32 v30, $0x0  }
0x323: {  	v30 =	vnsel vm12, $0x0, v30;
	vm13 =	vgt.s32 v31, $0x0  }
0x324: {  	v30 =	vmin.u32 v30, $0x3F;
	v31 =	vnsel vm13, $0x0, v31  }
0x325: {  	v31 =	vmin.u32 v31, $0x3F;
	[tilespmem:$0x14B20] =	vst v30  }
0x326: {  	[tilespmem:$0x14DA0] =	vst v31  }
0x327: {  	v30 =	vld.idx.msk [tilespmem:v39+s10+$0x0], $0xffff  }
0x328: {  	v31 =	vld.idx.msk [tilespmem:v10+s10+$0x0], $0xffff;
	_ =	sdelay $0x3  }
0x329: {  	(erf) = vrcp.f32 v30;
	v30 =	vld [tilespmem:$0x1FBD0]  }
0x32a: {  	(erf) = vrcp.f32 v31;
	v31 =	vld [tilespmem:$0x1FBC0];
	_ =	sdelay $0x6  }
0x32b: {  	v30 =	vld.idx.msk [tilespmem:v30+s2+$0x0], $0xffff  }
0x32c: {  	v31 =	vld.idx.msk [tilespmem:v31+s2+$0x0], $0xffff  }
0x32d: {  	v32 =	vld.idx.msk [tilespmem:v39+s11+$0x0], $0xffff  }
0x32e: {  	v33 =	vld.idx.msk [tilespmem:v10+s11+$0x0], $0xffff  }
0x32f: {  	v34 =	vpop (erf)  }
0x330: {  	v30 =	vmul.f32 v34, v30;
	v34 =	vpop (erf)  }
0x331: {  	v31 =	vmul.f32 v34, v31  }
0x332: {  	v30 =	vadd.f32 v32, v30  }
0x333: {  	v31 =	vadd.f32 v33, v31  }
0x334: {  	v30 =	vtrunc.f32 v30  }
0x335: {  	v30 =	vcvt.f32.s32 v30;
	v31 =	vtrunc.f32 v31  }
0x336: {  	v31 =	vcvt.f32.s32 v31  }
0x337: {  	vm14 =	vgt.s32 v30, $0x0  }
0x338: {  	v30 =	vnsel vm14, $0x0, v30;
	vm15 =	vgt.s32 v31, $0x0  }
0x339: {  	v30 =	vmin.u32 v30, $0x3F;
	v31 =	vnsel vm15, $0x0, v31  }
0x33a: {  	v31 =	vmin.u32 v31, $0x3F;
	[tilespmem:$0x14B30] =	vst v30  }
0x33b: {  	[tilespmem:$0x14DB0] =	vst v31  }
0x33c: {  	v30 =	vld.idx.msk [tilespmem:v40+s10+$0x0], $0xffff  }
0x33d: {  	v31 =	vld.idx.msk [tilespmem:v11+s10+$0x0], $0xffff;
	_ =	sdelay $0x3  }
0x33e: {  	(erf) = vrcp.f32 v30;
	v30 =	vld [tilespmem:$0x1FC10]  }
0x33f: {  	(erf) = vrcp.f32 v31;
	v31 =	vld [tilespmem:$0x1FC00];
	_ =	sdelay $0x6  }
0x340: {  	v30 =	vld.idx.msk [tilespmem:v30+s2+$0x0], $0xffff  }
0x341: {  	v31 =	vld.idx.msk [tilespmem:v31+s2+$0x0], $0xffff  }
0x342: {  	v32 =	vld.idx.msk [tilespmem:v40+s11+$0x0], $0xffff  }
0x343: {  	v33 =	vld.idx.msk [tilespmem:v11+s11+$0x0], $0xffff  }
0x344: {  	v34 =	vpop (erf)  }
0x345: {  	v30 =	vmul.f32 v34, v30;
	v34 =	vpop (erf)  }
0x346: {  	v31 =	vmul.f32 v34, v31  }
0x347: {  	v30 =	vadd.f32 v32, v30  }
0x348: {  	v31 =	vadd.f32 v33, v31  }
0x349: {  	v30 =	vtrunc.f32 v30  }
0x34a: {  	v30 =	vcvt.f32.s32 v30;
	v31 =	vtrunc.f32 v31  }
0x34b: {  	v31 =	vcvt.f32.s32 v31  }
0x34c: {  	vm4 =	vgt.s32 v30, $0x0  }
0x34d: {  	v30 =	vnsel vm4, $0x0, v30;
	vm5 =	vgt.s32 v31, $0x0  }
0x34e: {  	v30 =	vmin.u32 v30, $0x3F;
	v31 =	vnsel vm5, $0x0, v31  }
0x34f: {  	v31 =	vmin.u32 v31, $0x3F;
	[tilespmem:$0x14B40] =	vst v30  }
0x350: {  	[tilespmem:$0x14DC0] =	vst v31  }
0x351: {  	v30 =	vld.idx.msk [tilespmem:v41+s10+$0x0], $0xffff  }
0x352: {  	v31 =	vld.idx.msk [tilespmem:v12+s10+$0x0], $0xffff;
	_ =	sdelay $0x3  }
0x353: {  	(erf) = vrcp.f32 v30;
	v30 =	vld [tilespmem:$0x1FC30]  }
0x354: {  	(erf) = vrcp.f32 v31;
	v31 =	vld [tilespmem:$0x1FC20];
	_ =	sdelay $0x6  }
0x355: {  	v30 =	vld.idx.msk [tilespmem:v30+s2+$0x0], $0xffff  }
0x356: {  	v31 =	vld.idx.msk [tilespmem:v31+s2+$0x0], $0xffff  }
0x357: {  	v32 =	vld.idx.msk [tilespmem:v41+s11+$0x0], $0xffff  }
0x358: {  	v33 =	vld.idx.msk [tilespmem:v12+s11+$0x0], $0xffff  }
0x359: {  	v34 =	vpop (erf)  }
0x35a: {  	v30 =	vmul.f32 v34, v30;
	v34 =	vpop (erf)  }
0x35b: {  	v31 =	vmul.f32 v34, v31  }
0x35c: {  	v30 =	vadd.f32 v32, v30  }
0x35d: {  	v31 =	vadd.f32 v33, v31  }
0x35e: {  	v30 =	vtrunc.f32 v30  }
0x35f: {  	v30 =	vcvt.f32.s32 v30;
	v31 =	vtrunc.f32 v31  }
0x360: {  	v31 =	vcvt.f32.s32 v31  }
0x361: {  	vm6 =	vgt.s32 v30, $0x0  }
0x362: {  	v30 =	vnsel vm6, $0x0, v30;
	vm7 =	vgt.s32 v31, $0x0  }
0x363: {  	v30 =	vmin.u32 v30, $0x3F;
	v31 =	vnsel vm7, $0x0, v31  }
0x364: {  	v31 =	vmin.u32 v31, $0x3F;
	[tilespmem:$0x14B50] =	vst v30  }
0x365: {  	[tilespmem:$0x14DD0] =	vst v31  }
0x366: {  	v30 =	vld.idx.msk [tilespmem:v42+s10+$0x0], $0xffff  }
0x367: {  	v31 =	vld.idx.msk [tilespmem:v13+s10+$0x0], $0xffff;
	_ =	sdelay $0x3  }
0x368: {  	(erf) = vrcp.f32 v30;
	v30 =	vld [tilespmem:$0x1FC70]  }
0x369: {  	(erf) = vrcp.f32 v31;
	v31 =	vld [tilespmem:$0x1FC60];
	_ =	sdelay $0x6  }
0x36a: {  	v30 =	vld.idx.msk [tilespmem:v30+s2+$0x0], $0xffff  }
0x36b: {  	v31 =	vld.idx.msk [tilespmem:v31+s2+$0x0], $0xffff  }
0x36c: {  	v32 =	vld.idx.msk [tilespmem:v42+s11+$0x0], $0xffff  }
0x36d: {  	v33 =	vld.idx.msk [tilespmem:v13+s11+$0x0], $0xffff  }
0x36e: {  	v34 =	vpop (erf)  }
0x36f: {  	v30 =	vmul.f32 v34, v30;
	v34 =	vpop (erf)  }
0x370: {  	v31 =	vmul.f32 v34, v31  }
0x371: {  	v30 =	vadd.f32 v32, v30  }
0x372: {  	v31 =	vadd.f32 v33, v31  }
0x373: {  	v30 =	vtrunc.f32 v30  }
0x374: {  	v30 =	vcvt.f32.s32 v30;
	v31 =	vtrunc.f32 v31  }
0x375: {  	v31 =	vcvt.f32.s32 v31  }
0x376: {  	vm8 =	vgt.s32 v30, $0x0  }
0x377: {  	v30 =	vnsel vm8, $0x0, v30;
	vm9 =	vgt.s32 v31, $0x0  }
0x378: {  	v30 =	vmin.u32 v30, $0x3F;
	v31 =	vnsel vm9, $0x0, v31  }
0x379: {  	v31 =	vmin.u32 v31, $0x3F;
	[tilespmem:$0x14B60] =	vst v30  }
0x37a: {  	[tilespmem:$0x14DE0] =	vst v31  }
0x37b: {  	v30 =	vld.idx.msk [tilespmem:v43+s10+$0x0], $0xffff  }
0x37c: {  	v31 =	vld.idx.msk [tilespmem:v14+s10+$0x0], $0xffff;
	_ =	sdelay $0x3  }
0x37d: {  	(erf) = vrcp.f32 v30;
	v30 =	vld [tilespmem:$0x1FC90]  }
0x37e: {  	(erf) = vrcp.f32 v31;
	v31 =	vld [tilespmem:$0x1FC80];
	_ =	sdelay $0x6  }
0x37f: {  	v30 =	vld.idx.msk [tilespmem:v30+s2+$0x0], $0xffff  }
0x380: {  	v31 =	vld.idx.msk [tilespmem:v31+s2+$0x0], $0xffff  }
0x381: {  	v32 =	vld.idx.msk [tilespmem:v43+s11+$0x0], $0xffff  }
0x382: {  	v33 =	vld.idx.msk [tilespmem:v14+s11+$0x0], $0xffff  }
0x383: {  	v34 =	vpop (erf)  }
0x384: {  	v30 =	vmul.f32 v34, v30;
	v34 =	vpop (erf)  }
0x385: {  	v31 =	vmul.f32 v34, v31  }
0x386: {  	v30 =	vadd.f32 v32, v30  }
0x387: {  	v31 =	vadd.f32 v33, v31  }
0x388: {  	v30 =	vtrunc.f32 v30  }
0x389: {  	v30 =	vcvt.f32.s32 v30;
	v31 =	vtrunc.f32 v31  }
0x38a: {  	v31 =	vcvt.f32.s32 v31  }
0x38b: {  	vm10 =	vgt.s32 v30, $0x0  }
0x38c: {  	v30 =	vnsel vm10, $0x0, v30;
	vm11 =	vgt.s32 v31, $0x0  }
0x38d: {  	v30 =	vmin.u32 v30, $0x3F;
	v31 =	vnsel vm11, $0x0, v31  }
0x38e: {  	v31 =	vmin.u32 v31, $0x3F;
	[tilespmem:$0x14B70] =	vst v30  }
0x38f: {  	[tilespmem:$0x14DF0] =	vst v31  }
0x390: {  	v30 =	vld.idx.msk [tilespmem:v44+s10+$0x0], $0xffff  }
0x391: {  	v31 =	vld.idx.msk [tilespmem:v15+s10+$0x0], $0xffff;
	_ =	sdelay $0x3  }
0x392: {  	(erf) = vrcp.f32 v30;
	v30 =	vld [tilespmem:$0x1FCB0]  }
0x393: {  	(erf) = vrcp.f32 v31;
	v31 =	vld [tilespmem:$0x1FCA0];
	_ =	sdelay $0x6  }
0x394: {  	v30 =	vld.idx.msk [tilespmem:v30+s2+$0x0], $0xffff  }
0x395: {  	v31 =	vld.idx.msk [tilespmem:v31+s2+$0x0], $0xffff  }
0x396: {  	v32 =	vld.idx.msk [tilespmem:v44+s11+$0x0], $0xffff  }
0x397: {  	v33 =	vld.idx.msk [tilespmem:v15+s11+$0x0], $0xffff  }
0x398: {  	v34 =	vpop (erf)  }
0x399: {  	v30 =	vmul.f32 v34, v30;
	v34 =	vpop (erf)  }
0x39a: {  	v31 =	vmul.f32 v34, v31  }
0x39b: {  	v30 =	vadd.f32 v32, v30  }
0x39c: {  	v31 =	vadd.f32 v33, v31  }
0x39d: {  	v30 =	vtrunc.f32 v30  }
0x39e: {  	v30 =	vcvt.f32.s32 v30;
	v31 =	vtrunc.f32 v31  }
0x39f: {  	v31 =	vcvt.f32.s32 v31  }
0x3a0: {  	vm12 =	vgt.s32 v30, $0x0  }
0x3a1: {  	v30 =	vnsel vm12, $0x0, v30;
	vm13 =	vgt.s32 v31, $0x0  }
0x3a2: {  	v30 =	vmin.u32 v30, $0x3F;
	v31 =	vnsel vm13, $0x0, v31  }
0x3a3: {  	v31 =	vmin.u32 v31, $0x3F;
	[tilespmem:$0x14B80] =	vst v30  }
0x3a4: {  	[tilespmem:$0x14E00] =	vst v31  }
0x3a5: {  	v30 =	vld.idx.msk [tilespmem:v45+s10+$0x0], $0xffff  }
0x3a6: {  	v31 =	vld.idx.msk [tilespmem:v16+s10+$0x0], $0xffff;
	_ =	sdelay $0x3  }
0x3a7: {  	(erf) = vrcp.f32 v30;
	v30 =	vld [tilespmem:$0x1FCF0]  }
0x3a8: {  	(erf) = vrcp.f32 v31;
	v31 =	vld [tilespmem:$0x1FCE0];
	_ =	sdelay $0x6  }
0x3a9: {  	v30 =	vld.idx.msk [tilespmem:v30+s2+$0x0], $0xffff  }
0x3aa: {  	v31 =	vld.idx.msk [tilespmem:v31+s2+$0x0], $0xffff  }
0x3ab: {  	v32 =	vld.idx.msk [tilespmem:v45+s11+$0x0], $0xffff  }
0x3ac: {  	v33 =	vld.idx.msk [tilespmem:v16+s11+$0x0], $0xffff  }
0x3ad: {  	v34 =	vpop (erf)  }
0x3ae: {  	v30 =	vmul.f32 v34, v30;
	v34 =	vpop (erf)  }
0x3af: {  	v31 =	vmul.f32 v34, v31  }
0x3b0: {  	v30 =	vadd.f32 v32, v30  }
0x3b1: {  	v31 =	vadd.f32 v33, v31  }
0x3b2: {  	v30 =	vtrunc.f32 v30  }
0x3b3: {  	v30 =	vcvt.f32.s32 v30;
	v31 =	vtrunc.f32 v31  }
0x3b4: {  	v31 =	vcvt.f32.s32 v31  }
0x3b5: {  	vm14 =	vgt.s32 v30, $0x0  }
0x3b6: {  	v30 =	vnsel vm14, $0x0, v30;
	vm15 =	vgt.s32 v31, $0x0  }
0x3b7: {  	v30 =	vmin.u32 v30, $0x3F;
	v31 =	vnsel vm15, $0x0, v31  }
0x3b8: {  	v31 =	vmin.u32 v31, $0x3F;
	[tilespmem:$0x14B90] =	vst v30  }
0x3b9: {  	[tilespmem:$0x14E10] =	vst v31  }
0x3ba: {  	v30 =	vld.idx.msk [tilespmem:v46+s10+$0x0], $0xffff  }
0x3bb: {  	v31 =	vld.idx.msk [tilespmem:v17+s10+$0x0], $0xffff;
	_ =	sdelay $0x3  }
0x3bc: {  	(erf) = vrcp.f32 v30;
	v30 =	vld [tilespmem:$0x1FD30]  }
0x3bd: {  	(erf) = vrcp.f32 v31;
	v31 =	vld [tilespmem:$0x1FD20];
	_ =	sdelay $0x6  }
0x3be: {  	v30 =	vld.idx.msk [tilespmem:v30+s2+$0x0], $0xffff  }
0x3bf: {  	v31 =	vld.idx.msk [tilespmem:v31+s2+$0x0], $0xffff  }
0x3c0: {  	v32 =	vld.idx.msk [tilespmem:v46+s11+$0x0], $0xffff  }
0x3c1: {  	v33 =	vld.idx.msk [tilespmem:v17+s11+$0x0], $0xffff  }
0x3c2: {  	v34 =	vpop (erf)  }
0x3c3: {  	v30 =	vmul.f32 v34, v30;
	v34 =	vpop (erf)  }
0x3c4: {  	v31 =	vmul.f32 v34, v31  }
0x3c5: {  	v30 =	vadd.f32 v32, v30  }
0x3c6: {  	v31 =	vadd.f32 v33, v31  }
0x3c7: {  	v30 =	vtrunc.f32 v30  }
0x3c8: {  	v30 =	vcvt.f32.s32 v30;
	v31 =	vtrunc.f32 v31  }
0x3c9: {  	v31 =	vcvt.f32.s32 v31  }
0x3ca: {  	vm4 =	vgt.s32 v30, $0x0  }
0x3cb: {  	v30 =	vnsel vm4, $0x0, v30;
	vm5 =	vgt.s32 v31, $0x0  }
0x3cc: {  	v30 =	vmin.u32 v30, $0x3F;
	v31 =	vnsel vm5, $0x0, v31  }
0x3cd: {  	v31 =	vmin.u32 v31, $0x3F;
	[tilespmem:$0x14BA0] =	vst v30  }
0x3ce: {  	[tilespmem:$0x14E20] =	vst v31  }
0x3cf: {  	v30 =	vld.idx.msk [tilespmem:v47+s10+$0x0], $0xffff  }
0x3d0: {  	v31 =	vld.idx.msk [tilespmem:v18+s10+$0x0], $0xffff;
	_ =	sdelay $0x3  }
0x3d1: {  	(erf) = vrcp.f32 v30;
	v30 =	vld [tilespmem:$0x1FD70]  }
0x3d2: {  	(erf) = vrcp.f32 v31;
	v31 =	vld [tilespmem:$0x1FD60];
	_ =	sdelay $0x6  }
0x3d3: {  	v30 =	vld.idx.msk [tilespmem:v30+s2+$0x0], $0xffff  }
0x3d4: {  	v31 =	vld.idx.msk [tilespmem:v31+s2+$0x0], $0xffff  }
0x3d5: {  	v32 =	vld.idx.msk [tilespmem:v47+s11+$0x0], $0xffff  }
0x3d6: {  	v33 =	vld.idx.msk [tilespmem:v18+s11+$0x0], $0xffff  }
0x3d7: {  	v34 =	vpop (erf)  }
0x3d8: {  	v30 =	vmul.f32 v34, v30;
	v34 =	vpop (erf)  }
0x3d9: {  	v31 =	vmul.f32 v34, v31  }
0x3da: {  	v30 =	vadd.f32 v32, v30  }
0x3db: {  	v31 =	vadd.f32 v33, v31  }
0x3dc: {  	v30 =	vtrunc.f32 v30  }
0x3dd: {  	v30 =	vcvt.f32.s32 v30;
	v31 =	vtrunc.f32 v31  }
0x3de: {  	v31 =	vcvt.f32.s32 v31  }
0x3df: {  	vm6 =	vgt.s32 v30, $0x0  }
0x3e0: {  	v30 =	vnsel vm6, $0x0, v30;
	vm7 =	vgt.s32 v31, $0x0  }
0x3e1: {  	v30 =	vmin.u32 v30, $0x3F;
	v31 =	vnsel vm7, $0x0, v31  }
0x3e2: {  	v31 =	vmin.u32 v31, $0x3F;
	[tilespmem:$0x14BB0] =	vst v30  }
0x3e3: {  	[tilespmem:$0x14E30] =	vst v31  }
0x3e4: {  	v30 =	vld.idx.msk [tilespmem:v48+s10+$0x0], $0xffff  }
0x3e5: {  	v31 =	vld.idx.msk [tilespmem:v25+s10+$0x0], $0xffff;
	_ =	sdelay $0x3  }
0x3e6: {  	(erf) = vrcp.f32 v30;
	v30 =	vld [tilespmem:$0x1FDB0]  }
0x3e7: {  	(erf) = vrcp.f32 v31;
	v31 =	vld [tilespmem:$0x1FDA0];
	_ =	sdelay $0x6  }
0x3e8: {  	v30 =	vld.idx.msk [tilespmem:v30+s2+$0x0], $0xffff  }
0x3e9: {  	v31 =	vld.idx.msk [tilespmem:v31+s2+$0x0], $0xffff  }
0x3ea: {  	v32 =	vld.idx.msk [tilespmem:v48+s11+$0x0], $0xffff  }
0x3eb: {  	v33 =	vld.idx.msk [tilespmem:v25+s11+$0x0], $0xffff  }
0x3ec: {  	v34 =	vpop (erf)  }
0x3ed: {  	v30 =	vmul.f32 v34, v30;
	v34 =	vpop (erf)  }
0x3ee: {  	v31 =	vmul.f32 v34, v31  }
0x3ef: {  	v30 =	vadd.f32 v32, v30  }
0x3f0: {  	v31 =	vadd.f32 v33, v31  }
0x3f1: {  	v30 =	vtrunc.f32 v30  }
0x3f2: {  	v30 =	vcvt.f32.s32 v30;
	v31 =	vtrunc.f32 v31  }
0x3f3: {  	v31 =	vcvt.f32.s32 v31  }
0x3f4: {  	vm8 =	vgt.s32 v30, $0x0  }
0x3f5: {  	v30 =	vnsel vm8, $0x0, v30;
	vm9 =	vgt.s32 v31, $0x0  }
0x3f6: {  	v30 =	vmin.u32 v30, $0x3F;
	v31 =	vnsel vm9, $0x0, v31  }
0x3f7: {  	v31 =	vmin.u32 v31, $0x3F;
	[tilespmem:$0x14BC0] =	vst v30  }
0x3f8: {  	[tilespmem:$0x14E40] =	vst v31  }
0x3f9: {  	v30 =	vld.idx.msk [tilespmem:v49+s10+$0x0], $0xffff  }
0x3fa: {  	v31 =	vld.idx.msk [tilespmem:v26+s10+$0x0], $0xffff;
	_ =	sdelay $0x3  }
0x3fb: {  	(erf) = vrcp.f32 v30;
	v30 =	vld [tilespmem:$0x1FDF0]  }
0x3fc: {  	(erf) = vrcp.f32 v31;
	v31 =	vld [tilespmem:$0x1FDE0];
	_ =	sdelay $0x6  }
0x3fd: {  	v30 =	vld.idx.msk [tilespmem:v30+s2+$0x0], $0xffff  }
0x3fe: {  	v31 =	vld.idx.msk [tilespmem:v31+s2+$0x0], $0xffff  }
0x3ff: {  	v32 =	vld.idx.msk [tilespmem:v49+s11+$0x0], $0xffff  }
0x400: {  	v33 =	vld.idx.msk [tilespmem:v26+s11+$0x0], $0xffff  }
0x401: {  	v34 =	vpop (erf)  }
0x402: {  	v30 =	vmul.f32 v34, v30;
	v34 =	vpop (erf)  }
0x403: {  	v31 =	vmul.f32 v34, v31  }
0x404: {  	v30 =	vadd.f32 v32, v30  }
0x405: {  	v31 =	vadd.f32 v33, v31  }
0x406: {  	v30 =	vtrunc.f32 v30  }
0x407: {  	v30 =	vcvt.f32.s32 v30;
	v31 =	vtrunc.f32 v31  }
0x408: {  	v31 =	vcvt.f32.s32 v31  }
0x409: {  	vm10 =	vgt.s32 v30, $0x0  }
0x40a: {  	v30 =	vnsel vm10, $0x0, v30;
	vm11 =	vgt.s32 v31, $0x0  }
0x40b: {  	v30 =	vmin.u32 v30, $0x3F;
	v31 =	vnsel vm11, $0x0, v31  }
0x40c: {  	v31 =	vmin.u32 v31, $0x3F;
	[tilespmem:$0x14BD0] =	vst v30  }
0x40d: {  	[tilespmem:$0x14E50] =	vst v31  }
0x40e: {  	v30 =	vld.idx.msk [tilespmem:v53+s10+$0x0], $0xffff  }
0x40f: {  	v31 =	vld.idx.msk [tilespmem:v27+s10+$0x0], $0xffff;
	_ =	sdelay $0x3  }
0x410: {  	(erf) = vrcp.f32 v30;
	v30 =	vld [tilespmem:$0x1FE70]  }
0x411: {  	(erf) = vrcp.f32 v31;
	v31 =	vld [tilespmem:$0x1FE60];
	_ =	sdelay $0x6  }
0x412: {  	v30 =	vld.idx.msk [tilespmem:v30+s2+$0x0], $0xffff  }
0x413: {  	v31 =	vld.idx.msk [tilespmem:v31+s2+$0x0], $0xffff  }
0x414: {  	v32 =	vld.idx.msk [tilespmem:v53+s11+$0x0], $0xffff  }
0x415: {  	v33 =	vld.idx.msk [tilespmem:v27+s11+$0x0], $0xffff  }
0x416: {  	v34 =	vpop (erf)  }
0x417: {  	v30 =	vmul.f32 v34, v30;
	v34 =	vpop (erf)  }
0x418: {  	v31 =	vmul.f32 v34, v31  }
0x419: {  	v30 =	vadd.f32 v32, v30  }
0x41a: {  	v31 =	vadd.f32 v33, v31  }
0x41b: {  	v30 =	vtrunc.f32 v30  }
0x41c: {  	v30 =	vcvt.f32.s32 v30;
	v31 =	vtrunc.f32 v31  }
0x41d: {  	v31 =	vcvt.f32.s32 v31  }
0x41e: {  	vm12 =	vgt.s32 v30, $0x0  }
0x41f: {  	v30 =	vnsel vm12, $0x0, v30;
	vm13 =	vgt.s32 v31, $0x0  }
0x420: {  	v30 =	vmin.u32 v30, $0x3F;
	v31 =	vnsel vm13, $0x0, v31  }
0x421: {  	v31 =	vmin.u32 v31, $0x3F;
	[tilespmem:$0x14BE0] =	vst v30  }
0x422: {  	[tilespmem:$0x14E60] =	vst v31  }
0x423: {  	v30 =	vld.idx.msk [tilespmem:v53+s10+$0x0], $0xffff  }
0x424: {  	v31 =	vld.idx.msk [tilespmem:v27+s10+$0x0], $0xffff;
	_ =	sdelay $0x3  }
0x425: {  	(erf) = vrcp.f32 v30;
	v30 =	vld [tilespmem:$0x1FE90]  }
0x426: {  	(erf) = vrcp.f32 v31;
	v31 =	vld [tilespmem:$0x1FE80];
	_ =	sdelay $0x6  }
0x427: {  	v30 =	vld.idx.msk [tilespmem:v30+s2+$0x0], $0xffff  }
0x428: {  	v31 =	vld.idx.msk [tilespmem:v31+s2+$0x0], $0xffff  }
0x429: {  	v32 =	vld.idx.msk [tilespmem:v53+s11+$0x0], $0xffff  }
0x42a: {  	v33 =	vld.idx.msk [tilespmem:v27+s11+$0x0], $0xffff  }
0x42b: {  	v34 =	vpop (erf)  }
0x42c: {  	v30 =	vmul.f32 v34, v30;
	v34 =	vpop (erf)  }
0x42d: {  	v31 =	vmul.f32 v34, v31  }
0x42e: {  	v30 =	vadd.f32 v32, v30  }
0x42f: {  	v31 =	vadd.f32 v33, v31  }
0x430: {  	v30 =	vtrunc.f32 v30  }
0x431: {  	v30 =	vcvt.f32.s32 v30;
	v31 =	vtrunc.f32 v31  }
0x432: {  	v31 =	vcvt.f32.s32 v31  }
0x433: {  	vm14 =	vgt.s32 v30, $0x0  }
0x434: {  	v30 =	vnsel vm14, $0x0, v30;
	vm15 =	vgt.s32 v31, $0x0  }
0x435: {  	v30 =	vmin.u32 v30, $0x3F;
	v31 =	vnsel vm15, $0x0, v31  }
0x436: {  	v31 =	vmin.u32 v31, $0x3F;
	[tilespmem:$0x14BF0] =	vst v30  }
0x437: {  	s14 =	simm.s32 $0x0;
	[tilespmem:$0x14E70] =	vst v31  }
0x438: {  	v30 =	vld [tilespmem:s14+$0x14980]  }
0x439: {  	v31 =	vld [tilespmem:s14+$0x14C00];
	_ =	sdelay $0x4  }
0x43a: {  	v30 =	vshll.u32 v30, $0x7;
	v32 =	vand.u32 $0xFFFFFF80, v31  }
0x43b: {  	v31 =	vand.u32 $0x7F, v31;
	v30 =	vadd.s32 v32, v30  }
0x43c: {  	v30 =	vor.u32 v31, v30  }
0x43d: {  	v30 =	vadd.s32 v6, v30;
	_ =	sdelay $0x4  }
0x43e: {  	[tilespmem:v30+s12+$0x0] =	vst.idx.msk $0x1f, v28  }
0x43f: {  	[hbm4b:s8+s2] =	stream.linear.scatter [tilespmem:s12], [sflag:$0x1], $0xA000, $0x38;
	[tilespmem:$0x14E80] =	vst v63  }
0x440: {  	_ =	swait.ge [sflag:s9], $0xA000  }
0x441: {  	s15 =	smov.u32 s8;
	s14 =	simm.s32 $0x14;
	[sflag:s9] =	ssyncset.done $0x0  }
.LBB2_2:
0x442: {  	p0 =	sne.s32 s14, $0x9B0;
	[sflag:s9] =	ssyncadd.s32 $0xFFFF6000;
	s15 =	sadd.s32 $0x1400, s15  }
0x443: {  	s16 =	sshra.s32 s14, $0x2;
	s14 =	sadd.s32 $0x14, s14;
	[tilespmem:v30+s12+$0x0] =	vst.idx.msk $0x1f, v29  }
0x444: {  	v30 =	vld [tilespmem:s16+$0x14980]  }
0x445: {  	v31 =	vld [tilespmem:s16+$0x14C00];
	_ =	sdelay $0x3  }
0x446: {  	v30 =	vshll.u32 v30, $0x7  }
0x447: {  	v32 =	vand.u32 $0xFFFFFF80, v31;
	v31 =	vand.u32 $0x7F, v31  }
0x448: {  	v30 =	vadd.s32 v32, v30  }
0x449: {  	v30 =	vor.u32 v31, v30  }
0x44a: {  	v30 =	vadd.s32 v6, v30;
	_ =	sdelay $0x3  }
.Ltmp0:
0x44b: {  	(pc) =	sbr.rel @p0 .LBB2_2-.Ltmp0, $4  }
0x44c: {  	[tilespmem:v30+s12+$0x0] =	vst.idx.msk $0x1f, v28  }
0x44d: {  	[hbm4b:s15+s2] =	stream.linear.scatter [tilespmem:s12], [sflag:$0x1], $0xA000, $0x38;
	[tilespmem:$0x14E80] =	vst v63  }
0x44e: {  	_ =	swait.ge [sflag:s9], $0xA000  }
0x44f: {  	[sflag:s9] =	ssyncset.done $0x0  }
0x450: {  	s13 =	sadd.s32 $0x1, s13  }
0x451: {  	p0 =	sne.s32 s13, s7  }
.Ltmp1:
0x452: {  	_ = 	snop;
	(pc) =	sbr.rel @p0 .LBB2_1-.Ltmp1, $3  }
0x453: {  	_ =	sdelay $0x1  }
0x454: {  	[sflag:s9] =	ssyncadd.s32 $0xFFFF6000  }
0x455: {  	[tilespmem:v30+s12+$0x0] =	vst.idx.msk $0x1f, v29  }
0x456: {  	_ =	sfence.sel $0x180000  }
0x457: {  	[bflag:$0x0] =	sbarrier.arrive $0xFFFF  }
0x458: {  	p0 =	sne.s32 s0, $0x0;
	_ =	strace $0x90000047  }
0x459: {  	s0 =	sadd.s32 @!p0 $0x100000, s1;
	[bflag:$0x2] =	sbarrier.arrive $0xFFFF  }
0x45a: {  	[sflag:s0] =	ssyncadd.tile.s32 @!p0 $0x1;
	_ =	shalt  }
.Lfunc_end2:
_tile_overlayer_lowered:
.L_overlay_start_2:
0x45b: {  	(tag) =	ssettag $0x2  }
0x45c: {  	s0 =	rddreg [dreg:$0x0];
	s2 =	stileid.u32  }
0x45d: {  	s1 =	rddreg [dreg:$0x1];
	p0 =	sne.s32 s2, $0x0  }
0x45e: {  	s3 =	rddreg [dreg:$0x2];
	[bflag:$0x3] =	sbarrier.arrive $0xFFFF;
	s2 =	simm.s32 @!p0 $0x1C01  }
0x45f: {  	[timem:s3], [sflag:s2] =	dma.local @!p0 [hbm:s0], s1  }
0x460: {  	s0 =	simm.s32 @!p0 $0x1  }
0x461: {  	_ =	swait.ge @!p0 [sflag:s0], s1  }
0x462: {  	s1 =	ssub.s32 @!p0 $0x0, s1;
	[sflag:s0] =	ssyncset.done @!p0 $0x0  }
0x463: {  	[sflag:s0] =	ssyncadd.s32 @!p0 s1  }
0x464: {  	[bflag:$0x3] =	sbarrier.arrive $0xFFFF  }
0x465: {  	_ =	shalt  }

</sc_bundles>
